<compile_context>
chip_gen: v7x
topology: tpu7x:2x2x1
jax: 0.10.2.dev20260603
libtpu: 0.0.44.dev20260713+nightly
codegen_flags: <defaults>
</compile_context>

<pallas_src>
import functools

import jax
import jax.numpy as jnp
from jax import lax
from jax.experimental import pallas as pl
from jax.experimental.pallas import tpu as pltpu
from jax.experimental.pallas import tpu_sc as plsc

N = 160000
D = 256
S = 10000
NC = 2
NS = 16
NW = NC * NS
RPW = N // NW
C = 200
KCH = RPW // C
NG = C // 16
NK = D // 16
RING = 4
PW = D + 32
IB = C + 24
IBA = 8 * C + 64


def _main_body(emb_hbm, idxp_hbm, attn_hbm, out_hbm, part_hbm,
               ebuf, ibuf, abuf, fbuf, accbuf, pstage,
               csem0, csem1, fsem):
    cc = lax.axis_index("c")
    sub = lax.axis_index("s")
    wid = sub * NC + cc
    row0 = wid * RPW

    zero16 = jnp.zeros((16,), jnp.float32)
    pow2 = (jnp.int32(1) << jax.lax.broadcasted_iota(jnp.int32, (16,), 0))

    for k in range(NK + 1):
        accbuf[pl.ds(16 * k, 16)] = zero16

    def chunk_off(kc):
        return pl.multiple_of(row0 + kc * C, 8)

    def start_chunk(kc, par):
        p = chunk_off(kc)
        csemx = csem0 if par == 0 else csem1
        pltpu.async_copy(emb_hbm.at[pl.ds(p, C)],
                         ebuf.at[pl.ds(par * C, C)], csemx)
        pltpu.async_copy(idxp_hbm.at[pl.ds(p, C + 8)],
                         ibuf.at[pl.ds(par * IB, C + 8)], csemx)
        pltpu.async_copy(attn_hbm.at[pl.ds(p * 8, C * 8)],
                         abuf.at[pl.ds(par * IBA, C * 8)], csemx)

    def wait_chunk(kc, par):
        p = chunk_off(kc)
        csemx = csem0 if par == 0 else csem1
        pltpu.make_async_copy(
            emb_hbm.at[pl.ds(p, C)], ebuf.at[pl.ds(par * C, C)], csemx).wait()
        pltpu.make_async_copy(
            idxp_hbm.at[pl.ds(p, C + 8)],
            ibuf.at[pl.ds(par * IB, C + 8)], csemx).wait()
        pltpu.make_async_copy(
            attn_hbm.at[pl.ds(p * 8, C * 8)],
            abuf.at[pl.ds(par * IBA, C * 8)], csemx).wait()

    def drain_one():
        pltpu.make_async_copy(out_hbm.at[0], fbuf.at[0], fsem).wait()

    def reset_acc():
        for k in range(NK + 1):
            accbuf[pl.ds(16 * k, 16)] = zero16

    def write_partial(slot, seg):
        for k in range(NK + 1):
            pstage[pl.ds(16 * k, 16)] = accbuf[pl.ds(16 * k, 16)]
        pstage[pl.ds(16 * (NK + 1), 16)] = jnp.full(
            (16,), seg, jnp.int32).astype(jnp.float32)
        pltpu.sync_copy(pstage, part_hbm.at[slot])

    def flush_interior(fcount, seg):
        slot = fcount & (RING - 1)

        @pl.when((slot == 0) & (fcount > 0))
        def _():
            for _ in range(RING):
                drain_one()

        inv = 1.0 / accbuf[pl.ds(16 * NK, 16)]
        for k in range(NK):
            fbuf[slot, pl.ds(16 * k, 16)] = accbuf[pl.ds(16 * k, 16)] * inv
        pltpu.async_copy(fbuf.at[slot], out_hbm.at[seg], fsem)

    def accumulate_row(par, row):
        row2 = par * C + row
        attn = plsc.load_gather(
            abuf, [jnp.full((16,), par * IBA + row * 8, jnp.int32)])
        e = [ebuf[row2, pl.ds(16 * k, 16)] for k in range(NK)]
        for k in range(NK):
            plsc.addupdate(accbuf.at[pl.ds(16 * k, 16)], attn * e[k])
        plsc.addupdate(accbuf.at[pl.ds(16 * NK, 16)], attn)

    UNROLL = 4

    def chunk_body(kc, st):
        nb, fcount = st
        par = kc & 1

        @pl.when(par == 0)
        def _():
            wait_chunk(kc, 0)

        @pl.when(par == 1)
        def _():
            wait_chunk(kc, 1)

        @pl.when(kc < KCH - 1)
        def _():
            @pl.when(par == 0)
            def _():
                start_chunk(kc + 1, 1)

            @pl.when(par == 1)
            def _():
                start_chunk(kc + 1, 0)

        def group_body(gi, gst):
            base = 16 * gi
            av = ibuf[pl.ds(par * IB + base + 8, 16)]
            amv = ibuf[pl.ds(par * IB + base + 7, 16)]
            neq = av != amv
            bits_v = jnp.where(neq, pow2, jnp.int32(0))
            bits = jnp.sum(bits_v)
            bits = jnp.where(base + 16 <= C, bits, bits & 0xFF)

            def quad_body(rq, qst):
                nb, fcount = qst
                q0 = UNROLL * rq

                bjs, nbs, fcs = [], [], []
                nbq, fcq = nb, fcount
                for j in range(UNROLL):
                    bj = ((bits >> (q0 + j)) & 1) == 1
                    bjs.append(bj)
                    nbs.append(nbq)
                    fcs.append(fcq)
                    fcq = fcq + jnp.where(
                        bj & (nbq > 0), 1, 0).astype(jnp.int32)
                    nbq = nbq + jnp.where(bj, 1, 0).astype(jnp.int32)

                @pl.when(base + q0 < C)
                def _():
                    for j in range(UNROLL):
                        jj = q0 + j
                        row = base + jj

                        @pl.when(bjs[j])
                        def _():
                            seg = ibuf[pl.ds(par * IB + base + 7 + jj, 16)][0]

                            @pl.when(nbs[j] == 0)
                            def _():
                                write_partial(2 * wid, seg)

                            @pl.when(nbs[j] > 0)
                            def _():
                                flush_interior(fcs[j], seg)

                            reset_acc()

                        accumulate_row(par, row)

                nbq = jnp.where(base + q0 < C, nbq, nb)
                fcq = jnp.where(base + q0 < C, fcq, fcount)
                return nbq, fcq

            return lax.fori_loop(0, 16 // UNROLL, quad_body, gst)

        return lax.fori_loop(0, NG + 1, group_body, (nb, fcount))

    start_chunk(0, 0)
    nb, fcount = lax.fori_loop(0, KCH, chunk_body,
                               (jnp.int32(0), jnp.int32(0)))

    par_last = (KCH - 1) & 1
    seg_last = ibuf[pl.ds(par_last * IB + C - 8, 16)][15]

    @pl.when(nb == 0)
    def _():
        write_partial(2 * wid, seg_last)
        write_partial(2 * wid + 1, jnp.int32(-1))

    @pl.when(nb > 0)
    def _():
        write_partial(2 * wid + 1, seg_last)

    nout = jnp.where(fcount == 0, jnp.int32(0),
                     ((fcount - 1) & (RING - 1)) + 1)
    for i in range(RING):
        @pl.when(i < nout)
        def _():
            drain_one()


def _merge_body(part_hbm, out_hbm, mp, macc, fstage, sem):
    cc = lax.axis_index("c")
    sub = lax.axis_index("s")
    wid = sub * NC + cc

    @pl.when(wid == 0)
    def _():
        pltpu.sync_copy(part_hbm, mp)
        zero16 = jnp.zeros((16,), jnp.float32)
        for k in range(NK + 1):
            macc[pl.ds(16 * k, 16)] = zero16

        def finalize(seg):
            inv = 1.0 / macc[pl.ds(16 * NK, 16)]
            for k in range(NK):
                fstage[pl.ds(16 * k, 16)] = macc[pl.ds(16 * k, 16)] * inv
            pltpu.sync_copy(fstage, out_hbm.at[seg])
            for k in range(NK + 1):
                macc[pl.ds(16 * k, 16)] = zero16

        def rec_body(i, cur):
            segf = mp[i, pl.ds(16 * (NK + 1), 16)]
            seg = segf.astype(jnp.int32)[0]
            valid = seg >= 0
            newseg = valid & (seg != cur)

            @pl.when(newseg & (cur >= 0))
            def _():
                finalize(cur)

            @pl.when(valid)
            def _():
                for k in range(NK + 1):
                    sl = pl.ds(16 * k, 16)
                    macc[sl] = macc[sl] + mp[i, sl]

            return jnp.where(valid, seg, cur)

        cur = lax.fori_loop(0, 2 * NW, rec_body, jnp.int32(-1))

        @pl.when(cur >= 0)
        def _():
            finalize(cur)


AW = 8
BR = 6400


def _tc_attn_body(e_ref, w_ref, b_ref, o_ref):
    dv = jnp.dot(e_ref[...], w_ref[...],
                 preferred_element_type=jnp.float32)
    o_ref[...] = jnp.exp(dv + b_ref[...][None, :])


def _tc_attn(embedding, w8, b8):
    return pl.pallas_call(
        _tc_attn_body,
        grid=(N // BR,),
        in_specs=[
            pl.BlockSpec((BR, D), lambda i: (i, 0)),
            pl.BlockSpec((D, AW), lambda i: (0, 0)),
            pl.BlockSpec((AW,), lambda i: (0,)),
        ],
        out_specs=pl.BlockSpec((BR, AW), lambda i: (i, 0)),
        out_shape=jax.ShapeDtypeStruct((N, AW), jnp.float32),
    )(embedding, w8, b8)


@jax.jit
def _run(embedding, idxp, w8, b8):
    mesh = plsc.VectorSubcoreMesh(core_axis_name="c", subcore_axis_name="s")
    params = pltpu.CompilerParams(needs_layout_passes=False)
    main_k = pl.kernel(
        _main_body,
        out_type=jax.ShapeDtypeStruct((2 * NW, PW), jnp.float32),
        mesh=mesh,
        compiler_params=params,
        scratch_types=[
            pltpu.VMEM((2 * C, D), jnp.float32),
            pltpu.VMEM((2 * IB,), jnp.int32),
            pltpu.VMEM((2 * IBA,), jnp.float32),
            pltpu.VMEM((RING, D), jnp.float32),
            pltpu.VMEM((D + 16,), jnp.float32),
            pltpu.VMEM((PW,), jnp.float32),
            pltpu.SemaphoreType.DMA,
            pltpu.SemaphoreType.DMA,
            pltpu.SemaphoreType.DMA,
        ],
    )
    merge_k = pl.kernel(
        _merge_body,
        out_type=(),
        mesh=mesh,
        compiler_params=params,
        scratch_types=[
            pltpu.VMEM((2 * NW, PW), jnp.float32),
            pltpu.VMEM((D + 16,), jnp.float32),
            pltpu.VMEM((D,), jnp.float32),
            pltpu.SemaphoreType.DMA,
        ],
    )
    attn = _tc_attn(embedding, w8, b8).reshape(N * AW)
    out_ref = jax.new_ref(jnp.zeros((S, D), jnp.float32))
    part = main_k(embedding, idxp, attn, out_ref)
    merge_k(part, out_ref)
    return out_ref[...]


def kernel(embedding, study_indexes, W, b):
    idx32 = study_indexes.astype(jnp.int32)
    idxp = jnp.concatenate([jnp.full((8,), -1, jnp.int32), idx32])
    w8 = jnp.tile(W.astype(jnp.float32), (1, AW))
    b8 = jnp.broadcast_to(b.astype(jnp.float32), (AW,))
    return _run(embedding, idxp, w8, b8)

# --- scband reference (transcript-rebuilt; emitter-appended) ---
"""Pipeline reference for scband-attention-combinator-33457795236049 (READ-ONLY COPY).

The authoritative reference and input builder live on the scoring server;
editing this copy changes nothing except your own understanding.
"""

import jax, jax.numpy as jnp
import numpy as np

N = 160000
D = 256
NUM_SEGMENTS = 10000

def setup_inputs(seed: int = 0) -> dict:
    key = jax.random.key(seed)
    k1, k2, k3 = jax.random.split(key, 3)
    embedding = jax.random.normal(k1, (N, D), dtype=jnp.float32)
    study_indexes = jnp.sort(jax.random.randint(k2, (N,), 0, NUM_SEGMENTS, dtype=jnp.int64))
    # Linear(dim_features, 1) parameters
    W = jax.random.normal(k3, (D, 1), dtype=jnp.float32) * (1.0 / np.sqrt(D))
    b = jnp.zeros((1,), dtype=jnp.float32)
    return {"embedding": embedding, "study_indexes": study_indexes, "W": W, "b": b}

def reference(embedding, study_indexes, W, b):
    # final_batch_size = len(unique(study_indexes)); indexes drawn from [0, NUM_SEGMENTS)
    # with N >> NUM_SEGMENTS so all segments are hit; use static segment count.
    num_segments = NUM_SEGMENTS
    attn = embedding @ W + b                      # Linear(d -> 1), [N, 1]
    attn = jnp.exp(attn)
    attn_sum = jax.ops.segment_sum(attn, study_indexes, num_segments=num_segments)  # [S, 1]
    weighted = embedding * attn                   # [N, D]
    summed = jax.ops.segment_sum(weighted, study_indexes, num_segments=num_segments)  # [S, D]
    out = summed / attn_sum
    return out

if __name__ == "__main__":
    import jax
    _d = setup_inputs()
    print(jax.jit(kernel)(*tuple(_d.values())))

</pallas_src>

<mosaic_0001>
#map = affine_map<(d0, d1) -> (0, 0)>
#map1 = affine_map<(d0, d1) -> (0)>
module attributes {stable_mosaic.version = 14 : i64} {
  func.func @new_body(%arg0: i32, %arg1: i32, %arg2: memref<160000x256xf32, #tpu.memory_space<hbm>>, %arg3: memref<160008xi32, #tpu.memory_space<hbm>>, %arg4: memref<1280000xf32, #tpu.memory_space<hbm>>, %arg5: memref<10000x256xf32, #tpu.memory_space<hbm>>, %arg6: memref<64x288xf32, #tpu.memory_space<hbm>>, %arg7: memref<10000x256xf32, #tpu.memory_space<hbm>>, %arg8: memref<400x256xf32, #tpu.memory_space<vmem>>, %arg9: memref<448xi32, #tpu.memory_space<vmem>>, %arg10: memref<3328xf32, #tpu.memory_space<vmem>>, %arg11: memref<4x256xf32, #tpu.memory_space<vmem>>, %arg12: memref<272xf32, #tpu.memory_space<vmem>>, %arg13: memref<288xf32, #tpu.memory_space<vmem>>, %arg14: memref<!tpu.dma_semaphore, #tpu.memory_space<semaphore_mem>>, %arg15: memref<!tpu.dma_semaphore, #tpu.memory_space<semaphore_mem>>, %arg16: memref<!tpu.dma_semaphore, #tpu.memory_space<semaphore_mem>>) attributes {dimension_semantics = [#tpu.dimension_semantics<core_parallel>, #tpu.dimension_semantics<subcore_parallel>], iteration_bounds = array<i64: 2, 16>, scalar_prefetch = 0 : i64, scratch_operands = 9 : i64, tpu.core_type = #tpu.core_type<sc_vector_subcore>, window_params = [{transform_indices = #map}, {transform_indices = #map1}, {transform_indices = #map1}, {transform_indices = #map}, {transform_indices = #map}, {transform_indices = #map}]} {
    %mul3A = arith.constant 2 : i32
    %mul3A_0 = arith.muli %arg1, %mul3A : i32
    %add3A = arith.addi %mul3A_0, %arg0 : i32
    %mul3A_1 = arith.constant 5000 : i32
    %mul3A_2 = arith.muli %add3A, %mul3A_1 : i32
    %broadcast_in_dim3A = arith.constant 0.000000e+00 : f32
    %broadcast_in_dim3A_3 = vector.broadcast %broadcast_in_dim3A : f32 to vector<16xf32>
    %iota3A = tpu.iota {dimensions = array<i32: 0>} : vector<16xi32>
    %shift_left3A = arith.constant 1 : i32
    %shift_left3A_4 = vector.broadcast %shift_left3A : i32 to vector<16xi32>
    %shift_left3A_5 = arith.shli %shift_left3A_4, %iota3A : vector<16xi32>
    %swap3A = arith.constant 0 : index
    %swap3A_6 = tpu.vector_load %arg12[%swap3A] {strides = array<i32>} : memref<272xf32, #tpu.memory_space<vmem>>, vector<16xf32>,
    tpu.vector_store %arg12[%swap3A], %broadcast_in_dim3A_3 {strides = array<i32>} : memref<272xf32, #tpu.memory_space<vmem>>, vector<16xf32>,
    %swap3A_7 = arith.constant 16 : index
    %swap3A_8 = tpu.vector_load %arg12[%swap3A_7] {strides = array<i32>} : memref<272xf32, #tpu.memory_space<vmem>>, vector<16xf32>,
    tpu.vector_store %arg12[%swap3A_7], %broadcast_in_dim3A_3 {strides = array<i32>} : memref<272xf32, #tpu.memory_space<vmem>>, vector<16xf32>,
    %swap3A_9 = arith.constant 32 : index
    %swap3A_10 = tpu.vector_load %arg12[%swap3A_9] {strides = array<i32>} : memref<272xf32, #tpu.memory_space<vmem>>, vector<16xf32>,
    tpu.vector_store %arg12[%swap3A_9], %broadcast_in_dim3A_3 {strides = array<i32>} : memref<272xf32, #tpu.memory_space<vmem>>, vector<16xf32>,
    %swap3A_11 = arith.constant 48 : index
    %swap3A_12 = tpu.vector_load %arg12[%swap3A_11] {strides = array<i32>} : memref<272xf32, #tpu.memory_space<vmem>>, vector<16xf32>,
    tpu.vector_store %arg12[%swap3A_11], %broadcast_in_dim3A_3 {strides = array<i32>} : memref<272xf32, #tpu.memory_space<vmem>>, vector<16xf32>,
    %swap3A_13 = arith.constant 64 : index
    %swap3A_14 = tpu.vector_load %arg12[%swap3A_13] {strides = array<i32>} : memref<272xf32, #tpu.memory_space<vmem>>, vector<16xf32>,
    tpu.vector_store %arg12[%swap3A_13], %broadcast_in_dim3A_3 {strides = array<i32>} : memref<272xf32, #tpu.memory_space<vmem>>, vector<16xf32>,
    %swap3A_15 = arith.constant 80 : index
    %swap3A_16 = tpu.vector_load %arg12[%swap3A_15] {strides = array<i32>} : memref<272xf32, #tpu.memory_space<vmem>>, vector<16xf32>,
    tpu.vector_store %arg12[%swap3A_15], %broadcast_in_dim3A_3 {strides = array<i32>} : memref<272xf32, #tpu.memory_space<vmem>>, vector<16xf32>,
    %swap3A_17 = arith.constant 96 : index
    %swap3A_18 = tpu.vector_load %arg12[%swap3A_17] {strides = array<i32>} : memref<272xf32, #tpu.memory_space<vmem>>, vector<16xf32>,
    tpu.vector_store %arg12[%swap3A_17], %broadcast_in_dim3A_3 {strides = array<i32>} : memref<272xf32, #tpu.memory_space<vmem>>, vector<16xf32>,
    %swap3A_19 = arith.constant 112 : index
    %swap3A_20 = tpu.vector_load %arg12[%swap3A_19] {strides = array<i32>} : memref<272xf32, #tpu.memory_space<vmem>>, vector<16xf32>,
    tpu.vector_store %arg12[%swap3A_19], %broadcast_in_dim3A_3 {strides = array<i32>} : memref<272xf32, #tpu.memory_space<vmem>>, vector<16xf32>,
    %swap3A_21 = arith.constant 128 : index
    %swap3A_22 = tpu.vector_load %arg12[%swap3A_21] {strides = array<i32>} : memref<272xf32, #tpu.memory_space<vmem>>, vector<16xf32>,
    tpu.vector_store %arg12[%swap3A_21], %broadcast_in_dim3A_3 {strides = array<i32>} : memref<272xf32, #tpu.memory_space<vmem>>, vector<16xf32>,
    %swap3A_23 = arith.constant 144 : index
    %swap3A_24 = tpu.vector_load %arg12[%swap3A_23] {strides = array<i32>} : memref<272xf32, #tpu.memory_space<vmem>>, vector<16xf32>,
    tpu.vector_store %arg12[%swap3A_23], %broadcast_in_dim3A_3 {strides = array<i32>} : memref<272xf32, #tpu.memory_space<vmem>>, vector<16xf32>,
    %swap3A_25 = arith.constant 160 : index
    %swap3A_26 = tpu.vector_load %arg12[%swap3A_25] {strides = array<i32>} : memref<272xf32, #tpu.memory_space<vmem>>, vector<16xf32>,
    tpu.vector_store %arg12[%swap3A_25], %broadcast_in_dim3A_3 {strides = array<i32>} : memref<272xf32, #tpu.memory_space<vmem>>, vector<16xf32>,
    %swap3A_27 = arith.constant 176 : index
    %swap3A_28 = tpu.vector_load %arg12[%swap3A_27] {strides = array<i32>} : memref<272xf32, #tpu.memory_space<vmem>>, vector<16xf32>,
    tpu.vector_store %arg12[%swap3A_27], %broadcast_in_dim3A_3 {strides = array<i32>} : memref<272xf32, #tpu.memory_space<vmem>>, vector<16xf32>,
    %swap3A_29 = arith.constant 192 : index
    %swap3A_30 = tpu.vector_load %arg12[%swap3A_29] {strides = array<i32>} : memref<272xf32, #tpu.memory_space<vmem>>, vector<16xf32>,
    tpu.vector_store %arg12[%swap3A_29], %broadcast_in_dim3A_3 {strides = array<i32>} : memref<272xf32, #tpu.memory_space<vmem>>, vector<16xf32>,
    %swap3A_31 = arith.constant 208 : index
    %swap3A_32 = tpu.vector_load %arg12[%swap3A_31] {strides = array<i32>} : memref<272xf32, #tpu.memory_space<vmem>>, vector<16xf32>,
    tpu.vector_store %arg12[%swap3A_31], %broadcast_in_dim3A_3 {strides = array<i32>} : memref<272xf32, #tpu.memory_space<vmem>>, vector<16xf32>,
    %swap3A_33 = arith.constant 224 : index
    %swap3A_34 = tpu.vector_load %arg12[%swap3A_33] {strides = array<i32>} : memref<272xf32, #tpu.memory_space<vmem>>, vector<16xf32>,
    tpu.vector_store %arg12[%swap3A_33], %broadcast_in_dim3A_3 {strides = array<i32>} : memref<272xf32, #tpu.memory_space<vmem>>, vector<16xf32>,
    %swap3A_35 = arith.constant 240 : index
    %swap3A_36 = tpu.vector_load %arg12[%swap3A_35] {strides = array<i32>} : memref<272xf32, #tpu.memory_space<vmem>>, vector<16xf32>,
    tpu.vector_store %arg12[%swap3A_35], %broadcast_in_dim3A_3 {strides = array<i32>} : memref<272xf32, #tpu.memory_space<vmem>>, vector<16xf32>,
    %swap3A_37 = arith.constant 256 : index
    %swap3A_38 = tpu.vector_load %arg12[%swap3A_37] {strides = array<i32>} : memref<272xf32, #tpu.memory_space<vmem>>, vector<16xf32>,
    tpu.vector_store %arg12[%swap3A_37], %broadcast_in_dim3A_3 {strides = array<i32>} : memref<272xf32, #tpu.memory_space<vmem>>, vector<16xf32>,
    %add3A_39 = arith.constant 0 : i32
    %add3A_40 = arith.addi %mul3A_2, %add3A_39 : i32
    %multiple_of3A = tpu.assume_multiple %add3A_40, 8 : i32
    %dma_start3A = arith.constant 0 : i32
    %dma_start3A_41 = arith.constant 0 : i32
    %dma_start3A_42 = tpu.memref_slice %arg8[%dma_start3A, %dma_start3A_41] : memref<400x256xf32, #tpu.memory_space<vmem>> -> memref<200x256xf32, #tpu.memory_space<vmem>>
    %dma_start3A_43 = arith.constant 0 : i32
    %dma_start3A_44 = tpu.memref_slice %arg2[%multiple_of3A, %dma_start3A_43] : memref<160000x256xf32, #tpu.memory_space<hbm>> -> memref<200x256xf32, #tpu.memory_space<hbm>>
    %dma_start3A_45 = arith.constant 0 : i32
    %dma_start3A_46 = arith.constant 0 : i32
    %dma_start3A_47 = tpu.memref_slice %arg8[%dma_start3A_45, %dma_start3A_46] : memref<400x256xf32, #tpu.memory_space<vmem>> -> memref<200x256xf32, #tpu.memory_space<vmem>>
    %dma_start3A_48 = arith.constant 0 : i32
    %dma_start3A_49 = tpu.memref_slice %arg2[%multiple_of3A, %dma_start3A_48] : memref<160000x256xf32, #tpu.memory_space<hbm>> -> memref<200x256xf32, #tpu.memory_space<hbm>>
    tpu.enqueue_dma source(%dma_start3A_49 : memref<200x256xf32, #tpu.memory_space<hbm>>) target(%dma_start3A_47 : memref<200x256xf32, #tpu.memory_space<vmem>>) target_semaphore(%arg14 : memref<!tpu.dma_semaphore, #tpu.memory_space<semaphore_mem>>)
    %dma_start3A_50 = arith.constant 0 : i32
    %dma_start3A_51 = tpu.memref_slice %arg9[%dma_start3A_50] : memref<448xi32, #tpu.memory_space<vmem>> -> memref<208xi32, #tpu.memory_space<vmem>>
    %dma_start3A_52 = tpu.memref_slice %arg3[%multiple_of3A] : memref<160008xi32, #tpu.memory_space<hbm>> -> memref<208xi32, #tpu.memory_space<hbm>>
    %dma_start3A_53 = arith.constant 0 : i32
    %dma_start3A_54 = tpu.memref_slice %arg9[%dma_start3A_53] : memref<448xi32, #tpu.memory_space<vmem>> -> memref<208xi32, #tpu.memory_space<vmem>>
    %dma_start3A_55 = tpu.memref_slice %arg3[%multiple_of3A] : memref<160008xi32, #tpu.memory_space<hbm>> -> memref<208xi32, #tpu.memory_space<hbm>>
    tpu.enqueue_dma source(%dma_start3A_55 : memref<208xi32, #tpu.memory_space<hbm>>) target(%dma_start3A_54 : memref<208xi32, #tpu.memory_space<vmem>>) target_semaphore(%arg14 : memref<!tpu.dma_semaphore, #tpu.memory_space<semaphore_mem>>)
    %mul3A_56 = arith.constant 8 : i32
    %mul3A_57 = arith.muli %multiple_of3A, %mul3A_56 : i32
    %dma_start3A_58 = arith.constant 0 : i32
    %dma_start3A_59 = tpu.memref_slice %arg10[%dma_start3A_58] : memref<3328xf32, #tpu.memory_space<vmem>> -> memref<1600xf32, #tpu.memory_space<vmem>>
    %dma_start3A_60 = tpu.memref_slice %arg4[%mul3A_57] : memref<1280000xf32, #tpu.memory_space<hbm>> -> memref<1600xf32, #tpu.memory_space<hbm>>
    %dma_start3A_61 = arith.constant 0 : i32
    %dma_start3A_62 = tpu.memref_slice %arg10[%dma_start3A_61] : memref<3328xf32, #tpu.memory_space<vmem>> -> memref<1600xf32, #tpu.memory_space<vmem>>
    %dma_start3A_63 = tpu.memref_slice %arg4[%mul3A_57] : memref<1280000xf32, #tpu.memory_space<hbm>> -> memref<1600xf32, #tpu.memory_space<hbm>>
    tpu.enqueue_dma source(%dma_start3A_63 : memref<1600xf32, #tpu.memory_space<hbm>>) target(%dma_start3A_62 : memref<1600xf32, #tpu.memory_space<vmem>>) target_semaphore(%arg14 : memref<!tpu.dma_semaphore, #tpu.memory_space<semaphore_mem>>)
    %scan3A = arith.constant 0 : i32
    %scan3A_64 = arith.constant 0 : i32
    %scan3A_65 = arith.constant 0 : i32
    %scan3A_66 = arith.constant 25 : i32
    %scan3A_67 = arith.addi %scan3A_65, %scan3A_66 : i32
    %scan3A_68 = arith.constant 1 : i32
    %scan3A_69:2 = scf.for %scan3A_104 = %scan3A_65 to %scan3A_67 step %scan3A_68 iter_args(%scan3A_105 = %scan3A, %scan3A_106 = %scan3A_64) -> (i32, i32)  : i32 {
      %and3A_107 = arith.constant 1 : i32
      %and3A_108 = arith.andi %scan3A_104, %and3A_107 : i32
      %eq3A_109 = arith.constant 0 : i32
      %eq3A_110 = arith.cmpi eq, %and3A_108, %eq3A_109 : i32
      %convert_element_type3A_111 = arith.extui %eq3A_110 : i1 to i32
      %cond3A_112 = arith.constant 0 : i32
      %cond3A_113 = arith.cmpi ne, %convert_element_type3A_111, %cond3A_112 : i32
      scf.if %cond3A_113 {
        %mul3A_129 = arith.constant 200 : i32
        %mul3A_130 = arith.muli %scan3A_104, %mul3A_129 : i32
        %add3A_131 = arith.addi %mul3A_2, %mul3A_130 : i32
        %multiple_of3A_132 = tpu.assume_multiple %add3A_131, 8 : i32
        %dma_wait3A = arith.constant 0 : i32
        %dma_wait3A_133 = arith.constant 0 : i32
        %dma_wait3A_134 = tpu.memref_slice %arg8[%dma_wait3A, %dma_wait3A_133] : memref<400x256xf32, #tpu.memory_space<vmem>> -> memref<200x256xf32, #tpu.memory_space<vmem>>
        %dma_wait3A_135 = arith.constant 0 : i32
        %dma_wait3A_136 = tpu.memref_slice %arg2[%multiple_of3A_132, %dma_wait3A_135] : memref<160000x256xf32, #tpu.memory_space<hbm>> -> memref<200x256xf32, #tpu.memory_space<hbm>>
        %dma_wait3A_137 = arith.constant 0 : i32
        %dma_wait3A_138 = arith.constant 0 : i32
        %dma_wait3A_139 = tpu.memref_slice %arg8[%dma_wait3A_137, %dma_wait3A_138] : memref<400x256xf32, #tpu.memory_space<vmem>> -> memref<200x256xf32, #tpu.memory_space<vmem>>
        %dma_wait3A_140 = arith.constant 0 : i32
        %dma_wait3A_141 = tpu.memref_slice %arg2[%multiple_of3A_132, %dma_wait3A_140] : memref<160000x256xf32, #tpu.memory_space<hbm>> -> memref<200x256xf32, #tpu.memory_space<hbm>>
        tpu.wait_dma2 semaphore(%arg14 : memref<!tpu.dma_semaphore, #tpu.memory_space<semaphore_mem>>) src(%dma_wait3A_141 : memref<200x256xf32, #tpu.memory_space<hbm>>) dst(%dma_wait3A_139 : memref<200x256xf32, #tpu.memory_space<vmem>>)
        %dma_wait3A_142 = arith.constant 0 : i32
        %dma_wait3A_143 = tpu.memref_slice %arg9[%dma_wait3A_142] : memref<448xi32, #tpu.memory_space<vmem>> -> memref<208xi32, #tpu.memory_space<vmem>>
        %dma_wait3A_144 = tpu.memref_slice %arg3[%multiple_of3A_132] : memref<160008xi32, #tpu.memory_space<hbm>> -> memref<208xi32, #tpu.memory_space<hbm>>
        %dma_wait3A_145 = arith.constant 0 : i32
        %dma_wait3A_146 = tpu.memref_slice %arg9[%dma_wait3A_145] : memref<448xi32, #tpu.memory_space<vmem>> -> memref<208xi32, #tpu.memory_space<vmem>>
        %dma_wait3A_147 = tpu.memref_slice %arg3[%multiple_of3A_132] : memref<160008xi32, #tpu.memory_space<hbm>> -> memref<208xi32, #tpu.memory_space<hbm>>
        tpu.wait_dma2 semaphore(%arg14 : memref<!tpu.dma_semaphore, #tpu.memory_space<semaphore_mem>>) src(%dma_wait3A_147 : memref<208xi32, #tpu.memory_space<hbm>>) dst(%dma_wait3A_146 : memref<208xi32, #tpu.memory_space<vmem>>)
        %mul3A_148 = arith.constant 8 : i32
        %mul3A_149 = arith.muli %multiple_of3A_132, %mul3A_148 : i32
        %dma_wait3A_150 = arith.constant 0 : i32
        %dma_wait3A_151 = tpu.memref_slice %arg10[%dma_wait3A_150] : memref<3328xf32, #tpu.memory_space<vmem>> -> memref<1600xf32, #tpu.memory_space<vmem>>
        %dma_wait3A_152 = tpu.memref_slice %arg4[%mul3A_149] : memref<1280000xf32, #tpu.memory_space<hbm>> -> memref<1600xf32, #tpu.memory_space<hbm>>
        %dma_wait3A_153 = arith.constant 0 : i32
        %dma_wait3A_154 = tpu.memref_slice %arg10[%dma_wait3A_153] : memref<3328xf32, #tpu.memory_space<vmem>> -> memref<1600xf32, #tpu.memory_space<vmem>>
        %dma_wait3A_155 = tpu.memref_slice %arg4[%mul3A_149] : memref<1280000xf32, #tpu.memory_space<hbm>> -> memref<1600xf32, #tpu.memory_space<hbm>>
        tpu.wait_dma2 semaphore(%arg14 : memref<!tpu.dma_semaphore, #tpu.memory_space<semaphore_mem>>) src(%dma_wait3A_155 : memref<1600xf32, #tpu.memory_space<hbm>>) dst(%dma_wait3A_154 : memref<1600xf32, #tpu.memory_space<vmem>>)
      } else {
      }
      %eq3A_114 = arith.constant 1 : i32
      %eq3A_115 = arith.cmpi eq, %and3A_108, %eq3A_114 : i32
      %convert_element_type3A_116 = arith.extui %eq3A_115 : i1 to i32
      %cond3A_117 = arith.constant 0 : i32
      %cond3A_118 = arith.cmpi ne, %convert_element_type3A_116, %cond3A_117 : i32
      scf.if %cond3A_118 {
        %mul3A_129 = arith.constant 200 : i32
        %mul3A_130 = arith.muli %scan3A_104, %mul3A_129 : i32
        %add3A_131 = arith.addi %mul3A_2, %mul3A_130 : i32
        %multiple_of3A_132 = tpu.assume_multiple %add3A_131, 8 : i32
        %dma_wait3A = arith.constant 200 : i32
        %dma_wait3A_133 = arith.constant 0 : i32
        %dma_wait3A_134 = tpu.memref_slice %arg8[%dma_wait3A, %dma_wait3A_133] : memref<400x256xf32, #tpu.memory_space<vmem>> -> memref<200x256xf32, #tpu.memory_space<vmem>>
        %dma_wait3A_135 = arith.constant 0 : i32
        %dma_wait3A_136 = tpu.memref_slice %arg2[%multiple_of3A_132, %dma_wait3A_135] : memref<160000x256xf32, #tpu.memory_space<hbm>> -> memref<200x256xf32, #tpu.memory_space<hbm>>
        %dma_wait3A_137 = arith.constant 200 : i32
        %dma_wait3A_138 = arith.constant 0 : i32
        %dma_wait3A_139 = tpu.memref_slice %arg8[%dma_wait3A_137, %dma_wait3A_138] : memref<400x256xf32, #tpu.memory_space<vmem>> -> memref<200x256xf32, #tpu.memory_space<vmem>>
        %dma_wait3A_140 = arith.constant 0 : i32
        %dma_wait3A_141 = tpu.memref_slice %arg2[%multiple_of3A_132, %dma_wait3A_140] : memref<160000x256xf32, #tpu.memory_space<hbm>> -> memref<200x256xf32, #tpu.memory_space<hbm>>
        tpu.wait_dma2 semaphore(%arg15 : memref<!tpu.dma_semaphore, #tpu.memory_space<semaphore_mem>>) src(%dma_wait3A_141 : memref<200x256xf32, #tpu.memory_space<hbm>>) dst(%dma_wait3A_139 : memref<200x256xf32, #tpu.memory_space<vmem>>)
        %dma_wait3A_142 = arith.constant 224 : i32
        %dma_wait3A_143 = tpu.memref_slice %arg9[%dma_wait3A_142] : memref<448xi32, #tpu.memory_space<vmem>> -> memref<208xi32, #tpu.memory_space<vmem>>
        %dma_wait3A_144 = tpu.memref_slice %arg3[%multiple_of3A_132] : memref<160008xi32, #tpu.memory_space<hbm>> -> memref<208xi32, #tpu.memory_space<hbm>>
        %dma_wait3A_145 = arith.constant 224 : i32
        %dma_wait3A_146 = tpu.memref_slice %arg9[%dma_wait3A_145] : memref<448xi32, #tpu.memory_space<vmem>> -> memref<208xi32, #tpu.memory_space<vmem>>
        %dma_wait3A_147 = tpu.memref_slice %arg3[%multiple_of3A_132] : memref<160008xi32, #tpu.memory_space<hbm>> -> memref<208xi32, #tpu.memory_space<hbm>>
        tpu.wait_dma2 semaphore(%arg15 : memref<!tpu.dma_semaphore, #tpu.memory_space<semaphore_mem>>) src(%dma_wait3A_147 : memref<208xi32, #tpu.memory_space<hbm>>) dst(%dma_wait3A_146 : memref<208xi32, #tpu.memory_space<vmem>>)
        %mul3A_148 = arith.constant 8 : i32
        %mul3A_149 = arith.muli %multiple_of3A_132, %mul3A_148 : i32
        %dma_wait3A_150 = arith.constant 1664 : i32
        %dma_wait3A_151 = tpu.memref_slice %arg10[%dma_wait3A_150] : memref<3328xf32, #tpu.memory_space<vmem>> -> memref<1600xf32, #tpu.memory_space<vmem>>
        %dma_wait3A_152 = tpu.memref_slice %arg4[%mul3A_149] : memref<1280000xf32, #tpu.memory_space<hbm>> -> memref<1600xf32, #tpu.memory_space<hbm>>
        %dma_wait3A_153 = arith.constant 1664 : i32
        %dma_wait3A_154 = tpu.memref_slice %arg10[%dma_wait3A_153] : memref<3328xf32, #tpu.memory_space<vmem>> -> memref<1600xf32, #tpu.memory_space<vmem>>
        %dma_wait3A_155 = tpu.memref_slice %arg4[%mul3A_149] : memref<1280000xf32, #tpu.memory_space<hbm>> -> memref<1600xf32, #tpu.memory_space<hbm>>
        tpu.wait_dma2 semaphore(%arg15 : memref<!tpu.dma_semaphore, #tpu.memory_space<semaphore_mem>>) src(%dma_wait3A_155 : memref<1600xf32, #tpu.memory_space<hbm>>) dst(%dma_wait3A_154 : memref<1600xf32, #tpu.memory_space<vmem>>)
      } else {
      }
      %lt3A = arith.constant 24 : i32
      %lt3A_119 = arith.cmpi slt, %scan3A_104, %lt3A : i32
      %convert_element_type3A_120 = arith.extui %lt3A_119 : i1 to i32
      %cond3A_121 = arith.constant 0 : i32
      %cond3A_122 = arith.cmpi ne, %convert_element_type3A_120, %cond3A_121 : i32
      scf.if %cond3A_122 {
        %eq3A_129 = arith.constant 0 : i32
        %eq3A_130 = arith.cmpi eq, %and3A_108, %eq3A_129 : i32
        %convert_element_type3A_131 = arith.extui %eq3A_130 : i1 to i32
        %cond3A_132 = arith.constant 0 : i32
        %cond3A_133 = arith.cmpi ne, %convert_element_type3A_131, %cond3A_132 : i32
        scf.if %cond3A_133 {
          %add3A_139 = arith.constant 1 : i32
          %add3A_140 = arith.addi %scan3A_104, %add3A_139 : i32
          %mul3A_141 = arith.constant 200 : i32
          %mul3A_142 = arith.muli %add3A_140, %mul3A_141 : i32
          %add3A_143 = arith.addi %mul3A_2, %mul3A_142 : i32
          %multiple_of3A_144 = tpu.assume_multiple %add3A_143, 8 : i32
          %dma_start3A_145 = arith.constant 200 : i32
          %dma_start3A_146 = arith.constant 0 : i32
          %dma_start3A_147 = tpu.memref_slice %arg8[%dma_start3A_145, %dma_start3A_146] : memref<400x256xf32, #tpu.memory_space<vmem>> -> memref<200x256xf32, #tpu.memory_space<vmem>>
          %dma_start3A_148 = arith.constant 0 : i32
          %dma_start3A_149 = tpu.memref_slice %arg2[%multiple_of3A_144, %dma_start3A_148] : memref<160000x256xf32, #tpu.memory_space<hbm>> -> memref<200x256xf32, #tpu.memory_space<hbm>>
          %dma_start3A_150 = arith.constant 200 : i32
          %dma_start3A_151 = arith.constant 0 : i32
          %dma_start3A_152 = tpu.memref_slice %arg8[%dma_start3A_150, %dma_start3A_151] : memref<400x256xf32, #tpu.memory_space<vmem>> -> memref<200x256xf32, #tpu.memory_space<vmem>>
          %dma_start3A_153 = arith.constant 0 : i32
          %dma_start3A_154 = tpu.memref_slice %arg2[%multiple_of3A_144, %dma_start3A_153] : memref<160000x256xf32, #tpu.memory_space<hbm>> -> memref<200x256xf32, #tpu.memory_space<hbm>>
          tpu.enqueue_dma source(%dma_start3A_154 : memref<200x256xf32, #tpu.memory_space<hbm>>) target(%dma_start3A_152 : memref<200x256xf32, #tpu.memory_space<vmem>>) target_semaphore(%arg15 : memref<!tpu.dma_semaphore, #tpu.memory_space<semaphore_mem>>)
          %dma_start3A_155 = arith.constant 224 : i32
          %dma_start3A_156 = tpu.memref_slice %arg9[%dma_start3A_155] : memref<448xi32, #tpu.memory_space<vmem>> -> memref<208xi32, #tpu.memory_space<vmem>>
          %dma_start3A_157 = tpu.memref_slice %arg3[%multiple_of3A_144] : memref<160008xi32, #tpu.memory_space<hbm>> -> memref<208xi32, #tpu.memory_space<hbm>>
          %dma_start3A_158 = arith.constant 224 : i32
          %dma_start3A_159 = tpu.memref_slice %arg9[%dma_start3A_158] : memref<448xi32, #tpu.memory_space<vmem>> -> memref<208xi32, #tpu.memory_space<vmem>>
          %dma_start3A_160 = tpu.memref_slice %arg3[%multiple_of3A_144] : memref<160008xi32, #tpu.memory_space<hbm>> -> memref<208xi32, #tpu.memory_space<hbm>>
          tpu.enqueue_dma source(%dma_start3A_160 : memref<208xi32, #tpu.memory_space<hbm>>) target(%dma_start3A_159 : memref<208xi32, #tpu.memory_space<vmem>>) target_semaphore(%arg15 : memref<!tpu.dma_semaphore, #tpu.memory_space<semaphore_mem>>)
          %mul3A_161 = arith.constant 8 : i32
          %mul3A_162 = arith.muli %multiple_of3A_144, %mul3A_161 : i32
          %dma_start3A_163 = arith.constant 1664 : i32
          %dma_start3A_164 = tpu.memref_slice %arg10[%dma_start3A_163] : memref<3328xf32, #tpu.memory_space<vmem>> -> memref<1600xf32, #tpu.memory_space<vmem>>
          %dma_start3A_165 = tpu.memref_slice %arg4[%mul3A_162] : memref<1280000xf32, #tpu.memory_space<hbm>> -> memref<1600xf32, #tpu.memory_space<hbm>>
          %dma_start3A_166 = arith.constant 1664 : i32
          %dma_start3A_167 = tpu.memref_slice %arg10[%dma_start3A_166] : memref<3328xf32, #tpu.memory_space<vmem>> -> memref<1600xf32, #tpu.memory_space<vmem>>
          %dma_start3A_168 = tpu.memref_slice %arg4[%mul3A_162] : memref<1280000xf32, #tpu.memory_space<hbm>> -> memref<1600xf32, #tpu.memory_space<hbm>>
          tpu.enqueue_dma source(%dma_start3A_168 : memref<1600xf32, #tpu.memory_space<hbm>>) target(%dma_start3A_167 : memref<1600xf32, #tpu.memory_space<vmem>>) target_semaphore(%arg15 : memref<!tpu.dma_semaphore, #tpu.memory_space<semaphore_mem>>)
        } else {
        }
        %eq3A_134 = arith.constant 1 : i32
        %eq3A_135 = arith.cmpi eq, %and3A_108, %eq3A_134 : i32
        %convert_element_type3A_136 = arith.extui %eq3A_135 : i1 to i32
        %cond3A_137 = arith.constant 0 : i32
        %cond3A_138 = arith.cmpi ne, %convert_element_type3A_136, %cond3A_137 : i32
        scf.if %cond3A_138 {
          %add3A_139 = arith.constant 1 : i32
          %add3A_140 = arith.addi %scan3A_104, %add3A_139 : i32
          %mul3A_141 = arith.constant 200 : i32
          %mul3A_142 = arith.muli %add3A_140, %mul3A_141 : i32
          %add3A_143 = arith.addi %mul3A_2, %mul3A_142 : i32
          %multiple_of3A_144 = tpu.assume_multiple %add3A_143, 8 : i32
          %dma_start3A_145 = arith.constant 0 : i32
          %dma_start3A_146 = arith.constant 0 : i32
          %dma_start3A_147 = tpu.memref_slice %arg8[%dma_start3A_145, %dma_start3A_146] : memref<400x256xf32, #tpu.memory_space<vmem>> -> memref<200x256xf32, #tpu.memory_space<vmem>>
          %dma_start3A_148 = arith.constant 0 : i32
          %dma_start3A_149 = tpu.memref_slice %arg2[%multiple_of3A_144, %dma_start3A_148] : memref<160000x256xf32, #tpu.memory_space<hbm>> -> memref<200x256xf32, #tpu.memory_space<hbm>>
          %dma_start3A_150 = arith.constant 0 : i32
          %dma_start3A_151 = arith.constant 0 : i32
          %dma_start3A_152 = tpu.memref_slice %arg8[%dma_start3A_150, %dma_start3A_151] : memref<400x256xf32, #tpu.memory_space<vmem>> -> memref<200x256xf32, #tpu.memory_space<vmem>>
          %dma_start3A_153 = arith.constant 0 : i32
          %dma_start3A_154 = tpu.memref_slice %arg2[%multiple_of3A_144, %dma_start3A_153] : memref<160000x256xf32, #tpu.memory_space<hbm>> -> memref<200x256xf32, #tpu.memory_space<hbm>>
          tpu.enqueue_dma source(%dma_start3A_154 : memref<200x256xf32, #tpu.memory_space<hbm>>) target(%dma_start3A_152 : memref<200x256xf32, #tpu.memory_space<vmem>>) target_semaphore(%arg14 : memref<!tpu.dma_semaphore, #tpu.memory_space<semaphore_mem>>)
          %dma_start3A_155 = arith.constant 0 : i32
          %dma_start3A_156 = tpu.memref_slice %arg9[%dma_start3A_155] : memref<448xi32, #tpu.memory_space<vmem>> -> memref<208xi32, #tpu.memory_space<vmem>>
          %dma_start3A_157 = tpu.memref_slice %arg3[%multiple_of3A_144] : memref<160008xi32, #tpu.memory_space<hbm>> -> memref<208xi32, #tpu.memory_space<hbm>>
          %dma_start3A_158 = arith.constant 0 : i32
          %dma_start3A_159 = tpu.memref_slice %arg9[%dma_start3A_158] : memref<448xi32, #tpu.memory_space<vmem>> -> memref<208xi32, #tpu.memory_space<vmem>>
          %dma_start3A_160 = tpu.memref_slice %arg3[%multiple_of3A_144] : memref<160008xi32, #tpu.memory_space<hbm>> -> memref<208xi32, #tpu.memory_space<hbm>>
          tpu.enqueue_dma source(%dma_start3A_160 : memref<208xi32, #tpu.memory_space<hbm>>) target(%dma_start3A_159 : memref<208xi32, #tpu.memory_space<vmem>>) target_semaphore(%arg14 : memref<!tpu.dma_semaphore, #tpu.memory_space<semaphore_mem>>)
          %mul3A_161 = arith.constant 8 : i32
          %mul3A_162 = arith.muli %multiple_of3A_144, %mul3A_161 : i32
          %dma_start3A_163 = arith.constant 0 : i32
          %dma_start3A_164 = tpu.memref_slice %arg10[%dma_start3A_163] : memref<3328xf32, #tpu.memory_space<vmem>> -> memref<1600xf32, #tpu.memory_space<vmem>>
          %dma_start3A_165 = tpu.memref_slice %arg4[%mul3A_162] : memref<1280000xf32, #tpu.memory_space<hbm>> -> memref<1600xf32, #tpu.memory_space<hbm>>
          %dma_start3A_166 = arith.constant 0 : i32
          %dma_start3A_167 = tpu.memref_slice %arg10[%dma_start3A_166] : memref<3328xf32, #tpu.memory_space<vmem>> -> memref<1600xf32, #tpu.memory_space<vmem>>
          %dma_start3A_168 = tpu.memref_slice %arg4[%mul3A_162] : memref<1280000xf32, #tpu.memory_space<hbm>> -> memref<1600xf32, #tpu.memory_space<hbm>>
          tpu.enqueue_dma source(%dma_start3A_168 : memref<1600xf32, #tpu.memory_space<hbm>>) target(%dma_start3A_167 : memref<1600xf32, #tpu.memory_space<vmem>>) target_semaphore(%arg14 : memref<!tpu.dma_semaphore, #tpu.memory_space<semaphore_mem>>)
        } else {
        }
      } else {
      }
      %scan3A_123 = arith.constant 0 : i32
      %scan3A_124 = arith.constant 13 : i32
      %scan3A_125 = arith.addi %scan3A_123, %scan3A_124 : i32
      %scan3A_126 = arith.constant 1 : i32
      %scan3A_127:2 = scf.for %scan3A_129 = %scan3A_123 to %scan3A_125 step %scan3A_126 iter_args(%scan3A_130 = %scan3A_105, %scan3A_131 = %scan3A_106) -> (i32, i32)  : i32 {
        %mul3A_132 = arith.constant 16 : i32
        %mul3A_133 = arith.muli %mul3A_132, %scan3A_129 : i32
        %mul3A_134 = arith.constant 224 : i32
        %mul3A_135 = arith.muli %and3A_108, %mul3A_134 : i32
        %add3A_136 = arith.addi %mul3A_135, %mul3A_133 : i32
        %add3A_137 = arith.constant 8 : i32
        %add3A_138 = arith.addi %add3A_136, %add3A_137 : i32
        %get3A_139 = arith.index_cast %add3A_138 : i32 to index
        %get3A_140 = tpu.vector_load %arg9[%get3A_139] {strides = array<i32>} : memref<448xi32, #tpu.memory_space<vmem>>, vector<16xi32>,
        %mul3A_141 = arith.constant 224 : i32
        %mul3A_142 = arith.muli %and3A_108, %mul3A_141 : i32
        %add3A_143 = arith.addi %mul3A_142, %mul3A_133 : i32
        %add3A_144 = arith.constant 7 : i32
        %add3A_145 = arith.addi %add3A_143, %add3A_144 : i32
        %get3A_146 = arith.index_cast %add3A_145 : i32 to index
        %get3A_147 = tpu.vector_load %arg9[%get3A_146] {strides = array<i32>} : memref<448xi32, #tpu.memory_space<vmem>>, vector<16xi32>,
        %ne3A = arith.cmpi ne, %get3A_140, %get3A_147 : vector<16xi32>
        %jit3A_148 = arith.constant 0 : i32
        %broadcast_in_dim3A_149 = vector.broadcast %jit3A_148 : i32 to vector<16xi32>
        %select_n3A_150 = arith.select %ne3A, %shift_left3A_5, %broadcast_in_dim3A_149 : vector<16xi1>, vector<16xi32>
        %reduce_sum3A = arith.constant true
        %reduce_sum3A_151 = vector.broadcast %reduce_sum3A : i1 to vector<16xi1>
        %reduce_sum3A_152 = tpu.scan <sum>, %select_n3A_150 masked %reduce_sum3A_151 : vector<16xi32>, vector<16xi1> -> vector<16xi32>
        %reduce_sum3A_153 = vector.extract %reduce_sum3A_152[15] : i32 from vector<16xi32>
        %add3A_154 = arith.constant 16 : i32
        %add3A_155 = arith.addi %mul3A_133, %add3A_154 : i32
        %le3A = arith.constant 200 : i32
        %le3A_156 = arith.cmpi sle, %add3A_155, %le3A : i32
        %and3A_157 = arith.constant 255 : i32
        %and3A_158 = arith.andi %reduce_sum3A_153, %and3A_157 : i32
        %select_n3A_159 = arith.select %le3A_156, %reduce_sum3A_153, %and3A_158 : i32
        %scan3A_160 = arith.constant 0 : i32
        %scan3A_161 = arith.constant 4 : i32
        %scan3A_162 = arith.addi %scan3A_160, %scan3A_161 : i32
        %scan3A_163 = arith.constant 1 : i32
        %scan3A_164:2 = scf.for %scan3A_166 = %scan3A_160 to %scan3A_162 step %scan3A_163 iter_args(%scan3A_167 = %scan3A_130, %scan3A_168 = %scan3A_131) -> (i32, i32)  : i32 {
          %mul3A_169 = arith.constant 4 : i32
          %mul3A_170 = arith.muli %mul3A_169, %scan3A_166 : i32
          %add3A_171 = arith.constant 0 : i32
          %add3A_172 = arith.addi %mul3A_170, %add3A_171 : i32
          %shift_right_arithmetic3A = arith.shrsi %select_n3A_159, %add3A_172 : i32
          %and3A_173 = arith.constant 1 : i32
          %and3A_174 = arith.andi %shift_right_arithmetic3A, %and3A_173 : i32
          %eq3A_175 = arith.constant 1 : i32
          %eq3A_176 = arith.cmpi eq, %and3A_174, %eq3A_175 : i32
          %gt3A_177 = arith.constant 0 : i32
          %gt3A_178 = arith.cmpi sgt, %scan3A_167, %gt3A_177 : i32
          %and3A_179 = arith.andi %eq3A_176, %gt3A_178 : i1
          %jit3A_180 = arith.constant 1 : i32
          %jit3A_181 = arith.constant 0 : i32
          %select_n3A_182 = arith.select %and3A_179, %jit3A_180, %jit3A_181 : i32
          %add3A_183 = arith.addi %scan3A_168, %select_n3A_182 : i32
          %jit3A_184 = arith.constant 1 : i32
          %jit3A_185 = arith.constant 0 : i32
          %select_n3A_186 = arith.select %eq3A_176, %jit3A_184, %jit3A_185 : i32
          %add3A_187 = arith.addi %scan3A_167, %select_n3A_186 : i32
          %add3A_188 = arith.constant 1 : i32
          %add3A_189 = arith.addi %mul3A_170, %add3A_188 : i32
          %shift_right_arithmetic3A_190 = arith.shrsi %select_n3A_159, %add3A_189 : i32
          %and3A_191 = arith.constant 1 : i32
          %and3A_192 = arith.andi %shift_right_arithmetic3A_190, %and3A_191 : i32
          %eq3A_193 = arith.constant 1 : i32
          %eq3A_194 = arith.cmpi eq, %and3A_192, %eq3A_193 : i32
          %gt3A_195 = arith.constant 0 : i32
          %gt3A_196 = arith.cmpi sgt, %add3A_187, %gt3A_195 : i32
          %and3A_197 = arith.andi %eq3A_194, %gt3A_196 : i1
          %jit3A_198 = arith.constant 1 : i32
          %jit3A_199 = arith.constant 0 : i32
          %select_n3A_200 = arith.select %and3A_197, %jit3A_198, %jit3A_199 : i32
          %add3A_201 = arith.addi %add3A_183, %select_n3A_200 : i32
          %jit3A_202 = arith.constant 1 : i32
          %jit3A_203 = arith.constant 0 : i32
          %select_n3A_204 = arith.select %eq3A_194, %jit3A_202, %jit3A_203 : i32
          %add3A_205 = arith.addi %add3A_187, %select_n3A_204 : i32
          %add3A_206 = arith.constant 2 : i32
          %add3A_207 = arith.addi %mul3A_170, %add3A_206 : i32
          %shift_right_arithmetic3A_208 = arith.shrsi %select_n3A_159, %add3A_207 : i32
          %and3A_209 = arith.constant 1 : i32
          %and3A_210 = arith.andi %shift_right_arithmetic3A_208, %and3A_209 : i32
          %eq3A_211 = arith.constant 1 : i32
          %eq3A_212 = arith.cmpi eq, %and3A_210, %eq3A_211 : i32
          %gt3A_213 = arith.constant 0 : i32
          %gt3A_214 = arith.cmpi sgt, %add3A_205, %gt3A_213 : i32
          %and3A_215 = arith.andi %eq3A_212, %gt3A_214 : i1
          %jit3A_216 = arith.constant 1 : i32
          %jit3A_217 = arith.constant 0 : i32
          %select_n3A_218 = arith.select %and3A_215, %jit3A_216, %jit3A_217 : i32
          %add3A_219 = arith.addi %add3A_201, %select_n3A_218 : i32
          %jit3A_220 = arith.constant 1 : i32
          %jit3A_221 = arith.constant 0 : i32
          %select_n3A_222 = arith.select %eq3A_212, %jit3A_220, %jit3A_221 : i32
          %add3A_223 = arith.addi %add3A_205, %select_n3A_222 : i32
          %add3A_224 = arith.constant 3 : i32
          %add3A_225 = arith.addi %mul3A_170, %add3A_224 : i32
          %shift_right_arithmetic3A_226 = arith.shrsi %select_n3A_159, %add3A_225 : i32
          %and3A_227 = arith.constant 1 : i32
          %and3A_228 = arith.andi %shift_right_arithmetic3A_226, %and3A_227 : i32
          %eq3A_229 = arith.constant 1 : i32
          %eq3A_230 = arith.cmpi eq, %and3A_228, %eq3A_229 : i32
          %gt3A_231 = arith.constant 0 : i32
          %gt3A_232 = arith.cmpi sgt, %add3A_223, %gt3A_231 : i32
          %and3A_233 = arith.andi %eq3A_230, %gt3A_232 : i1
          %jit3A_234 = arith.constant 1 : i32
          %jit3A_235 = arith.constant 0 : i32
          %select_n3A_236 = arith.select %and3A_233, %jit3A_234, %jit3A_235 : i32
          %add3A_237 = arith.addi %add3A_219, %select_n3A_236 : i32
          %jit3A_238 = arith.constant 1 : i32
          %jit3A_239 = arith.constant 0 : i32
          %select_n3A_240 = arith.select %eq3A_230, %jit3A_238, %jit3A_239 : i32
          %add3A_241 = arith.addi %add3A_223, %select_n3A_240 : i32
          %add3A_242 = arith.addi %mul3A_133, %mul3A_170 : i32
          %lt3A_243 = arith.constant 200 : i32
          %lt3A_244 = arith.cmpi slt, %add3A_242, %lt3A_243 : i32
          %convert_element_type3A_245 = arith.extui %lt3A_244 : i1 to i32
          %cond3A_246 = arith.constant 0 : i32
          %cond3A_247 = arith.cmpi ne, %convert_element_type3A_245, %cond3A_246 : i32
          scf.if %cond3A_247 {
            %add3A_256 = arith.constant 0 : i32
            %add3A_257 = arith.addi %mul3A_170, %add3A_256 : i32
            %add3A_258 = arith.addi %mul3A_133, %add3A_257 : i32
            %convert_element_type3A_259 = arith.extui %eq3A_176 : i1 to i32
            %cond3A_260 = arith.constant 0 : i32
            %cond3A_261 = arith.cmpi ne, %convert_element_type3A_259, %cond3A_260 : i32
            scf.if %cond3A_261 {
              %mul3A_711 = arith.constant 224 : i32
              %mul3A_712 = arith.muli %and3A_108, %mul3A_711 : i32
              %add3A_713 = arith.addi %mul3A_712, %mul3A_133 : i32
              %add3A_714 = arith.constant 7 : i32
              %add3A_715 = arith.addi %add3A_713, %add3A_714 : i32
              %add3A_716 = arith.addi %add3A_715, %add3A_257 : i32
              %get3A_717 = arith.index_cast %add3A_716 : i32 to index
              %get3A_718 = tpu.vector_load %arg9[%get3A_717] {strides = array<i32>} : memref<448xi32, #tpu.memory_space<vmem>>, vector<16xi32>,
              %slice3A_719 = vector.extract_strided_slice %get3A_718 {offsets = [0], sizes = [1], strides = [1]} : vector<16xi32> to vector<1xi32>
              %squeeze3A_720 = vector.extract %slice3A_719[0] : i32 from vector<1xi32>
              %eq3A_721 = arith.constant 0 : i32
              %eq3A_722 = arith.cmpi eq, %scan3A_167, %eq3A_721 : i32
              %convert_element_type3A_723 = arith.extui %eq3A_722 : i1 to i32
              %cond3A_724 = arith.constant 0 : i32
              %cond3A_725 = arith.cmpi ne, %convert_element_type3A_723, %cond3A_724 : i32
              scf.if %cond3A_725 {
                %mul3A_765 = arith.constant 2 : i32
                %mul3A_766 = arith.muli %mul3A_765, %add3A : i32
                %get3A_767 = arith.constant 0 : index
                %get3A_768 = tpu.vector_load %arg12[%get3A_767] {strides = array<i32>} : memref<272xf32, #tpu.memory_space<vmem>>, vector<16xf32>,
                %swap3A_769 = arith.constant 0 : index
                %swap3A_770 = tpu.vector_load %arg13[%swap3A_769] {strides = array<i32>} : memref<288xf32, #tpu.memory_space<vmem>>, vector<16xf32>,
                tpu.vector_store %arg13[%swap3A_769], %get3A_768 {strides = array<i32>} : memref<288xf32, #tpu.memory_space<vmem>>, vector<16xf32>,
                %get3A_771 = arith.constant 16 : index
                %get3A_772 = tpu.vector_load %arg12[%get3A_771] {strides = array<i32>} : memref<272xf32, #tpu.memory_space<vmem>>, vector<16xf32>,
                %swap3A_773 = arith.constant 16 : index
                %swap3A_774 = tpu.vector_load %arg13[%swap3A_773] {strides = array<i32>} : memref<288xf32, #tpu.memory_space<vmem>>, vector<16xf32>,
                tpu.vector_store %arg13[%swap3A_773], %get3A_772 {strides = array<i32>} : memref<288xf32, #tpu.memory_space<vmem>>, vector<16xf32>,
                %get3A_775 = arith.constant 32 : index
                %get3A_776 = tpu.vector_load %arg12[%get3A_775] {strides = array<i32>} : memref<272xf32, #tpu.memory_space<vmem>>, vector<16xf32>,
                %swap3A_777 = arith.constant 32 : index
                %swap3A_778 = tpu.vector_load %arg13[%swap3A_777] {strides = array<i32>} : memref<288xf32, #tpu.memory_space<vmem>>, vector<16xf32>,
                tpu.vector_store %arg13[%swap3A_777], %get3A_776 {strides = array<i32>} : memref<288xf32, #tpu.memory_space<vmem>>, vector<16xf32>,
                %get3A_779 = arith.constant 48 : index
                %get3A_780 = tpu.vector_load %arg12[%get3A_779] {strides = array<i32>} : memref<272xf32, #tpu.memory_space<vmem>>, vector<16xf32>,
                %swap3A_781 = arith.constant 48 : index
                %swap3A_782 = tpu.vector_load %arg13[%swap3A_781] {strides = array<i32>} : memref<288xf32, #tpu.memory_space<vmem>>, vector<16xf32>,
                tpu.vector_store %arg13[%swap3A_781], %get3A_780 {strides = array<i32>} : memref<288xf32, #tpu.memory_space<vmem>>, vector<16xf32>,
                %get3A_783 = arith.constant 64 : index
                %get3A_784 = tpu.vector_load %arg12[%get3A_783] {strides = array<i32>} : memref<272xf32, #tpu.memory_space<vmem>>, vector<16xf32>,
                %swap3A_785 = arith.constant 64 : index
                %swap3A_786 = tpu.vector_load %arg13[%swap3A_785] {strides = array<i32>} : memref<288xf32, #tpu.memory_space<vmem>>, vector<16xf32>,
                tpu.vector_store %arg13[%swap3A_785], %get3A_784 {strides = array<i32>} : memref<288xf32, #tpu.memory_space<vmem>>, vector<16xf32>,
                %get3A_787 = arith.constant 80 : index
                %get3A_788 = tpu.vector_load %arg12[%get3A_787] {strides = array<i32>} : memref<272xf32, #tpu.memory_space<vmem>>, vector<16xf32>,
                %swap3A_789 = arith.constant 80 : index
                %swap3A_790 = tpu.vector_load %arg13[%swap3A_789] {strides = array<i32>} : memref<288xf32, #tpu.memory_space<vmem>>, vector<16xf32>,
                tpu.vector_store %arg13[%swap3A_789], %get3A_788 {strides = array<i32>} : memref<288xf32, #tpu.memory_space<vmem>>, vector<16xf32>,
                %get3A_791 = arith.constant 96 : index
                %get3A_792 = tpu.vector_load %arg12[%get3A_791] {strides = array<i32>} : memref<272xf32, #tpu.memory_space<vmem>>, vector<16xf32>,
                %swap3A_793 = arith.constant 96 : index
                %swap3A_794 = tpu.vector_load %arg13[%swap3A_793] {strides = array<i32>} : memref<288xf32, #tpu.memory_space<vmem>>, vector<16xf32>,
                tpu.vector_store %arg13[%swap3A_793], %get3A_792 {strides = array<i32>} : memref<288xf32, #tpu.memory_space<vmem>>, vector<16xf32>,
                %get3A_795 = arith.constant 112 : index
                %get3A_796 = tpu.vector_load %arg12[%get3A_795] {strides = array<i32>} : memref<272xf32, #tpu.memory_space<vmem>>, vector<16xf32>,
                %swap3A_797 = arith.constant 112 : index
                %swap3A_798 = tpu.vector_load %arg13[%swap3A_797] {strides = array<i32>} : memref<288xf32, #tpu.memory_space<vmem>>, vector<16xf32>,
                tpu.vector_store %arg13[%swap3A_797], %get3A_796 {strides = array<i32>} : memref<288xf32, #tpu.memory_space<vmem>>, vector<16xf32>,
                %get3A_799 = arith.constant 128 : index
                %get3A_800 = tpu.vector_load %arg12[%get3A_799] {strides = array<i32>} : memref<272xf32, #tpu.memory_space<vmem>>, vector<16xf32>,
                %swap3A_801 = arith.constant 128 : index
                %swap3A_802 = tpu.vector_load %arg13[%swap3A_801] {strides = array<i32>} : memref<288xf32, #tpu.memory_space<vmem>>, vector<16xf32>,
                tpu.vector_store %arg13[%swap3A_801], %get3A_800 {strides = array<i32>} : memref<288xf32, #tpu.memory_space<vmem>>, vector<16xf32>,
                %get3A_803 = arith.constant 144 : index
                %get3A_804 = tpu.vector_load %arg12[%get3A_803] {strides = array<i32>} : memref<272xf32, #tpu.memory_space<vmem>>, vector<16xf32>,
                %swap3A_805 = arith.constant 144 : index
                %swap3A_806 = tpu.vector_load %arg13[%swap3A_805] {strides = array<i32>} : memref<288xf32, #tpu.memory_space<vmem>>, vector<16xf32>,
                tpu.vector_store %arg13[%swap3A_805], %get3A_804 {strides = array<i32>} : memref<288xf32, #tpu.memory_space<vmem>>, vector<16xf32>,
                %get3A_807 = arith.constant 160 : index
                %get3A_808 = tpu.vector_load %arg12[%get3A_807] {strides = array<i32>} : memref<272xf32, #tpu.memory_space<vmem>>, vector<16xf32>,
                %swap3A_809 = arith.constant 160 : index
                %swap3A_810 = tpu.vector_load %arg13[%swap3A_809] {strides = array<i32>} : memref<288xf32, #tpu.memory_space<vmem>>, vector<16xf32>,
                tpu.vector_store %arg13[%swap3A_809], %get3A_808 {strides = array<i32>} : memref<288xf32, #tpu.memory_space<vmem>>, vector<16xf32>,
                %get3A_811 = arith.constant 176 : index
                %get3A_812 = tpu.vector_load %arg12[%get3A_811] {strides = array<i32>} : memref<272xf32, #tpu.memory_space<vmem>>, vector<16xf32>,
                %swap3A_813 = arith.constant 176 : index
                %swap3A_814 = tpu.vector_load %arg13[%swap3A_813] {strides = array<i32>} : memref<288xf32, #tpu.memory_space<vmem>>, vector<16xf32>,
                tpu.vector_store %arg13[%swap3A_813], %get3A_812 {strides = array<i32>} : memref<288xf32, #tpu.memory_space<vmem>>, vector<16xf32>,
                %get3A_815 = arith.constant 192 : index
                %get3A_816 = tpu.vector_load %arg12[%get3A_815] {strides = array<i32>} : memref<272xf32, #tpu.memory_space<vmem>>, vector<16xf32>,
                %swap3A_817 = arith.constant 192 : index
                %swap3A_818 = tpu.vector_load %arg13[%swap3A_817] {strides = array<i32>} : memref<288xf32, #tpu.memory_space<vmem>>, vector<16xf32>,
                tpu.vector_store %arg13[%swap3A_817], %get3A_816 {strides = array<i32>} : memref<288xf32, #tpu.memory_space<vmem>>, vector<16xf32>,
                %get3A_819 = arith.constant 208 : index
                %get3A_820 = tpu.vector_load %arg12[%get3A_819] {strides = array<i32>} : memref<272xf32, #tpu.memory_space<vmem>>, vector<16xf32>,
                %swap3A_821 = arith.constant 208 : index
                %swap3A_822 = tpu.vector_load %arg13[%swap3A_821] {strides = array<i32>} : memref<288xf32, #tpu.memory_space<vmem>>, vector<16xf32>,
                tpu.vector_store %arg13[%swap3A_821], %get3A_820 {strides = array<i32>} : memref<288xf32, #tpu.memory_space<vmem>>, vector<16xf32>,
                %get3A_823 = arith.constant 224 : index
                %get3A_824 = tpu.vector_load %arg12[%get3A_823] {strides = array<i32>} : memref<272xf32, #tpu.memory_space<vmem>>, vector<16xf32>,
                %swap3A_825 = arith.constant 224 : index
                %swap3A_826 = tpu.vector_load %arg13[%swap3A_825] {strides = array<i32>} : memref<288xf32, #tpu.memory_space<vmem>>, vector<16xf32>,
                tpu.vector_store %arg13[%swap3A_825], %get3A_824 {strides = array<i32>} : memref<288xf32, #tpu.memory_space<vmem>>, vector<16xf32>,
                %get3A_827 = arith.constant 240 : index
                %get3A_828 = tpu.vector_load %arg12[%get3A_827] {strides = array<i32>} : memref<272xf32, #tpu.memory_space<vmem>>, vector<16xf32>,
                %swap3A_829 = arith.constant 240 : index
                %swap3A_830 = tpu.vector_load %arg13[%swap3A_829] {strides = array<i32>} : memref<288xf32, #tpu.memory_space<vmem>>, vector<16xf32>,
                tpu.vector_store %arg13[%swap3A_829], %get3A_828 {strides = array<i32>} : memref<288xf32, #tpu.memory_space<vmem>>, vector<16xf32>,
                %get3A_831 = arith.constant 256 : index
                %get3A_832 = tpu.vector_load %arg12[%get3A_831] {strides = array<i32>} : memref<272xf32, #tpu.memory_space<vmem>>, vector<16xf32>,
                %swap3A_833 = arith.constant 256 : index
                %swap3A_834 = tpu.vector_load %arg13[%swap3A_833] {strides = array<i32>} : memref<288xf32, #tpu.memory_space<vmem>>, vector<16xf32>,
                tpu.vector_store %arg13[%swap3A_833], %get3A_832 {strides = array<i32>} : memref<288xf32, #tpu.memory_space<vmem>>, vector<16xf32>,
                %broadcast_in_dim3A_835 = vector.broadcast %squeeze3A_720 : i32 to vector<16xi32>
                %convert_element_type3A_836 = arith.sitofp %broadcast_in_dim3A_835 : vector<16xi32> to vector<16xf32>
                %swap3A_837 = arith.constant 272 : index
                %swap3A_838 = tpu.vector_load %arg13[%swap3A_837] {strides = array<i32>} : memref<288xf32, #tpu.memory_space<vmem>>, vector<16xf32>,
                tpu.vector_store %arg13[%swap3A_837], %convert_element_type3A_836 {strides = array<i32>} : memref<288xf32, #tpu.memory_space<vmem>>, vector<16xf32>,
                "tpu.region"() ({
                  %run_scoped3A = tpu.sem_alloc : memref<!tpu.dma_semaphore, #tpu.memory_space<semaphore_mem>>
                  %dma_start3A_839 = arith.constant 0 : i32
                  %dma_start3A_840 = tpu.memref_slice %arg6[%mul3A_766, %dma_start3A_839] : memref<64x288xf32, #tpu.memory_space<hbm>> -> memref<1x288xf32, #tpu.memory_space<hbm>>
                  %dma_start3A_841 = tpu.memref_squeeze %dma_start3A_840 : memref<1x288xf32, #tpu.memory_space<hbm>> -> memref<288xf32, #tpu.memory_space<hbm>>
                  %dma_start3A_842 = arith.constant 0 : i32
                  %dma_start3A_843 = tpu.memref_slice %arg6[%mul3A_766, %dma_start3A_842] : memref<64x288xf32, #tpu.memory_space<hbm>> -> memref<1x288xf32, #tpu.memory_space<hbm>>
                  %dma_start3A_844 = tpu.memref_squeeze %dma_start3A_843 : memref<1x288xf32, #tpu.memory_space<hbm>> -> memref<288xf32, #tpu.memory_space<hbm>>
                  tpu.enqueue_dma source(%arg13 : memref<288xf32, #tpu.memory_space<vmem>>) target(%dma_start3A_844 : memref<288xf32, #tpu.memory_space<hbm>>) target_semaphore(%run_scoped3A : memref<!tpu.dma_semaphore, #tpu.memory_space<semaphore_mem>>)
                  %dma_wait3A = arith.constant 0 : i32
                  %dma_wait3A_845 = tpu.memref_slice %arg6[%mul3A_766, %dma_wait3A] : memref<64x288xf32, #tpu.memory_space<hbm>> -> memref<1x288xf32, #tpu.memory_space<hbm>>
                  %dma_wait3A_846 = tpu.memref_squeeze %dma_wait3A_845 : memref<1x288xf32, #tpu.memory_space<hbm>> -> memref<288xf32, #tpu.memory_space<hbm>>
                  %dma_wait3A_847 = arith.constant 0 : i32
                  %dma_wait3A_848 = tpu.memref_slice %arg6[%mul3A_766, %dma_wait3A_847] : memref<64x288xf32, #tpu.memory_space<hbm>> -> memref<1x288xf32, #tpu.memory_space<hbm>>
                  %dma_wait3A_849 = tpu.memref_squeeze %dma_wait3A_848 : memref<1x288xf32, #tpu.memory_space<hbm>> -> memref<288xf32, #tpu.memory_space<hbm>>
                  tpu.wait_dma2 semaphore(%run_scoped3A : memref<!tpu.dma_semaphore, #tpu.memory_space<semaphore_mem>>) src(%arg13 : memref<288xf32, #tpu.memory_space<vmem>>) dst(%dma_wait3A_849 : memref<288xf32, #tpu.memory_space<hbm>>)
                  tpu.yield
                }) : () -> ()
              } else {
              }
              %gt3A_726 = arith.constant 0 : i32
              %gt3A_727 = arith.cmpi sgt, %scan3A_167, %gt3A_726 : i32
              %convert_element_type3A_728 = arith.extui %gt3A_727 : i1 to i32
              %cond3A_729 = arith.constant 0 : i32
              %cond3A_730 = arith.cmpi ne, %convert_element_type3A_728, %cond3A_729 : i32
              scf.if %cond3A_730 {
                %and3A_765 = arith.constant 3 : i32
                %and3A_766 = arith.andi %scan3A_168, %and3A_765 : i32
                %eq3A_767 = arith.constant 0 : i32
                %eq3A_768 = arith.cmpi eq, %and3A_766, %eq3A_767 : i32
                %gt3A_769 = arith.constant 0 : i32
                %gt3A_770 = arith.cmpi sgt, %scan3A_168, %gt3A_769 : i32
                %and3A_771 = arith.andi %eq3A_768, %gt3A_770 : i1
                %convert_element_type3A_772 = arith.extui %and3A_771 : i1 to i32
                %cond3A_773 = arith.constant 0 : i32
                %cond3A_774 = arith.cmpi ne, %convert_element_type3A_772, %cond3A_773 : i32
                scf.if %cond3A_774 {
                  %dma_wait3A = arith.constant 0 : i32
                  %dma_wait3A_887 = arith.constant 0 : i32
                  %dma_wait3A_888 = arith.constant 0 : i32
                  %dma_wait3A_889 = tpu.memref_slice %arg11[%dma_wait3A_887, %dma_wait3A_888] : memref<4x256xf32, #tpu.memory_space<vmem>> -> memref<1x256xf32, #tpu.memory_space<vmem>>
                  %dma_wait3A_890 = tpu.memref_squeeze %dma_wait3A_889 : memref<1x256xf32, #tpu.memory_space<vmem>> -> memref<256xf32, #tpu.memory_space<vmem>>
                  %dma_wait3A_891 = arith.constant 0 : i32
                  %dma_wait3A_892 = tpu.memref_slice %arg5[%dma_wait3A, %dma_wait3A_891] : memref<10000x256xf32, #tpu.memory_space<hbm>> -> memref<1x256xf32, #tpu.memory_space<hbm>>
                  %dma_wait3A_893 = tpu.memref_squeeze %dma_wait3A_892 : memref<1x256xf32, #tpu.memory_space<hbm>> -> memref<256xf32, #tpu.memory_space<hbm>>
                  %dma_wait3A_894 = arith.constant 0 : i32
                  %dma_wait3A_895 = tpu.memref_slice %arg11[%dma_wait3A_887, %dma_wait3A_894] : memref<4x256xf32, #tpu.memory_space<vmem>> -> memref<1x256xf32, #tpu.memory_space<vmem>>
                  %dma_wait3A_896 = tpu.memref_squeeze %dma_wait3A_895 : memref<1x256xf32, #tpu.memory_space<vmem>> -> memref<256xf32, #tpu.memory_space<vmem>>
                  %dma_wait3A_897 = arith.constant 0 : i32
                  %dma_wait3A_898 = tpu.memref_slice %arg5[%dma_wait3A, %dma_wait3A_897] : memref<10000x256xf32, #tpu.memory_space<hbm>> -> memref<1x256xf32, #tpu.memory_space<hbm>>
                  %dma_wait3A_899 = tpu.memref_squeeze %dma_wait3A_898 : memref<1x256xf32, #tpu.memory_space<hbm>> -> memref<256xf32, #tpu.memory_space<hbm>>
                  tpu.wait_dma2 semaphore(%arg16 : memref<!tpu.dma_semaphore, #tpu.memory_space<semaphore_mem>>) src(%dma_wait3A_899 : memref<256xf32, #tpu.memory_space<hbm>>) dst(%dma_wait3A_896 : memref<256xf32, #tpu.memory_space<vmem>>)
                  %dma_wait3A_900 = arith.constant 0 : i32
                  %dma_wait3A_901 = arith.constant 0 : i32
                  %dma_wait3A_902 = arith.constant 0 : i32
                  %dma_wait3A_903 = tpu.memref_slice %arg11[%dma_wait3A_901, %dma_wait3A_902] : memref<4x256xf32, #tpu.memory_space<vmem>> -> memref<1x256xf32, #tpu.memory_space<vmem>>
                  %dma_wait3A_904 = tpu.memref_squeeze %dma_wait3A_903 : memref<1x256xf32, #tpu.memory_space<vmem>> -> memref<256xf32, #tpu.memory_space<vmem>>
                  %dma_wait3A_905 = arith.constant 0 : i32
                  %dma_wait3A_906 = tpu.memref_slice %arg5[%dma_wait3A_900, %dma_wait3A_905] : memref<10000x256xf32, #tpu.memory_space<hbm>> -> memref<1x256xf32, #tpu.memory_space<hbm>>
                  %dma_wait3A_907 = tpu.memref_squeeze %dma_wait3A_906 : memref<1x256xf32, #tpu.memory_space<hbm>> -> memref<256xf32, #tpu.memory_space<hbm>>
                  %dma_wait3A_908 = arith.constant 0 : i32
                  %dma_wait3A_909 = tpu.memref_slice %arg11[%dma_wait3A_901, %dma_wait3A_908] : memref<4x256xf32, #tpu.memory_space<vmem>> -> memref<1x256xf32, #tpu.memory_space<vmem>>
                  %dma_wait3A_910 = tpu.memref_squeeze %dma_wait3A_909 : memref<1x256xf32, #tpu.memory_space<vmem>> -> memref<256xf32, #tpu.memory_space<vmem>>
                  %dma_wait3A_911 = arith.constant 0 : i32
                  %dma_wait3A_912 = tpu.memref_slice %arg5[%dma_wait3A_900, %dma_wait3A_911] : memref<10000x256xf32, #tpu.memory_space<hbm>> -> memref<1x256xf32, #tpu.memory_space<hbm>>
                  %dma_wait3A_913 = tpu.memref_squeeze %dma_wait3A_912 : memref<1x256xf32, #tpu.memory_space<hbm>> -> memref<256xf32, #tpu.memory_space<hbm>>
                  tpu.wait_dma2 semaphore(%arg16 : memref<!tpu.dma_semaphore, #tpu.memory_space<semaphore_mem>>) src(%dma_wait3A_913 : memref<256xf32, #tpu.memory_space<hbm>>) dst(%dma_wait3A_910 : memref<256xf32, #tpu.memory_space<vmem>>)
                  %dma_wait3A_914 = arith.constant 0 : i32
                  %dma_wait3A_915 = arith.constant 0 : i32
                  %dma_wait3A_916 = arith.constant 0 : i32
                  %dma_wait3A_917 = tpu.memref_slice %arg11[%dma_wait3A_915, %dma_wait3A_916] : memref<4x256xf32, #tpu.memory_space<vmem>> -> memref<1x256xf32, #tpu.memory_space<vmem>>
                  %dma_wait3A_918 = tpu.memref_squeeze %dma_wait3A_917 : memref<1x256xf32, #tpu.memory_space<vmem>> -> memref<256xf32, #tpu.memory_space<vmem>>
                  %dma_wait3A_919 = arith.constant 0 : i32
                  %dma_wait3A_920 = tpu.memref_slice %arg5[%dma_wait3A_914, %dma_wait3A_919] : memref<10000x256xf32, #tpu.memory_space<hbm>> -> memref<1x256xf32, #tpu.memory_space<hbm>>
                  %dma_wait3A_921 = tpu.memref_squeeze %dma_wait3A_920 : memref<1x256xf32, #tpu.memory_space<hbm>> -> memref<256xf32, #tpu.memory_space<hbm>>
                  %dma_wait3A_922 = arith.constant 0 : i32
                  %dma_wait3A_923 = tpu.memref_slice %arg11[%dma_wait3A_915, %dma_wait3A_922] : memref<4x256xf32, #tpu.memory_space<vmem>> -> memref<1x256xf32, #tpu.memory_space<vmem>>
                  %dma_wait3A_924 = tpu.memref_squeeze %dma_wait3A_923 : memref<1x256xf32, #tpu.memory_space<vmem>> -> memref<256xf32, #tpu.memory_space<vmem>>
                  %dma_wait3A_925 = arith.constant 0 : i32
                  %dma_wait3A_926 = tpu.memref_slice %arg5[%dma_wait3A_914, %dma_wait3A_925] : memref<10000x256xf32, #tpu.memory_space<hbm>> -> memref<1x256xf32, #tpu.memory_space<hbm>>
                  %dma_wait3A_927 = tpu.memref_squeeze %dma_wait3A_926 : memref<1x256xf32, #tpu.memory_space<hbm>> -> memref<256xf32, #tpu.memory_space<hbm>>
                  tpu.wait_dma2 semaphore(%arg16 : memref<!tpu.dma_semaphore, #tpu.memory_space<semaphore_mem>>) src(%dma_wait3A_927 : memref<256xf32, #tpu.memory_space<hbm>>) dst(%dma_wait3A_924 : memref<256xf32, #tpu.memory_space<vmem>>)
                  %dma_wait3A_928 = arith.constant 0 : i32
                  %dma_wait3A_929 = arith.constant 0 : i32
                  %dma_wait3A_930 = arith.constant 0 : i32
                  %dma_wait3A_931 = tpu.memref_slice %arg11[%dma_wait3A_929, %dma_wait3A_930] : memref<4x256xf32, #tpu.memory_space<vmem>> -> memref<1x256xf32, #tpu.memory_space<vmem>>
                  %dma_wait3A_932 = tpu.memref_squeeze %dma_wait3A_931 : memref<1x256xf32, #tpu.memory_space<vmem>> -> memref<256xf32, #tpu.memory_space<vmem>>
                  %dma_wait3A_933 = arith.constant 0 : i32
                  %dma_wait3A_934 = tpu.memref_slice %arg5[%dma_wait3A_928, %dma_wait3A_933] : memref<10000x256xf32, #tpu.memory_space<hbm>> -> memref<1x256xf32, #tpu.memory_space<hbm>>
                  %dma_wait3A_935 = tpu.memref_squeeze %dma_wait3A_934 : memref<1x256xf32, #tpu.memory_space<hbm>> -> memref<256xf32, #tpu.memory_space<hbm>>
                  %dma_wait3A_936 = arith.constant 0 : i32
                  %dma_wait3A_937 = tpu.memref_slice %arg11[%dma_wait3A_929, %dma_wait3A_936] : memref<4x256xf32, #tpu.memory_space<vmem>> -> memref<1x256xf32, #tpu.memory_space<vmem>>
                  %dma_wait3A_938 = tpu.memref_squeeze %dma_wait3A_937 : memref<1x256xf32, #tpu.memory_space<vmem>> -> memref<256xf32, #tpu.memory_space<vmem>>
                  %dma_wait3A_939 = arith.constant 0 : i32
                  %dma_wait3A_940 = tpu.memref_slice %arg5[%dma_wait3A_928, %dma_wait3A_939] : memref<10000x256xf32, #tpu.memory_space<hbm>> -> memref<1x256xf32, #tpu.memory_space<hbm>>
                  %dma_wait3A_941 = tpu.memref_squeeze %dma_wait3A_940 : memref<1x256xf32, #tpu.memory_space<hbm>> -> memref<256xf32, #tpu.memory_space<hbm>>
                  tpu.wait_dma2 semaphore(%arg16 : memref<!tpu.dma_semaphore, #tpu.memory_space<semaphore_mem>>) src(%dma_wait3A_941 : memref<256xf32, #tpu.memory_space<hbm>>) dst(%dma_wait3A_938 : memref<256xf32, #tpu.memory_space<vmem>>)
                } else {
                }
                %get3A_775 = arith.constant 256 : index
                %get3A_776 = tpu.vector_load %arg12[%get3A_775] {strides = array<i32>} : memref<272xf32, #tpu.memory_space<vmem>>, vector<16xf32>,
                %div3A = arith.constant 1.000000e+00 : f32
                %div3A_777 = vector.broadcast %div3A : f32 to vector<16xf32>
                %div3A_778 = arith.divf %div3A_777, %get3A_776 : vector<16xf32>
                %get3A_779 = arith.constant 0 : index
                %get3A_780 = tpu.vector_load %arg12[%get3A_779] {strides = array<i32>} : memref<272xf32, #tpu.memory_space<vmem>>, vector<16xf32>,
                %mul3A_781 = arith.mulf %get3A_780, %div3A_778 : vector<16xf32>
                %swap3A_782 = arith.index_cast %and3A_766 : i32 to index
                %swap3A_783 = arith.constant 0 : index
                %swap3A_784 = tpu.vector_load %arg11[%swap3A_782, %swap3A_783] {strides = array<i32>} : memref<4x256xf32, #tpu.memory_space<vmem>>, vector<16xf32>,
                tpu.vector_store %arg11[%swap3A_782, %swap3A_783], %mul3A_781 {strides = array<i32>} : memref<4x256xf32, #tpu.memory_space<vmem>>, vector<16xf32>,
                %get3A_785 = arith.constant 16 : index
                %get3A_786 = tpu.vector_load %arg12[%get3A_785] {strides = array<i32>} : memref<272xf32, #tpu.memory_space<vmem>>, vector<16xf32>,
                %mul3A_787 = arith.mulf %get3A_786, %div3A_778 : vector<16xf32>
                %swap3A_788 = arith.index_cast %and3A_766 : i32 to index
                %swap3A_789 = arith.constant 16 : index
                %swap3A_790 = tpu.vector_load %arg11[%swap3A_788, %swap3A_789] {strides = array<i32>} : memref<4x256xf32, #tpu.memory_space<vmem>>, vector<16xf32>,
                tpu.vector_store %arg11[%swap3A_788, %swap3A_789], %mul3A_787 {strides = array<i32>} : memref<4x256xf32, #tpu.memory_space<vmem>>, vector<16xf32>,
                %get3A_791 = arith.constant 32 : index
                %get3A_792 = tpu.vector_load %arg12[%get3A_791] {strides = array<i32>} : memref<272xf32, #tpu.memory_space<vmem>>, vector<16xf32>,
                %mul3A_793 = arith.mulf %get3A_792, %div3A_778 : vector<16xf32>
                %swap3A_794 = arith.index_cast %and3A_766 : i32 to index
                %swap3A_795 = arith.constant 32 : index
                %swap3A_796 = tpu.vector_load %arg11[%swap3A_794, %swap3A_795] {strides = array<i32>} : memref<4x256xf32, #tpu.memory_space<vmem>>, vector<16xf32>,
                tpu.vector_store %arg11[%swap3A_794, %swap3A_795], %mul3A_793 {strides = array<i32>} : memref<4x256xf32, #tpu.memory_space<vmem>>, vector<16xf32>,
                %get3A_797 = arith.constant 48 : index
                %get3A_798 = tpu.vector_load %arg12[%get3A_797] {strides = array<i32>} : memref<272xf32, #tpu.memory_space<vmem>>, vector<16xf32>,
                %mul3A_799 = arith.mulf %get3A_798, %div3A_778 : vector<16xf32>
                %swap3A_800 = arith.index_cast %and3A_766 : i32 to index
                %swap3A_801 = arith.constant 48 : index
                %swap3A_802 = tpu.vector_load %arg11[%swap3A_800, %swap3A_801] {strides = array<i32>} : memref<4x256xf32, #tpu.memory_space<vmem>>, vector<16xf32>,
                tpu.vector_store %arg11[%swap3A_800, %swap3A_801], %mul3A_799 {strides = array<i32>} : memref<4x256xf32, #tpu.memory_space<vmem>>, vector<16xf32>,
                %get3A_803 = arith.constant 64 : index
                %get3A_804 = tpu.vector_load %arg12[%get3A_803] {strides = array<i32>} : memref<272xf32, #tpu.memory_space<vmem>>, vector<16xf32>,
                %mul3A_805 = arith.mulf %get3A_804, %div3A_778 : vector<16xf32>
                %swap3A_806 = arith.index_cast %and3A_766 : i32 to index
                %swap3A_807 = arith.constant 64 : index
                %swap3A_808 = tpu.vector_load %arg11[%swap3A_806, %swap3A_807] {strides = array<i32>} : memref<4x256xf32, #tpu.memory_space<vmem>>, vector<16xf32>,
                tpu.vector_store %arg11[%swap3A_806, %swap3A_807], %mul3A_805 {strides = array<i32>} : memref<4x256xf32, #tpu.memory_space<vmem>>, vector<16xf32>,
                %get3A_809 = arith.constant 80 : index
                %get3A_810 = tpu.vector_load %arg12[%get3A_809] {strides = array<i32>} : memref<272xf32, #tpu.memory_space<vmem>>, vector<16xf32>,
                %mul3A_811 = arith.mulf %get3A_810, %div3A_778 : vector<16xf32>
                %swap3A_812 = arith.index_cast %and3A_766 : i32 to index
                %swap3A_813 = arith.constant 80 : index
                %swap3A_814 = tpu.vector_load %arg11[%swap3A_812, %swap3A_813] {strides = array<i32>} : memref<4x256xf32, #tpu.memory_space<vmem>>, vector<16xf32>,
                tpu.vector_store %arg11[%swap3A_812, %swap3A_813], %mul3A_811 {strides = array<i32>} : memref<4x256xf32, #tpu.memory_space<vmem>>, vector<16xf32>,
                %get3A_815 = arith.constant 96 : index
                %get3A_816 = tpu.vector_load %arg12[%get3A_815] {strides = array<i32>} : memref<272xf32, #tpu.memory_space<vmem>>, vector<16xf32>,
                %mul3A_817 = arith.mulf %get3A_816, %div3A_778 : vector<16xf32>
                %swap3A_818 = arith.index_cast %and3A_766 : i32 to index
                %swap3A_819 = arith.constant 96 : index
                %swap3A_820 = tpu.vector_load %arg11[%swap3A_818, %swap3A_819] {strides = array<i32>} : memref<4x256xf32, #tpu.memory_space<vmem>>, vector<16xf32>,
                tpu.vector_store %arg11[%swap3A_818, %swap3A_819], %mul3A_817 {strides = array<i32>} : memref<4x256xf32, #tpu.memory_space<vmem>>, vector<16xf32>,
                %get3A_821 = arith.constant 112 : index
                %get3A_822 = tpu.vector_load %arg12[%get3A_821] {strides = array<i32>} : memref<272xf32, #tpu.memory_space<vmem>>, vector<16xf32>,
                %mul3A_823 = arith.mulf %get3A_822, %div3A_778 : vector<16xf32>
                %swap3A_824 = arith.index_cast %and3A_766 : i32 to index
                %swap3A_825 = arith.constant 112 : index
                %swap3A_826 = tpu.vector_load %arg11[%swap3A_824, %swap3A_825] {strides = array<i32>} : memref<4x256xf32, #tpu.memory_space<vmem>>, vector<16xf32>,
                tpu.vector_store %arg11[%swap3A_824, %swap3A_825], %mul3A_823 {strides = array<i32>} : memref<4x256xf32, #tpu.memory_space<vmem>>, vector<16xf32>,
                %get3A_827 = arith.constant 128 : index
                %get3A_828 = tpu.vector_load %arg12[%get3A_827] {strides = array<i32>} : memref<272xf32, #tpu.memory_space<vmem>>, vector<16xf32>,
                %mul3A_829 = arith.mulf %get3A_828, %div3A_778 : vector<16xf32>
                %swap3A_830 = arith.index_cast %and3A_766 : i32 to index
                %swap3A_831 = arith.constant 128 : index
                %swap3A_832 = tpu.vector_load %arg11[%swap3A_830, %swap3A_831] {strides = array<i32>} : memref<4x256xf32, #tpu.memory_space<vmem>>, vector<16xf32>,
                tpu.vector_store %arg11[%swap3A_830, %swap3A_831], %mul3A_829 {strides = array<i32>} : memref<4x256xf32, #tpu.memory_space<vmem>>, vector<16xf32>,
                %get3A_833 = arith.constant 144 : index
                %get3A_834 = tpu.vector_load %arg12[%get3A_833] {strides = array<i32>} : memref<272xf32, #tpu.memory_space<vmem>>, vector<16xf32>,
                %mul3A_835 = arith.mulf %get3A_834, %div3A_778 : vector<16xf32>
                %swap3A_836 = arith.index_cast %and3A_766 : i32 to index
                %swap3A_837 = arith.constant 144 : index
                %swap3A_838 = tpu.vector_load %arg11[%swap3A_836, %swap3A_837] {strides = array<i32>} : memref<4x256xf32, #tpu.memory_space<vmem>>, vector<16xf32>,
                tpu.vector_store %arg11[%swap3A_836, %swap3A_837], %mul3A_835 {strides = array<i32>} : memref<4x256xf32, #tpu.memory_space<vmem>>, vector<16xf32>,
                %get3A_839 = arith.constant 160 : index
                %get3A_840 = tpu.vector_load %arg12[%get3A_839] {strides = array<i32>} : memref<272xf32, #tpu.memory_space<vmem>>, vector<16xf32>,
                %mul3A_841 = arith.mulf %get3A_840, %div3A_778 : vector<16xf32>
                %swap3A_842 = arith.index_cast %and3A_766 : i32 to index
                %swap3A_843 = arith.constant 160 : index
                %swap3A_844 = tpu.vector_load %arg11[%swap3A_842, %swap3A_843] {strides = array<i32>} : memref<4x256xf32, #tpu.memory_space<vmem>>, vector<16xf32>,
                tpu.vector_store %arg11[%swap3A_842, %swap3A_843], %mul3A_841 {strides = array<i32>} : memref<4x256xf32, #tpu.memory_space<vmem>>, vector<16xf32>,
                %get3A_845 = arith.constant 176 : index
                %get3A_846 = tpu.vector_load %arg12[%get3A_845] {strides = array<i32>} : memref<272xf32, #tpu.memory_space<vmem>>, vector<16xf32>,
                %mul3A_847 = arith.mulf %get3A_846, %div3A_778 : vector<16xf32>
                %swap3A_848 = arith.index_cast %and3A_766 : i32 to index
                %swap3A_849 = arith.constant 176 : index
                %swap3A_850 = tpu.vector_load %arg11[%swap3A_848, %swap3A_849] {strides = array<i32>} : memref<4x256xf32, #tpu.memory_space<vmem>>, vector<16xf32>,
                tpu.vector_store %arg11[%swap3A_848, %swap3A_849], %mul3A_847 {strides = array<i32>} : memref<4x256xf32, #tpu.memory_space<vmem>>, vector<16xf32>,
                %get3A_851 = arith.constant 192 : index
                %get3A_852 = tpu.vector_load %arg12[%get3A_851] {strides = array<i32>} : memref<272xf32, #tpu.memory_space<vmem>>, vector<16xf32>,
                %mul3A_853 = arith.mulf %get3A_852, %div3A_778 : vector<16xf32>
                %swap3A_854 = arith.index_cast %and3A_766 : i32 to index
                %swap3A_855 = arith.constant 192 : index
                %swap3A_856 = tpu.vector_load %arg11[%swap3A_854, %swap3A_855] {strides = array<i32>} : memref<4x256xf32, #tpu.memory_space<vmem>>, vector<16xf32>,
                tpu.vector_store %arg11[%swap3A_854, %swap3A_855], %mul3A_853 {strides = array<i32>} : memref<4x256xf32, #tpu.memory_space<vmem>>, vector<16xf32>,
                %get3A_857 = arith.constant 208 : index
                %get3A_858 = tpu.vector_load %arg12[%get3A_857] {strides = array<i32>} : memref<272xf32, #tpu.memory_space<vmem>>, vector<16xf32>,
                %mul3A_859 = arith.mulf %get3A_858, %div3A_778 : vector<16xf32>
                %swap3A_860 = arith.index_cast %and3A_766 : i32 to index
                %swap3A_861 = arith.constant 208 : index
                %swap3A_862 = tpu.vector_load %arg11[%swap3A_860, %swap3A_861] {strides = array<i32>} : memref<4x256xf32, #tpu.memory_space<vmem>>, vector<16xf32>,
                tpu.vector_store %arg11[%swap3A_860, %swap3A_861], %mul3A_859 {strides = array<i32>} : memref<4x256xf32, #tpu.memory_space<vmem>>, vector<16xf32>,
                %get3A_863 = arith.constant 224 : index
                %get3A_864 = tpu.vector_load %arg12[%get3A_863] {strides = array<i32>} : memref<272xf32, #tpu.memory_space<vmem>>, vector<16xf32>,
                %mul3A_865 = arith.mulf %get3A_864, %div3A_778 : vector<16xf32>
                %swap3A_866 = arith.index_cast %and3A_766 : i32 to index
                %swap3A_867 = arith.constant 224 : index
                %swap3A_868 = tpu.vector_load %arg11[%swap3A_866, %swap3A_867] {strides = array<i32>} : memref<4x256xf32, #tpu.memory_space<vmem>>, vector<16xf32>,
                tpu.vector_store %arg11[%swap3A_866, %swap3A_867], %mul3A_865 {strides = array<i32>} : memref<4x256xf32, #tpu.memory_space<vmem>>, vector<16xf32>,
                %get3A_869 = arith.constant 240 : index
                %get3A_870 = tpu.vector_load %arg12[%get3A_869] {strides = array<i32>} : memref<272xf32, #tpu.memory_space<vmem>>, vector<16xf32>,
                %mul3A_871 = arith.mulf %get3A_870, %div3A_778 : vector<16xf32>
                %swap3A_872 = arith.index_cast %and3A_766 : i32 to index
                %swap3A_873 = arith.constant 240 : index
                %swap3A_874 = tpu.vector_load %arg11[%swap3A_872, %swap3A_873] {strides = array<i32>} : memref<4x256xf32, #tpu.memory_space<vmem>>, vector<16xf32>,
                tpu.vector_store %arg11[%swap3A_872, %swap3A_873], %mul3A_871 {strides = array<i32>} : memref<4x256xf32, #tpu.memory_space<vmem>>, vector<16xf32>,
                %dma_start3A_875 = arith.constant 0 : i32
                %dma_start3A_876 = tpu.memref_slice %arg11[%and3A_766, %dma_start3A_875] : memref<4x256xf32, #tpu.memory_space<vmem>> -> memref<1x256xf32, #tpu.memory_space<vmem>>
                %dma_start3A_877 = tpu.memref_squeeze %dma_start3A_876 : memref<1x256xf32, #tpu.memory_space<vmem>> -> memref<256xf32, #tpu.memory_space<vmem>>
                %dma_start3A_878 = arith.constant 0 : i32
                %dma_start3A_879 = tpu.memref_slice %arg5[%squeeze3A_720, %dma_start3A_878] : memref<10000x256xf32, #tpu.memory_space<hbm>> -> memref<1x256xf32, #tpu.memory_space<hbm>>
                %dma_start3A_880 = tpu.memref_squeeze %dma_start3A_879 : memref<1x256xf32, #tpu.memory_space<hbm>> -> memref<256xf32, #tpu.memory_space<hbm>>
                %dma_start3A_881 = arith.constant 0 : i32
                %dma_start3A_882 = tpu.memref_slice %arg5[%squeeze3A_720, %dma_start3A_881] : memref<10000x256xf32, #tpu.memory_space<hbm>> -> memref<1x256xf32, #tpu.memory_space<hbm>>
                %dma_start3A_883 = tpu.memref_squeeze %dma_start3A_882 : memref<1x256xf32, #tpu.memory_space<hbm>> -> memref<256xf32, #tpu.memory_space<hbm>>
                %dma_start3A_884 = arith.constant 0 : i32
                %dma_start3A_885 = tpu.memref_slice %arg11[%and3A_766, %dma_start3A_884] : memref<4x256xf32, #tpu.memory_space<vmem>> -> memref<1x256xf32, #tpu.memory_space<vmem>>
                %dma_start3A_886 = tpu.memref_squeeze %dma_start3A_885 : memref<1x256xf32, #tpu.memory_space<vmem>> -> memref<256xf32, #tpu.memory_space<vmem>>
                tpu.enqueue_dma source(%dma_start3A_886 : memref<256xf32, #tpu.memory_space<vmem>>) target(%dma_start3A_883 : memref<256xf32, #tpu.memory_space<hbm>>) target_semaphore(%arg16 : memref<!tpu.dma_semaphore, #tpu.memory_space<semaphore_mem>>)
              } else {
              }
              %swap3A_731 = arith.constant 0 : index
              %swap3A_732 = tpu.vector_load %arg12[%swap3A_731] {strides = array<i32>} : memref<272xf32, #tpu.memory_space<vmem>>, vector<16xf32>,
              tpu.vector_store %arg12[%swap3A_731], %broadcast_in_dim3A_3 {strides = array<i32>} : memref<272xf32, #tpu.memory_space<vmem>>, vector<16xf32>,
              %swap3A_733 = arith.constant 16 : index
              %swap3A_734 = tpu.vector_load %arg12[%swap3A_733] {strides = array<i32>} : memref<272xf32, #tpu.memory_space<vmem>>, vector<16xf32>,
              tpu.vector_store %arg12[%swap3A_733], %broadcast_in_dim3A_3 {strides = array<i32>} : memref<272xf32, #tpu.memory_space<vmem>>, vector<16xf32>,
              %swap3A_735 = arith.constant 32 : index
              %swap3A_736 = tpu.vector_load %arg12[%swap3A_735] {strides = array<i32>} : memref<272xf32, #tpu.memory_space<vmem>>, vector<16xf32>,
              tpu.vector_store %arg12[%swap3A_735], %broadcast_in_dim3A_3 {strides = array<i32>} : memref<272xf32, #tpu.memory_space<vmem>>, vector<16xf32>,
              %swap3A_737 = arith.constant 48 : index
              %swap3A_738 = tpu.vector_load %arg12[%swap3A_737] {strides = array<i32>} : memref<272xf32, #tpu.memory_space<vmem>>, vector<16xf32>,
              tpu.vector_store %arg12[%swap3A_737], %broadcast_in_dim3A_3 {strides = array<i32>} : memref<272xf32, #tpu.memory_space<vmem>>, vector<16xf32>,
              %swap3A_739 = arith.constant 64 : index
              %swap3A_740 = tpu.vector_load %arg12[%swap3A_739] {strides = array<i32>} : memref<272xf32, #tpu.memory_space<vmem>>, vector<16xf32>,
              tpu.vector_store %arg12[%swap3A_739], %broadcast_in_dim3A_3 {strides = array<i32>} : memref<272xf32, #tpu.memory_space<vmem>>, vector<16xf32>,
              %swap3A_741 = arith.constant 80 : index
              %swap3A_742 = tpu.vector_load %arg12[%swap3A_741] {strides = array<i32>} : memref<272xf32, #tpu.memory_space<vmem>>, vector<16xf32>,
              tpu.vector_store %arg12[%swap3A_741], %broadcast_in_dim3A_3 {strides = array<i32>} : memref<272xf32, #tpu.memory_space<vmem>>, vector<16xf32>,
              %swap3A_743 = arith.constant 96 : index
              %swap3A_744 = tpu.vector_load %arg12[%swap3A_743] {strides = array<i32>} : memref<272xf32, #tpu.memory_space<vmem>>, vector<16xf32>,
              tpu.vector_store %arg12[%swap3A_743], %broadcast_in_dim3A_3 {strides = array<i32>} : memref<272xf32, #tpu.memory_space<vmem>>, vector<16xf32>,
              %swap3A_745 = arith.constant 112 : index
              %swap3A_746 = tpu.vector_load %arg12[%swap3A_745] {strides = array<i32>} : memref<272xf32, #tpu.memory_space<vmem>>, vector<16xf32>,
              tpu.vector_store %arg12[%swap3A_745], %broadcast_in_dim3A_3 {strides = array<i32>} : memref<272xf32, #tpu.memory_space<vmem>>, vector<16xf32>,
              %swap3A_747 = arith.constant 128 : index
              %swap3A_748 = tpu.vector_load %arg12[%swap3A_747] {strides = array<i32>} : memref<272xf32, #tpu.memory_space<vmem>>, vector<16xf32>,
              tpu.vector_store %arg12[%swap3A_747], %broadcast_in_dim3A_3 {strides = array<i32>} : memref<272xf32, #tpu.memory_space<vmem>>, vector<16xf32>,
              %swap3A_749 = arith.constant 144 : index
              %swap3A_750 = tpu.vector_load %arg12[%swap3A_749] {strides = array<i32>} : memref<272xf32, #tpu.memory_space<vmem>>, vector<16xf32>,
              tpu.vector_store %arg12[%swap3A_749], %broadcast_in_dim3A_3 {strides = array<i32>} : memref<272xf32, #tpu.memory_space<vmem>>, vector<16xf32>,
              %swap3A_751 = arith.constant 160 : index
              %swap3A_752 = tpu.vector_load %arg12[%swap3A_751] {strides = array<i32>} : memref<272xf32, #tpu.memory_space<vmem>>, vector<16xf32>,
              tpu.vector_store %arg12[%swap3A_751], %broadcast_in_dim3A_3 {strides = array<i32>} : memref<272xf32, #tpu.memory_space<vmem>>, vector<16xf32>,
              %swap3A_753 = arith.constant 176 : index
              %swap3A_754 = tpu.vector_load %arg12[%swap3A_753] {strides = array<i32>} : memref<272xf32, #tpu.memory_space<vmem>>, vector<16xf32>,
              tpu.vector_store %arg12[%swap3A_753], %broadcast_in_dim3A_3 {strides = array<i32>} : memref<272xf32, #tpu.memory_space<vmem>>, vector<16xf32>,
              %swap3A_755 = arith.constant 192 : index
              %swap3A_756 = tpu.vector_load %arg12[%swap3A_755] {strides = array<i32>} : memref<272xf32, #tpu.memory_space<vmem>>, vector<16xf32>,
              tpu.vector_store %arg12[%swap3A_755], %broadcast_in_dim3A_3 {strides = array<i32>} : memref<272xf32, #tpu.memory_space<vmem>>, vector<16xf32>,
              %swap3A_757 = arith.constant 208 : index
              %swap3A_758 = tpu.vector_load %arg12[%swap3A_757] {strides = array<i32>} : memref<272xf32, #tpu.memory_space<vmem>>, vector<16xf32>,
              tpu.vector_store %arg12[%swap3A_757], %broadcast_in_dim3A_3 {strides = array<i32>} : memref<272xf32, #tpu.memory_space<vmem>>, vector<16xf32>,
              %swap3A_759 = arith.constant 224 : index
              %swap3A_760 = tpu.vector_load %arg12[%swap3A_759] {strides = array<i32>} : memref<272xf32, #tpu.memory_space<vmem>>, vector<16xf32>,
              tpu.vector_store %arg12[%swap3A_759], %broadcast_in_dim3A_3 {strides = array<i32>} : memref<272xf32, #tpu.memory_space<vmem>>, vector<16xf32>,
              %swap3A_761 = arith.constant 240 : index
              %swap3A_762 = tpu.vector_load %arg12[%swap3A_761] {strides = array<i32>} : memref<272xf32, #tpu.memory_space<vmem>>, vector<16xf32>,
              tpu.vector_store %arg12[%swap3A_761], %broadcast_in_dim3A_3 {strides = array<i32>} : memref<272xf32, #tpu.memory_space<vmem>>, vector<16xf32>,
              %swap3A_763 = arith.constant 256 : index
              %swap3A_764 = tpu.vector_load %arg12[%swap3A_763] {strides = array<i32>} : memref<272xf32, #tpu.memory_space<vmem>>, vector<16xf32>,
              tpu.vector_store %arg12[%swap3A_763], %broadcast_in_dim3A_3 {strides = array<i32>} : memref<272xf32, #tpu.memory_space<vmem>>, vector<16xf32>,
            } else {
            }
            %mul3A_262 = arith.constant 200 : i32
            %mul3A_263 = arith.muli %and3A_108, %mul3A_262 : i32
            %add3A_264 = arith.addi %mul3A_263, %add3A_258 : i32
            %mul3A_265 = arith.constant 1664 : i32
            %mul3A_266 = arith.muli %and3A_108, %mul3A_265 : i32
            %mul3A_267 = arith.constant 8 : i32
            %mul3A_268 = arith.muli %add3A_258, %mul3A_267 : i32
            %add3A_269 = arith.addi %mul3A_266, %mul3A_268 : i32
            %broadcast_in_dim3A_270 = vector.broadcast %add3A_269 : i32 to vector<16xi32>
            %gather3A = tpu.vector_load_idx %arg10[%broadcast_in_dim3A_270] : memref<3328xf32, #tpu.memory_space<vmem>>[vector<16xi32>], vector<16xf32>,
            %get3A_271 = arith.index_cast %add3A_264 : i32 to index
            %get3A_272 = arith.constant 0 : index
            %get3A_273 = tpu.vector_load %arg8[%get3A_271, %get3A_272] {strides = array<i32>} : memref<400x256xf32, #tpu.memory_space<vmem>>, vector<16xf32>,
            %get3A_274 = arith.index_cast %add3A_264 : i32 to index
            %get3A_275 = arith.constant 16 : index
            %get3A_276 = tpu.vector_load %arg8[%get3A_274, %get3A_275] {strides = array<i32>} : memref<400x256xf32, #tpu.memory_space<vmem>>, vector<16xf32>,
            %get3A_277 = arith.index_cast %add3A_264 : i32 to index
            %get3A_278 = arith.constant 32 : index
            %get3A_279 = tpu.vector_load %arg8[%get3A_277, %get3A_278] {strides = array<i32>} : memref<400x256xf32, #tpu.memory_space<vmem>>, vector<16xf32>,
            %get3A_280 = arith.index_cast %add3A_264 : i32 to index
            %get3A_281 = arith.constant 48 : index
            %get3A_282 = tpu.vector_load %arg8[%get3A_280, %get3A_281] {strides = array<i32>} : memref<400x256xf32, #tpu.memory_space<vmem>>, vector<16xf32>,
            %get3A_283 = arith.index_cast %add3A_264 : i32 to index
            %get3A_284 = arith.constant 64 : index
            %get3A_285 = tpu.vector_load %arg8[%get3A_283, %get3A_284] {strides = array<i32>} : memref<400x256xf32, #tpu.memory_space<vmem>>, vector<16xf32>,
            %get3A_286 = arith.index_cast %add3A_264 : i32 to index
            %get3A_287 = arith.constant 80 : index
            %get3A_288 = tpu.vector_load %arg8[%get3A_286, %get3A_287] {strides = array<i32>} : memref<400x256xf32, #tpu.memory_space<vmem>>, vector<16xf32>,
            %get3A_289 = arith.index_cast %add3A_264 : i32 to index
            %get3A_290 = arith.constant 96 : index
            %get3A_291 = tpu.vector_load %arg8[%get3A_289, %get3A_290] {strides = array<i32>} : memref<400x256xf32, #tpu.memory_space<vmem>>, vector<16xf32>,
            %get3A_292 = arith.index_cast %add3A_264 : i32 to index
            %get3A_293 = arith.constant 112 : index
            %get3A_294 = tpu.vector_load %arg8[%get3A_292, %get3A_293] {strides = array<i32>} : memref<400x256xf32, #tpu.memory_space<vmem>>, vector<16xf32>,
            %get3A_295 = arith.index_cast %add3A_264 : i32 to index
            %get3A_296 = arith.constant 128 : index
            %get3A_297 = tpu.vector_load %arg8[%get3A_295, %get3A_296] {strides = array<i32>} : memref<400x256xf32, #tpu.memory_space<vmem>>, vector<16xf32>,
            %get3A_298 = arith.index_cast %add3A_264 : i32 to index
            %get3A_299 = arith.constant 144 : index
            %get3A_300 = tpu.vector_load %arg8[%get3A_298, %get3A_299] {strides = array<i32>} : memref<400x256xf32, #tpu.memory_space<vmem>>, vector<16xf32>,
            %get3A_301 = arith.index_cast %add3A_264 : i32 to index
            %get3A_302 = arith.constant 160 : index
            %get3A_303 = tpu.vector_load %arg8[%get3A_301, %get3A_302] {strides = array<i32>} : memref<400x256xf32, #tpu.memory_space<vmem>>, vector<16xf32>,
            %get3A_304 = arith.index_cast %add3A_264 : i32 to index
            %get3A_305 = arith.constant 176 : index
            %get3A_306 = tpu.vector_load %arg8[%get3A_304, %get3A_305] {strides = array<i32>} : memref<400x256xf32, #tpu.memory_space<vmem>>, vector<16xf32>,
            %get3A_307 = arith.index_cast %add3A_264 : i32 to index
            %get3A_308 = arith.constant 192 : index
            %get3A_309 = tpu.vector_load %arg8[%get3A_307, %get3A_308] {strides = array<i32>} : memref<400x256xf32, #tpu.memory_space<vmem>>, vector<16xf32>,
            %get3A_310 = arith.index_cast %add3A_264 : i32 to index
            %get3A_311 = arith.constant 208 : index
            %get3A_312 = tpu.vector_load %arg8[%get3A_310, %get3A_311] {strides = array<i32>} : memref<400x256xf32, #tpu.memory_space<vmem>>, vector<16xf32>,
            %get3A_313 = arith.index_cast %add3A_264 : i32 to index
            %get3A_314 = arith.constant 224 : index
            %get3A_315 = tpu.vector_load %arg8[%get3A_313, %get3A_314] {strides = array<i32>} : memref<400x256xf32, #tpu.memory_space<vmem>>, vector<16xf32>,
            %get3A_316 = arith.index_cast %add3A_264 : i32 to index
            %get3A_317 = arith.constant 240 : index
            %get3A_318 = tpu.vector_load %arg8[%get3A_316, %get3A_317] {strides = array<i32>} : memref<400x256xf32, #tpu.memory_space<vmem>>, vector<16xf32>,
            %mul3A_319 = arith.mulf %gather3A, %get3A_273 : vector<16xf32>
            %swap3A_320 = arith.constant 0 : index
            %swap3A_321 = tpu.vector_load %arg12[%swap3A_320] {strides = array<i32>} : memref<272xf32, #tpu.memory_space<vmem>>, vector<16xf32>,
            tpu.vector_store %arg12[%swap3A_320], %mul3A_319 {add = true, strides = array<i32>} : memref<272xf32, #tpu.memory_space<vmem>>, vector<16xf32>,
            %mul3A_322 = arith.mulf %gather3A, %get3A_276 : vector<16xf32>
            %swap3A_323 = arith.constant 16 : index
            %swap3A_324 = tpu.vector_load %arg12[%swap3A_323] {strides = array<i32>} : memref<272xf32, #tpu.memory_space<vmem>>, vector<16xf32>,
            tpu.vector_store %arg12[%swap3A_323], %mul3A_322 {add = true, strides = array<i32>} : memref<272xf32, #tpu.memory_space<vmem>>, vector<16xf32>,
            %mul3A_325 = arith.mulf %gather3A, %get3A_279 : vector<16xf32>
            %swap3A_326 = arith.constant 32 : index
            %swap3A_327 = tpu.vector_load %arg12[%swap3A_326] {strides = array<i32>} : memref<272xf32, #tpu.memory_space<vmem>>, vector<16xf32>,
            tpu.vector_store %arg12[%swap3A_326], %mul3A_325 {add = true, strides = array<i32>} : memref<272xf32, #tpu.memory_space<vmem>>, vector<16xf32>,
            %mul3A_328 = arith.mulf %gather3A, %get3A_282 : vector<16xf32>
            %swap3A_329 = arith.constant 48 : index
            %swap3A_330 = tpu.vector_load %arg12[%swap3A_329] {strides = array<i32>} : memref<272xf32, #tpu.memory_space<vmem>>, vector<16xf32>,
            tpu.vector_store %arg12[%swap3A_329], %mul3A_328 {add = true, strides = array<i32>} : memref<272xf32, #tpu.memory_space<vmem>>, vector<16xf32>,
            %mul3A_331 = arith.mulf %gather3A, %get3A_285 : vector<16xf32>
            %swap3A_332 = arith.constant 64 : index
            %swap3A_333 = tpu.vector_load %arg12[%swap3A_332] {strides = array<i32>} : memref<272xf32, #tpu.memory_space<vmem>>, vector<16xf32>,
            tpu.vector_store %arg12[%swap3A_332], %mul3A_331 {add = true, strides = array<i32>} : memref<272xf32, #tpu.memory_space<vmem>>, vector<16xf32>,
            %mul3A_334 = arith.mulf %gather3A, %get3A_288 : vector<16xf32>
            %swap3A_335 = arith.constant 80 : index
            %swap3A_336 = tpu.vector_load %arg12[%swap3A_335] {strides = array<i32>} : memref<272xf32, #tpu.memory_space<vmem>>, vector<16xf32>,
            tpu.vector_store %arg12[%swap3A_335], %mul3A_334 {add = true, strides = array<i32>} : memref<272xf32, #tpu.memory_space<vmem>>, vector<16xf32>,
            %mul3A_337 = arith.mulf %gather3A, %get3A_291 : vector<16xf32>
            %swap3A_338 = arith.constant 96 : index
            %swap3A_339 = tpu.vector_load %arg12[%swap3A_338] {strides = array<i32>} : memref<272xf32, #tpu.memory_space<vmem>>, vector<16xf32>,
            tpu.vector_store %arg12[%swap3A_338], %mul3A_337 {add = true, strides = array<i32>} : memref<272xf32, #tpu.memory_space<vmem>>, vector<16xf32>,
            %mul3A_340 = arith.mulf %gather3A, %get3A_294 : vector<16xf32>
            %swap3A_341 = arith.constant 112 : index
            %swap3A_342 = tpu.vector_load %arg12[%swap3A_341] {strides = array<i32>} : memref<272xf32, #tpu.memory_space<vmem>>, vector<16xf32>,
            tpu.vector_store %arg12[%swap3A_341], %mul3A_340 {add = true, strides = array<i32>} : memref<272xf32, #tpu.memory_space<vmem>>, vector<16xf32>,
            %mul3A_343 = arith.mulf %gather3A, %get3A_297 : vector<16xf32>
            %swap3A_344 = arith.constant 128 : index
            %swap3A_345 = tpu.vector_load %arg12[%swap3A_344] {strides = array<i32>} : memref<272xf32, #tpu.memory_space<vmem>>, vector<16xf32>,
            tpu.vector_store %arg12[%swap3A_344], %mul3A_343 {add = true, strides = array<i32>} : memref<272xf32, #tpu.memory_space<vmem>>, vector<16xf32>,
            %mul3A_346 = arith.mulf %gather3A, %get3A_300 : vector<16xf32>
            %swap3A_347 = arith.constant 144 : index
            %swap3A_348 = tpu.vector_load %arg12[%swap3A_347] {strides = array<i32>} : memref<272xf32, #tpu.memory_space<vmem>>, vector<16xf32>,
            tpu.vector_store %arg12[%swap3A_347], %mul3A_346 {add = true, strides = array<i32>} : memref<272xf32, #tpu.memory_space<vmem>>, vector<16xf32>,
            %mul3A_349 = arith.mulf %gather3A, %get3A_303 : vector<16xf32>
            %swap3A_350 = arith.constant 160 : index
            %swap3A_351 = tpu.vector_load %arg12[%swap3A_350] {strides = array<i32>} : memref<272xf32, #tpu.memory_space<vmem>>, vector<16xf32>,
            tpu.vector_store %arg12[%swap3A_350], %mul3A_349 {add = true, strides = array<i32>} : memref<272xf32, #tpu.memory_space<vmem>>, vector<16xf32>,
            %mul3A_352 = arith.mulf %gather3A, %get3A_306 : vector<16xf32>
            %swap3A_353 = arith.constant 176 : index
            %swap3A_354 = tpu.vector_load %arg12[%swap3A_353] {strides = array<i32>} : memref<272xf32, #tpu.memory_space<vmem>>, vector<16xf32>,
            tpu.vector_store %arg12[%swap3A_353], %mul3A_352 {add = true, strides = array<i32>} : memref<272xf32, #tpu.memory_space<vmem>>, vector<16xf32>,
            %mul3A_355 = arith.mulf %gather3A, %get3A_309 : vector<16xf32>
            %swap3A_356 = arith.constant 192 : index
            %swap3A_357 = tpu.vector_load %arg12[%swap3A_356] {strides = array<i32>} : memref<272xf32, #tpu.memory_space<vmem>>, vector<16xf32>,
            tpu.vector_store %arg12[%swap3A_356], %mul3A_355 {add = true, strides = array<i32>} : memref<272xf32, #tpu.memory_space<vmem>>, vector<16xf32>,
            %mul3A_358 = arith.mulf %gather3A, %get3A_312 : vector<16xf32>
            %swap3A_359 = arith.constant 208 : index
            %swap3A_360 = tpu.vector_load %arg12[%swap3A_359] {strides = array<i32>} : memref<272xf32, #tpu.memory_space<vmem>>, vector<16xf32>,
            tpu.vector_store %arg12[%swap3A_359], %mul3A_358 {add = true, strides = array<i32>} : memref<272xf32, #tpu.memory_space<vmem>>, vector<16xf32>,
            %mul3A_361 = arith.mulf %gather3A, %get3A_315 : vector<16xf32>
            %swap3A_362 = arith.constant 224 : index
            %swap3A_363 = tpu.vector_load %arg12[%swap3A_362] {strides = array<i32>} : memref<272xf32, #tpu.memory_space<vmem>>, vector<16xf32>,
            tpu.vector_store %arg12[%swap3A_362], %mul3A_361 {add = true, strides = array<i32>} : memref<272xf32, #tpu.memory_space<vmem>>, vector<16xf32>,
            %mul3A_364 = arith.mulf %gather3A, %get3A_318 : vector<16xf32>
            %swap3A_365 = arith.constant 240 : index
            %swap3A_366 = tpu.vector_load %arg12[%swap3A_365] {strides = array<i32>} : memref<272xf32, #tpu.memory_space<vmem>>, vector<16xf32>,
            tpu.vector_store %arg12[%swap3A_365], %mul3A_364 {add = true, strides = array<i32>} : memref<272xf32, #tpu.memory_space<vmem>>, vector<16xf32>,
            %swap3A_367 = arith.constant 256 : index
            %swap3A_368 = tpu.vector_load %arg12[%swap3A_367] {strides = array<i32>} : memref<272xf32, #tpu.memory_space<vmem>>, vector<16xf32>,
            tpu.vector_store %arg12[%swap3A_367], %gather3A {add = true, strides = array<i32>} : memref<272xf32, #tpu.memory_space<vmem>>, vector<16xf32>,
            %add3A_369 = arith.constant 1 : i32
            %add3A_370 = arith.addi %mul3A_170, %add3A_369 : i32
            %add3A_371 = arith.addi %mul3A_133, %add3A_370 : i32
            %convert_element_type3A_372 = arith.extui %eq3A_194 : i1 to i32
            %cond3A_373 = arith.constant 0 : i32
            %cond3A_374 = arith.cmpi ne, %convert_element_type3A_372, %cond3A_373 : i32
            scf.if %cond3A_374 {
              %mul3A_711 = arith.constant 224 : i32
              %mul3A_712 = arith.muli %and3A_108, %mul3A_711 : i32
              %add3A_713 = arith.addi %mul3A_712, %mul3A_133 : i32
              %add3A_714 = arith.constant 7 : i32
              %add3A_715 = arith.addi %add3A_713, %add3A_714 : i32
              %add3A_716 = arith.addi %add3A_715, %add3A_370 : i32
              %get3A_717 = arith.index_cast %add3A_716 : i32 to index
              %get3A_718 = tpu.vector_load %arg9[%get3A_717] {strides = array<i32>} : memref<448xi32, #tpu.memory_space<vmem>>, vector<16xi32>,
              %slice3A_719 = vector.extract_strided_slice %get3A_718 {offsets = [0], sizes = [1], strides = [1]} : vector<16xi32> to vector<1xi32>
              %squeeze3A_720 = vector.extract %slice3A_719[0] : i32 from vector<1xi32>
              %eq3A_721 = arith.constant 0 : i32
              %eq3A_722 = arith.cmpi eq, %add3A_187, %eq3A_721 : i32
              %convert_element_type3A_723 = arith.extui %eq3A_722 : i1 to i32
              %cond3A_724 = arith.constant 0 : i32
              %cond3A_725 = arith.cmpi ne, %convert_element_type3A_723, %cond3A_724 : i32
              scf.if %cond3A_725 {
                %mul3A_765 = arith.constant 2 : i32
                %mul3A_766 = arith.muli %mul3A_765, %add3A : i32
                %get3A_767 = arith.constant 0 : index
                %get3A_768 = tpu.vector_load %arg12[%get3A_767] {strides = array<i32>} : memref<272xf32, #tpu.memory_space<vmem>>, vector<16xf32>,
                %swap3A_769 = arith.constant 0 : index
                %swap3A_770 = tpu.vector_load %arg13[%swap3A_769] {strides = array<i32>} : memref<288xf32, #tpu.memory_space<vmem>>, vector<16xf32>,
                tpu.vector_store %arg13[%swap3A_769], %get3A_768 {strides = array<i32>} : memref<288xf32, #tpu.memory_space<vmem>>, vector<16xf32>,
                %get3A_771 = arith.constant 16 : index
                %get3A_772 = tpu.vector_load %arg12[%get3A_771] {strides = array<i32>} : memref<272xf32, #tpu.memory_space<vmem>>, vector<16xf32>,
                %swap3A_773 = arith.constant 16 : index
                %swap3A_774 = tpu.vector_load %arg13[%swap3A_773] {strides = array<i32>} : memref<288xf32, #tpu.memory_space<vmem>>, vector<16xf32>,
                tpu.vector_store %arg13[%swap3A_773], %get3A_772 {strides = array<i32>} : memref<288xf32, #tpu.memory_space<vmem>>, vector<16xf32>,
                %get3A_775 = arith.constant 32 : index
                %get3A_776 = tpu.vector_load %arg12[%get3A_775] {strides = array<i32>} : memref<272xf32, #tpu.memory_space<vmem>>, vector<16xf32>,
                %swap3A_777 = arith.constant 32 : index
                %swap3A_778 = tpu.vector_load %arg13[%swap3A_777] {strides = array<i32>} : memref<288xf32, #tpu.memory_space<vmem>>, vector<16xf32>,
                tpu.vector_store %arg13[%swap3A_777], %get3A_776 {strides = array<i32>} : memref<288xf32, #tpu.memory_space<vmem>>, vector<16xf32>,
                %get3A_779 = arith.constant 48 : index
                %get3A_780 = tpu.vector_load %arg12[%get3A_779] {strides = array<i32>} : memref<272xf32, #tpu.memory_space<vmem>>, vector<16xf32>,
                %swap3A_781 = arith.constant 48 : index
                %swap3A_782 = tpu.vector_load %arg13[%swap3A_781] {strides = array<i32>} : memref<288xf32, #tpu.memory_space<vmem>>, vector<16xf32>,
                tpu.vector_store %arg13[%swap3A_781], %get3A_780 {strides = array<i32>} : memref<288xf32, #tpu.memory_space<vmem>>, vector<16xf32>,
                %get3A_783 = arith.constant 64 : index
                %get3A_784 = tpu.vector_load %arg12[%get3A_783] {strides = array<i32>} : memref<272xf32, #tpu.memory_space<vmem>>, vector<16xf32>,
                %swap3A_785 = arith.constant 64 : index
                %swap3A_786 = tpu.vector_load %arg13[%swap3A_785] {strides = array<i32>} : memref<288xf32, #tpu.memory_space<vmem>>, vector<16xf32>,
                tpu.vector_store %arg13[%swap3A_785], %get3A_784 {strides = array<i32>} : memref<288xf32, #tpu.memory_space<vmem>>, vector<16xf32>,
                %get3A_787 = arith.constant 80 : index
                %get3A_788 = tpu.vector_load %arg12[%get3A_787] {strides = array<i32>} : memref<272xf32, #tpu.memory_space<vmem>>, vector<16xf32>,
                %swap3A_789 = arith.constant 80 : index
                %swap3A_790 = tpu.vector_load %arg13[%swap3A_789] {strides = array<i32>} : memref<288xf32, #tpu.memory_space<vmem>>, vector<16xf32>,
                tpu.vector_store %arg13[%swap3A_789], %get3A_788 {strides = array<i32>} : memref<288xf32, #tpu.memory_space<vmem>>, vector<16xf32>,
                %get3A_791 = arith.constant 96 : index
                %get3A_792 = tpu.vector_load %arg12[%get3A_791] {strides = array<i32>} : memref<272xf32, #tpu.memory_space<vmem>>, vector<16xf32>,
                %swap3A_793 = arith.constant 96 : index
                %swap3A_794 = tpu.vector_load %arg13[%swap3A_793] {strides = array<i32>} : memref<288xf32, #tpu.memory_space<vmem>>, vector<16xf32>,
                tpu.vector_store %arg13[%swap3A_793], %get3A_792 {strides = array<i32>} : memref<288xf32, #tpu.memory_space<vmem>>, vector<16xf32>,
                %get3A_795 = arith.constant 112 : index
                %get3A_796 = tpu.vector_load %arg12[%get3A_795] {strides = array<i32>} : memref<272xf32, #tpu.memory_space<vmem>>, vector<16xf32>,
                %swap3A_797 = arith.constant 112 : index
                %swap3A_798 = tpu.vector_load %arg13[%swap3A_797] {strides = array<i32>} : memref<288xf32, #tpu.memory_space<vmem>>, vector<16xf32>,
                tpu.vector_store %arg13[%swap3A_797], %get3A_796 {strides = array<i32>} : memref<288xf32, #tpu.memory_space<vmem>>, vector<16xf32>,
                %get3A_799 = arith.constant 128 : index
                %get3A_800 = tpu.vector_load %arg12[%get3A_799] {strides = array<i32>} : memref<272xf32, #tpu.memory_space<vmem>>, vector<16xf32>,
                %swap3A_801 = arith.constant 128 : index
                %swap3A_802 = tpu.vector_load %arg13[%swap3A_801] {strides = array<i32>} : memref<288xf32, #tpu.memory_space<vmem>>, vector<16xf32>,
                tpu.vector_store %arg13[%swap3A_801], %get3A_800 {strides = array<i32>} : memref<288xf32, #tpu.memory_space<vmem>>, vector<16xf32>,
                %get3A_803 = arith.constant 144 : index
                %get3A_804 = tpu.vector_load %arg12[%get3A_803] {strides = array<i32>} : memref<272xf32, #tpu.memory_space<vmem>>, vector<16xf32>,
                %swap3A_805 = arith.constant 144 : index
                %swap3A_806 = tpu.vector_load %arg13[%swap3A_805] {strides = array<i32>} : memref<288xf32, #tpu.memory_space<vmem>>, vector<16xf32>,
                tpu.vector_store %arg13[%swap3A_805], %get3A_804 {strides = array<i32>} : memref<288xf32, #tpu.memory_space<vmem>>, vector<16xf32>,
                %get3A_807 = arith.constant 160 : index
                %get3A_808 = tpu.vector_load %arg12[%get3A_807] {strides = array<i32>} : memref<272xf32, #tpu.memory_space<vmem>>, vector<16xf32>,
                %swap3A_809 = arith.constant 160 : index
                %swap3A_810 = tpu.vector_load %arg13[%swap3A_809] {strides = array<i32>} : memref<288xf32, #tpu.memory_space<vmem>>, vector<16xf32>,
                tpu.vector_store %arg13[%swap3A_809], %get3A_808 {strides = array<i32>} : memref<288xf32, #tpu.memory_space<vmem>>, vector<16xf32>,
                %get3A_811 = arith.constant 176 : index
                %get3A_812 = tpu.vector_load %arg12[%get3A_811] {strides = array<i32>} : memref<272xf32, #tpu.memory_space<vmem>>, vector<16xf32>,
                %swap3A_813 = arith.constant 176 : index
                %swap3A_814 = tpu.vector_load %arg13[%swap3A_813] {strides = array<i32>} : memref<288xf32, #tpu.memory_space<vmem>>, vector<16xf32>,
                tpu.vector_store %arg13[%swap3A_813], %get3A_812 {strides = array<i32>} : memref<288xf32, #tpu.memory_space<vmem>>, vector<16xf32>,
                %get3A_815 = arith.constant 192 : index
                %get3A_816 = tpu.vector_load %arg12[%get3A_815] {strides = array<i32>} : memref<272xf32, #tpu.memory_space<vmem>>, vector<16xf32>,
                %swap3A_817 = arith.constant 192 : index
                %swap3A_818 = tpu.vector_load %arg13[%swap3A_817] {strides = array<i32>} : memref<288xf32, #tpu.memory_space<vmem>>, vector<16xf32>,
                tpu.vector_store %arg13[%swap3A_817], %get3A_816 {strides = array<i32>} : memref<288xf32, #tpu.memory_space<vmem>>, vector<16xf32>,
                %get3A_819 = arith.constant 208 : index
                %get3A_820 = tpu.vector_load %arg12[%get3A_819] {strides = array<i32>} : memref<272xf32, #tpu.memory_space<vmem>>, vector<16xf32>,
                %swap3A_821 = arith.constant 208 : index
                %swap3A_822 = tpu.vector_load %arg13[%swap3A_821] {strides = array<i32>} : memref<288xf32, #tpu.memory_space<vmem>>, vector<16xf32>,
                tpu.vector_store %arg13[%swap3A_821], %get3A_820 {strides = array<i32>} : memref<288xf32, #tpu.memory_space<vmem>>, vector<16xf32>,
                %get3A_823 = arith.constant 224 : index
                %get3A_824 = tpu.vector_load %arg12[%get3A_823] {strides = array<i32>} : memref<272xf32, #tpu.memory_space<vmem>>, vector<16xf32>,
                %swap3A_825 = arith.constant 224 : index
                %swap3A_826 = tpu.vector_load %arg13[%swap3A_825] {strides = array<i32>} : memref<288xf32, #tpu.memory_space<vmem>>, vector<16xf32>,
                tpu.vector_store %arg13[%swap3A_825], %get3A_824 {strides = array<i32>} : memref<288xf32, #tpu.memory_space<vmem>>, vector<16xf32>,
                %get3A_827 = arith.constant 240 : index
                %get3A_828 = tpu.vector_load %arg12[%get3A_827] {strides = array<i32>} : memref<272xf32, #tpu.memory_space<vmem>>, vector<16xf32>,
                %swap3A_829 = arith.constant 240 : index
                %swap3A_830 = tpu.vector_load %arg13[%swap3A_829] {strides = array<i32>} : memref<288xf32, #tpu.memory_space<vmem>>, vector<16xf32>,
                tpu.vector_store %arg13[%swap3A_829], %get3A_828 {strides = array<i32>} : memref<288xf32, #tpu.memory_space<vmem>>, vector<16xf32>,
                %get3A_831 = arith.constant 256 : index
                %get3A_832 = tpu.vector_load %arg12[%get3A_831] {strides = array<i32>} : memref<272xf32, #tpu.memory_space<vmem>>, vector<16xf32>,
                %swap3A_833 = arith.constant 256 : index
                %swap3A_834 = tpu.vector_load %arg13[%swap3A_833] {strides = array<i32>} : memref<288xf32, #tpu.memory_space<vmem>>, vector<16xf32>,
                tpu.vector_store %arg13[%swap3A_833], %get3A_832 {strides = array<i32>} : memref<288xf32, #tpu.memory_space<vmem>>, vector<16xf32>,
                %broadcast_in_dim3A_835 = vector.broadcast %squeeze3A_720 : i32 to vector<16xi32>
                %convert_element_type3A_836 = arith.sitofp %broadcast_in_dim3A_835 : vector<16xi32> to vector<16xf32>
                %swap3A_837 = arith.constant 272 : index
                %swap3A_838 = tpu.vector_load %arg13[%swap3A_837] {strides = array<i32>} : memref<288xf32, #tpu.memory_space<vmem>>, vector<16xf32>,
                tpu.vector_store %arg13[%swap3A_837], %convert_element_type3A_836 {strides = array<i32>} : memref<288xf32, #tpu.memory_space<vmem>>, vector<16xf32>,
                "tpu.region"() ({
                  %run_scoped3A = tpu.sem_alloc : memref<!tpu.dma_semaphore, #tpu.memory_space<semaphore_mem>>
                  %dma_start3A_839 = arith.constant 0 : i32
                  %dma_start3A_840 = tpu.memref_slice %arg6[%mul3A_766, %dma_start3A_839] : memref<64x288xf32, #tpu.memory_space<hbm>> -> memref<1x288xf32, #tpu.memory_space<hbm>>
                  %dma_start3A_841 = tpu.memref_squeeze %dma_start3A_840 : memref<1x288xf32, #tpu.memory_space<hbm>> -> memref<288xf32, #tpu.memory_space<hbm>>
                  %dma_start3A_842 = arith.constant 0 : i32
                  %dma_start3A_843 = tpu.memref_slice %arg6[%mul3A_766, %dma_start3A_842] : memref<64x288xf32, #tpu.memory_space<hbm>> -> memref<1x288xf32, #tpu.memory_space<hbm>>
                  %dma_start3A_844 = tpu.memref_squeeze %dma_start3A_843 : memref<1x288xf32, #tpu.memory_space<hbm>> -> memref<288xf32, #tpu.memory_space<hbm>>
                  tpu.enqueue_dma source(%arg13 : memref<288xf32, #tpu.memory_space<vmem>>) target(%dma_start3A_844 : memref<288xf32, #tpu.memory_space<hbm>>) target_semaphore(%run_scoped3A : memref<!tpu.dma_semaphore, #tpu.memory_space<semaphore_mem>>)
                  %dma_wait3A = arith.constant 0 : i32
                  %dma_wait3A_845 = tpu.memref_slice %arg6[%mul3A_766, %dma_wait3A] : memref<64x288xf32, #tpu.memory_space<hbm>> -> memref<1x288xf32, #tpu.memory_space<hbm>>
                  %dma_wait3A_846 = tpu.memref_squeeze %dma_wait3A_845 : memref<1x288xf32, #tpu.memory_space<hbm>> -> memref<288xf32, #tpu.memory_space<hbm>>
                  %dma_wait3A_847 = arith.constant 0 : i32
                  %dma_wait3A_848 = tpu.memref_slice %arg6[%mul3A_766, %dma_wait3A_847] : memref<64x288xf32, #tpu.memory_space<hbm>> -> memref<1x288xf32, #tpu.memory_space<hbm>>
                  %dma_wait3A_849 = tpu.memref_squeeze %dma_wait3A_848 : memref<1x288xf32, #tpu.memory_space<hbm>> -> memref<288xf32, #tpu.memory_space<hbm>>
                  tpu.wait_dma2 semaphore(%run_scoped3A : memref<!tpu.dma_semaphore, #tpu.memory_space<semaphore_mem>>) src(%arg13 : memref<288xf32, #tpu.memory_space<vmem>>) dst(%dma_wait3A_849 : memref<288xf32, #tpu.memory_space<hbm>>)
                  tpu.yield
                }) : () -> ()
              } else {
              }
              %gt3A_726 = arith.constant 0 : i32
              %gt3A_727 = arith.cmpi sgt, %add3A_187, %gt3A_726 : i32
              %convert_element_type3A_728 = arith.extui %gt3A_727 : i1 to i32
              %cond3A_729 = arith.constant 0 : i32
              %cond3A_730 = arith.cmpi ne, %convert_element_type3A_728, %cond3A_729 : i32
              scf.if %cond3A_730 {
                %and3A_765 = arith.constant 3 : i32
                %and3A_766 = arith.andi %add3A_183, %and3A_765 : i32
                %eq3A_767 = arith.constant 0 : i32
                %eq3A_768 = arith.cmpi eq, %and3A_766, %eq3A_767 : i32
                %gt3A_769 = arith.constant 0 : i32
                %gt3A_770 = arith.cmpi sgt, %add3A_183, %gt3A_769 : i32
                %and3A_771 = arith.andi %eq3A_768, %gt3A_770 : i1
                %convert_element_type3A_772 = arith.extui %and3A_771 : i1 to i32
                %cond3A_773 = arith.constant 0 : i32
                %cond3A_774 = arith.cmpi ne, %convert_element_type3A_772, %cond3A_773 : i32
                scf.if %cond3A_774 {
                  %dma_wait3A = arith.constant 0 : i32
                  %dma_wait3A_887 = arith.constant 0 : i32
                  %dma_wait3A_888 = arith.constant 0 : i32
                  %dma_wait3A_889 = tpu.memref_slice %arg11[%dma_wait3A_887, %dma_wait3A_888] : memref<4x256xf32, #tpu.memory_space<vmem>> -> memref<1x256xf32, #tpu.memory_space<vmem>>
                  %dma_wait3A_890 = tpu.memref_squeeze %dma_wait3A_889 : memref<1x256xf32, #tpu.memory_space<vmem>> -> memref<256xf32, #tpu.memory_space<vmem>>
                  %dma_wait3A_891 = arith.constant 0 : i32
                  %dma_wait3A_892 = tpu.memref_slice %arg5[%dma_wait3A, %dma_wait3A_891] : memref<10000x256xf32, #tpu.memory_space<hbm>> -> memref<1x256xf32, #tpu.memory_space<hbm>>
                  %dma_wait3A_893 = tpu.memref_squeeze %dma_wait3A_892 : memref<1x256xf32, #tpu.memory_space<hbm>> -> memref<256xf32, #tpu.memory_space<hbm>>
                  %dma_wait3A_894 = arith.constant 0 : i32
                  %dma_wait3A_895 = tpu.memref_slice %arg11[%dma_wait3A_887, %dma_wait3A_894] : memref<4x256xf32, #tpu.memory_space<vmem>> -> memref<1x256xf32, #tpu.memory_space<vmem>>
                  %dma_wait3A_896 = tpu.memref_squeeze %dma_wait3A_895 : memref<1x256xf32, #tpu.memory_space<vmem>> -> memref<256xf32, #tpu.memory_space<vmem>>
                  %dma_wait3A_897 = arith.constant 0 : i32
                  %dma_wait3A_898 = tpu.memref_slice %arg5[%dma_wait3A, %dma_wait3A_897] : memref<10000x256xf32, #tpu.memory_space<hbm>> -> memref<1x256xf32, #tpu.memory_space<hbm>>
                  %dma_wait3A_899 = tpu.memref_squeeze %dma_wait3A_898 : memref<1x256xf32, #tpu.memory_space<hbm>> -> memref<256xf32, #tpu.memory_space<hbm>>
                  tpu.wait_dma2 semaphore(%arg16 : memref<!tpu.dma_semaphore, #tpu.memory_space<semaphore_mem>>) src(%dma_wait3A_899 : memref<256xf32, #tpu.memory_space<hbm>>) dst(%dma_wait3A_896 : memref<256xf32, #tpu.memory_space<vmem>>)
                  %dma_wait3A_900 = arith.constant 0 : i32
                  %dma_wait3A_901 = arith.constant 0 : i32
                  %dma_wait3A_902 = arith.constant 0 : i32
                  %dma_wait3A_903 = tpu.memref_slice %arg11[%dma_wait3A_901, %dma_wait3A_902] : memref<4x256xf32, #tpu.memory_space<vmem>> -> memref<1x256xf32, #tpu.memory_space<vmem>>
                  %dma_wait3A_904 = tpu.memref_squeeze %dma_wait3A_903 : memref<1x256xf32, #tpu.memory_space<vmem>> -> memref<256xf32, #tpu.memory_space<vmem>>
                  %dma_wait3A_905 = arith.constant 0 : i32
                  %dma_wait3A_906 = tpu.memref_slice %arg5[%dma_wait3A_900, %dma_wait3A_905] : memref<10000x256xf32, #tpu.memory_space<hbm>> -> memref<1x256xf32, #tpu.memory_space<hbm>>
                  %dma_wait3A_907 = tpu.memref_squeeze %dma_wait3A_906 : memref<1x256xf32, #tpu.memory_space<hbm>> -> memref<256xf32, #tpu.memory_space<hbm>>
                  %dma_wait3A_908 = arith.constant 0 : i32
                  %dma_wait3A_909 = tpu.memref_slice %arg11[%dma_wait3A_901, %dma_wait3A_908] : memref<4x256xf32, #tpu.memory_space<vmem>> -> memref<1x256xf32, #tpu.memory_space<vmem>>
                  %dma_wait3A_910 = tpu.memref_squeeze %dma_wait3A_909 : memref<1x256xf32, #tpu.memory_space<vmem>> -> memref<256xf32, #tpu.memory_space<vmem>>
                  %dma_wait3A_911 = arith.constant 0 : i32
                  %dma_wait3A_912 = tpu.memref_slice %arg5[%dma_wait3A_900, %dma_wait3A_911] : memref<10000x256xf32, #tpu.memory_space<hbm>> -> memref<1x256xf32, #tpu.memory_space<hbm>>
                  %dma_wait3A_913 = tpu.memref_squeeze %dma_wait3A_912 : memref<1x256xf32, #tpu.memory_space<hbm>> -> memref<256xf32, #tpu.memory_space<hbm>>
                  tpu.wait_dma2 semaphore(%arg16 : memref<!tpu.dma_semaphore, #tpu.memory_space<semaphore_mem>>) src(%dma_wait3A_913 : memref<256xf32, #tpu.memory_space<hbm>>) dst(%dma_wait3A_910 : memref<256xf32, #tpu.memory_space<vmem>>)
                  %dma_wait3A_914 = arith.constant 0 : i32
                  %dma_wait3A_915 = arith.constant 0 : i32
                  %dma_wait3A_916 = arith.constant 0 : i32
                  %dma_wait3A_917 = tpu.memref_slice %arg11[%dma_wait3A_915, %dma_wait3A_916] : memref<4x256xf32, #tpu.memory_space<vmem>> -> memref<1x256xf32, #tpu.memory_space<vmem>>
                  %dma_wait3A_918 = tpu.memref_squeeze %dma_wait3A_917 : memref<1x256xf32, #tpu.memory_space<vmem>> -> memref<256xf32, #tpu.memory_space<vmem>>
                  %dma_wait3A_919 = arith.constant 0 : i32
                  %dma_wait3A_920 = tpu.memref_slice %arg5[%dma_wait3A_914, %dma_wait3A_919] : memref<10000x256xf32, #tpu.memory_space<hbm>> -> memref<1x256xf32, #tpu.memory_space<hbm>>
                  %dma_wait3A_921 = tpu.memref_squeeze %dma_wait3A_920 : memref<1x256xf32, #tpu.memory_space<hbm>> -> memref<256xf32, #tpu.memory_space<hbm>>
                  %dma_wait3A_922 = arith.constant 0 : i32
                  %dma_wait3A_923 = tpu.memref_slice %arg11[%dma_wait3A_915, %dma_wait3A_922] : memref<4x256xf32, #tpu.memory_space<vmem>> -> memref<1x256xf32, #tpu.memory_space<vmem>>
                  %dma_wait3A_924 = tpu.memref_squeeze %dma_wait3A_923 : memref<1x256xf32, #tpu.memory_space<vmem>> -> memref<256xf32, #tpu.memory_space<vmem>>
                  %dma_wait3A_925 = arith.constant 0 : i32
                  %dma_wait3A_926 = tpu.memref_slice %arg5[%dma_wait3A_914, %dma_wait3A_925] : memref<10000x256xf32, #tpu.memory_space<hbm>> -> memref<1x256xf32, #tpu.memory_space<hbm>>
                  %dma_wait3A_927 = tpu.memref_squeeze %dma_wait3A_926 : memref<1x256xf32, #tpu.memory_space<hbm>> -> memref<256xf32, #tpu.memory_space<hbm>>
                  tpu.wait_dma2 semaphore(%arg16 : memref<!tpu.dma_semaphore, #tpu.memory_space<semaphore_mem>>) src(%dma_wait3A_927 : memref<256xf32, #tpu.memory_space<hbm>>) dst(%dma_wait3A_924 : memref<256xf32, #tpu.memory_space<vmem>>)
                  %dma_wait3A_928 = arith.constant 0 : i32
                  %dma_wait3A_929 = arith.constant 0 : i32
                  %dma_wait3A_930 = arith.constant 0 : i32
                  %dma_wait3A_931 = tpu.memref_slice %arg11[%dma_wait3A_929, %dma_wait3A_930] : memref<4x256xf32, #tpu.memory_space<vmem>> -> memref<1x256xf32, #tpu.memory_space<vmem>>
                  %dma_wait3A_932 = tpu.memref_squeeze %dma_wait3A_931 : memref<1x256xf32, #tpu.memory_space<vmem>> -> memref<256xf32, #tpu.memory_space<vmem>>
                  %dma_wait3A_933 = arith.constant 0 : i32
                  %dma_wait3A_934 = tpu.memref_slice %arg5[%dma_wait3A_928, %dma_wait3A_933] : memref<10000x256xf32, #tpu.memory_space<hbm>> -> memref<1x256xf32, #tpu.memory_space<hbm>>
                  %dma_wait3A_935 = tpu.memref_squeeze %dma_wait3A_934 : memref<1x256xf32, #tpu.memory_space<hbm>> -> memref<256xf32, #tpu.memory_space<hbm>>
                  %dma_wait3A_936 = arith.constant 0 : i32
                  %dma_wait3A_937 = tpu.memref_slice %arg11[%dma_wait3A_929, %dma_wait3A_936] : memref<4x256xf32, #tpu.memory_space<vmem>> -> memref<1x256xf32, #tpu.memory_space<vmem>>
                  %dma_wait3A_938 = tpu.memref_squeeze %dma_wait3A_937 : memref<1x256xf32, #tpu.memory_space<vmem>> -> memref<256xf32, #tpu.memory_space<vmem>>
                  %dma_wait3A_939 = arith.constant 0 : i32
                  %dma_wait3A_940 = tpu.memref_slice %arg5[%dma_wait3A_928, %dma_wait3A_939] : memref<10000x256xf32, #tpu.memory_space<hbm>> -> memref<1x256xf32, #tpu.memory_space<hbm>>
                  %dma_wait3A_941 = tpu.memref_squeeze %dma_wait3A_940 : memref<1x256xf32, #tpu.memory_space<hbm>> -> memref<256xf32, #tpu.memory_space<hbm>>
                  tpu.wait_dma2 semaphore(%arg16 : memref<!tpu.dma_semaphore, #tpu.memory_space<semaphore_mem>>) src(%dma_wait3A_941 : memref<256xf32, #tpu.memory_space<hbm>>) dst(%dma_wait3A_938 : memref<256xf32, #tpu.memory_space<vmem>>)
                } else {
                }
                %get3A_775 = arith.constant 256 : index
                %get3A_776 = tpu.vector_load %arg12[%get3A_775] {strides = array<i32>} : memref<272xf32, #tpu.memory_space<vmem>>, vector<16xf32>,
                %div3A = arith.constant 1.000000e+00 : f32
                %div3A_777 = vector.broadcast %div3A : f32 to vector<16xf32>
                %div3A_778 = arith.divf %div3A_777, %get3A_776 : vector<16xf32>
                %get3A_779 = arith.constant 0 : index
                %get3A_780 = tpu.vector_load %arg12[%get3A_779] {strides = array<i32>} : memref<272xf32, #tpu.memory_space<vmem>>, vector<16xf32>,
                %mul3A_781 = arith.mulf %get3A_780, %div3A_778 : vector<16xf32>
                %swap3A_782 = arith.index_cast %and3A_766 : i32 to index
                %swap3A_783 = arith.constant 0 : index
                %swap3A_784 = tpu.vector_load %arg11[%swap3A_782, %swap3A_783] {strides = array<i32>} : memref<4x256xf32, #tpu.memory_space<vmem>>, vector<16xf32>,
                tpu.vector_store %arg11[%swap3A_782, %swap3A_783], %mul3A_781 {strides = array<i32>} : memref<4x256xf32, #tpu.memory_space<vmem>>, vector<16xf32>,
                %get3A_785 = arith.constant 16 : index
                %get3A_786 = tpu.vector_load %arg12[%get3A_785] {strides = array<i32>} : memref<272xf32, #tpu.memory_space<vmem>>, vector<16xf32>,
                %mul3A_787 = arith.mulf %get3A_786, %div3A_778 : vector<16xf32>
                %swap3A_788 = arith.index_cast %and3A_766 : i32 to index
                %swap3A_789 = arith.constant 16 : index
                %swap3A_790 = tpu.vector_load %arg11[%swap3A_788, %swap3A_789] {strides = array<i32>} : memref<4x256xf32, #tpu.memory_space<vmem>>, vector<16xf32>,
                tpu.vector_store %arg11[%swap3A_788, %swap3A_789], %mul3A_787 {strides = array<i32>} : memref<4x256xf32, #tpu.memory_space<vmem>>, vector<16xf32>,
                %get3A_791 = arith.constant 32 : index
                %get3A_792 = tpu.vector_load %arg12[%get3A_791] {strides = array<i32>} : memref<272xf32, #tpu.memory_space<vmem>>, vector<16xf32>,
                %mul3A_793 = arith.mulf %get3A_792, %div3A_778 : vector<16xf32>
                %swap3A_794 = arith.index_cast %and3A_766 : i32 to index
                %swap3A_795 = arith.constant 32 : index
                %swap3A_796 = tpu.vector_load %arg11[%swap3A_794, %swap3A_795] {strides = array<i32>} : memref<4x256xf32, #tpu.memory_space<vmem>>, vector<16xf32>,
                tpu.vector_store %arg11[%swap3A_794, %swap3A_795], %mul3A_793 {strides = array<i32>} : memref<4x256xf32, #tpu.memory_space<vmem>>, vector<16xf32>,
                %get3A_797 = arith.constant 48 : index
                %get3A_798 = tpu.vector_load %arg12[%get3A_797] {strides = array<i32>} : memref<272xf32, #tpu.memory_space<vmem>>, vector<16xf32>,
                %mul3A_799 = arith.mulf %get3A_798, %div3A_778 : vector<16xf32>
                %swap3A_800 = arith.index_cast %and3A_766 : i32 to index
                %swap3A_801 = arith.constant 48 : index
                %swap3A_802 = tpu.vector_load %arg11[%swap3A_800, %swap3A_801] {strides = array<i32>} : memref<4x256xf32, #tpu.memory_space<vmem>>, vector<16xf32>,
                tpu.vector_store %arg11[%swap3A_800, %swap3A_801], %mul3A_799 {strides = array<i32>} : memref<4x256xf32, #tpu.memory_space<vmem>>, vector<16xf32>,
                %get3A_803 = arith.constant 64 : index
                %get3A_804 = tpu.vector_load %arg12[%get3A_803] {strides = array<i32>} : memref<272xf32, #tpu.memory_space<vmem>>, vector<16xf32>,
                %mul3A_805 = arith.mulf %get3A_804, %div3A_778 : vector<16xf32>
                %swap3A_806 = arith.index_cast %and3A_766 : i32 to index
                %swap3A_807 = arith.constant 64 : index
                %swap3A_808 = tpu.vector_load %arg11[%swap3A_806, %swap3A_807] {strides = array<i32>} : memref<4x256xf32, #tpu.memory_space<vmem>>, vector<16xf32>,
                tpu.vector_store %arg11[%swap3A_806, %swap3A_807], %mul3A_805 {strides = array<i32>} : memref<4x256xf32, #tpu.memory_space<vmem>>, vector<16xf32>,
                %get3A_809 = arith.constant 80 : index
                %get3A_810 = tpu.vector_load %arg12[%get3A_809] {strides = array<i32>} : memref<272xf32, #tpu.memory_space<vmem>>, vector<16xf32>,
                %mul3A_811 = arith.mulf %get3A_810, %div3A_778 : vector<16xf32>
                %swap3A_812 = arith.index_cast %and3A_766 : i32 to index
                %swap3A_813 = arith.constant 80 : index
                %swap3A_814 = tpu.vector_load %arg11[%swap3A_812, %swap3A_813] {strides = array<i32>} : memref<4x256xf32, #tpu.memory_space<vmem>>, vector<16xf32>,
                tpu.vector_store %arg11[%swap3A_812, %swap3A_813], %mul3A_811 {strides = array<i32>} : memref<4x256xf32, #tpu.memory_space<vmem>>, vector<16xf32>,
                %get3A_815 = arith.constant 96 : index
                %get3A_816 = tpu.vector_load %arg12[%get3A_815] {strides = array<i32>} : memref<272xf32, #tpu.memory_space<vmem>>, vector<16xf32>,
                %mul3A_817 = arith.mulf %get3A_816, %div3A_778 : vector<16xf32>
                %swap3A_818 = arith.index_cast %and3A_766 : i32 to index
                %swap3A_819 = arith.constant 96 : index
                %swap3A_820 = tpu.vector_load %arg11[%swap3A_818, %swap3A_819] {strides = array<i32>} : memref<4x256xf32, #tpu.memory_space<vmem>>, vector<16xf32>,
                tpu.vector_store %arg11[%swap3A_818, %swap3A_819], %mul3A_817 {strides = array<i32>} : memref<4x256xf32, #tpu.memory_space<vmem>>, vector<16xf32>,
                %get3A_821 = arith.constant 112 : index
                %get3A_822 = tpu.vector_load %arg12[%get3A_821] {strides = array<i32>} : memref<272xf32, #tpu.memory_space<vmem>>, vector<16xf32>,
                %mul3A_823 = arith.mulf %get3A_822, %div3A_778 : vector<16xf32>
                %swap3A_824 = arith.index_cast %and3A_766 : i32 to index
                %swap3A_825 = arith.constant 112 : index
                %swap3A_826 = tpu.vector_load %arg11[%swap3A_824, %swap3A_825] {strides = array<i32>} : memref<4x256xf32, #tpu.memory_space<vmem>>, vector<16xf32>,
                tpu.vector_store %arg11[%swap3A_824, %swap3A_825], %mul3A_823 {strides = array<i32>} : memref<4x256xf32, #tpu.memory_space<vmem>>, vector<16xf32>,
                %get3A_827 = arith.constant 128 : index
                %get3A_828 = tpu.vector_load %arg12[%get3A_827] {strides = array<i32>} : memref<272xf32, #tpu.memory_space<vmem>>, vector<16xf32>,
                %mul3A_829 = arith.mulf %get3A_828, %div3A_778 : vector<16xf32>
                %swap3A_830 = arith.index_cast %and3A_766 : i32 to index
                %swap3A_831 = arith.constant 128 : index
                %swap3A_832 = tpu.vector_load %arg11[%swap3A_830, %swap3A_831] {strides = array<i32>} : memref<4x256xf32, #tpu.memory_space<vmem>>, vector<16xf32>,
                tpu.vector_store %arg11[%swap3A_830, %swap3A_831], %mul3A_829 {strides = array<i32>} : memref<4x256xf32, #tpu.memory_space<vmem>>, vector<16xf32>,
                %get3A_833 = arith.constant 144 : index
                %get3A_834 = tpu.vector_load %arg12[%get3A_833] {strides = array<i32>} : memref<272xf32, #tpu.memory_space<vmem>>, vector<16xf32>,
                %mul3A_835 = arith.mulf %get3A_834, %div3A_778 : vector<16xf32>
                %swap3A_836 = arith.index_cast %and3A_766 : i32 to index
                %swap3A_837 = arith.constant 144 : index
                %swap3A_838 = tpu.vector_load %arg11[%swap3A_836, %swap3A_837] {strides = array<i32>} : memref<4x256xf32, #tpu.memory_space<vmem>>, vector<16xf32>,
                tpu.vector_store %arg11[%swap3A_836, %swap3A_837], %mul3A_835 {strides = array<i32>} : memref<4x256xf32, #tpu.memory_space<vmem>>, vector<16xf32>,
                %get3A_839 = arith.constant 160 : index
                %get3A_840 = tpu.vector_load %arg12[%get3A_839] {strides = array<i32>} : memref<272xf32, #tpu.memory_space<vmem>>, vector<16xf32>,
                %mul3A_841 = arith.mulf %get3A_840, %div3A_778 : vector<16xf32>
                %swap3A_842 = arith.index_cast %and3A_766 : i32 to index
                %swap3A_843 = arith.constant 160 : index
                %swap3A_844 = tpu.vector_load %arg11[%swap3A_842, %swap3A_843] {strides = array<i32>} : memref<4x256xf32, #tpu.memory_space<vmem>>, vector<16xf32>,
                tpu.vector_store %arg11[%swap3A_842, %swap3A_843], %mul3A_841 {strides = array<i32>} : memref<4x256xf32, #tpu.memory_space<vmem>>, vector<16xf32>,
                %get3A_845 = arith.constant 176 : index
                %get3A_846 = tpu.vector_load %arg12[%get3A_845] {strides = array<i32>} : memref<272xf32, #tpu.memory_space<vmem>>, vector<16xf32>,
                %mul3A_847 = arith.mulf %get3A_846, %div3A_778 : vector<16xf32>
                %swap3A_848 = arith.index_cast %and3A_766 : i32 to index
                %swap3A_849 = arith.constant 176 : index
                %swap3A_850 = tpu.vector_load %arg11[%swap3A_848, %swap3A_849] {strides = array<i32>} : memref<4x256xf32, #tpu.memory_space<vmem>>, vector<16xf32>,
                tpu.vector_store %arg11[%swap3A_848, %swap3A_849], %mul3A_847 {strides = array<i32>} : memref<4x256xf32, #tpu.memory_space<vmem>>, vector<16xf32>,
                %get3A_851 = arith.constant 192 : index
                %get3A_852 = tpu.vector_load %arg12[%get3A_851] {strides = array<i32>} : memref<272xf32, #tpu.memory_space<vmem>>, vector<16xf32>,
                %mul3A_853 = arith.mulf %get3A_852, %div3A_778 : vector<16xf32>
                %swap3A_854 = arith.index_cast %and3A_766 : i32 to index
                %swap3A_855 = arith.constant 192 : index
                %swap3A_856 = tpu.vector_load %arg11[%swap3A_854, %swap3A_855] {strides = array<i32>} : memref<4x256xf32, #tpu.memory_space<vmem>>, vector<16xf32>,
                tpu.vector_store %arg11[%swap3A_854, %swap3A_855], %mul3A_853 {strides = array<i32>} : memref<4x256xf32, #tpu.memory_space<vmem>>, vector<16xf32>,
                %get3A_857 = arith.constant 208 : index
                %get3A_858 = tpu.vector_load %arg12[%get3A_857] {strides = array<i32>} : memref<272xf32, #tpu.memory_space<vmem>>, vector<16xf32>,
                %mul3A_859 = arith.mulf %get3A_858, %div3A_778 : vector<16xf32>
                %swap3A_860 = arith.index_cast %and3A_766 : i32 to index
                %swap3A_861 = arith.constant 208 : index
                %swap3A_862 = tpu.vector_load %arg11[%swap3A_860, %swap3A_861] {strides = array<i32>} : memref<4x256xf32, #tpu.memory_space<vmem>>, vector<16xf32>,
                tpu.vector_store %arg11[%swap3A_860, %swap3A_861], %mul3A_859 {strides = array<i32>} : memref<4x256xf32, #tpu.memory_space<vmem>>, vector<16xf32>,
                %get3A_863 = arith.constant 224 : index
                %get3A_864 = tpu.vector_load %arg12[%get3A_863] {strides = array<i32>} : memref<272xf32, #tpu.memory_space<vmem>>, vector<16xf32>,
                %mul3A_865 = arith.mulf %get3A_864, %div3A_778 : vector<16xf32>
                %swap3A_866 = arith.index_cast %and3A_766 : i32 to index
                %swap3A_867 = arith.constant 224 : index
                %swap3A_868 = tpu.vector_load %arg11[%swap3A_866, %swap3A_867] {strides = array<i32>} : memref<4x256xf32, #tpu.memory_space<vmem>>, vector<16xf32>,
                tpu.vector_store %arg11[%swap3A_866, %swap3A_867], %mul3A_865 {strides = array<i32>} : memref<4x256xf32, #tpu.memory_space<vmem>>, vector<16xf32>,
                %get3A_869 = arith.constant 240 : index
                %get3A_870 = tpu.vector_load %arg12[%get3A_869] {strides = array<i32>} : memref<272xf32, #tpu.memory_space<vmem>>, vector<16xf32>,
                %mul3A_871 = arith.mulf %get3A_870, %div3A_778 : vector<16xf32>
                %swap3A_872 = arith.index_cast %and3A_766 : i32 to index
                %swap3A_873 = arith.constant 240 : index
                %swap3A_874 = tpu.vector_load %arg11[%swap3A_872, %swap3A_873] {strides = array<i32>} : memref<4x256xf32, #tpu.memory_space<vmem>>, vector<16xf32>,
                tpu.vector_store %arg11[%swap3A_872, %swap3A_873], %mul3A_871 {strides = array<i32>} : memref<4x256xf32, #tpu.memory_space<vmem>>, vector<16xf32>,
                %dma_start3A_875 = arith.constant 0 : i32
                %dma_start3A_876 = tpu.memref_slice %arg11[%and3A_766, %dma_start3A_875] : memref<4x256xf32, #tpu.memory_space<vmem>> -> memref<1x256xf32, #tpu.memory_space<vmem>>
                %dma_start3A_877 = tpu.memref_squeeze %dma_start3A_876 : memref<1x256xf32, #tpu.memory_space<vmem>> -> memref<256xf32, #tpu.memory_space<vmem>>
                %dma_start3A_878 = arith.constant 0 : i32
                %dma_start3A_879 = tpu.memref_slice %arg5[%squeeze3A_720, %dma_start3A_878] : memref<10000x256xf32, #tpu.memory_space<hbm>> -> memref<1x256xf32, #tpu.memory_space<hbm>>
                %dma_start3A_880 = tpu.memref_squeeze %dma_start3A_879 : memref<1x256xf32, #tpu.memory_space<hbm>> -> memref<256xf32, #tpu.memory_space<hbm>>
                %dma_start3A_881 = arith.constant 0 : i32
                %dma_start3A_882 = tpu.memref_slice %arg5[%squeeze3A_720, %dma_start3A_881] : memref<10000x256xf32, #tpu.memory_space<hbm>> -> memref<1x256xf32, #tpu.memory_space<hbm>>
                %dma_start3A_883 = tpu.memref_squeeze %dma_start3A_882 : memref<1x256xf32, #tpu.memory_space<hbm>> -> memref<256xf32, #tpu.memory_space<hbm>>
                %dma_start3A_884 = arith.constant 0 : i32
                %dma_start3A_885 = tpu.memref_slice %arg11[%and3A_766, %dma_start3A_884] : memref<4x256xf32, #tpu.memory_space<vmem>> -> memref<1x256xf32, #tpu.memory_space<vmem>>
                %dma_start3A_886 = tpu.memref_squeeze %dma_start3A_885 : memref<1x256xf32, #tpu.memory_space<vmem>> -> memref<256xf32, #tpu.memory_space<vmem>>
                tpu.enqueue_dma source(%dma_start3A_886 : memref<256xf32, #tpu.memory_space<vmem>>) target(%dma_start3A_883 : memref<256xf32, #tpu.memory_space<hbm>>) target_semaphore(%arg16 : memref<!tpu.dma_semaphore, #tpu.memory_space<semaphore_mem>>)
              } else {
              }
              %swap3A_731 = arith.constant 0 : index
              %swap3A_732 = tpu.vector_load %arg12[%swap3A_731] {strides = array<i32>} : memref<272xf32, #tpu.memory_space<vmem>>, vector<16xf32>,
              tpu.vector_store %arg12[%swap3A_731], %broadcast_in_dim3A_3 {strides = array<i32>} : memref<272xf32, #tpu.memory_space<vmem>>, vector<16xf32>,
              %swap3A_733 = arith.constant 16 : index
              %swap3A_734 = tpu.vector_load %arg12[%swap3A_733] {strides = array<i32>} : memref<272xf32, #tpu.memory_space<vmem>>, vector<16xf32>,
              tpu.vector_store %arg12[%swap3A_733], %broadcast_in_dim3A_3 {strides = array<i32>} : memref<272xf32, #tpu.memory_space<vmem>>, vector<16xf32>,
              %swap3A_735 = arith.constant 32 : index
              %swap3A_736 = tpu.vector_load %arg12[%swap3A_735] {strides = array<i32>} : memref<272xf32, #tpu.memory_space<vmem>>, vector<16xf32>,
              tpu.vector_store %arg12[%swap3A_735], %broadcast_in_dim3A_3 {strides = array<i32>} : memref<272xf32, #tpu.memory_space<vmem>>, vector<16xf32>,
              %swap3A_737 = arith.constant 48 : index
              %swap3A_738 = tpu.vector_load %arg12[%swap3A_737] {strides = array<i32>} : memref<272xf32, #tpu.memory_space<vmem>>, vector<16xf32>,
              tpu.vector_store %arg12[%swap3A_737], %broadcast_in_dim3A_3 {strides = array<i32>} : memref<272xf32, #tpu.memory_space<vmem>>, vector<16xf32>,
              %swap3A_739 = arith.constant 64 : index
              %swap3A_740 = tpu.vector_load %arg12[%swap3A_739] {strides = array<i32>} : memref<272xf32, #tpu.memory_space<vmem>>, vector<16xf32>,
              tpu.vector_store %arg12[%swap3A_739], %broadcast_in_dim3A_3 {strides = array<i32>} : memref<272xf32, #tpu.memory_space<vmem>>, vector<16xf32>,
              %swap3A_741 = arith.constant 80 : index
              %swap3A_742 = tpu.vector_load %arg12[%swap3A_741] {strides = array<i32>} : memref<272xf32, #tpu.memory_space<vmem>>, vector<16xf32>,
              tpu.vector_store %arg12[%swap3A_741], %broadcast_in_dim3A_3 {strides = array<i32>} : memref<272xf32, #tpu.memory_space<vmem>>, vector<16xf32>,
              %swap3A_743 = arith.constant 96 : index
              %swap3A_744 = tpu.vector_load %arg12[%swap3A_743] {strides = array<i32>} : memref<272xf32, #tpu.memory_space<vmem>>, vector<16xf32>,
              tpu.vector_store %arg12[%swap3A_743], %broadcast_in_dim3A_3 {strides = array<i32>} : memref<272xf32, #tpu.memory_space<vmem>>, vector<16xf32>,
              %swap3A_745 = arith.constant 112 : index
              %swap3A_746 = tpu.vector_load %arg12[%swap3A_745] {strides = array<i32>} : memref<272xf32, #tpu.memory_space<vmem>>, vector<16xf32>,
              tpu.vector_store %arg12[%swap3A_745], %broadcast_in_dim3A_3 {strides = array<i32>} : memref<272xf32, #tpu.memory_space<vmem>>, vector<16xf32>,
              %swap3A_747 = arith.constant 128 : index
              %swap3A_748 = tpu.vector_load %arg12[%swap3A_747] {strides = array<i32>} : memref<272xf32, #tpu.memory_space<vmem>>, vector<16xf32>,
              tpu.vector_store %arg12[%swap3A_747], %broadcast_in_dim3A_3 {strides = array<i32>} : memref<272xf32, #tpu.memory_space<vmem>>, vector<16xf32>,
              %swap3A_749 = arith.constant 144 : index
              %swap3A_750 = tpu.vector_load %arg12[%swap3A_749] {strides = array<i32>} : memref<272xf32, #tpu.memory_space<vmem>>, vector<16xf32>,
              tpu.vector_store %arg12[%swap3A_749], %broadcast_in_dim3A_3 {strides = array<i32>} : memref<272xf32, #tpu.memory_space<vmem>>, vector<16xf32>,
              %swap3A_751 = arith.constant 160 : index
              %swap3A_752 = tpu.vector_load %arg12[%swap3A_751] {strides = array<i32>} : memref<272xf32, #tpu.memory_space<vmem>>, vector<16xf32>,
              tpu.vector_store %arg12[%swap3A_751], %broadcast_in_dim3A_3 {strides = array<i32>} : memref<272xf32, #tpu.memory_space<vmem>>, vector<16xf32>,
              %swap3A_753 = arith.constant 176 : index
              %swap3A_754 = tpu.vector_load %arg12[%swap3A_753] {strides = array<i32>} : memref<272xf32, #tpu.memory_space<vmem>>, vector<16xf32>,
              tpu.vector_store %arg12[%swap3A_753], %broadcast_in_dim3A_3 {strides = array<i32>} : memref<272xf32, #tpu.memory_space<vmem>>, vector<16xf32>,
              %swap3A_755 = arith.constant 192 : index
              %swap3A_756 = tpu.vector_load %arg12[%swap3A_755] {strides = array<i32>} : memref<272xf32, #tpu.memory_space<vmem>>, vector<16xf32>,
              tpu.vector_store %arg12[%swap3A_755], %broadcast_in_dim3A_3 {strides = array<i32>} : memref<272xf32, #tpu.memory_space<vmem>>, vector<16xf32>,
              %swap3A_757 = arith.constant 208 : index
              %swap3A_758 = tpu.vector_load %arg12[%swap3A_757] {strides = array<i32>} : memref<272xf32, #tpu.memory_space<vmem>>, vector<16xf32>,
              tpu.vector_store %arg12[%swap3A_757], %broadcast_in_dim3A_3 {strides = array<i32>} : memref<272xf32, #tpu.memory_space<vmem>>, vector<16xf32>,
              %swap3A_759 = arith.constant 224 : index
              %swap3A_760 = tpu.vector_load %arg12[%swap3A_759] {strides = array<i32>} : memref<272xf32, #tpu.memory_space<vmem>>, vector<16xf32>,
              tpu.vector_store %arg12[%swap3A_759], %broadcast_in_dim3A_3 {strides = array<i32>} : memref<272xf32, #tpu.memory_space<vmem>>, vector<16xf32>,
              %swap3A_761 = arith.constant 240 : index
              %swap3A_762 = tpu.vector_load %arg12[%swap3A_761] {strides = array<i32>} : memref<272xf32, #tpu.memory_space<vmem>>, vector<16xf32>,
              tpu.vector_store %arg12[%swap3A_761], %broadcast_in_dim3A_3 {strides = array<i32>} : memref<272xf32, #tpu.memory_space<vmem>>, vector<16xf32>,
              %swap3A_763 = arith.constant 256 : index
              %swap3A_764 = tpu.vector_load %arg12[%swap3A_763] {strides = array<i32>} : memref<272xf32, #tpu.memory_space<vmem>>, vector<16xf32>,
              tpu.vector_store %arg12[%swap3A_763], %broadcast_in_dim3A_3 {strides = array<i32>} : memref<272xf32, #tpu.memory_space<vmem>>, vector<16xf32>,
            } else {
            }
            %mul3A_375 = arith.constant 200 : i32
            %mul3A_376 = arith.muli %and3A_108, %mul3A_375 : i32
            %add3A_377 = arith.addi %mul3A_376, %add3A_371 : i32
            %mul3A_378 = arith.constant 1664 : i32
            %mul3A_379 = arith.muli %and3A_108, %mul3A_378 : i32
            %mul3A_380 = arith.constant 8 : i32
            %mul3A_381 = arith.muli %add3A_371, %mul3A_380 : i32
            %add3A_382 = arith.addi %mul3A_379, %mul3A_381 : i32
            %broadcast_in_dim3A_383 = vector.broadcast %add3A_382 : i32 to vector<16xi32>
            %gather3A_384 = tpu.vector_load_idx %arg10[%broadcast_in_dim3A_383] : memref<3328xf32, #tpu.memory_space<vmem>>[vector<16xi32>], vector<16xf32>,
            %get3A_385 = arith.index_cast %add3A_377 : i32 to index
            %get3A_386 = arith.constant 0 : index
            %get3A_387 = tpu.vector_load %arg8[%get3A_385, %get3A_386] {strides = array<i32>} : memref<400x256xf32, #tpu.memory_space<vmem>>, vector<16xf32>,
            %get3A_388 = arith.index_cast %add3A_377 : i32 to index
            %get3A_389 = arith.constant 16 : index
            %get3A_390 = tpu.vector_load %arg8[%get3A_388, %get3A_389] {strides = array<i32>} : memref<400x256xf32, #tpu.memory_space<vmem>>, vector<16xf32>,
            %get3A_391 = arith.index_cast %add3A_377 : i32 to index
            %get3A_392 = arith.constant 32 : index
            %get3A_393 = tpu.vector_load %arg8[%get3A_391, %get3A_392] {strides = array<i32>} : memref<400x256xf32, #tpu.memory_space<vmem>>, vector<16xf32>,
            %get3A_394 = arith.index_cast %add3A_377 : i32 to index
            %get3A_395 = arith.constant 48 : index
            %get3A_396 = tpu.vector_load %arg8[%get3A_394, %get3A_395] {strides = array<i32>} : memref<400x256xf32, #tpu.memory_space<vmem>>, vector<16xf32>,
            %get3A_397 = arith.index_cast %add3A_377 : i32 to index
            %get3A_398 = arith.constant 64 : index
            %get3A_399 = tpu.vector_load %arg8[%get3A_397, %get3A_398] {strides = array<i32>} : memref<400x256xf32, #tpu.memory_space<vmem>>, vector<16xf32>,
            %get3A_400 = arith.index_cast %add3A_377 : i32 to index
            %get3A_401 = arith.constant 80 : index
            %get3A_402 = tpu.vector_load %arg8[%get3A_400, %get3A_401] {strides = array<i32>} : memref<400x256xf32, #tpu.memory_space<vmem>>, vector<16xf32>,
            %get3A_403 = arith.index_cast %add3A_377 : i32 to index
            %get3A_404 = arith.constant 96 : index
            %get3A_405 = tpu.vector_load %arg8[%get3A_403, %get3A_404] {strides = array<i32>} : memref<400x256xf32, #tpu.memory_space<vmem>>, vector<16xf32>,
            %get3A_406 = arith.index_cast %add3A_377 : i32 to index
            %get3A_407 = arith.constant 112 : index
            %get3A_408 = tpu.vector_load %arg8[%get3A_406, %get3A_407] {strides = array<i32>} : memref<400x256xf32, #tpu.memory_space<vmem>>, vector<16xf32>,
            %get3A_409 = arith.index_cast %add3A_377 : i32 to index
            %get3A_410 = arith.constant 128 : index
            %get3A_411 = tpu.vector_load %arg8[%get3A_409, %get3A_410] {strides = array<i32>} : memref<400x256xf32, #tpu.memory_space<vmem>>, vector<16xf32>,
            %get3A_412 = arith.index_cast %add3A_377 : i32 to index
            %get3A_413 = arith.constant 144 : index
            %get3A_414 = tpu.vector_load %arg8[%get3A_412, %get3A_413] {strides = array<i32>} : memref<400x256xf32, #tpu.memory_space<vmem>>, vector<16xf32>,
            %get3A_415 = arith.index_cast %add3A_377 : i32 to index
            %get3A_416 = arith.constant 160 : index
            %get3A_417 = tpu.vector_load %arg8[%get3A_415, %get3A_416] {strides = array<i32>} : memref<400x256xf32, #tpu.memory_space<vmem>>, vector<16xf32>,
            %get3A_418 = arith.index_cast %add3A_377 : i32 to index
            %get3A_419 = arith.constant 176 : index
            %get3A_420 = tpu.vector_load %arg8[%get3A_418, %get3A_419] {strides = array<i32>} : memref<400x256xf32, #tpu.memory_space<vmem>>, vector<16xf32>,
            %get3A_421 = arith.index_cast %add3A_377 : i32 to index
            %get3A_422 = arith.constant 192 : index
            %get3A_423 = tpu.vector_load %arg8[%get3A_421, %get3A_422] {strides = array<i32>} : memref<400x256xf32, #tpu.memory_space<vmem>>, vector<16xf32>,
            %get3A_424 = arith.index_cast %add3A_377 : i32 to index
            %get3A_425 = arith.constant 208 : index
            %get3A_426 = tpu.vector_load %arg8[%get3A_424, %get3A_425] {strides = array<i32>} : memref<400x256xf32, #tpu.memory_space<vmem>>, vector<16xf32>,
            %get3A_427 = arith.index_cast %add3A_377 : i32 to index
            %get3A_428 = arith.constant 224 : index
            %get3A_429 = tpu.vector_load %arg8[%get3A_427, %get3A_428] {strides = array<i32>} : memref<400x256xf32, #tpu.memory_space<vmem>>, vector<16xf32>,
            %get3A_430 = arith.index_cast %add3A_377 : i32 to index
            %get3A_431 = arith.constant 240 : index
            %get3A_432 = tpu.vector_load %arg8[%get3A_430, %get3A_431] {strides = array<i32>} : memref<400x256xf32, #tpu.memory_space<vmem>>, vector<16xf32>,
            %mul3A_433 = arith.mulf %gather3A_384, %get3A_387 : vector<16xf32>
            %swap3A_434 = arith.constant 0 : index
            %swap3A_435 = tpu.vector_load %arg12[%swap3A_434] {strides = array<i32>} : memref<272xf32, #tpu.memory_space<vmem>>, vector<16xf32>,
            tpu.vector_store %arg12[%swap3A_434], %mul3A_433 {add = true, strides = array<i32>} : memref<272xf32, #tpu.memory_space<vmem>>, vector<16xf32>,
            %mul3A_436 = arith.mulf %gather3A_384, %get3A_390 : vector<16xf32>
            %swap3A_437 = arith.constant 16 : index
            %swap3A_438 = tpu.vector_load %arg12[%swap3A_437] {strides = array<i32>} : memref<272xf32, #tpu.memory_space<vmem>>, vector<16xf32>,
            tpu.vector_store %arg12[%swap3A_437], %mul3A_436 {add = true, strides = array<i32>} : memref<272xf32, #tpu.memory_space<vmem>>, vector<16xf32>,
            %mul3A_439 = arith.mulf %gather3A_384, %get3A_393 : vector<16xf32>
            %swap3A_440 = arith.constant 32 : index
            %swap3A_441 = tpu.vector_load %arg12[%swap3A_440] {strides = array<i32>} : memref<272xf32, #tpu.memory_space<vmem>>, vector<16xf32>,
            tpu.vector_store %arg12[%swap3A_440], %mul3A_439 {add = true, strides = array<i32>} : memref<272xf32, #tpu.memory_space<vmem>>, vector<16xf32>,
            %mul3A_442 = arith.mulf %gather3A_384, %get3A_396 : vector<16xf32>
            %swap3A_443 = arith.constant 48 : index
            %swap3A_444 = tpu.vector_load %arg12[%swap3A_443] {strides = array<i32>} : memref<272xf32, #tpu.memory_space<vmem>>, vector<16xf32>,
            tpu.vector_store %arg12[%swap3A_443], %mul3A_442 {add = true, strides = array<i32>} : memref<272xf32, #tpu.memory_space<vmem>>, vector<16xf32>,
            %mul3A_445 = arith.mulf %gather3A_384, %get3A_399 : vector<16xf32>
            %swap3A_446 = arith.constant 64 : index
            %swap3A_447 = tpu.vector_load %arg12[%swap3A_446] {strides = array<i32>} : memref<272xf32, #tpu.memory_space<vmem>>, vector<16xf32>,
            tpu.vector_store %arg12[%swap3A_446], %mul3A_445 {add = true, strides = array<i32>} : memref<272xf32, #tpu.memory_space<vmem>>, vector<16xf32>,
            %mul3A_448 = arith.mulf %gather3A_384, %get3A_402 : vector<16xf32>
            %swap3A_449 = arith.constant 80 : index
            %swap3A_450 = tpu.vector_load %arg12[%swap3A_449] {strides = array<i32>} : memref<272xf32, #tpu.memory_space<vmem>>, vector<16xf32>,
            tpu.vector_store %arg12[%swap3A_449], %mul3A_448 {add = true, strides = array<i32>} : memref<272xf32, #tpu.memory_space<vmem>>, vector<16xf32>,
            %mul3A_451 = arith.mulf %gather3A_384, %get3A_405 : vector<16xf32>
            %swap3A_452 = arith.constant 96 : index
            %swap3A_453 = tpu.vector_load %arg12[%swap3A_452] {strides = array<i32>} : memref<272xf32, #tpu.memory_space<vmem>>, vector<16xf32>,
            tpu.vector_store %arg12[%swap3A_452], %mul3A_451 {add = true, strides = array<i32>} : memref<272xf32, #tpu.memory_space<vmem>>, vector<16xf32>,
            %mul3A_454 = arith.mulf %gather3A_384, %get3A_408 : vector<16xf32>
            %swap3A_455 = arith.constant 112 : index
            %swap3A_456 = tpu.vector_load %arg12[%swap3A_455] {strides = array<i32>} : memref<272xf32, #tpu.memory_space<vmem>>, vector<16xf32>,
            tpu.vector_store %arg12[%swap3A_455], %mul3A_454 {add = true, strides = array<i32>} : memref<272xf32, #tpu.memory_space<vmem>>, vector<16xf32>,
            %mul3A_457 = arith.mulf %gather3A_384, %get3A_411 : vector<16xf32>
            %swap3A_458 = arith.constant 128 : index
            %swap3A_459 = tpu.vector_load %arg12[%swap3A_458] {strides = array<i32>} : memref<272xf32, #tpu.memory_space<vmem>>, vector<16xf32>,
            tpu.vector_store %arg12[%swap3A_458], %mul3A_457 {add = true, strides = array<i32>} : memref<272xf32, #tpu.memory_space<vmem>>, vector<16xf32>,
            %mul3A_460 = arith.mulf %gather3A_384, %get3A_414 : vector<16xf32>
            %swap3A_461 = arith.constant 144 : index
            %swap3A_462 = tpu.vector_load %arg12[%swap3A_461] {strides = array<i32>} : memref<272xf32, #tpu.memory_space<vmem>>, vector<16xf32>,
            tpu.vector_store %arg12[%swap3A_461], %mul3A_460 {add = true, strides = array<i32>} : memref<272xf32, #tpu.memory_space<vmem>>, vector<16xf32>,
            %mul3A_463 = arith.mulf %gather3A_384, %get3A_417 : vector<16xf32>
            %swap3A_464 = arith.constant 160 : index
            %swap3A_465 = tpu.vector_load %arg12[%swap3A_464] {strides = array<i32>} : memref<272xf32, #tpu.memory_space<vmem>>, vector<16xf32>,
            tpu.vector_store %arg12[%swap3A_464], %mul3A_463 {add = true, strides = array<i32>} : memref<272xf32, #tpu.memory_space<vmem>>, vector<16xf32>,
            %mul3A_466 = arith.mulf %gather3A_384, %get3A_420 : vector<16xf32>
            %swap3A_467 = arith.constant 176 : index
            %swap3A_468 = tpu.vector_load %arg12[%swap3A_467] {strides = array<i32>} : memref<272xf32, #tpu.memory_space<vmem>>, vector<16xf32>,
            tpu.vector_store %arg12[%swap3A_467], %mul3A_466 {add = true, strides = array<i32>} : memref<272xf32, #tpu.memory_space<vmem>>, vector<16xf32>,
            %mul3A_469 = arith.mulf %gather3A_384, %get3A_423 : vector<16xf32>
            %swap3A_470 = arith.constant 192 : index
            %swap3A_471 = tpu.vector_load %arg12[%swap3A_470] {strides = array<i32>} : memref<272xf32, #tpu.memory_space<vmem>>, vector<16xf32>,
            tpu.vector_store %arg12[%swap3A_470], %mul3A_469 {add = true, strides = array<i32>} : memref<272xf32, #tpu.memory_space<vmem>>, vector<16xf32>,
            %mul3A_472 = arith.mulf %gather3A_384, %get3A_426 : vector<16xf32>
            %swap3A_473 = arith.constant 208 : index
            %swap3A_474 = tpu.vector_load %arg12[%swap3A_473] {strides = array<i32>} : memref<272xf32, #tpu.memory_space<vmem>>, vector<16xf32>,
            tpu.vector_store %arg12[%swap3A_473], %mul3A_472 {add = true, strides = array<i32>} : memref<272xf32, #tpu.memory_space<vmem>>, vector<16xf32>,
            %mul3A_475 = arith.mulf %gather3A_384, %get3A_429 : vector<16xf32>
            %swap3A_476 = arith.constant 224 : index
            %swap3A_477 = tpu.vector_load %arg12[%swap3A_476] {strides = array<i32>} : memref<272xf32, #tpu.memory_space<vmem>>, vector<16xf32>,
            tpu.vector_store %arg12[%swap3A_476], %mul3A_475 {add = true, strides = array<i32>} : memref<272xf32, #tpu.memory_space<vmem>>, vector<16xf32>,
            %mul3A_478 = arith.mulf %gather3A_384, %get3A_432 : vector<16xf32>
            %swap3A_479 = arith.constant 240 : index
            %swap3A_480 = tpu.vector_load %arg12[%swap3A_479] {strides = array<i32>} : memref<272xf32, #tpu.memory_space<vmem>>, vector<16xf32>,
            tpu.vector_store %arg12[%swap3A_479], %mul3A_478 {add = true, strides = array<i32>} : memref<272xf32, #tpu.memory_space<vmem>>, vector<16xf32>,
            %swap3A_481 = arith.constant 256 : index
            %swap3A_482 = tpu.vector_load %arg12[%swap3A_481] {strides = array<i32>} : memref<272xf32, #tpu.memory_space<vmem>>, vector<16xf32>,
            tpu.vector_store %arg12[%swap3A_481], %gather3A_384 {add = true, strides = array<i32>} : memref<272xf32, #tpu.memory_space<vmem>>, vector<16xf32>,
            %add3A_483 = arith.constant 2 : i32
            %add3A_484 = arith.addi %mul3A_170, %add3A_483 : i32
            %add3A_485 = arith.addi %mul3A_133, %add3A_484 : i32
            %convert_element_type3A_486 = arith.extui %eq3A_212 : i1 to i32
            %cond3A_487 = arith.constant 0 : i32
            %cond3A_488 = arith.cmpi ne, %convert_element_type3A_486, %cond3A_487 : i32
            scf.if %cond3A_488 {
              %mul3A_711 = arith.constant 224 : i32
              %mul3A_712 = arith.muli %and3A_108, %mul3A_711 : i32
              %add3A_713 = arith.addi %mul3A_712, %mul3A_133 : i32
              %add3A_714 = arith.constant 7 : i32
              %add3A_715 = arith.addi %add3A_713, %add3A_714 : i32
              %add3A_716 = arith.addi %add3A_715, %add3A_484 : i32
              %get3A_717 = arith.index_cast %add3A_716 : i32 to index
              %get3A_718 = tpu.vector_load %arg9[%get3A_717] {strides = array<i32>} : memref<448xi32, #tpu.memory_space<vmem>>, vector<16xi32>,
              %slice3A_719 = vector.extract_strided_slice %get3A_718 {offsets = [0], sizes = [1], strides = [1]} : vector<16xi32> to vector<1xi32>
              %squeeze3A_720 = vector.extract %slice3A_719[0] : i32 from vector<1xi32>
              %eq3A_721 = arith.constant 0 : i32
              %eq3A_722 = arith.cmpi eq, %add3A_205, %eq3A_721 : i32
              %convert_element_type3A_723 = arith.extui %eq3A_722 : i1 to i32
              %cond3A_724 = arith.constant 0 : i32
              %cond3A_725 = arith.cmpi ne, %convert_element_type3A_723, %cond3A_724 : i32
              scf.if %cond3A_725 {
                %mul3A_765 = arith.constant 2 : i32
                %mul3A_766 = arith.muli %mul3A_765, %add3A : i32
                %get3A_767 = arith.constant 0 : index
                %get3A_768 = tpu.vector_load %arg12[%get3A_767] {strides = array<i32>} : memref<272xf32, #tpu.memory_space<vmem>>, vector<16xf32>,
                %swap3A_769 = arith.constant 0 : index
                %swap3A_770 = tpu.vector_load %arg13[%swap3A_769] {strides = array<i32>} : memref<288xf32, #tpu.memory_space<vmem>>, vector<16xf32>,
                tpu.vector_store %arg13[%swap3A_769], %get3A_768 {strides = array<i32>} : memref<288xf32, #tpu.memory_space<vmem>>, vector<16xf32>,
                %get3A_771 = arith.constant 16 : index
                %get3A_772 = tpu.vector_load %arg12[%get3A_771] {strides = array<i32>} : memref<272xf32, #tpu.memory_space<vmem>>, vector<16xf32>,
                %swap3A_773 = arith.constant 16 : index
                %swap3A_774 = tpu.vector_load %arg13[%swap3A_773] {strides = array<i32>} : memref<288xf32, #tpu.memory_space<vmem>>, vector<16xf32>,
                tpu.vector_store %arg13[%swap3A_773], %get3A_772 {strides = array<i32>} : memref<288xf32, #tpu.memory_space<vmem>>, vector<16xf32>,
                %get3A_775 = arith.constant 32 : index
                %get3A_776 = tpu.vector_load %arg12[%get3A_775] {strides = array<i32>} : memref<272xf32, #tpu.memory_space<vmem>>, vector<16xf32>,
                %swap3A_777 = arith.constant 32 : index
                %swap3A_778 = tpu.vector_load %arg13[%swap3A_777] {strides = array<i32>} : memref<288xf32, #tpu.memory_space<vmem>>, vector<16xf32>,
                tpu.vector_store %arg13[%swap3A_777], %get3A_776 {strides = array<i32>} : memref<288xf32, #tpu.memory_space<vmem>>, vector<16xf32>,
                %get3A_779 = arith.constant 48 : index
                %get3A_780 = tpu.vector_load %arg12[%get3A_779] {strides = array<i32>} : memref<272xf32, #tpu.memory_space<vmem>>, vector<16xf32>,
                %swap3A_781 = arith.constant 48 : index
                %swap3A_782 = tpu.vector_load %arg13[%swap3A_781] {strides = array<i32>} : memref<288xf32, #tpu.memory_space<vmem>>, vector<16xf32>,
                tpu.vector_store %arg13[%swap3A_781], %get3A_780 {strides = array<i32>} : memref<288xf32, #tpu.memory_space<vmem>>, vector<16xf32>,
                %get3A_783 = arith.constant 64 : index
                %get3A_784 = tpu.vector_load %arg12[%get3A_783] {strides = array<i32>} : memref<272xf32, #tpu.memory_space<vmem>>, vector<16xf32>,
                %swap3A_785 = arith.constant 64 : index
                %swap3A_786 = tpu.vector_load %arg13[%swap3A_785] {strides = array<i32>} : memref<288xf32, #tpu.memory_space<vmem>>, vector<16xf32>,
                tpu.vector_store %arg13[%swap3A_785], %get3A_784 {strides = array<i32>} : memref<288xf32, #tpu.memory_space<vmem>>, vector<16xf32>,
                %get3A_787 = arith.constant 80 : index
                %get3A_788 = tpu.vector_load %arg12[%get3A_787] {strides = array<i32>} : memref<272xf32, #tpu.memory_space<vmem>>, vector<16xf32>,
                %swap3A_789 = arith.constant 80 : index
                %swap3A_790 = tpu.vector_load %arg13[%swap3A_789] {strides = array<i32>} : memref<288xf32, #tpu.memory_space<vmem>>, vector<16xf32>,
                tpu.vector_store %arg13[%swap3A_789], %get3A_788 {strides = array<i32>} : memref<288xf32, #tpu.memory_space<vmem>>, vector<16xf32>,
                %get3A_791 = arith.constant 96 : index
                %get3A_792 = tpu.vector_load %arg12[%get3A_791] {strides = array<i32>} : memref<272xf32, #tpu.memory_space<vmem>>, vector<16xf32>,
                %swap3A_793 = arith.constant 96 : index
                %swap3A_794 = tpu.vector_load %arg13[%swap3A_793] {strides = array<i32>} : memref<288xf32, #tpu.memory_space<vmem>>, vector<16xf32>,
                tpu.vector_store %arg13[%swap3A_793], %get3A_792 {strides = array<i32>} : memref<288xf32, #tpu.memory_space<vmem>>, vector<16xf32>,
                %get3A_795 = arith.constant 112 : index
                %get3A_796 = tpu.vector_load %arg12[%get3A_795] {strides = array<i32>} : memref<272xf32, #tpu.memory_space<vmem>>, vector<16xf32>,
                %swap3A_797 = arith.constant 112 : index
                %swap3A_798 = tpu.vector_load %arg13[%swap3A_797] {strides = array<i32>} : memref<288xf32, #tpu.memory_space<vmem>>, vector<16xf32>,
                tpu.vector_store %arg13[%swap3A_797], %get3A_796 {strides = array<i32>} : memref<288xf32, #tpu.memory_space<vmem>>, vector<16xf32>,
                %get3A_799 = arith.constant 128 : index
                %get3A_800 = tpu.vector_load %arg12[%get3A_799] {strides = array<i32>} : memref<272xf32, #tpu.memory_space<vmem>>, vector<16xf32>,
                %swap3A_801 = arith.constant 128 : index
                %swap3A_802 = tpu.vector_load %arg13[%swap3A_801] {strides = array<i32>} : memref<288xf32, #tpu.memory_space<vmem>>, vector<16xf32>,
                tpu.vector_store %arg13[%swap3A_801], %get3A_800 {strides = array<i32>} : memref<288xf32, #tpu.memory_space<vmem>>, vector<16xf32>,
                %get3A_803 = arith.constant 144 : index
                %get3A_804 = tpu.vector_load %arg12[%get3A_803] {strides = array<i32>} : memref<272xf32, #tpu.memory_space<vmem>>, vector<16xf32>,
                %swap3A_805 = arith.constant 144 : index
                %swap3A_806 = tpu.vector_load %arg13[%swap3A_805] {strides = array<i32>} : memref<288xf32, #tpu.memory_space<vmem>>, vector<16xf32>,
                tpu.vector_store %arg13[%swap3A_805], %get3A_804 {strides = array<i32>} : memref<288xf32, #tpu.memory_space<vmem>>, vector<16xf32>,
                %get3A_807 = arith.constant 160 : index
                %get3A_808 = tpu.vector_load %arg12[%get3A_807] {strides = array<i32>} : memref<272xf32, #tpu.memory_space<vmem>>, vector<16xf32>,
                %swap3A_809 = arith.constant 160 : index
                %swap3A_810 = tpu.vector_load %arg13[%swap3A_809] {strides = array<i32>} : memref<288xf32, #tpu.memory_space<vmem>>, vector<16xf32>,
                tpu.vector_store %arg13[%swap3A_809], %get3A_808 {strides = array<i32>} : memref<288xf32, #tpu.memory_space<vmem>>, vector<16xf32>,
                %get3A_811 = arith.constant 176 : index
                %get3A_812 = tpu.vector_load %arg12[%get3A_811] {strides = array<i32>} : memref<272xf32, #tpu.memory_space<vmem>>, vector<16xf32>,
                %swap3A_813 = arith.constant 176 : index
                %swap3A_814 = tpu.vector_load %arg13[%swap3A_813] {strides = array<i32>} : memref<288xf32, #tpu.memory_space<vmem>>, vector<16xf32>,
                tpu.vector_store %arg13[%swap3A_813], %get3A_812 {strides = array<i32>} : memref<288xf32, #tpu.memory_space<vmem>>, vector<16xf32>,
                %get3A_815 = arith.constant 192 : index
                %get3A_816 = tpu.vector_load %arg12[%get3A_815] {strides = array<i32>} : memref<272xf32, #tpu.memory_space<vmem>>, vector<16xf32>,
                %swap3A_817 = arith.constant 192 : index
                %swap3A_818 = tpu.vector_load %arg13[%swap3A_817] {strides = array<i32>} : memref<288xf32, #tpu.memory_space<vmem>>, vector<16xf32>,
                tpu.vector_store %arg13[%swap3A_817], %get3A_816 {strides = array<i32>} : memref<288xf32, #tpu.memory_space<vmem>>, vector<16xf32>,
                %get3A_819 = arith.constant 208 : index
                %get3A_820 = tpu.vector_load %arg12[%get3A_819] {strides = array<i32>} : memref<272xf32, #tpu.memory_space<vmem>>, vector<16xf32>,
                %swap3A_821 = arith.constant 208 : index
                %swap3A_822 = tpu.vector_load %arg13[%swap3A_821] {strides = array<i32>} : memref<288xf32, #tpu.memory_space<vmem>>, vector<16xf32>,
                tpu.vector_store %arg13[%swap3A_821], %get3A_820 {strides = array<i32>} : memref<288xf32, #tpu.memory_space<vmem>>, vector<16xf32>,
                %get3A_823 = arith.constant 224 : index
                %get3A_824 = tpu.vector_load %arg12[%get3A_823] {strides = array<i32>} : memref<272xf32, #tpu.memory_space<vmem>>, vector<16xf32>,
                %swap3A_825 = arith.constant 224 : index
                %swap3A_826 = tpu.vector_load %arg13[%swap3A_825] {strides = array<i32>} : memref<288xf32, #tpu.memory_space<vmem>>, vector<16xf32>,
                tpu.vector_store %arg13[%swap3A_825], %get3A_824 {strides = array<i32>} : memref<288xf32, #tpu.memory_space<vmem>>, vector<16xf32>,
                %get3A_827 = arith.constant 240 : index
                %get3A_828 = tpu.vector_load %arg12[%get3A_827] {strides = array<i32>} : memref<272xf32, #tpu.memory_space<vmem>>, vector<16xf32>,
                %swap3A_829 = arith.constant 240 : index
                %swap3A_830 = tpu.vector_load %arg13[%swap3A_829] {strides = array<i32>} : memref<288xf32, #tpu.memory_space<vmem>>, vector<16xf32>,
                tpu.vector_store %arg13[%swap3A_829], %get3A_828 {strides = array<i32>} : memref<288xf32, #tpu.memory_space<vmem>>, vector<16xf32>,
                %get3A_831 = arith.constant 256 : index
                %get3A_832 = tpu.vector_load %arg12[%get3A_831] {strides = array<i32>} : memref<272xf32, #tpu.memory_space<vmem>>, vector<16xf32>,
                %swap3A_833 = arith.constant 256 : index
                %swap3A_834 = tpu.vector_load %arg13[%swap3A_833] {strides = array<i32>} : memref<288xf32, #tpu.memory_space<vmem>>, vector<16xf32>,
                tpu.vector_store %arg13[%swap3A_833], %get3A_832 {strides = array<i32>} : memref<288xf32, #tpu.memory_space<vmem>>, vector<16xf32>,
                %broadcast_in_dim3A_835 = vector.broadcast %squeeze3A_720 : i32 to vector<16xi32>
                %convert_element_type3A_836 = arith.sitofp %broadcast_in_dim3A_835 : vector<16xi32> to vector<16xf32>
                %swap3A_837 = arith.constant 272 : index
                %swap3A_838 = tpu.vector_load %arg13[%swap3A_837] {strides = array<i32>} : memref<288xf32, #tpu.memory_space<vmem>>, vector<16xf32>,
                tpu.vector_store %arg13[%swap3A_837], %convert_element_type3A_836 {strides = array<i32>} : memref<288xf32, #tpu.memory_space<vmem>>, vector<16xf32>,
                "tpu.region"() ({
                  %run_scoped3A = tpu.sem_alloc : memref<!tpu.dma_semaphore, #tpu.memory_space<semaphore_mem>>
                  %dma_start3A_839 = arith.constant 0 : i32
                  %dma_start3A_840 = tpu.memref_slice %arg6[%mul3A_766, %dma_start3A_839] : memref<64x288xf32, #tpu.memory_space<hbm>> -> memref<1x288xf32, #tpu.memory_space<hbm>>
                  %dma_start3A_841 = tpu.memref_squeeze %dma_start3A_840 : memref<1x288xf32, #tpu.memory_space<hbm>> -> memref<288xf32, #tpu.memory_space<hbm>>
                  %dma_start3A_842 = arith.constant 0 : i32
                  %dma_start3A_843 = tpu.memref_slice %arg6[%mul3A_766, %dma_start3A_842] : memref<64x288xf32, #tpu.memory_space<hbm>> -> memref<1x288xf32, #tpu.memory_space<hbm>>
                  %dma_start3A_844 = tpu.memref_squeeze %dma_start3A_843 : memref<1x288xf32, #tpu.memory_space<hbm>> -> memref<288xf32, #tpu.memory_space<hbm>>
                  tpu.enqueue_dma source(%arg13 : memref<288xf32, #tpu.memory_space<vmem>>) target(%dma_start3A_844 : memref<288xf32, #tpu.memory_space<hbm>>) target_semaphore(%run_scoped3A : memref<!tpu.dma_semaphore, #tpu.memory_space<semaphore_mem>>)
                  %dma_wait3A = arith.constant 0 : i32
                  %dma_wait3A_845 = tpu.memref_slice %arg6[%mul3A_766, %dma_wait3A] : memref<64x288xf32, #tpu.memory_space<hbm>> -> memref<1x288xf32, #tpu.memory_space<hbm>>
                  %dma_wait3A_846 = tpu.memref_squeeze %dma_wait3A_845 : memref<1x288xf32, #tpu.memory_space<hbm>> -> memref<288xf32, #tpu.memory_space<hbm>>
                  %dma_wait3A_847 = arith.constant 0 : i32
                  %dma_wait3A_848 = tpu.memref_slice %arg6[%mul3A_766, %dma_wait3A_847] : memref<64x288xf32, #tpu.memory_space<hbm>> -> memref<1x288xf32, #tpu.memory_space<hbm>>
                  %dma_wait3A_849 = tpu.memref_squeeze %dma_wait3A_848 : memref<1x288xf32, #tpu.memory_space<hbm>> -> memref<288xf32, #tpu.memory_space<hbm>>
                  tpu.wait_dma2 semaphore(%run_scoped3A : memref<!tpu.dma_semaphore, #tpu.memory_space<semaphore_mem>>) src(%arg13 : memref<288xf32, #tpu.memory_space<vmem>>) dst(%dma_wait3A_849 : memref<288xf32, #tpu.memory_space<hbm>>)
                  tpu.yield
                }) : () -> ()
              } else {
              }
              %gt3A_726 = arith.constant 0 : i32
              %gt3A_727 = arith.cmpi sgt, %add3A_205, %gt3A_726 : i32
              %convert_element_type3A_728 = arith.extui %gt3A_727 : i1 to i32
              %cond3A_729 = arith.constant 0 : i32
              %cond3A_730 = arith.cmpi ne, %convert_element_type3A_728, %cond3A_729 : i32
              scf.if %cond3A_730 {
                %and3A_765 = arith.constant 3 : i32
                %and3A_766 = arith.andi %add3A_201, %and3A_765 : i32
                %eq3A_767 = arith.constant 0 : i32
                %eq3A_768 = arith.cmpi eq, %and3A_766, %eq3A_767 : i32
                %gt3A_769 = arith.constant 0 : i32
                %gt3A_770 = arith.cmpi sgt, %add3A_201, %gt3A_769 : i32
                %and3A_771 = arith.andi %eq3A_768, %gt3A_770 : i1
                %convert_element_type3A_772 = arith.extui %and3A_771 : i1 to i32
                %cond3A_773 = arith.constant 0 : i32
                %cond3A_774 = arith.cmpi ne, %convert_element_type3A_772, %cond3A_773 : i32
                scf.if %cond3A_774 {
                  %dma_wait3A = arith.constant 0 : i32
                  %dma_wait3A_887 = arith.constant 0 : i32
                  %dma_wait3A_888 = arith.constant 0 : i32
                  %dma_wait3A_889 = tpu.memref_slice %arg11[%dma_wait3A_887, %dma_wait3A_888] : memref<4x256xf32, #tpu.memory_space<vmem>> -> memref<1x256xf32, #tpu.memory_space<vmem>>
                  %dma_wait3A_890 = tpu.memref_squeeze %dma_wait3A_889 : memref<1x256xf32, #tpu.memory_space<vmem>> -> memref<256xf32, #tpu.memory_space<vmem>>
                  %dma_wait3A_891 = arith.constant 0 : i32
                  %dma_wait3A_892 = tpu.memref_slice %arg5[%dma_wait3A, %dma_wait3A_891] : memref<10000x256xf32, #tpu.memory_space<hbm>> -> memref<1x256xf32, #tpu.memory_space<hbm>>
                  %dma_wait3A_893 = tpu.memref_squeeze %dma_wait3A_892 : memref<1x256xf32, #tpu.memory_space<hbm>> -> memref<256xf32, #tpu.memory_space<hbm>>
                  %dma_wait3A_894 = arith.constant 0 : i32
                  %dma_wait3A_895 = tpu.memref_slice %arg11[%dma_wait3A_887, %dma_wait3A_894] : memref<4x256xf32, #tpu.memory_space<vmem>> -> memref<1x256xf32, #tpu.memory_space<vmem>>
                  %dma_wait3A_896 = tpu.memref_squeeze %dma_wait3A_895 : memref<1x256xf32, #tpu.memory_space<vmem>> -> memref<256xf32, #tpu.memory_space<vmem>>
                  %dma_wait3A_897 = arith.constant 0 : i32
                  %dma_wait3A_898 = tpu.memref_slice %arg5[%dma_wait3A, %dma_wait3A_897] : memref<10000x256xf32, #tpu.memory_space<hbm>> -> memref<1x256xf32, #tpu.memory_space<hbm>>
                  %dma_wait3A_899 = tpu.memref_squeeze %dma_wait3A_898 : memref<1x256xf32, #tpu.memory_space<hbm>> -> memref<256xf32, #tpu.memory_space<hbm>>
                  tpu.wait_dma2 semaphore(%arg16 : memref<!tpu.dma_semaphore, #tpu.memory_space<semaphore_mem>>) src(%dma_wait3A_899 : memref<256xf32, #tpu.memory_space<hbm>>) dst(%dma_wait3A_896 : memref<256xf32, #tpu.memory_space<vmem>>)
                  %dma_wait3A_900 = arith.constant 0 : i32
                  %dma_wait3A_901 = arith.constant 0 : i32
                  %dma_wait3A_902 = arith.constant 0 : i32
                  %dma_wait3A_903 = tpu.memref_slice %arg11[%dma_wait3A_901, %dma_wait3A_902] : memref<4x256xf32, #tpu.memory_space<vmem>> -> memref<1x256xf32, #tpu.memory_space<vmem>>
                  %dma_wait3A_904 = tpu.memref_squeeze %dma_wait3A_903 : memref<1x256xf32, #tpu.memory_space<vmem>> -> memref<256xf32, #tpu.memory_space<vmem>>
                  %dma_wait3A_905 = arith.constant 0 : i32
                  %dma_wait3A_906 = tpu.memref_slice %arg5[%dma_wait3A_900, %dma_wait3A_905] : memref<10000x256xf32, #tpu.memory_space<hbm>> -> memref<1x256xf32, #tpu.memory_space<hbm>>
                  %dma_wait3A_907 = tpu.memref_squeeze %dma_wait3A_906 : memref<1x256xf32, #tpu.memory_space<hbm>> -> memref<256xf32, #tpu.memory_space<hbm>>
                  %dma_wait3A_908 = arith.constant 0 : i32
                  %dma_wait3A_909 = tpu.memref_slice %arg11[%dma_wait3A_901, %dma_wait3A_908] : memref<4x256xf32, #tpu.memory_space<vmem>> -> memref<1x256xf32, #tpu.memory_space<vmem>>
                  %dma_wait3A_910 = tpu.memref_squeeze %dma_wait3A_909 : memref<1x256xf32, #tpu.memory_space<vmem>> -> memref<256xf32, #tpu.memory_space<vmem>>
                  %dma_wait3A_911 = arith.constant 0 : i32
                  %dma_wait3A_912 = tpu.memref_slice %arg5[%dma_wait3A_900, %dma_wait3A_911] : memref<10000x256xf32, #tpu.memory_space<hbm>> -> memref<1x256xf32, #tpu.memory_space<hbm>>
                  %dma_wait3A_913 = tpu.memref_squeeze %dma_wait3A_912 : memref<1x256xf32, #tpu.memory_space<hbm>> -> memref<256xf32, #tpu.memory_space<hbm>>
                  tpu.wait_dma2 semaphore(%arg16 : memref<!tpu.dma_semaphore, #tpu.memory_space<semaphore_mem>>) src(%dma_wait3A_913 : memref<256xf32, #tpu.memory_space<hbm>>) dst(%dma_wait3A_910 : memref<256xf32, #tpu.memory_space<vmem>>)
                  %dma_wait3A_914 = arith.constant 0 : i32
                  %dma_wait3A_915 = arith.constant 0 : i32
                  %dma_wait3A_916 = arith.constant 0 : i32
                  %dma_wait3A_917 = tpu.memref_slice %arg11[%dma_wait3A_915, %dma_wait3A_916] : memref<4x256xf32, #tpu.memory_space<vmem>> -> memref<1x256xf32, #tpu.memory_space<vmem>>
                  %dma_wait3A_918 = tpu.memref_squeeze %dma_wait3A_917 : memref<1x256xf32, #tpu.memory_space<vmem>> -> memref<256xf32, #tpu.memory_space<vmem>>
                  %dma_wait3A_919 = arith.constant 0 : i32
                  %dma_wait3A_920 = tpu.memref_slice %arg5[%dma_wait3A_914, %dma_wait3A_919] : memref<10000x256xf32, #tpu.memory_space<hbm>> -> memref<1x256xf32, #tpu.memory_space<hbm>>
                  %dma_wait3A_921 = tpu.memref_squeeze %dma_wait3A_920 : memref<1x256xf32, #tpu.memory_space<hbm>> -> memref<256xf32, #tpu.memory_space<hbm>>
                  %dma_wait3A_922 = arith.constant 0 : i32
                  %dma_wait3A_923 = tpu.memref_slice %arg11[%dma_wait3A_915, %dma_wait3A_922] : memref<4x256xf32, #tpu.memory_space<vmem>> -> memref<1x256xf32, #tpu.memory_space<vmem>>
                  %dma_wait3A_924 = tpu.memref_squeeze %dma_wait3A_923 : memref<1x256xf32, #tpu.memory_space<vmem>> -> memref<256xf32, #tpu.memory_space<vmem>>
                  %dma_wait3A_925 = arith.constant 0 : i32
                  %dma_wait3A_926 = tpu.memref_slice %arg5[%dma_wait3A_914, %dma_wait3A_925] : memref<10000x256xf32, #tpu.memory_space<hbm>> -> memref<1x256xf32, #tpu.memory_space<hbm>>
                  %dma_wait3A_927 = tpu.memref_squeeze %dma_wait3A_926 : memref<1x256xf32, #tpu.memory_space<hbm>> -> memref<256xf32, #tpu.memory_space<hbm>>
                  tpu.wait_dma2 semaphore(%arg16 : memref<!tpu.dma_semaphore, #tpu.memory_space<semaphore_mem>>) src(%dma_wait3A_927 : memref<256xf32, #tpu.memory_space<hbm>>) dst(%dma_wait3A_924 : memref<256xf32, #tpu.memory_space<vmem>>)
                  %dma_wait3A_928 = arith.constant 0 : i32
                  %dma_wait3A_929 = arith.constant 0 : i32
                  %dma_wait3A_930 = arith.constant 0 : i32
                  %dma_wait3A_931 = tpu.memref_slice %arg11[%dma_wait3A_929, %dma_wait3A_930] : memref<4x256xf32, #tpu.memory_space<vmem>> -> memref<1x256xf32, #tpu.memory_space<vmem>>
                  %dma_wait3A_932 = tpu.memref_squeeze %dma_wait3A_931 : memref<1x256xf32, #tpu.memory_space<vmem>> -> memref<256xf32, #tpu.memory_space<vmem>>
                  %dma_wait3A_933 = arith.constant 0 : i32
                  %dma_wait3A_934 = tpu.memref_slice %arg5[%dma_wait3A_928, %dma_wait3A_933] : memref<10000x256xf32, #tpu.memory_space<hbm>> -> memref<1x256xf32, #tpu.memory_space<hbm>>
                  %dma_wait3A_935 = tpu.memref_squeeze %dma_wait3A_934 : memref<1x256xf32, #tpu.memory_space<hbm>> -> memref<256xf32, #tpu.memory_space<hbm>>
                  %dma_wait3A_936 = arith.constant 0 : i32
                  %dma_wait3A_937 = tpu.memref_slice %arg11[%dma_wait3A_929, %dma_wait3A_936] : memref<4x256xf32, #tpu.memory_space<vmem>> -> memref<1x256xf32, #tpu.memory_space<vmem>>
                  %dma_wait3A_938 = tpu.memref_squeeze %dma_wait3A_937 : memref<1x256xf32, #tpu.memory_space<vmem>> -> memref<256xf32, #tpu.memory_space<vmem>>
                  %dma_wait3A_939 = arith.constant 0 : i32
                  %dma_wait3A_940 = tpu.memref_slice %arg5[%dma_wait3A_928, %dma_wait3A_939] : memref<10000x256xf32, #tpu.memory_space<hbm>> -> memref<1x256xf32, #tpu.memory_space<hbm>>
                  %dma_wait3A_941 = tpu.memref_squeeze %dma_wait3A_940 : memref<1x256xf32, #tpu.memory_space<hbm>> -> memref<256xf32, #tpu.memory_space<hbm>>
                  tpu.wait_dma2 semaphore(%arg16 : memref<!tpu.dma_semaphore, #tpu.memory_space<semaphore_mem>>) src(%dma_wait3A_941 : memref<256xf32, #tpu.memory_space<hbm>>) dst(%dma_wait3A_938 : memref<256xf32, #tpu.memory_space<vmem>>)
                } else {
                }
                %get3A_775 = arith.constant 256 : index
                %get3A_776 = tpu.vector_load %arg12[%get3A_775] {strides = array<i32>} : memref<272xf32, #tpu.memory_space<vmem>>, vector<16xf32>,
                %div3A = arith.constant 1.000000e+00 : f32
                %div3A_777 = vector.broadcast %div3A : f32 to vector<16xf32>
                %div3A_778 = arith.divf %div3A_777, %get3A_776 : vector<16xf32>
                %get3A_779 = arith.constant 0 : index
                %get3A_780 = tpu.vector_load %arg12[%get3A_779] {strides = array<i32>} : memref<272xf32, #tpu.memory_space<vmem>>, vector<16xf32>,
                %mul3A_781 = arith.mulf %get3A_780, %div3A_778 : vector<16xf32>
                %swap3A_782 = arith.index_cast %and3A_766 : i32 to index
                %swap3A_783 = arith.constant 0 : index
                %swap3A_784 = tpu.vector_load %arg11[%swap3A_782, %swap3A_783] {strides = array<i32>} : memref<4x256xf32, #tpu.memory_space<vmem>>, vector<16xf32>,
                tpu.vector_store %arg11[%swap3A_782, %swap3A_783], %mul3A_781 {strides = array<i32>} : memref<4x256xf32, #tpu.memory_space<vmem>>, vector<16xf32>,
                %get3A_785 = arith.constant 16 : index
                %get3A_786 = tpu.vector_load %arg12[%get3A_785] {strides = array<i32>} : memref<272xf32, #tpu.memory_space<vmem>>, vector<16xf32>,
                %mul3A_787 = arith.mulf %get3A_786, %div3A_778 : vector<16xf32>
                %swap3A_788 = arith.index_cast %and3A_766 : i32 to index
                %swap3A_789 = arith.constant 16 : index
                %swap3A_790 = tpu.vector_load %arg11[%swap3A_788, %swap3A_789] {strides = array<i32>} : memref<4x256xf32, #tpu.memory_space<vmem>>, vector<16xf32>,
                tpu.vector_store %arg11[%swap3A_788, %swap3A_789], %mul3A_787 {strides = array<i32>} : memref<4x256xf32, #tpu.memory_space<vmem>>, vector<16xf32>,
                %get3A_791 = arith.constant 32 : index
                %get3A_792 = tpu.vector_load %arg12[%get3A_791] {strides = array<i32>} : memref<272xf32, #tpu.memory_space<vmem>>, vector<16xf32>,
                %mul3A_793 = arith.mulf %get3A_792, %div3A_778 : vector<16xf32>
                %swap3A_794 = arith.index_cast %and3A_766 : i32 to index
                %swap3A_795 = arith.constant 32 : index
                %swap3A_796 = tpu.vector_load %arg11[%swap3A_794, %swap3A_795] {strides = array<i32>} : memref<4x256xf32, #tpu.memory_space<vmem>>, vector<16xf32>,
                tpu.vector_store %arg11[%swap3A_794, %swap3A_795], %mul3A_793 {strides = array<i32>} : memref<4x256xf32, #tpu.memory_space<vmem>>, vector<16xf32>,
                %get3A_797 = arith.constant 48 : index
                %get3A_798 = tpu.vector_load %arg12[%get3A_797] {strides = array<i32>} : memref<272xf32, #tpu.memory_space<vmem>>, vector<16xf32>,
                %mul3A_799 = arith.mulf %get3A_798, %div3A_778 : vector<16xf32>
                %swap3A_800 = arith.index_cast %and3A_766 : i32 to index
                %swap3A_801 = arith.constant 48 : index
                %swap3A_802 = tpu.vector_load %arg11[%swap3A_800, %swap3A_801] {strides = array<i32>} : memref<4x256xf32, #tpu.memory_space<vmem>>, vector<16xf32>,
                tpu.vector_store %arg11[%swap3A_800, %swap3A_801], %mul3A_799 {strides = array<i32>} : memref<4x256xf32, #tpu.memory_space<vmem>>, vector<16xf32>,
                %get3A_803 = arith.constant 64 : index
                %get3A_804 = tpu.vector_load %arg12[%get3A_803] {strides = array<i32>} : memref<272xf32, #tpu.memory_space<vmem>>, vector<16xf32>,
                %mul3A_805 = arith.mulf %get3A_804, %div3A_778 : vector<16xf32>
                %swap3A_806 = arith.index_cast %and3A_766 : i32 to index
                %swap3A_807 = arith.constant 64 : index
                %swap3A_808 = tpu.vector_load %arg11[%swap3A_806, %swap3A_807] {strides = array<i32>} : memref<4x256xf32, #tpu.memory_space<vmem>>, vector<16xf32>,
                tpu.vector_store %arg11[%swap3A_806, %swap3A_807], %mul3A_805 {strides = array<i32>} : memref<4x256xf32, #tpu.memory_space<vmem>>, vector<16xf32>,
                %get3A_809 = arith.constant 80 : index
                %get3A_810 = tpu.vector_load %arg12[%get3A_809] {strides = array<i32>} : memref<272xf32, #tpu.memory_space<vmem>>, vector<16xf32>,
                %mul3A_811 = arith.mulf %get3A_810, %div3A_778 : vector<16xf32>
                %swap3A_812 = arith.index_cast %and3A_766 : i32 to index
                %swap3A_813 = arith.constant 80 : index
                %swap3A_814 = tpu.vector_load %arg11[%swap3A_812, %swap3A_813] {strides = array<i32>} : memref<4x256xf32, #tpu.memory_space<vmem>>, vector<16xf32>,
                tpu.vector_store %arg11[%swap3A_812, %swap3A_813], %mul3A_811 {strides = array<i32>} : memref<4x256xf32, #tpu.memory_space<vmem>>, vector<16xf32>,
                %get3A_815 = arith.constant 96 : index
                %get3A_816 = tpu.vector_load %arg12[%get3A_815] {strides = array<i32>} : memref<272xf32, #tpu.memory_space<vmem>>, vector<16xf32>,
                %mul3A_817 = arith.mulf %get3A_816, %div3A_778 : vector<16xf32>
                %swap3A_818 = arith.index_cast %and3A_766 : i32 to index
                %swap3A_819 = arith.constant 96 : index
                %swap3A_820 = tpu.vector_load %arg11[%swap3A_818, %swap3A_819] {strides = array<i32>} : memref<4x256xf32, #tpu.memory_space<vmem>>, vector<16xf32>,
                tpu.vector_store %arg11[%swap3A_818, %swap3A_819], %mul3A_817 {strides = array<i32>} : memref<4x256xf32, #tpu.memory_space<vmem>>, vector<16xf32>,
                %get3A_821 = arith.constant 112 : index
                %get3A_822 = tpu.vector_load %arg12[%get3A_821] {strides = array<i32>} : memref<272xf32, #tpu.memory_space<vmem>>, vector<16xf32>,
                %mul3A_823 = arith.mulf %get3A_822, %div3A_778 : vector<16xf32>
                %swap3A_824 = arith.index_cast %and3A_766 : i32 to index
                %swap3A_825 = arith.constant 112 : index
                %swap3A_826 = tpu.vector_load %arg11[%swap3A_824, %swap3A_825] {strides = array<i32>} : memref<4x256xf32, #tpu.memory_space<vmem>>, vector<16xf32>,
                tpu.vector_store %arg11[%swap3A_824, %swap3A_825], %mul3A_823 {strides = array<i32>} : memref<4x256xf32, #tpu.memory_space<vmem>>, vector<16xf32>,
                %get3A_827 = arith.constant 128 : index
                %get3A_828 = tpu.vector_load %arg12[%get3A_827] {strides = array<i32>} : memref<272xf32, #tpu.memory_space<vmem>>, vector<16xf32>,
                %mul3A_829 = arith.mulf %get3A_828, %div3A_778 : vector<16xf32>
                %swap3A_830 = arith.index_cast %and3A_766 : i32 to index
                %swap3A_831 = arith.constant 128 : index
                %swap3A_832 = tpu.vector_load %arg11[%swap3A_830, %swap3A_831] {strides = array<i32>} : memref<4x256xf32, #tpu.memory_space<vmem>>, vector<16xf32>,
                tpu.vector_store %arg11[%swap3A_830, %swap3A_831], %mul3A_829 {strides = array<i32>} : memref<4x256xf32, #tpu.memory_space<vmem>>, vector<16xf32>,
                %get3A_833 = arith.constant 144 : index
                %get3A_834 = tpu.vector_load %arg12[%get3A_833] {strides = array<i32>} : memref<272xf32, #tpu.memory_space<vmem>>, vector<16xf32>,
                %mul3A_835 = arith.mulf %get3A_834, %div3A_778 : vector<16xf32>
                %swap3A_836 = arith.index_cast %and3A_766 : i32 to index
                %swap3A_837 = arith.constant 144 : index
                %swap3A_838 = tpu.vector_load %arg11[%swap3A_836, %swap3A_837] {strides = array<i32>} : memref<4x256xf32, #tpu.memory_space<vmem>>, vector<16xf32>,
                tpu.vector_store %arg11[%swap3A_836, %swap3A_837], %mul3A_835 {strides = array<i32>} : memref<4x256xf32, #tpu.memory_space<vmem>>, vector<16xf32>,
                %get3A_839 = arith.constant 160 : index
                %get3A_840 = tpu.vector_load %arg12[%get3A_839] {strides = array<i32>} : memref<272xf32, #tpu.memory_space<vmem>>, vector<16xf32>,
                %mul3A_841 = arith.mulf %get3A_840, %div3A_778 : vector<16xf32>
                %swap3A_842 = arith.index_cast %and3A_766 : i32 to index
                %swap3A_843 = arith.constant 160 : index
                %swap3A_844 = tpu.vector_load %arg11[%swap3A_842, %swap3A_843] {strides = array<i32>} : memref<4x256xf32, #tpu.memory_space<vmem>>, vector<16xf32>,
                tpu.vector_store %arg11[%swap3A_842, %swap3A_843], %mul3A_841 {strides = array<i32>} : memref<4x256xf32, #tpu.memory_space<vmem>>, vector<16xf32>,
                %get3A_845 = arith.constant 176 : index
                %get3A_846 = tpu.vector_load %arg12[%get3A_845] {strides = array<i32>} : memref<272xf32, #tpu.memory_space<vmem>>, vector<16xf32>,
                %mul3A_847 = arith.mulf %get3A_846, %div3A_778 : vector<16xf32>
                %swap3A_848 = arith.index_cast %and3A_766 : i32 to index
                %swap3A_849 = arith.constant 176 : index
                %swap3A_850 = tpu.vector_load %arg11[%swap3A_848, %swap3A_849] {strides = array<i32>} : memref<4x256xf32, #tpu.memory_space<vmem>>, vector<16xf32>,
                tpu.vector_store %arg11[%swap3A_848, %swap3A_849], %mul3A_847 {strides = array<i32>} : memref<4x256xf32, #tpu.memory_space<vmem>>, vector<16xf32>,
                %get3A_851 = arith.constant 192 : index
                %get3A_852 = tpu.vector_load %arg12[%get3A_851] {strides = array<i32>} : memref<272xf32, #tpu.memory_space<vmem>>, vector<16xf32>,
                %mul3A_853 = arith.mulf %get3A_852, %div3A_778 : vector<16xf32>
                %swap3A_854 = arith.index_cast %and3A_766 : i32 to index
                %swap3A_855 = arith.constant 192 : index
                %swap3A_856 = tpu.vector_load %arg11[%swap3A_854, %swap3A_855] {strides = array<i32>} : memref<4x256xf32, #tpu.memory_space<vmem>>, vector<16xf32>,
                tpu.vector_store %arg11[%swap3A_854, %swap3A_855], %mul3A_853 {strides = array<i32>} : memref<4x256xf32, #tpu.memory_space<vmem>>, vector<16xf32>,
                %get3A_857 = arith.constant 208 : index
                %get3A_858 = tpu.vector_load %arg12[%get3A_857] {strides = array<i32>} : memref<272xf32, #tpu.memory_space<vmem>>, vector<16xf32>,
                %mul3A_859 = arith.mulf %get3A_858, %div3A_778 : vector<16xf32>
                %swap3A_860 = arith.index_cast %and3A_766 : i32 to index
                %swap3A_861 = arith.constant 208 : index
                %swap3A_862 = tpu.vector_load %arg11[%swap3A_860, %swap3A_861] {strides = array<i32>} : memref<4x256xf32, #tpu.memory_space<vmem>>, vector<16xf32>,
                tpu.vector_store %arg11[%swap3A_860, %swap3A_861], %mul3A_859 {strides = array<i32>} : memref<4x256xf32, #tpu.memory_space<vmem>>, vector<16xf32>,
                %get3A_863 = arith.constant 224 : index
                %get3A_864 = tpu.vector_load %arg12[%get3A_863] {strides = array<i32>} : memref<272xf32, #tpu.memory_space<vmem>>, vector<16xf32>,
                %mul3A_865 = arith.mulf %get3A_864, %div3A_778 : vector<16xf32>
                %swap3A_866 = arith.index_cast %and3A_766 : i32 to index
                %swap3A_867 = arith.constant 224 : index
                %swap3A_868 = tpu.vector_load %arg11[%swap3A_866, %swap3A_867] {strides = array<i32>} : memref<4x256xf32, #tpu.memory_space<vmem>>, vector<16xf32>,
                tpu.vector_store %arg11[%swap3A_866, %swap3A_867], %mul3A_865 {strides = array<i32>} : memref<4x256xf32, #tpu.memory_space<vmem>>, vector<16xf32>,
                %get3A_869 = arith.constant 240 : index
                %get3A_870 = tpu.vector_load %arg12[%get3A_869] {strides = array<i32>} : memref<272xf32, #tpu.memory_space<vmem>>, vector<16xf32>,
                %mul3A_871 = arith.mulf %get3A_870, %div3A_778 : vector<16xf32>
                %swap3A_872 = arith.index_cast %and3A_766 : i32 to index
                %swap3A_873 = arith.constant 240 : index
                %swap3A_874 = tpu.vector_load %arg11[%swap3A_872, %swap3A_873] {strides = array<i32>} : memref<4x256xf32, #tpu.memory_space<vmem>>, vector<16xf32>,
                tpu.vector_store %arg11[%swap3A_872, %swap3A_873], %mul3A_871 {strides = array<i32>} : memref<4x256xf32, #tpu.memory_space<vmem>>, vector<16xf32>,
                %dma_start3A_875 = arith.constant 0 : i32
                %dma_start3A_876 = tpu.memref_slice %arg11[%and3A_766, %dma_start3A_875] : memref<4x256xf32, #tpu.memory_space<vmem>> -> memref<1x256xf32, #tpu.memory_space<vmem>>
                %dma_start3A_877 = tpu.memref_squeeze %dma_start3A_876 : memref<1x256xf32, #tpu.memory_space<vmem>> -> memref<256xf32, #tpu.memory_space<vmem>>
                %dma_start3A_878 = arith.constant 0 : i32
                %dma_start3A_879 = tpu.memref_slice %arg5[%squeeze3A_720, %dma_start3A_878] : memref<10000x256xf32, #tpu.memory_space<hbm>> -> memref<1x256xf32, #tpu.memory_space<hbm>>
                %dma_start3A_880 = tpu.memref_squeeze %dma_start3A_879 : memref<1x256xf32, #tpu.memory_space<hbm>> -> memref<256xf32, #tpu.memory_space<hbm>>
                %dma_start3A_881 = arith.constant 0 : i32
                %dma_start3A_882 = tpu.memref_slice %arg5[%squeeze3A_720, %dma_start3A_881] : memref<10000x256xf32, #tpu.memory_space<hbm>> -> memref<1x256xf32, #tpu.memory_space<hbm>>
                %dma_start3A_883 = tpu.memref_squeeze %dma_start3A_882 : memref<1x256xf32, #tpu.memory_space<hbm>> -> memref<256xf32, #tpu.memory_space<hbm>>
                %dma_start3A_884 = arith.constant 0 : i32
                %dma_start3A_885 = tpu.memref_slice %arg11[%and3A_766, %dma_start3A_884] : memref<4x256xf32, #tpu.memory_space<vmem>> -> memref<1x256xf32, #tpu.memory_space<vmem>>
                %dma_start3A_886 = tpu.memref_squeeze %dma_start3A_885 : memref<1x256xf32, #tpu.memory_space<vmem>> -> memref<256xf32, #tpu.memory_space<vmem>>
                tpu.enqueue_dma source(%dma_start3A_886 : memref<256xf32, #tpu.memory_space<vmem>>) target(%dma_start3A_883 : memref<256xf32, #tpu.memory_space<hbm>>) target_semaphore(%arg16 : memref<!tpu.dma_semaphore, #tpu.memory_space<semaphore_mem>>)
              } else {
              }
              %swap3A_731 = arith.constant 0 : index
              %swap3A_732 = tpu.vector_load %arg12[%swap3A_731] {strides = array<i32>} : memref<272xf32, #tpu.memory_space<vmem>>, vector<16xf32>,
              tpu.vector_store %arg12[%swap3A_731], %broadcast_in_dim3A_3 {strides = array<i32>} : memref<272xf32, #tpu.memory_space<vmem>>, vector<16xf32>,
              %swap3A_733 = arith.constant 16 : index
              %swap3A_734 = tpu.vector_load %arg12[%swap3A_733] {strides = array<i32>} : memref<272xf32, #tpu.memory_space<vmem>>, vector<16xf32>,
              tpu.vector_store %arg12[%swap3A_733], %broadcast_in_dim3A_3 {strides = array<i32>} : memref<272xf32, #tpu.memory_space<vmem>>, vector<16xf32>,
              %swap3A_735 = arith.constant 32 : index
              %swap3A_736 = tpu.vector_load %arg12[%swap3A_735] {strides = array<i32>} : memref<272xf32, #tpu.memory_space<vmem>>, vector<16xf32>,
              tpu.vector_store %arg12[%swap3A_735], %broadcast_in_dim3A_3 {strides = array<i32>} : memref<272xf32, #tpu.memory_space<vmem>>, vector<16xf32>,
              %swap3A_737 = arith.constant 48 : index
              %swap3A_738 = tpu.vector_load %arg12[%swap3A_737] {strides = array<i32>} : memref<272xf32, #tpu.memory_space<vmem>>, vector<16xf32>,
              tpu.vector_store %arg12[%swap3A_737], %broadcast_in_dim3A_3 {strides = array<i32>} : memref<272xf32, #tpu.memory_space<vmem>>, vector<16xf32>,
              %swap3A_739 = arith.constant 64 : index
              %swap3A_740 = tpu.vector_load %arg12[%swap3A_739] {strides = array<i32>} : memref<272xf32, #tpu.memory_space<vmem>>, vector<16xf32>,
              tpu.vector_store %arg12[%swap3A_739], %broadcast_in_dim3A_3 {strides = array<i32>} : memref<272xf32, #tpu.memory_space<vmem>>, vector<16xf32>,
              %swap3A_741 = arith.constant 80 : index
              %swap3A_742 = tpu.vector_load %arg12[%swap3A_741] {strides = array<i32>} : memref<272xf32, #tpu.memory_space<vmem>>, vector<16xf32>,
              tpu.vector_store %arg12[%swap3A_741], %broadcast_in_dim3A_3 {strides = array<i32>} : memref<272xf32, #tpu.memory_space<vmem>>, vector<16xf32>,
              %swap3A_743 = arith.constant 96 : index
              %swap3A_744 = tpu.vector_load %arg12[%swap3A_743] {strides = array<i32>} : memref<272xf32, #tpu.memory_space<vmem>>, vector<16xf32>,
              tpu.vector_store %arg12[%swap3A_743], %broadcast_in_dim3A_3 {strides = array<i32>} : memref<272xf32, #tpu.memory_space<vmem>>, vector<16xf32>,
              %swap3A_745 = arith.constant 112 : index
              %swap3A_746 = tpu.vector_load %arg12[%swap3A_745] {strides = array<i32>} : memref<272xf32, #tpu.memory_space<vmem>>, vector<16xf32>,
              tpu.vector_store %arg12[%swap3A_745], %broadcast_in_dim3A_3 {strides = array<i32>} : memref<272xf32, #tpu.memory_space<vmem>>, vector<16xf32>,
              %swap3A_747 = arith.constant 128 : index
              %swap3A_748 = tpu.vector_load %arg12[%swap3A_747] {strides = array<i32>} : memref<272xf32, #tpu.memory_space<vmem>>, vector<16xf32>,
              tpu.vector_store %arg12[%swap3A_747], %broadcast_in_dim3A_3 {strides = array<i32>} : memref<272xf32, #tpu.memory_space<vmem>>, vector<16xf32>,
              %swap3A_749 = arith.constant 144 : index
              %swap3A_750 = tpu.vector_load %arg12[%swap3A_749] {strides = array<i32>} : memref<272xf32, #tpu.memory_space<vmem>>, vector<16xf32>,
              tpu.vector_store %arg12[%swap3A_749], %broadcast_in_dim3A_3 {strides = array<i32>} : memref<272xf32, #tpu.memory_space<vmem>>, vector<16xf32>,
              %swap3A_751 = arith.constant 160 : index
              %swap3A_752 = tpu.vector_load %arg12[%swap3A_751] {strides = array<i32>} : memref<272xf32, #tpu.memory_space<vmem>>, vector<16xf32>,
              tpu.vector_store %arg12[%swap3A_751], %broadcast_in_dim3A_3 {strides = array<i32>} : memref<272xf32, #tpu.memory_space<vmem>>, vector<16xf32>,
              %swap3A_753 = arith.constant 176 : index
              %swap3A_754 = tpu.vector_load %arg12[%swap3A_753] {strides = array<i32>} : memref<272xf32, #tpu.memory_space<vmem>>, vector<16xf32>,
              tpu.vector_store %arg12[%swap3A_753], %broadcast_in_dim3A_3 {strides = array<i32>} : memref<272xf32, #tpu.memory_space<vmem>>, vector<16xf32>,
              %swap3A_755 = arith.constant 192 : index
              %swap3A_756 = tpu.vector_load %arg12[%swap3A_755] {strides = array<i32>} : memref<272xf32, #tpu.memory_space<vmem>>, vector<16xf32>,
              tpu.vector_store %arg12[%swap3A_755], %broadcast_in_dim3A_3 {strides = array<i32>} : memref<272xf32, #tpu.memory_space<vmem>>, vector<16xf32>,
              %swap3A_757 = arith.constant 208 : index
              %swap3A_758 = tpu.vector_load %arg12[%swap3A_757] {strides = array<i32>} : memref<272xf32, #tpu.memory_space<vmem>>, vector<16xf32>,
              tpu.vector_store %arg12[%swap3A_757], %broadcast_in_dim3A_3 {strides = array<i32>} : memref<272xf32, #tpu.memory_space<vmem>>, vector<16xf32>,
              %swap3A_759 = arith.constant 224 : index
              %swap3A_760 = tpu.vector_load %arg12[%swap3A_759] {strides = array<i32>} : memref<272xf32, #tpu.memory_space<vmem>>, vector<16xf32>,
              tpu.vector_store %arg12[%swap3A_759], %broadcast_in_dim3A_3 {strides = array<i32>} : memref<272xf32, #tpu.memory_space<vmem>>, vector<16xf32>,
              %swap3A_761 = arith.constant 240 : index
              %swap3A_762 = tpu.vector_load %arg12[%swap3A_761] {strides = array<i32>} : memref<272xf32, #tpu.memory_space<vmem>>, vector<16xf32>,
              tpu.vector_store %arg12[%swap3A_761], %broadcast_in_dim3A_3 {strides = array<i32>} : memref<272xf32, #tpu.memory_space<vmem>>, vector<16xf32>,
              %swap3A_763 = arith.constant 256 : index
              %swap3A_764 = tpu.vector_load %arg12[%swap3A_763] {strides = array<i32>} : memref<272xf32, #tpu.memory_space<vmem>>, vector<16xf32>,
              tpu.vector_store %arg12[%swap3A_763], %broadcast_in_dim3A_3 {strides = array<i32>} : memref<272xf32, #tpu.memory_space<vmem>>, vector<16xf32>,
            } else {
            }
            %mul3A_489 = arith.constant 200 : i32
            %mul3A_490 = arith.muli %and3A_108, %mul3A_489 : i32
            %add3A_491 = arith.addi %mul3A_490, %add3A_485 : i32
            %mul3A_492 = arith.constant 1664 : i32
            %mul3A_493 = arith.muli %and3A_108, %mul3A_492 : i32
            %mul3A_494 = arith.constant 8 : i32
            %mul3A_495 = arith.muli %add3A_485, %mul3A_494 : i32
            %add3A_496 = arith.addi %mul3A_493, %mul3A_495 : i32
            %broadcast_in_dim3A_497 = vector.broadcast %add3A_496 : i32 to vector<16xi32>
            %gather3A_498 = tpu.vector_load_idx %arg10[%broadcast_in_dim3A_497] : memref<3328xf32, #tpu.memory_space<vmem>>[vector<16xi32>], vector<16xf32>,
            %get3A_499 = arith.index_cast %add3A_491 : i32 to index
            %get3A_500 = arith.constant 0 : index
            %get3A_501 = tpu.vector_load %arg8[%get3A_499, %get3A_500] {strides = array<i32>} : memref<400x256xf32, #tpu.memory_space<vmem>>, vector<16xf32>,
            %get3A_502 = arith.index_cast %add3A_491 : i32 to index
            %get3A_503 = arith.constant 16 : index
            %get3A_504 = tpu.vector_load %arg8[%get3A_502, %get3A_503] {strides = array<i32>} : memref<400x256xf32, #tpu.memory_space<vmem>>, vector<16xf32>,
            %get3A_505 = arith.index_cast %add3A_491 : i32 to index
            %get3A_506 = arith.constant 32 : index
            %get3A_507 = tpu.vector_load %arg8[%get3A_505, %get3A_506] {strides = array<i32>} : memref<400x256xf32, #tpu.memory_space<vmem>>, vector<16xf32>,
            %get3A_508 = arith.index_cast %add3A_491 : i32 to index
            %get3A_509 = arith.constant 48 : index
            %get3A_510 = tpu.vector_load %arg8[%get3A_508, %get3A_509] {strides = array<i32>} : memref<400x256xf32, #tpu.memory_space<vmem>>, vector<16xf32>,
            %get3A_511 = arith.index_cast %add3A_491 : i32 to index
            %get3A_512 = arith.constant 64 : index
            %get3A_513 = tpu.vector_load %arg8[%get3A_511, %get3A_512] {strides = array<i32>} : memref<400x256xf32, #tpu.memory_space<vmem>>, vector<16xf32>,
            %get3A_514 = arith.index_cast %add3A_491 : i32 to index
            %get3A_515 = arith.constant 80 : index
            %get3A_516 = tpu.vector_load %arg8[%get3A_514, %get3A_515] {strides = array<i32>} : memref<400x256xf32, #tpu.memory_space<vmem>>, vector<16xf32>,
            %get3A_517 = arith.index_cast %add3A_491 : i32 to index
            %get3A_518 = arith.constant 96 : index
            %get3A_519 = tpu.vector_load %arg8[%get3A_517, %get3A_518] {strides = array<i32>} : memref<400x256xf32, #tpu.memory_space<vmem>>, vector<16xf32>,
            %get3A_520 = arith.index_cast %add3A_491 : i32 to index
            %get3A_521 = arith.constant 112 : index
            %get3A_522 = tpu.vector_load %arg8[%get3A_520, %get3A_521] {strides = array<i32>} : memref<400x256xf32, #tpu.memory_space<vmem>>, vector<16xf32>,
            %get3A_523 = arith.index_cast %add3A_491 : i32 to index
            %get3A_524 = arith.constant 128 : index
            %get3A_525 = tpu.vector_load %arg8[%get3A_523, %get3A_524] {strides = array<i32>} : memref<400x256xf32, #tpu.memory_space<vmem>>, vector<16xf32>,
            %get3A_526 = arith.index_cast %add3A_491 : i32 to index
            %get3A_527 = arith.constant 144 : index
            %get3A_528 = tpu.vector_load %arg8[%get3A_526, %get3A_527] {strides = array<i32>} : memref<400x256xf32, #tpu.memory_space<vmem>>, vector<16xf32>,
            %get3A_529 = arith.index_cast %add3A_491 : i32 to index
            %get3A_530 = arith.constant 160 : index
            %get3A_531 = tpu.vector_load %arg8[%get3A_529, %get3A_530] {strides = array<i32>} : memref<400x256xf32, #tpu.memory_space<vmem>>, vector<16xf32>,
            %get3A_532 = arith.index_cast %add3A_491 : i32 to index
            %get3A_533 = arith.constant 176 : index
            %get3A_534 = tpu.vector_load %arg8[%get3A_532, %get3A_533] {strides = array<i32>} : memref<400x256xf32, #tpu.memory_space<vmem>>, vector<16xf32>,
            %get3A_535 = arith.index_cast %add3A_491 : i32 to index
            %get3A_536 = arith.constant 192 : index
            %get3A_537 = tpu.vector_load %arg8[%get3A_535, %get3A_536] {strides = array<i32>} : memref<400x256xf32, #tpu.memory_space<vmem>>, vector<16xf32>,
            %get3A_538 = arith.index_cast %add3A_491 : i32 to index
            %get3A_539 = arith.constant 208 : index
            %get3A_540 = tpu.vector_load %arg8[%get3A_538, %get3A_539] {strides = array<i32>} : memref<400x256xf32, #tpu.memory_space<vmem>>, vector<16xf32>,
            %get3A_541 = arith.index_cast %add3A_491 : i32 to index
            %get3A_542 = arith.constant 224 : index
            %get3A_543 = tpu.vector_load %arg8[%get3A_541, %get3A_542] {strides = array<i32>} : memref<400x256xf32, #tpu.memory_space<vmem>>, vector<16xf32>,
            %get3A_544 = arith.index_cast %add3A_491 : i32 to index
            %get3A_545 = arith.constant 240 : index
            %get3A_546 = tpu.vector_load %arg8[%get3A_544, %get3A_545] {strides = array<i32>} : memref<400x256xf32, #tpu.memory_space<vmem>>, vector<16xf32>,
            %mul3A_547 = arith.mulf %gather3A_498, %get3A_501 : vector<16xf32>
            %swap3A_548 = arith.constant 0 : index
            %swap3A_549 = tpu.vector_load %arg12[%swap3A_548] {strides = array<i32>} : memref<272xf32, #tpu.memory_space<vmem>>, vector<16xf32>,
            tpu.vector_store %arg12[%swap3A_548], %mul3A_547 {add = true, strides = array<i32>} : memref<272xf32, #tpu.memory_space<vmem>>, vector<16xf32>,
            %mul3A_550 = arith.mulf %gather3A_498, %get3A_504 : vector<16xf32>
            %swap3A_551 = arith.constant 16 : index
            %swap3A_552 = tpu.vector_load %arg12[%swap3A_551] {strides = array<i32>} : memref<272xf32, #tpu.memory_space<vmem>>, vector<16xf32>,
            tpu.vector_store %arg12[%swap3A_551], %mul3A_550 {add = true, strides = array<i32>} : memref<272xf32, #tpu.memory_space<vmem>>, vector<16xf32>,
            %mul3A_553 = arith.mulf %gather3A_498, %get3A_507 : vector<16xf32>
            %swap3A_554 = arith.constant 32 : index
            %swap3A_555 = tpu.vector_load %arg12[%swap3A_554] {strides = array<i32>} : memref<272xf32, #tpu.memory_space<vmem>>, vector<16xf32>,
            tpu.vector_store %arg12[%swap3A_554], %mul3A_553 {add = true, strides = array<i32>} : memref<272xf32, #tpu.memory_space<vmem>>, vector<16xf32>,
            %mul3A_556 = arith.mulf %gather3A_498, %get3A_510 : vector<16xf32>
            %swap3A_557 = arith.constant 48 : index
            %swap3A_558 = tpu.vector_load %arg12[%swap3A_557] {strides = array<i32>} : memref<272xf32, #tpu.memory_space<vmem>>, vector<16xf32>,
            tpu.vector_store %arg12[%swap3A_557], %mul3A_556 {add = true, strides = array<i32>} : memref<272xf32, #tpu.memory_space<vmem>>, vector<16xf32>,
            %mul3A_559 = arith.mulf %gather3A_498, %get3A_513 : vector<16xf32>
            %swap3A_560 = arith.constant 64 : index
            %swap3A_561 = tpu.vector_load %arg12[%swap3A_560] {strides = array<i32>} : memref<272xf32, #tpu.memory_space<vmem>>, vector<16xf32>,
            tpu.vector_store %arg12[%swap3A_560], %mul3A_559 {add = true, strides = array<i32>} : memref<272xf32, #tpu.memory_space<vmem>>, vector<16xf32>,
            %mul3A_562 = arith.mulf %gather3A_498, %get3A_516 : vector<16xf32>
            %swap3A_563 = arith.constant 80 : index
            %swap3A_564 = tpu.vector_load %arg12[%swap3A_563] {strides = array<i32>} : memref<272xf32, #tpu.memory_space<vmem>>, vector<16xf32>,
            tpu.vector_store %arg12[%swap3A_563], %mul3A_562 {add = true, strides = array<i32>} : memref<272xf32, #tpu.memory_space<vmem>>, vector<16xf32>,
            %mul3A_565 = arith.mulf %gather3A_498, %get3A_519 : vector<16xf32>
            %swap3A_566 = arith.constant 96 : index
            %swap3A_567 = tpu.vector_load %arg12[%swap3A_566] {strides = array<i32>} : memref<272xf32, #tpu.memory_space<vmem>>, vector<16xf32>,
            tpu.vector_store %arg12[%swap3A_566], %mul3A_565 {add = true, strides = array<i32>} : memref<272xf32, #tpu.memory_space<vmem>>, vector<16xf32>,
            %mul3A_568 = arith.mulf %gather3A_498, %get3A_522 : vector<16xf32>
            %swap3A_569 = arith.constant 112 : index
            %swap3A_570 = tpu.vector_load %arg12[%swap3A_569] {strides = array<i32>} : memref<272xf32, #tpu.memory_space<vmem>>, vector<16xf32>,
            tpu.vector_store %arg12[%swap3A_569], %mul3A_568 {add = true, strides = array<i32>} : memref<272xf32, #tpu.memory_space<vmem>>, vector<16xf32>,
            %mul3A_571 = arith.mulf %gather3A_498, %get3A_525 : vector<16xf32>
            %swap3A_572 = arith.constant 128 : index
            %swap3A_573 = tpu.vector_load %arg12[%swap3A_572] {strides = array<i32>} : memref<272xf32, #tpu.memory_space<vmem>>, vector<16xf32>,
            tpu.vector_store %arg12[%swap3A_572], %mul3A_571 {add = true, strides = array<i32>} : memref<272xf32, #tpu.memory_space<vmem>>, vector<16xf32>,
            %mul3A_574 = arith.mulf %gather3A_498, %get3A_528 : vector<16xf32>
            %swap3A_575 = arith.constant 144 : index
            %swap3A_576 = tpu.vector_load %arg12[%swap3A_575] {strides = array<i32>} : memref<272xf32, #tpu.memory_space<vmem>>, vector<16xf32>,
            tpu.vector_store %arg12[%swap3A_575], %mul3A_574 {add = true, strides = array<i32>} : memref<272xf32, #tpu.memory_space<vmem>>, vector<16xf32>,
            %mul3A_577 = arith.mulf %gather3A_498, %get3A_531 : vector<16xf32>
            %swap3A_578 = arith.constant 160 : index
            %swap3A_579 = tpu.vector_load %arg12[%swap3A_578] {strides = array<i32>} : memref<272xf32, #tpu.memory_space<vmem>>, vector<16xf32>,
            tpu.vector_store %arg12[%swap3A_578], %mul3A_577 {add = true, strides = array<i32>} : memref<272xf32, #tpu.memory_space<vmem>>, vector<16xf32>,
            %mul3A_580 = arith.mulf %gather3A_498, %get3A_534 : vector<16xf32>
            %swap3A_581 = arith.constant 176 : index
            %swap3A_582 = tpu.vector_load %arg12[%swap3A_581] {strides = array<i32>} : memref<272xf32, #tpu.memory_space<vmem>>, vector<16xf32>,
            tpu.vector_store %arg12[%swap3A_581], %mul3A_580 {add = true, strides = array<i32>} : memref<272xf32, #tpu.memory_space<vmem>>, vector<16xf32>,
            %mul3A_583 = arith.mulf %gather3A_498, %get3A_537 : vector<16xf32>
            %swap3A_584 = arith.constant 192 : index
            %swap3A_585 = tpu.vector_load %arg12[%swap3A_584] {strides = array<i32>} : memref<272xf32, #tpu.memory_space<vmem>>, vector<16xf32>,
            tpu.vector_store %arg12[%swap3A_584], %mul3A_583 {add = true, strides = array<i32>} : memref<272xf32, #tpu.memory_space<vmem>>, vector<16xf32>,
            %mul3A_586 = arith.mulf %gather3A_498, %get3A_540 : vector<16xf32>
            %swap3A_587 = arith.constant 208 : index
            %swap3A_588 = tpu.vector_load %arg12[%swap3A_587] {strides = array<i32>} : memref<272xf32, #tpu.memory_space<vmem>>, vector<16xf32>,
            tpu.vector_store %arg12[%swap3A_587], %mul3A_586 {add = true, strides = array<i32>} : memref<272xf32, #tpu.memory_space<vmem>>, vector<16xf32>,
            %mul3A_589 = arith.mulf %gather3A_498, %get3A_543 : vector<16xf32>
            %swap3A_590 = arith.constant 224 : index
            %swap3A_591 = tpu.vector_load %arg12[%swap3A_590] {strides = array<i32>} : memref<272xf32, #tpu.memory_space<vmem>>, vector<16xf32>,
            tpu.vector_store %arg12[%swap3A_590], %mul3A_589 {add = true, strides = array<i32>} : memref<272xf32, #tpu.memory_space<vmem>>, vector<16xf32>,
            %mul3A_592 = arith.mulf %gather3A_498, %get3A_546 : vector<16xf32>
            %swap3A_593 = arith.constant 240 : index
            %swap3A_594 = tpu.vector_load %arg12[%swap3A_593] {strides = array<i32>} : memref<272xf32, #tpu.memory_space<vmem>>, vector<16xf32>,
            tpu.vector_store %arg12[%swap3A_593], %mul3A_592 {add = true, strides = array<i32>} : memref<272xf32, #tpu.memory_space<vmem>>, vector<16xf32>,
            %swap3A_595 = arith.constant 256 : index
            %swap3A_596 = tpu.vector_load %arg12[%swap3A_595] {strides = array<i32>} : memref<272xf32, #tpu.memory_space<vmem>>, vector<16xf32>,
            tpu.vector_store %arg12[%swap3A_595], %gather3A_498 {add = true, strides = array<i32>} : memref<272xf32, #tpu.memory_space<vmem>>, vector<16xf32>,
            %add3A_597 = arith.constant 3 : i32
            %add3A_598 = arith.addi %mul3A_170, %add3A_597 : i32
            %add3A_599 = arith.addi %mul3A_133, %add3A_598 : i32
            %convert_element_type3A_600 = arith.extui %eq3A_230 : i1 to i32
            %cond3A_601 = arith.constant 0 : i32
            %cond3A_602 = arith.cmpi ne, %convert_element_type3A_600, %cond3A_601 : i32
            scf.if %cond3A_602 {
              %mul3A_711 = arith.constant 224 : i32
              %mul3A_712 = arith.muli %and3A_108, %mul3A_711 : i32
              %add3A_713 = arith.addi %mul3A_712, %mul3A_133 : i32
              %add3A_714 = arith.constant 7 : i32
              %add3A_715 = arith.addi %add3A_713, %add3A_714 : i32
              %add3A_716 = arith.addi %add3A_715, %add3A_598 : i32
              %get3A_717 = arith.index_cast %add3A_716 : i32 to index
              %get3A_718 = tpu.vector_load %arg9[%get3A_717] {strides = array<i32>} : memref<448xi32, #tpu.memory_space<vmem>>, vector<16xi32>,
              %slice3A_719 = vector.extract_strided_slice %get3A_718 {offsets = [0], sizes = [1], strides = [1]} : vector<16xi32> to vector<1xi32>
              %squeeze3A_720 = vector.extract %slice3A_719[0] : i32 from vector<1xi32>
              %eq3A_721 = arith.constant 0 : i32
              %eq3A_722 = arith.cmpi eq, %add3A_223, %eq3A_721 : i32
              %convert_element_type3A_723 = arith.extui %eq3A_722 : i1 to i32
              %cond3A_724 = arith.constant 0 : i32
              %cond3A_725 = arith.cmpi ne, %convert_element_type3A_723, %cond3A_724 : i32
              scf.if %cond3A_725 {
                %mul3A_765 = arith.constant 2 : i32
                %mul3A_766 = arith.muli %mul3A_765, %add3A : i32
                %get3A_767 = arith.constant 0 : index
                %get3A_768 = tpu.vector_load %arg12[%get3A_767] {strides = array<i32>} : memref<272xf32, #tpu.memory_space<vmem>>, vector<16xf32>,
                %swap3A_769 = arith.constant 0 : index
                %swap3A_770 = tpu.vector_load %arg13[%swap3A_769] {strides = array<i32>} : memref<288xf32, #tpu.memory_space<vmem>>, vector<16xf32>,
                tpu.vector_store %arg13[%swap3A_769], %get3A_768 {strides = array<i32>} : memref<288xf32, #tpu.memory_space<vmem>>, vector<16xf32>,
                %get3A_771 = arith.constant 16 : index
                %get3A_772 = tpu.vector_load %arg12[%get3A_771] {strides = array<i32>} : memref<272xf32, #tpu.memory_space<vmem>>, vector<16xf32>,
                %swap3A_773 = arith.constant 16 : index
                %swap3A_774 = tpu.vector_load %arg13[%swap3A_773] {strides = array<i32>} : memref<288xf32, #tpu.memory_space<vmem>>, vector<16xf32>,
                tpu.vector_store %arg13[%swap3A_773], %get3A_772 {strides = array<i32>} : memref<288xf32, #tpu.memory_space<vmem>>, vector<16xf32>,
                %get3A_775 = arith.constant 32 : index
                %get3A_776 = tpu.vector_load %arg12[%get3A_775] {strides = array<i32>} : memref<272xf32, #tpu.memory_space<vmem>>, vector<16xf32>,
                %swap3A_777 = arith.constant 32 : index
                %swap3A_778 = tpu.vector_load %arg13[%swap3A_777] {strides = array<i32>} : memref<288xf32, #tpu.memory_space<vmem>>, vector<16xf32>,
                tpu.vector_store %arg13[%swap3A_777], %get3A_776 {strides = array<i32>} : memref<288xf32, #tpu.memory_space<vmem>>, vector<16xf32>,
                %get3A_779 = arith.constant 48 : index
                %get3A_780 = tpu.vector_load %arg12[%get3A_779] {strides = array<i32>} : memref<272xf32, #tpu.memory_space<vmem>>, vector<16xf32>,
                %swap3A_781 = arith.constant 48 : index
                %swap3A_782 = tpu.vector_load %arg13[%swap3A_781] {strides = array<i32>} : memref<288xf32, #tpu.memory_space<vmem>>, vector<16xf32>,
                tpu.vector_store %arg13[%swap3A_781], %get3A_780 {strides = array<i32>} : memref<288xf32, #tpu.memory_space<vmem>>, vector<16xf32>,
                %get3A_783 = arith.constant 64 : index
                %get3A_784 = tpu.vector_load %arg12[%get3A_783] {strides = array<i32>} : memref<272xf32, #tpu.memory_space<vmem>>, vector<16xf32>,
                %swap3A_785 = arith.constant 64 : index
                %swap3A_786 = tpu.vector_load %arg13[%swap3A_785] {strides = array<i32>} : memref<288xf32, #tpu.memory_space<vmem>>, vector<16xf32>,
                tpu.vector_store %arg13[%swap3A_785], %get3A_784 {strides = array<i32>} : memref<288xf32, #tpu.memory_space<vmem>>, vector<16xf32>,
                %get3A_787 = arith.constant 80 : index
                %get3A_788 = tpu.vector_load %arg12[%get3A_787] {strides = array<i32>} : memref<272xf32, #tpu.memory_space<vmem>>, vector<16xf32>,
                %swap3A_789 = arith.constant 80 : index
                %swap3A_790 = tpu.vector_load %arg13[%swap3A_789] {strides = array<i32>} : memref<288xf32, #tpu.memory_space<vmem>>, vector<16xf32>,
                tpu.vector_store %arg13[%swap3A_789], %get3A_788 {strides = array<i32>} : memref<288xf32, #tpu.memory_space<vmem>>, vector<16xf32>,
                %get3A_791 = arith.constant 96 : index
                %get3A_792 = tpu.vector_load %arg12[%get3A_791] {strides = array<i32>} : memref<272xf32, #tpu.memory_space<vmem>>, vector<16xf32>,
                %swap3A_793 = arith.constant 96 : index
                %swap3A_794 = tpu.vector_load %arg13[%swap3A_793] {strides = array<i32>} : memref<288xf32, #tpu.memory_space<vmem>>, vector<16xf32>,
                tpu.vector_store %arg13[%swap3A_793], %get3A_792 {strides = array<i32>} : memref<288xf32, #tpu.memory_space<vmem>>, vector<16xf32>,
                %get3A_795 = arith.constant 112 : index
                %get3A_796 = tpu.vector_load %arg12[%get3A_795] {strides = array<i32>} : memref<272xf32, #tpu.memory_space<vmem>>, vector<16xf32>,
                %swap3A_797 = arith.constant 112 : index
                %swap3A_798 = tpu.vector_load %arg13[%swap3A_797] {strides = array<i32>} : memref<288xf32, #tpu.memory_space<vmem>>, vector<16xf32>,
                tpu.vector_store %arg13[%swap3A_797], %get3A_796 {strides = array<i32>} : memref<288xf32, #tpu.memory_space<vmem>>, vector<16xf32>,
                %get3A_799 = arith.constant 128 : index
                %get3A_800 = tpu.vector_load %arg12[%get3A_799] {strides = array<i32>} : memref<272xf32, #tpu.memory_space<vmem>>, vector<16xf32>,
                %swap3A_801 = arith.constant 128 : index
                %swap3A_802 = tpu.vector_load %arg13[%swap3A_801] {strides = array<i32>} : memref<288xf32, #tpu.memory_space<vmem>>, vector<16xf32>,
                tpu.vector_store %arg13[%swap3A_801], %get3A_800 {strides = array<i32>} : memref<288xf32, #tpu.memory_space<vmem>>, vector<16xf32>,
                %get3A_803 = arith.constant 144 : index
                %get3A_804 = tpu.vector_load %arg12[%get3A_803] {strides = array<i32>} : memref<272xf32, #tpu.memory_space<vmem>>, vector<16xf32>,
                %swap3A_805 = arith.constant 144 : index
                %swap3A_806 = tpu.vector_load %arg13[%swap3A_805] {strides = array<i32>} : memref<288xf32, #tpu.memory_space<vmem>>, vector<16xf32>,
                tpu.vector_store %arg13[%swap3A_805], %get3A_804 {strides = array<i32>} : memref<288xf32, #tpu.memory_space<vmem>>, vector<16xf32>,
                %get3A_807 = arith.constant 160 : index
                %get3A_808 = tpu.vector_load %arg12[%get3A_807] {strides = array<i32>} : memref<272xf32, #tpu.memory_space<vmem>>, vector<16xf32>,
                %swap3A_809 = arith.constant 160 : index
                %swap3A_810 = tpu.vector_load %arg13[%swap3A_809] {strides = array<i32>} : memref<288xf32, #tpu.memory_space<vmem>>, vector<16xf32>,
                tpu.vector_store %arg13[%swap3A_809], %get3A_808 {strides = array<i32>} : memref<288xf32, #tpu.memory_space<vmem>>, vector<16xf32>,
                %get3A_811 = arith.constant 176 : index
                %get3A_812 = tpu.vector_load %arg12[%get3A_811] {strides = array<i32>} : memref<272xf32, #tpu.memory_space<vmem>>, vector<16xf32>,
                %swap3A_813 = arith.constant 176 : index
                %swap3A_814 = tpu.vector_load %arg13[%swap3A_813] {strides = array<i32>} : memref<288xf32, #tpu.memory_space<vmem>>, vector<16xf32>,
                tpu.vector_store %arg13[%swap3A_813], %get3A_812 {strides = array<i32>} : memref<288xf32, #tpu.memory_space<vmem>>, vector<16xf32>,
                %get3A_815 = arith.constant 192 : index
                %get3A_816 = tpu.vector_load %arg12[%get3A_815] {strides = array<i32>} : memref<272xf32, #tpu.memory_space<vmem>>, vector<16xf32>,
                %swap3A_817 = arith.constant 192 : index
                %swap3A_818 = tpu.vector_load %arg13[%swap3A_817] {strides = array<i32>} : memref<288xf32, #tpu.memory_space<vmem>>, vector<16xf32>,
                tpu.vector_store %arg13[%swap3A_817], %get3A_816 {strides = array<i32>} : memref<288xf32, #tpu.memory_space<vmem>>, vector<16xf32>,
                %get3A_819 = arith.constant 208 : index
                %get3A_820 = tpu.vector_load %arg12[%get3A_819] {strides = array<i32>} : memref<272xf32, #tpu.memory_space<vmem>>, vector<16xf32>,
                %swap3A_821 = arith.constant 208 : index
                %swap3A_822 = tpu.vector_load %arg13[%swap3A_821] {strides = array<i32>} : memref<288xf32, #tpu.memory_space<vmem>>, vector<16xf32>,
                tpu.vector_store %arg13[%swap3A_821], %get3A_820 {strides = array<i32>} : memref<288xf32, #tpu.memory_space<vmem>>, vector<16xf32>,
                %get3A_823 = arith.constant 224 : index
                %get3A_824 = tpu.vector_load %arg12[%get3A_823] {strides = array<i32>} : memref<272xf32, #tpu.memory_space<vmem>>, vector<16xf32>,
                %swap3A_825 = arith.constant 224 : index
                %swap3A_826 = tpu.vector_load %arg13[%swap3A_825] {strides = array<i32>} : memref<288xf32, #tpu.memory_space<vmem>>, vector<16xf32>,
                tpu.vector_store %arg13[%swap3A_825], %get3A_824 {strides = array<i32>} : memref<288xf32, #tpu.memory_space<vmem>>, vector<16xf32>,
                %get3A_827 = arith.constant 240 : index
                %get3A_828 = tpu.vector_load %arg12[%get3A_827] {strides = array<i32>} : memref<272xf32, #tpu.memory_space<vmem>>, vector<16xf32>,
                %swap3A_829 = arith.constant 240 : index
                %swap3A_830 = tpu.vector_load %arg13[%swap3A_829] {strides = array<i32>} : memref<288xf32, #tpu.memory_space<vmem>>, vector<16xf32>,
                tpu.vector_store %arg13[%swap3A_829], %get3A_828 {strides = array<i32>} : memref<288xf32, #tpu.memory_space<vmem>>, vector<16xf32>,
                %get3A_831 = arith.constant 256 : index
                %get3A_832 = tpu.vector_load %arg12[%get3A_831] {strides = array<i32>} : memref<272xf32, #tpu.memory_space<vmem>>, vector<16xf32>,
                %swap3A_833 = arith.constant 256 : index
                %swap3A_834 = tpu.vector_load %arg13[%swap3A_833] {strides = array<i32>} : memref<288xf32, #tpu.memory_space<vmem>>, vector<16xf32>,
                tpu.vector_store %arg13[%swap3A_833], %get3A_832 {strides = array<i32>} : memref<288xf32, #tpu.memory_space<vmem>>, vector<16xf32>,
                %broadcast_in_dim3A_835 = vector.broadcast %squeeze3A_720 : i32 to vector<16xi32>
                %convert_element_type3A_836 = arith.sitofp %broadcast_in_dim3A_835 : vector<16xi32> to vector<16xf32>
                %swap3A_837 = arith.constant 272 : index
                %swap3A_838 = tpu.vector_load %arg13[%swap3A_837] {strides = array<i32>} : memref<288xf32, #tpu.memory_space<vmem>>, vector<16xf32>,
                tpu.vector_store %arg13[%swap3A_837], %convert_element_type3A_836 {strides = array<i32>} : memref<288xf32, #tpu.memory_space<vmem>>, vector<16xf32>,
                "tpu.region"() ({
                  %run_scoped3A = tpu.sem_alloc : memref<!tpu.dma_semaphore, #tpu.memory_space<semaphore_mem>>
                  %dma_start3A_839 = arith.constant 0 : i32
                  %dma_start3A_840 = tpu.memref_slice %arg6[%mul3A_766, %dma_start3A_839] : memref<64x288xf32, #tpu.memory_space<hbm>> -> memref<1x288xf32, #tpu.memory_space<hbm>>
                  %dma_start3A_841 = tpu.memref_squeeze %dma_start3A_840 : memref<1x288xf32, #tpu.memory_space<hbm>> -> memref<288xf32, #tpu.memory_space<hbm>>
                  %dma_start3A_842 = arith.constant 0 : i32
                  %dma_start3A_843 = tpu.memref_slice %arg6[%mul3A_766, %dma_start3A_842] : memref<64x288xf32, #tpu.memory_space<hbm>> -> memref<1x288xf32, #tpu.memory_space<hbm>>
                  %dma_start3A_844 = tpu.memref_squeeze %dma_start3A_843 : memref<1x288xf32, #tpu.memory_space<hbm>> -> memref<288xf32, #tpu.memory_space<hbm>>
                  tpu.enqueue_dma source(%arg13 : memref<288xf32, #tpu.memory_space<vmem>>) target(%dma_start3A_844 : memref<288xf32, #tpu.memory_space<hbm>>) target_semaphore(%run_scoped3A : memref<!tpu.dma_semaphore, #tpu.memory_space<semaphore_mem>>)
                  %dma_wait3A = arith.constant 0 : i32
                  %dma_wait3A_845 = tpu.memref_slice %arg6[%mul3A_766, %dma_wait3A] : memref<64x288xf32, #tpu.memory_space<hbm>> -> memref<1x288xf32, #tpu.memory_space<hbm>>
                  %dma_wait3A_846 = tpu.memref_squeeze %dma_wait3A_845 : memref<1x288xf32, #tpu.memory_space<hbm>> -> memref<288xf32, #tpu.memory_space<hbm>>
                  %dma_wait3A_847 = arith.constant 0 : i32
                  %dma_wait3A_848 = tpu.memref_slice %arg6[%mul3A_766, %dma_wait3A_847] : memref<64x288xf32, #tpu.memory_space<hbm>> -> memref<1x288xf32, #tpu.memory_space<hbm>>
                  %dma_wait3A_849 = tpu.memref_squeeze %dma_wait3A_848 : memref<1x288xf32, #tpu.memory_space<hbm>> -> memref<288xf32, #tpu.memory_space<hbm>>
                  tpu.wait_dma2 semaphore(%run_scoped3A : memref<!tpu.dma_semaphore, #tpu.memory_space<semaphore_mem>>) src(%arg13 : memref<288xf32, #tpu.memory_space<vmem>>) dst(%dma_wait3A_849 : memref<288xf32, #tpu.memory_space<hbm>>)
                  tpu.yield
                }) : () -> ()
              } else {
              }
              %gt3A_726 = arith.constant 0 : i32
              %gt3A_727 = arith.cmpi sgt, %add3A_223, %gt3A_726 : i32
              %convert_element_type3A_728 = arith.extui %gt3A_727 : i1 to i32
              %cond3A_729 = arith.constant 0 : i32
              %cond3A_730 = arith.cmpi ne, %convert_element_type3A_728, %cond3A_729 : i32
              scf.if %cond3A_730 {
                %and3A_765 = arith.constant 3 : i32
                %and3A_766 = arith.andi %add3A_219, %and3A_765 : i32
                %eq3A_767 = arith.constant 0 : i32
                %eq3A_768 = arith.cmpi eq, %and3A_766, %eq3A_767 : i32
                %gt3A_769 = arith.constant 0 : i32
                %gt3A_770 = arith.cmpi sgt, %add3A_219, %gt3A_769 : i32
                %and3A_771 = arith.andi %eq3A_768, %gt3A_770 : i1
                %convert_element_type3A_772 = arith.extui %and3A_771 : i1 to i32
                %cond3A_773 = arith.constant 0 : i32
                %cond3A_774 = arith.cmpi ne, %convert_element_type3A_772, %cond3A_773 : i32
                scf.if %cond3A_774 {
                  %dma_wait3A = arith.constant 0 : i32
                  %dma_wait3A_887 = arith.constant 0 : i32
                  %dma_wait3A_888 = arith.constant 0 : i32
                  %dma_wait3A_889 = tpu.memref_slice %arg11[%dma_wait3A_887, %dma_wait3A_888] : memref<4x256xf32, #tpu.memory_space<vmem>> -> memref<1x256xf32, #tpu.memory_space<vmem>>
                  %dma_wait3A_890 = tpu.memref_squeeze %dma_wait3A_889 : memref<1x256xf32, #tpu.memory_space<vmem>> -> memref<256xf32, #tpu.memory_space<vmem>>
                  %dma_wait3A_891 = arith.constant 0 : i32
                  %dma_wait3A_892 = tpu.memref_slice %arg5[%dma_wait3A, %dma_wait3A_891] : memref<10000x256xf32, #tpu.memory_space<hbm>> -> memref<1x256xf32, #tpu.memory_space<hbm>>
                  %dma_wait3A_893 = tpu.memref_squeeze %dma_wait3A_892 : memref<1x256xf32, #tpu.memory_space<hbm>> -> memref<256xf32, #tpu.memory_space<hbm>>
                  %dma_wait3A_894 = arith.constant 0 : i32
                  %dma_wait3A_895 = tpu.memref_slice %arg11[%dma_wait3A_887, %dma_wait3A_894] : memref<4x256xf32, #tpu.memory_space<vmem>> -> memref<1x256xf32, #tpu.memory_space<vmem>>
                  %dma_wait3A_896 = tpu.memref_squeeze %dma_wait3A_895 : memref<1x256xf32, #tpu.memory_space<vmem>> -> memref<256xf32, #tpu.memory_space<vmem>>
                  %dma_wait3A_897 = arith.constant 0 : i32
                  %dma_wait3A_898 = tpu.memref_slice %arg5[%dma_wait3A, %dma_wait3A_897] : memref<10000x256xf32, #tpu.memory_space<hbm>> -> memref<1x256xf32, #tpu.memory_space<hbm>>
                  %dma_wait3A_899 = tpu.memref_squeeze %dma_wait3A_898 : memref<1x256xf32, #tpu.memory_space<hbm>> -> memref<256xf32, #tpu.memory_space<hbm>>
                  tpu.wait_dma2 semaphore(%arg16 : memref<!tpu.dma_semaphore, #tpu.memory_space<semaphore_mem>>) src(%dma_wait3A_899 : memref<256xf32, #tpu.memory_space<hbm>>) dst(%dma_wait3A_896 : memref<256xf32, #tpu.memory_space<vmem>>)
                  %dma_wait3A_900 = arith.constant 0 : i32
                  %dma_wait3A_901 = arith.constant 0 : i32
                  %dma_wait3A_902 = arith.constant 0 : i32
                  %dma_wait3A_903 = tpu.memref_slice %arg11[%dma_wait3A_901, %dma_wait3A_902] : memref<4x256xf32, #tpu.memory_space<vmem>> -> memref<1x256xf32, #tpu.memory_space<vmem>>
                  %dma_wait3A_904 = tpu.memref_squeeze %dma_wait3A_903 : memref<1x256xf32, #tpu.memory_space<vmem>> -> memref<256xf32, #tpu.memory_space<vmem>>
                  %dma_wait3A_905 = arith.constant 0 : i32
                  %dma_wait3A_906 = tpu.memref_slice %arg5[%dma_wait3A_900, %dma_wait3A_905] : memref<10000x256xf32, #tpu.memory_space<hbm>> -> memref<1x256xf32, #tpu.memory_space<hbm>>
                  %dma_wait3A_907 = tpu.memref_squeeze %dma_wait3A_906 : memref<1x256xf32, #tpu.memory_space<hbm>> -> memref<256xf32, #tpu.memory_space<hbm>>
                  %dma_wait3A_908 = arith.constant 0 : i32
                  %dma_wait3A_909 = tpu.memref_slice %arg11[%dma_wait3A_901, %dma_wait3A_908] : memref<4x256xf32, #tpu.memory_space<vmem>> -> memref<1x256xf32, #tpu.memory_space<vmem>>
                  %dma_wait3A_910 = tpu.memref_squeeze %dma_wait3A_909 : memref<1x256xf32, #tpu.memory_space<vmem>> -> memref<256xf32, #tpu.memory_space<vmem>>
                  %dma_wait3A_911 = arith.constant 0 : i32
                  %dma_wait3A_912 = tpu.memref_slice %arg5[%dma_wait3A_900, %dma_wait3A_911] : memref<10000x256xf32, #tpu.memory_space<hbm>> -> memref<1x256xf32, #tpu.memory_space<hbm>>
                  %dma_wait3A_913 = tpu.memref_squeeze %dma_wait3A_912 : memref<1x256xf32, #tpu.memory_space<hbm>> -> memref<256xf32, #tpu.memory_space<hbm>>
                  tpu.wait_dma2 semaphore(%arg16 : memref<!tpu.dma_semaphore, #tpu.memory_space<semaphore_mem>>) src(%dma_wait3A_913 : memref<256xf32, #tpu.memory_space<hbm>>) dst(%dma_wait3A_910 : memref<256xf32, #tpu.memory_space<vmem>>)
                  %dma_wait3A_914 = arith.constant 0 : i32
                  %dma_wait3A_915 = arith.constant 0 : i32
                  %dma_wait3A_916 = arith.constant 0 : i32
                  %dma_wait3A_917 = tpu.memref_slice %arg11[%dma_wait3A_915, %dma_wait3A_916] : memref<4x256xf32, #tpu.memory_space<vmem>> -> memref<1x256xf32, #tpu.memory_space<vmem>>
                  %dma_wait3A_918 = tpu.memref_squeeze %dma_wait3A_917 : memref<1x256xf32, #tpu.memory_space<vmem>> -> memref<256xf32, #tpu.memory_space<vmem>>
                  %dma_wait3A_919 = arith.constant 0 : i32
                  %dma_wait3A_920 = tpu.memref_slice %arg5[%dma_wait3A_914, %dma_wait3A_919] : memref<10000x256xf32, #tpu.memory_space<hbm>> -> memref<1x256xf32, #tpu.memory_space<hbm>>
                  %dma_wait3A_921 = tpu.memref_squeeze %dma_wait3A_920 : memref<1x256xf32, #tpu.memory_space<hbm>> -> memref<256xf32, #tpu.memory_space<hbm>>
                  %dma_wait3A_922 = arith.constant 0 : i32
                  %dma_wait3A_923 = tpu.memref_slice %arg11[%dma_wait3A_915, %dma_wait3A_922] : memref<4x256xf32, #tpu.memory_space<vmem>> -> memref<1x256xf32, #tpu.memory_space<vmem>>
                  %dma_wait3A_924 = tpu.memref_squeeze %dma_wait3A_923 : memref<1x256xf32, #tpu.memory_space<vmem>> -> memref<256xf32, #tpu.memory_space<vmem>>
                  %dma_wait3A_925 = arith.constant 0 : i32
                  %dma_wait3A_926 = tpu.memref_slice %arg5[%dma_wait3A_914, %dma_wait3A_925] : memref<10000x256xf32, #tpu.memory_space<hbm>> -> memref<1x256xf32, #tpu.memory_space<hbm>>
                  %dma_wait3A_927 = tpu.memref_squeeze %dma_wait3A_926 : memref<1x256xf32, #tpu.memory_space<hbm>> -> memref<256xf32, #tpu.memory_space<hbm>>
                  tpu.wait_dma2 semaphore(%arg16 : memref<!tpu.dma_semaphore, #tpu.memory_space<semaphore_mem>>) src(%dma_wait3A_927 : memref<256xf32, #tpu.memory_space<hbm>>) dst(%dma_wait3A_924 : memref<256xf32, #tpu.memory_space<vmem>>)
                  %dma_wait3A_928 = arith.constant 0 : i32
                  %dma_wait3A_929 = arith.constant 0 : i32
                  %dma_wait3A_930 = arith.constant 0 : i32
                  %dma_wait3A_931 = tpu.memref_slice %arg11[%dma_wait3A_929, %dma_wait3A_930] : memref<4x256xf32, #tpu.memory_space<vmem>> -> memref<1x256xf32, #tpu.memory_space<vmem>>
                  %dma_wait3A_932 = tpu.memref_squeeze %dma_wait3A_931 : memref<1x256xf32, #tpu.memory_space<vmem>> -> memref<256xf32, #tpu.memory_space<vmem>>
                  %dma_wait3A_933 = arith.constant 0 : i32
                  %dma_wait3A_934 = tpu.memref_slice %arg5[%dma_wait3A_928, %dma_wait3A_933] : memref<10000x256xf32, #tpu.memory_space<hbm>> -> memref<1x256xf32, #tpu.memory_space<hbm>>
                  %dma_wait3A_935 = tpu.memref_squeeze %dma_wait3A_934 : memref<1x256xf32, #tpu.memory_space<hbm>> -> memref<256xf32, #tpu.memory_space<hbm>>
                  %dma_wait3A_936 = arith.constant 0 : i32
                  %dma_wait3A_937 = tpu.memref_slice %arg11[%dma_wait3A_929, %dma_wait3A_936] : memref<4x256xf32, #tpu.memory_space<vmem>> -> memref<1x256xf32, #tpu.memory_space<vmem>>
                  %dma_wait3A_938 = tpu.memref_squeeze %dma_wait3A_937 : memref<1x256xf32, #tpu.memory_space<vmem>> -> memref<256xf32, #tpu.memory_space<vmem>>
                  %dma_wait3A_939 = arith.constant 0 : i32
                  %dma_wait3A_940 = tpu.memref_slice %arg5[%dma_wait3A_928, %dma_wait3A_939] : memref<10000x256xf32, #tpu.memory_space<hbm>> -> memref<1x256xf32, #tpu.memory_space<hbm>>
                  %dma_wait3A_941 = tpu.memref_squeeze %dma_wait3A_940 : memref<1x256xf32, #tpu.memory_space<hbm>> -> memref<256xf32, #tpu.memory_space<hbm>>
                  tpu.wait_dma2 semaphore(%arg16 : memref<!tpu.dma_semaphore, #tpu.memory_space<semaphore_mem>>) src(%dma_wait3A_941 : memref<256xf32, #tpu.memory_space<hbm>>) dst(%dma_wait3A_938 : memref<256xf32, #tpu.memory_space<vmem>>)
                } else {
                }
                %get3A_775 = arith.constant 256 : index
                %get3A_776 = tpu.vector_load %arg12[%get3A_775] {strides = array<i32>} : memref<272xf32, #tpu.memory_space<vmem>>, vector<16xf32>,
                %div3A = arith.constant 1.000000e+00 : f32
                %div3A_777 = vector.broadcast %div3A : f32 to vector<16xf32>
                %div3A_778 = arith.divf %div3A_777, %get3A_776 : vector<16xf32>
                %get3A_779 = arith.constant 0 : index
                %get3A_780 = tpu.vector_load %arg12[%get3A_779] {strides = array<i32>} : memref<272xf32, #tpu.memory_space<vmem>>, vector<16xf32>,
                %mul3A_781 = arith.mulf %get3A_780, %div3A_778 : vector<16xf32>
                %swap3A_782 = arith.index_cast %and3A_766 : i32 to index
                %swap3A_783 = arith.constant 0 : index
                %swap3A_784 = tpu.vector_load %arg11[%swap3A_782, %swap3A_783] {strides = array<i32>} : memref<4x256xf32, #tpu.memory_space<vmem>>, vector<16xf32>,
                tpu.vector_store %arg11[%swap3A_782, %swap3A_783], %mul3A_781 {strides = array<i32>} : memref<4x256xf32, #tpu.memory_space<vmem>>, vector<16xf32>,
                %get3A_785 = arith.constant 16 : index
                %get3A_786 = tpu.vector_load %arg12[%get3A_785] {strides = array<i32>} : memref<272xf32, #tpu.memory_space<vmem>>, vector<16xf32>,
                %mul3A_787 = arith.mulf %get3A_786, %div3A_778 : vector<16xf32>
                %swap3A_788 = arith.index_cast %and3A_766 : i32 to index
                %swap3A_789 = arith.constant 16 : index
                %swap3A_790 = tpu.vector_load %arg11[%swap3A_788, %swap3A_789] {strides = array<i32>} : memref<4x256xf32, #tpu.memory_space<vmem>>, vector<16xf32>,
                tpu.vector_store %arg11[%swap3A_788, %swap3A_789], %mul3A_787 {strides = array<i32>} : memref<4x256xf32, #tpu.memory_space<vmem>>, vector<16xf32>,
                %get3A_791 = arith.constant 32 : index
                %get3A_792 = tpu.vector_load %arg12[%get3A_791] {strides = array<i32>} : memref<272xf32, #tpu.memory_space<vmem>>, vector<16xf32>,
                %mul3A_793 = arith.mulf %get3A_792, %div3A_778 : vector<16xf32>
                %swap3A_794 = arith.index_cast %and3A_766 : i32 to index
                %swap3A_795 = arith.constant 32 : index
                %swap3A_796 = tpu.vector_load %arg11[%swap3A_794, %swap3A_795] {strides = array<i32>} : memref<4x256xf32, #tpu.memory_space<vmem>>, vector<16xf32>,
                tpu.vector_store %arg11[%swap3A_794, %swap3A_795], %mul3A_793 {strides = array<i32>} : memref<4x256xf32, #tpu.memory_space<vmem>>, vector<16xf32>,
                %get3A_797 = arith.constant 48 : index
                %get3A_798 = tpu.vector_load %arg12[%get3A_797] {strides = array<i32>} : memref<272xf32, #tpu.memory_space<vmem>>, vector<16xf32>,
                %mul3A_799 = arith.mulf %get3A_798, %div3A_778 : vector<16xf32>
                %swap3A_800 = arith.index_cast %and3A_766 : i32 to index
                %swap3A_801 = arith.constant 48 : index
                %swap3A_802 = tpu.vector_load %arg11[%swap3A_800, %swap3A_801] {strides = array<i32>} : memref<4x256xf32, #tpu.memory_space<vmem>>, vector<16xf32>,
                tpu.vector_store %arg11[%swap3A_800, %swap3A_801], %mul3A_799 {strides = array<i32>} : memref<4x256xf32, #tpu.memory_space<vmem>>, vector<16xf32>,
                %get3A_803 = arith.constant 64 : index
                %get3A_804 = tpu.vector_load %arg12[%get3A_803] {strides = array<i32>} : memref<272xf32, #tpu.memory_space<vmem>>, vector<16xf32>,
                %mul3A_805 = arith.mulf %get3A_804, %div3A_778 : vector<16xf32>
                %swap3A_806 = arith.index_cast %and3A_766 : i32 to index
                %swap3A_807 = arith.constant 64 : index
                %swap3A_808 = tpu.vector_load %arg11[%swap3A_806, %swap3A_807] {strides = array<i32>} : memref<4x256xf32, #tpu.memory_space<vmem>>, vector<16xf32>,
                tpu.vector_store %arg11[%swap3A_806, %swap3A_807], %mul3A_805 {strides = array<i32>} : memref<4x256xf32, #tpu.memory_space<vmem>>, vector<16xf32>,
                %get3A_809 = arith.constant 80 : index
                %get3A_810 = tpu.vector_load %arg12[%get3A_809] {strides = array<i32>} : memref<272xf32, #tpu.memory_space<vmem>>, vector<16xf32>,
                %mul3A_811 = arith.mulf %get3A_810, %div3A_778 : vector<16xf32>
                %swap3A_812 = arith.index_cast %and3A_766 : i32 to index
                %swap3A_813 = arith.constant 80 : index
                %swap3A_814 = tpu.vector_load %arg11[%swap3A_812, %swap3A_813] {strides = array<i32>} : memref<4x256xf32, #tpu.memory_space<vmem>>, vector<16xf32>,
                tpu.vector_store %arg11[%swap3A_812, %swap3A_813], %mul3A_811 {strides = array<i32>} : memref<4x256xf32, #tpu.memory_space<vmem>>, vector<16xf32>,
                %get3A_815 = arith.constant 96 : index
                %get3A_816 = tpu.vector_load %arg12[%get3A_815] {strides = array<i32>} : memref<272xf32, #tpu.memory_space<vmem>>, vector<16xf32>,
                %mul3A_817 = arith.mulf %get3A_816, %div3A_778 : vector<16xf32>
                %swap3A_818 = arith.index_cast %and3A_766 : i32 to index
                %swap3A_819 = arith.constant 96 : index
                %swap3A_820 = tpu.vector_load %arg11[%swap3A_818, %swap3A_819] {strides = array<i32>} : memref<4x256xf32, #tpu.memory_space<vmem>>, vector<16xf32>,
                tpu.vector_store %arg11[%swap3A_818, %swap3A_819], %mul3A_817 {strides = array<i32>} : memref<4x256xf32, #tpu.memory_space<vmem>>, vector<16xf32>,
                %get3A_821 = arith.constant 112 : index
                %get3A_822 = tpu.vector_load %arg12[%get3A_821] {strides = array<i32>} : memref<272xf32, #tpu.memory_space<vmem>>, vector<16xf32>,
                %mul3A_823 = arith.mulf %get3A_822, %div3A_778 : vector<16xf32>
                %swap3A_824 = arith.index_cast %and3A_766 : i32 to index
                %swap3A_825 = arith.constant 112 : index
                %swap3A_826 = tpu.vector_load %arg11[%swap3A_824, %swap3A_825] {strides = array<i32>} : memref<4x256xf32, #tpu.memory_space<vmem>>, vector<16xf32>,
                tpu.vector_store %arg11[%swap3A_824, %swap3A_825], %mul3A_823 {strides = array<i32>} : memref<4x256xf32, #tpu.memory_space<vmem>>, vector<16xf32>,
                %get3A_827 = arith.constant 128 : index
                %get3A_828 = tpu.vector_load %arg12[%get3A_827] {strides = array<i32>} : memref<272xf32, #tpu.memory_space<vmem>>, vector<16xf32>,
                %mul3A_829 = arith.mulf %get3A_828, %div3A_778 : vector<16xf32>
                %swap3A_830 = arith.index_cast %and3A_766 : i32 to index
                %swap3A_831 = arith.constant 128 : index
                %swap3A_832 = tpu.vector_load %arg11[%swap3A_830, %swap3A_831] {strides = array<i32>} : memref<4x256xf32, #tpu.memory_space<vmem>>, vector<16xf32>,
                tpu.vector_store %arg11[%swap3A_830, %swap3A_831], %mul3A_829 {strides = array<i32>} : memref<4x256xf32, #tpu.memory_space<vmem>>, vector<16xf32>,
                %get3A_833 = arith.constant 144 : index
                %get3A_834 = tpu.vector_load %arg12[%get3A_833] {strides = array<i32>} : memref<272xf32, #tpu.memory_space<vmem>>, vector<16xf32>,
                %mul3A_835 = arith.mulf %get3A_834, %div3A_778 : vector<16xf32>
                %swap3A_836 = arith.index_cast %and3A_766 : i32 to index
                %swap3A_837 = arith.constant 144 : index
                %swap3A_838 = tpu.vector_load %arg11[%swap3A_836, %swap3A_837] {strides = array<i32>} : memref<4x256xf32, #tpu.memory_space<vmem>>, vector<16xf32>,
                tpu.vector_store %arg11[%swap3A_836, %swap3A_837], %mul3A_835 {strides = array<i32>} : memref<4x256xf32, #tpu.memory_space<vmem>>, vector<16xf32>,
                %get3A_839 = arith.constant 160 : index
                %get3A_840 = tpu.vector_load %arg12[%get3A_839] {strides = array<i32>} : memref<272xf32, #tpu.memory_space<vmem>>, vector<16xf32>,
                %mul3A_841 = arith.mulf %get3A_840, %div3A_778 : vector<16xf32>
                %swap3A_842 = arith.index_cast %and3A_766 : i32 to index
                %swap3A_843 = arith.constant 160 : index
                %swap3A_844 = tpu.vector_load %arg11[%swap3A_842, %swap3A_843] {strides = array<i32>} : memref<4x256xf32, #tpu.memory_space<vmem>>, vector<16xf32>,
                tpu.vector_store %arg11[%swap3A_842, %swap3A_843], %mul3A_841 {strides = array<i32>} : memref<4x256xf32, #tpu.memory_space<vmem>>, vector<16xf32>,
                %get3A_845 = arith.constant 176 : index
                %get3A_846 = tpu.vector_load %arg12[%get3A_845] {strides = array<i32>} : memref<272xf32, #tpu.memory_space<vmem>>, vector<16xf32>,
                %mul3A_847 = arith.mulf %get3A_846, %div3A_778 : vector<16xf32>
                %swap3A_848 = arith.index_cast %and3A_766 : i32 to index
                %swap3A_849 = arith.constant 176 : index
                %swap3A_850 = tpu.vector_load %arg11[%swap3A_848, %swap3A_849] {strides = array<i32>} : memref<4x256xf32, #tpu.memory_space<vmem>>, vector<16xf32>,
                tpu.vector_store %arg11[%swap3A_848, %swap3A_849], %mul3A_847 {strides = array<i32>} : memref<4x256xf32, #tpu.memory_space<vmem>>, vector<16xf32>,
                %get3A_851 = arith.constant 192 : index
                %get3A_852 = tpu.vector_load %arg12[%get3A_851] {strides = array<i32>} : memref<272xf32, #tpu.memory_space<vmem>>, vector<16xf32>,
                %mul3A_853 = arith.mulf %get3A_852, %div3A_778 : vector<16xf32>
                %swap3A_854 = arith.index_cast %and3A_766 : i32 to index
                %swap3A_855 = arith.constant 192 : index
                %swap3A_856 = tpu.vector_load %arg11[%swap3A_854, %swap3A_855] {strides = array<i32>} : memref<4x256xf32, #tpu.memory_space<vmem>>, vector<16xf32>,
                tpu.vector_store %arg11[%swap3A_854, %swap3A_855], %mul3A_853 {strides = array<i32>} : memref<4x256xf32, #tpu.memory_space<vmem>>, vector<16xf32>,
                %get3A_857 = arith.constant 208 : index
                %get3A_858 = tpu.vector_load %arg12[%get3A_857] {strides = array<i32>} : memref<272xf32, #tpu.memory_space<vmem>>, vector<16xf32>,
                %mul3A_859 = arith.mulf %get3A_858, %div3A_778 : vector<16xf32>
                %swap3A_860 = arith.index_cast %and3A_766 : i32 to index
                %swap3A_861 = arith.constant 208 : index
                %swap3A_862 = tpu.vector_load %arg11[%swap3A_860, %swap3A_861] {strides = array<i32>} : memref<4x256xf32, #tpu.memory_space<vmem>>, vector<16xf32>,
                tpu.vector_store %arg11[%swap3A_860, %swap3A_861], %mul3A_859 {strides = array<i32>} : memref<4x256xf32, #tpu.memory_space<vmem>>, vector<16xf32>,
                %get3A_863 = arith.constant 224 : index
                %get3A_864 = tpu.vector_load %arg12[%get3A_863] {strides = array<i32>} : memref<272xf32, #tpu.memory_space<vmem>>, vector<16xf32>,
                %mul3A_865 = arith.mulf %get3A_864, %div3A_778 : vector<16xf32>
                %swap3A_866 = arith.index_cast %and3A_766 : i32 to index
                %swap3A_867 = arith.constant 224 : index
                %swap3A_868 = tpu.vector_load %arg11[%swap3A_866, %swap3A_867] {strides = array<i32>} : memref<4x256xf32, #tpu.memory_space<vmem>>, vector<16xf32>,
                tpu.vector_store %arg11[%swap3A_866, %swap3A_867], %mul3A_865 {strides = array<i32>} : memref<4x256xf32, #tpu.memory_space<vmem>>, vector<16xf32>,
                %get3A_869 = arith.constant 240 : index
                %get3A_870 = tpu.vector_load %arg12[%get3A_869] {strides = array<i32>} : memref<272xf32, #tpu.memory_space<vmem>>, vector<16xf32>,
                %mul3A_871 = arith.mulf %get3A_870, %div3A_778 : vector<16xf32>
                %swap3A_872 = arith.index_cast %and3A_766 : i32 to index
                %swap3A_873 = arith.constant 240 : index
                %swap3A_874 = tpu.vector_load %arg11[%swap3A_872, %swap3A_873] {strides = array<i32>} : memref<4x256xf32, #tpu.memory_space<vmem>>, vector<16xf32>,
                tpu.vector_store %arg11[%swap3A_872, %swap3A_873], %mul3A_871 {strides = array<i32>} : memref<4x256xf32, #tpu.memory_space<vmem>>, vector<16xf32>,
                %dma_start3A_875 = arith.constant 0 : i32
                %dma_start3A_876 = tpu.memref_slice %arg11[%and3A_766, %dma_start3A_875] : memref<4x256xf32, #tpu.memory_space<vmem>> -> memref<1x256xf32, #tpu.memory_space<vmem>>
                %dma_start3A_877 = tpu.memref_squeeze %dma_start3A_876 : memref<1x256xf32, #tpu.memory_space<vmem>> -> memref<256xf32, #tpu.memory_space<vmem>>
                %dma_start3A_878 = arith.constant 0 : i32
                %dma_start3A_879 = tpu.memref_slice %arg5[%squeeze3A_720, %dma_start3A_878] : memref<10000x256xf32, #tpu.memory_space<hbm>> -> memref<1x256xf32, #tpu.memory_space<hbm>>
                %dma_start3A_880 = tpu.memref_squeeze %dma_start3A_879 : memref<1x256xf32, #tpu.memory_space<hbm>> -> memref<256xf32, #tpu.memory_space<hbm>>
                %dma_start3A_881 = arith.constant 0 : i32
                %dma_start3A_882 = tpu.memref_slice %arg5[%squeeze3A_720, %dma_start3A_881] : memref<10000x256xf32, #tpu.memory_space<hbm>> -> memref<1x256xf32, #tpu.memory_space<hbm>>
                %dma_start3A_883 = tpu.memref_squeeze %dma_start3A_882 : memref<1x256xf32, #tpu.memory_space<hbm>> -> memref<256xf32, #tpu.memory_space<hbm>>
                %dma_start3A_884 = arith.constant 0 : i32
                %dma_start3A_885 = tpu.memref_slice %arg11[%and3A_766, %dma_start3A_884] : memref<4x256xf32, #tpu.memory_space<vmem>> -> memref<1x256xf32, #tpu.memory_space<vmem>>
                %dma_start3A_886 = tpu.memref_squeeze %dma_start3A_885 : memref<1x256xf32, #tpu.memory_space<vmem>> -> memref<256xf32, #tpu.memory_space<vmem>>
                tpu.enqueue_dma source(%dma_start3A_886 : memref<256xf32, #tpu.memory_space<vmem>>) target(%dma_start3A_883 : memref<256xf32, #tpu.memory_space<hbm>>) target_semaphore(%arg16 : memref<!tpu.dma_semaphore, #tpu.memory_space<semaphore_mem>>)
              } else {
              }
              %swap3A_731 = arith.constant 0 : index
              %swap3A_732 = tpu.vector_load %arg12[%swap3A_731] {strides = array<i32>} : memref<272xf32, #tpu.memory_space<vmem>>, vector<16xf32>,
              tpu.vector_store %arg12[%swap3A_731], %broadcast_in_dim3A_3 {strides = array<i32>} : memref<272xf32, #tpu.memory_space<vmem>>, vector<16xf32>,
              %swap3A_733 = arith.constant 16 : index
              %swap3A_734 = tpu.vector_load %arg12[%swap3A_733] {strides = array<i32>} : memref<272xf32, #tpu.memory_space<vmem>>, vector<16xf32>,
              tpu.vector_store %arg12[%swap3A_733], %broadcast_in_dim3A_3 {strides = array<i32>} : memref<272xf32, #tpu.memory_space<vmem>>, vector<16xf32>,
              %swap3A_735 = arith.constant 32 : index
              %swap3A_736 = tpu.vector_load %arg12[%swap3A_735] {strides = array<i32>} : memref<272xf32, #tpu.memory_space<vmem>>, vector<16xf32>,
              tpu.vector_store %arg12[%swap3A_735], %broadcast_in_dim3A_3 {strides = array<i32>} : memref<272xf32, #tpu.memory_space<vmem>>, vector<16xf32>,
              %swap3A_737 = arith.constant 48 : index
              %swap3A_738 = tpu.vector_load %arg12[%swap3A_737] {strides = array<i32>} : memref<272xf32, #tpu.memory_space<vmem>>, vector<16xf32>,
              tpu.vector_store %arg12[%swap3A_737], %broadcast_in_dim3A_3 {strides = array<i32>} : memref<272xf32, #tpu.memory_space<vmem>>, vector<16xf32>,
              %swap3A_739 = arith.constant 64 : index
              %swap3A_740 = tpu.vector_load %arg12[%swap3A_739] {strides = array<i32>} : memref<272xf32, #tpu.memory_space<vmem>>, vector<16xf32>,
              tpu.vector_store %arg12[%swap3A_739], %broadcast_in_dim3A_3 {strides = array<i32>} : memref<272xf32, #tpu.memory_space<vmem>>, vector<16xf32>,
              %swap3A_741 = arith.constant 80 : index
              %swap3A_742 = tpu.vector_load %arg12[%swap3A_741] {strides = array<i32>} : memref<272xf32, #tpu.memory_space<vmem>>, vector<16xf32>,
              tpu.vector_store %arg12[%swap3A_741], %broadcast_in_dim3A_3 {strides = array<i32>} : memref<272xf32, #tpu.memory_space<vmem>>, vector<16xf32>,
              %swap3A_743 = arith.constant 96 : index
              %swap3A_744 = tpu.vector_load %arg12[%swap3A_743] {strides = array<i32>} : memref<272xf32, #tpu.memory_space<vmem>>, vector<16xf32>,
              tpu.vector_store %arg12[%swap3A_743], %broadcast_in_dim3A_3 {strides = array<i32>} : memref<272xf32, #tpu.memory_space<vmem>>, vector<16xf32>,
              %swap3A_745 = arith.constant 112 : index
              %swap3A_746 = tpu.vector_load %arg12[%swap3A_745] {strides = array<i32>} : memref<272xf32, #tpu.memory_space<vmem>>, vector<16xf32>,
              tpu.vector_store %arg12[%swap3A_745], %broadcast_in_dim3A_3 {strides = array<i32>} : memref<272xf32, #tpu.memory_space<vmem>>, vector<16xf32>,
              %swap3A_747 = arith.constant 128 : index
              %swap3A_748 = tpu.vector_load %arg12[%swap3A_747] {strides = array<i32>} : memref<272xf32, #tpu.memory_space<vmem>>, vector<16xf32>,
              tpu.vector_store %arg12[%swap3A_747], %broadcast_in_dim3A_3 {strides = array<i32>} : memref<272xf32, #tpu.memory_space<vmem>>, vector<16xf32>,
              %swap3A_749 = arith.constant 144 : index
              %swap3A_750 = tpu.vector_load %arg12[%swap3A_749] {strides = array<i32>} : memref<272xf32, #tpu.memory_space<vmem>>, vector<16xf32>,
              tpu.vector_store %arg12[%swap3A_749], %broadcast_in_dim3A_3 {strides = array<i32>} : memref<272xf32, #tpu.memory_space<vmem>>, vector<16xf32>,
              %swap3A_751 = arith.constant 160 : index
              %swap3A_752 = tpu.vector_load %arg12[%swap3A_751] {strides = array<i32>} : memref<272xf32, #tpu.memory_space<vmem>>, vector<16xf32>,
              tpu.vector_store %arg12[%swap3A_751], %broadcast_in_dim3A_3 {strides = array<i32>} : memref<272xf32, #tpu.memory_space<vmem>>, vector<16xf32>,
              %swap3A_753 = arith.constant 176 : index
              %swap3A_754 = tpu.vector_load %arg12[%swap3A_753] {strides = array<i32>} : memref<272xf32, #tpu.memory_space<vmem>>, vector<16xf32>,
              tpu.vector_store %arg12[%swap3A_753], %broadcast_in_dim3A_3 {strides = array<i32>} : memref<272xf32, #tpu.memory_space<vmem>>, vector<16xf32>,
              %swap3A_755 = arith.constant 192 : index
              %swap3A_756 = tpu.vector_load %arg12[%swap3A_755] {strides = array<i32>} : memref<272xf32, #tpu.memory_space<vmem>>, vector<16xf32>,
              tpu.vector_store %arg12[%swap3A_755], %broadcast_in_dim3A_3 {strides = array<i32>} : memref<272xf32, #tpu.memory_space<vmem>>, vector<16xf32>,
              %swap3A_757 = arith.constant 208 : index
              %swap3A_758 = tpu.vector_load %arg12[%swap3A_757] {strides = array<i32>} : memref<272xf32, #tpu.memory_space<vmem>>, vector<16xf32>,
              tpu.vector_store %arg12[%swap3A_757], %broadcast_in_dim3A_3 {strides = array<i32>} : memref<272xf32, #tpu.memory_space<vmem>>, vector<16xf32>,
              %swap3A_759 = arith.constant 224 : index
              %swap3A_760 = tpu.vector_load %arg12[%swap3A_759] {strides = array<i32>} : memref<272xf32, #tpu.memory_space<vmem>>, vector<16xf32>,
              tpu.vector_store %arg12[%swap3A_759], %broadcast_in_dim3A_3 {strides = array<i32>} : memref<272xf32, #tpu.memory_space<vmem>>, vector<16xf32>,
              %swap3A_761 = arith.constant 240 : index
              %swap3A_762 = tpu.vector_load %arg12[%swap3A_761] {strides = array<i32>} : memref<272xf32, #tpu.memory_space<vmem>>, vector<16xf32>,
              tpu.vector_store %arg12[%swap3A_761], %broadcast_in_dim3A_3 {strides = array<i32>} : memref<272xf32, #tpu.memory_space<vmem>>, vector<16xf32>,
              %swap3A_763 = arith.constant 256 : index
              %swap3A_764 = tpu.vector_load %arg12[%swap3A_763] {strides = array<i32>} : memref<272xf32, #tpu.memory_space<vmem>>, vector<16xf32>,
              tpu.vector_store %arg12[%swap3A_763], %broadcast_in_dim3A_3 {strides = array<i32>} : memref<272xf32, #tpu.memory_space<vmem>>, vector<16xf32>,
            } else {
            }
            %mul3A_603 = arith.constant 200 : i32
            %mul3A_604 = arith.muli %and3A_108, %mul3A_603 : i32
            %add3A_605 = arith.addi %mul3A_604, %add3A_599 : i32
            %mul3A_606 = arith.constant 1664 : i32
            %mul3A_607 = arith.muli %and3A_108, %mul3A_606 : i32
            %mul3A_608 = arith.constant 8 : i32
            %mul3A_609 = arith.muli %add3A_599, %mul3A_608 : i32
            %add3A_610 = arith.addi %mul3A_607, %mul3A_609 : i32
            %broadcast_in_dim3A_611 = vector.broadcast %add3A_610 : i32 to vector<16xi32>
            %gather3A_612 = tpu.vector_load_idx %arg10[%broadcast_in_dim3A_611] : memref<3328xf32, #tpu.memory_space<vmem>>[vector<16xi32>], vector<16xf32>,
            %get3A_613 = arith.index_cast %add3A_605 : i32 to index
            %get3A_614 = arith.constant 0 : index
            %get3A_615 = tpu.vector_load %arg8[%get3A_613, %get3A_614] {strides = array<i32>} : memref<400x256xf32, #tpu.memory_space<vmem>>, vector<16xf32>,
            %get3A_616 = arith.index_cast %add3A_605 : i32 to index
            %get3A_617 = arith.constant 16 : index
            %get3A_618 = tpu.vector_load %arg8[%get3A_616, %get3A_617] {strides = array<i32>} : memref<400x256xf32, #tpu.memory_space<vmem>>, vector<16xf32>,
            %get3A_619 = arith.index_cast %add3A_605 : i32 to index
            %get3A_620 = arith.constant 32 : index
            %get3A_621 = tpu.vector_load %arg8[%get3A_619, %get3A_620] {strides = array<i32>} : memref<400x256xf32, #tpu.memory_space<vmem>>, vector<16xf32>,
            %get3A_622 = arith.index_cast %add3A_605 : i32 to index
            %get3A_623 = arith.constant 48 : index
            %get3A_624 = tpu.vector_load %arg8[%get3A_622, %get3A_623] {strides = array<i32>} : memref<400x256xf32, #tpu.memory_space<vmem>>, vector<16xf32>,
            %get3A_625 = arith.index_cast %add3A_605 : i32 to index
            %get3A_626 = arith.constant 64 : index
            %get3A_627 = tpu.vector_load %arg8[%get3A_625, %get3A_626] {strides = array<i32>} : memref<400x256xf32, #tpu.memory_space<vmem>>, vector<16xf32>,
            %get3A_628 = arith.index_cast %add3A_605 : i32 to index
            %get3A_629 = arith.constant 80 : index
            %get3A_630 = tpu.vector_load %arg8[%get3A_628, %get3A_629] {strides = array<i32>} : memref<400x256xf32, #tpu.memory_space<vmem>>, vector<16xf32>,
            %get3A_631 = arith.index_cast %add3A_605 : i32 to index
            %get3A_632 = arith.constant 96 : index
            %get3A_633 = tpu.vector_load %arg8[%get3A_631, %get3A_632] {strides = array<i32>} : memref<400x256xf32, #tpu.memory_space<vmem>>, vector<16xf32>,
            %get3A_634 = arith.index_cast %add3A_605 : i32 to index
            %get3A_635 = arith.constant 112 : index
            %get3A_636 = tpu.vector_load %arg8[%get3A_634, %get3A_635] {strides = array<i32>} : memref<400x256xf32, #tpu.memory_space<vmem>>, vector<16xf32>,
            %get3A_637 = arith.index_cast %add3A_605 : i32 to index
            %get3A_638 = arith.constant 128 : index
            %get3A_639 = tpu.vector_load %arg8[%get3A_637, %get3A_638] {strides = array<i32>} : memref<400x256xf32, #tpu.memory_space<vmem>>, vector<16xf32>,
            %get3A_640 = arith.index_cast %add3A_605 : i32 to index
            %get3A_641 = arith.constant 144 : index
            %get3A_642 = tpu.vector_load %arg8[%get3A_640, %get3A_641] {strides = array<i32>} : memref<400x256xf32, #tpu.memory_space<vmem>>, vector<16xf32>,
            %get3A_643 = arith.index_cast %add3A_605 : i32 to index
            %get3A_644 = arith.constant 160 : index
            %get3A_645 = tpu.vector_load %arg8[%get3A_643, %get3A_644] {strides = array<i32>} : memref<400x256xf32, #tpu.memory_space<vmem>>, vector<16xf32>,
            %get3A_646 = arith.index_cast %add3A_605 : i32 to index
            %get3A_647 = arith.constant 176 : index
            %get3A_648 = tpu.vector_load %arg8[%get3A_646, %get3A_647] {strides = array<i32>} : memref<400x256xf32, #tpu.memory_space<vmem>>, vector<16xf32>,
            %get3A_649 = arith.index_cast %add3A_605 : i32 to index
            %get3A_650 = arith.constant 192 : index
            %get3A_651 = tpu.vector_load %arg8[%get3A_649, %get3A_650] {strides = array<i32>} : memref<400x256xf32, #tpu.memory_space<vmem>>, vector<16xf32>,
            %get3A_652 = arith.index_cast %add3A_605 : i32 to index
            %get3A_653 = arith.constant 208 : index
            %get3A_654 = tpu.vector_load %arg8[%get3A_652, %get3A_653] {strides = array<i32>} : memref<400x256xf32, #tpu.memory_space<vmem>>, vector<16xf32>,
            %get3A_655 = arith.index_cast %add3A_605 : i32 to index
            %get3A_656 = arith.constant 224 : index
            %get3A_657 = tpu.vector_load %arg8[%get3A_655, %get3A_656] {strides = array<i32>} : memref<400x256xf32, #tpu.memory_space<vmem>>, vector<16xf32>,
            %get3A_658 = arith.index_cast %add3A_605 : i32 to index
            %get3A_659 = arith.constant 240 : index
            %get3A_660 = tpu.vector_load %arg8[%get3A_658, %get3A_659] {strides = array<i32>} : memref<400x256xf32, #tpu.memory_space<vmem>>, vector<16xf32>,
            %mul3A_661 = arith.mulf %gather3A_612, %get3A_615 : vector<16xf32>
            %swap3A_662 = arith.constant 0 : index
            %swap3A_663 = tpu.vector_load %arg12[%swap3A_662] {strides = array<i32>} : memref<272xf32, #tpu.memory_space<vmem>>, vector<16xf32>,
            tpu.vector_store %arg12[%swap3A_662], %mul3A_661 {add = true, strides = array<i32>} : memref<272xf32, #tpu.memory_space<vmem>>, vector<16xf32>,
            %mul3A_664 = arith.mulf %gather3A_612, %get3A_618 : vector<16xf32>
            %swap3A_665 = arith.constant 16 : index
            %swap3A_666 = tpu.vector_load %arg12[%swap3A_665] {strides = array<i32>} : memref<272xf32, #tpu.memory_space<vmem>>, vector<16xf32>,
            tpu.vector_store %arg12[%swap3A_665], %mul3A_664 {add = true, strides = array<i32>} : memref<272xf32, #tpu.memory_space<vmem>>, vector<16xf32>,
            %mul3A_667 = arith.mulf %gather3A_612, %get3A_621 : vector<16xf32>
            %swap3A_668 = arith.constant 32 : index
            %swap3A_669 = tpu.vector_load %arg12[%swap3A_668] {strides = array<i32>} : memref<272xf32, #tpu.memory_space<vmem>>, vector<16xf32>,
            tpu.vector_store %arg12[%swap3A_668], %mul3A_667 {add = true, strides = array<i32>} : memref<272xf32, #tpu.memory_space<vmem>>, vector<16xf32>,
            %mul3A_670 = arith.mulf %gather3A_612, %get3A_624 : vector<16xf32>
            %swap3A_671 = arith.constant 48 : index
            %swap3A_672 = tpu.vector_load %arg12[%swap3A_671] {strides = array<i32>} : memref<272xf32, #tpu.memory_space<vmem>>, vector<16xf32>,
            tpu.vector_store %arg12[%swap3A_671], %mul3A_670 {add = true, strides = array<i32>} : memref<272xf32, #tpu.memory_space<vmem>>, vector<16xf32>,
            %mul3A_673 = arith.mulf %gather3A_612, %get3A_627 : vector<16xf32>
            %swap3A_674 = arith.constant 64 : index
            %swap3A_675 = tpu.vector_load %arg12[%swap3A_674] {strides = array<i32>} : memref<272xf32, #tpu.memory_space<vmem>>, vector<16xf32>,
            tpu.vector_store %arg12[%swap3A_674], %mul3A_673 {add = true, strides = array<i32>} : memref<272xf32, #tpu.memory_space<vmem>>, vector<16xf32>,
            %mul3A_676 = arith.mulf %gather3A_612, %get3A_630 : vector<16xf32>
            %swap3A_677 = arith.constant 80 : index
            %swap3A_678 = tpu.vector_load %arg12[%swap3A_677] {strides = array<i32>} : memref<272xf32, #tpu.memory_space<vmem>>, vector<16xf32>,
            tpu.vector_store %arg12[%swap3A_677], %mul3A_676 {add = true, strides = array<i32>} : memref<272xf32, #tpu.memory_space<vmem>>, vector<16xf32>,
            %mul3A_679 = arith.mulf %gather3A_612, %get3A_633 : vector<16xf32>
            %swap3A_680 = arith.constant 96 : index
            %swap3A_681 = tpu.vector_load %arg12[%swap3A_680] {strides = array<i32>} : memref<272xf32, #tpu.memory_space<vmem>>, vector<16xf32>,
            tpu.vector_store %arg12[%swap3A_680], %mul3A_679 {add = true, strides = array<i32>} : memref<272xf32, #tpu.memory_space<vmem>>, vector<16xf32>,
            %mul3A_682 = arith.mulf %gather3A_612, %get3A_636 : vector<16xf32>
            %swap3A_683 = arith.constant 112 : index
            %swap3A_684 = tpu.vector_load %arg12[%swap3A_683] {strides = array<i32>} : memref<272xf32, #tpu.memory_space<vmem>>, vector<16xf32>,
            tpu.vector_store %arg12[%swap3A_683], %mul3A_682 {add = true, strides = array<i32>} : memref<272xf32, #tpu.memory_space<vmem>>, vector<16xf32>,
            %mul3A_685 = arith.mulf %gather3A_612, %get3A_639 : vector<16xf32>
            %swap3A_686 = arith.constant 128 : index
            %swap3A_687 = tpu.vector_load %arg12[%swap3A_686] {strides = array<i32>} : memref<272xf32, #tpu.memory_space<vmem>>, vector<16xf32>,
            tpu.vector_store %arg12[%swap3A_686], %mul3A_685 {add = true, strides = array<i32>} : memref<272xf32, #tpu.memory_space<vmem>>, vector<16xf32>,
            %mul3A_688 = arith.mulf %gather3A_612, %get3A_642 : vector<16xf32>
            %swap3A_689 = arith.constant 144 : index
            %swap3A_690 = tpu.vector_load %arg12[%swap3A_689] {strides = array<i32>} : memref<272xf32, #tpu.memory_space<vmem>>, vector<16xf32>,
            tpu.vector_store %arg12[%swap3A_689], %mul3A_688 {add = true, strides = array<i32>} : memref<272xf32, #tpu.memory_space<vmem>>, vector<16xf32>,
            %mul3A_691 = arith.mulf %gather3A_612, %get3A_645 : vector<16xf32>
            %swap3A_692 = arith.constant 160 : index
            %swap3A_693 = tpu.vector_load %arg12[%swap3A_692] {strides = array<i32>} : memref<272xf32, #tpu.memory_space<vmem>>, vector<16xf32>,
            tpu.vector_store %arg12[%swap3A_692], %mul3A_691 {add = true, strides = array<i32>} : memref<272xf32, #tpu.memory_space<vmem>>, vector<16xf32>,
            %mul3A_694 = arith.mulf %gather3A_612, %get3A_648 : vector<16xf32>
            %swap3A_695 = arith.constant 176 : index
            %swap3A_696 = tpu.vector_load %arg12[%swap3A_695] {strides = array<i32>} : memref<272xf32, #tpu.memory_space<vmem>>, vector<16xf32>,
            tpu.vector_store %arg12[%swap3A_695], %mul3A_694 {add = true, strides = array<i32>} : memref<272xf32, #tpu.memory_space<vmem>>, vector<16xf32>,
            %mul3A_697 = arith.mulf %gather3A_612, %get3A_651 : vector<16xf32>
            %swap3A_698 = arith.constant 192 : index
            %swap3A_699 = tpu.vector_load %arg12[%swap3A_698] {strides = array<i32>} : memref<272xf32, #tpu.memory_space<vmem>>, vector<16xf32>,
            tpu.vector_store %arg12[%swap3A_698], %mul3A_697 {add = true, strides = array<i32>} : memref<272xf32, #tpu.memory_space<vmem>>, vector<16xf32>,
            %mul3A_700 = arith.mulf %gather3A_612, %get3A_654 : vector<16xf32>
            %swap3A_701 = arith.constant 208 : index
            %swap3A_702 = tpu.vector_load %arg12[%swap3A_701] {strides = array<i32>} : memref<272xf32, #tpu.memory_space<vmem>>, vector<16xf32>,
            tpu.vector_store %arg12[%swap3A_701], %mul3A_700 {add = true, strides = array<i32>} : memref<272xf32, #tpu.memory_space<vmem>>, vector<16xf32>,
            %mul3A_703 = arith.mulf %gather3A_612, %get3A_657 : vector<16xf32>
            %swap3A_704 = arith.constant 224 : index
            %swap3A_705 = tpu.vector_load %arg12[%swap3A_704] {strides = array<i32>} : memref<272xf32, #tpu.memory_space<vmem>>, vector<16xf32>,
            tpu.vector_store %arg12[%swap3A_704], %mul3A_703 {add = true, strides = array<i32>} : memref<272xf32, #tpu.memory_space<vmem>>, vector<16xf32>,
            %mul3A_706 = arith.mulf %gather3A_612, %get3A_660 : vector<16xf32>
            %swap3A_707 = arith.constant 240 : index
            %swap3A_708 = tpu.vector_load %arg12[%swap3A_707] {strides = array<i32>} : memref<272xf32, #tpu.memory_space<vmem>>, vector<16xf32>,
            tpu.vector_store %arg12[%swap3A_707], %mul3A_706 {add = true, strides = array<i32>} : memref<272xf32, #tpu.memory_space<vmem>>, vector<16xf32>,
            %swap3A_709 = arith.constant 256 : index
            %swap3A_710 = tpu.vector_load %arg12[%swap3A_709] {strides = array<i32>} : memref<272xf32, #tpu.memory_space<vmem>>, vector<16xf32>,
            tpu.vector_store %arg12[%swap3A_709], %gather3A_612 {add = true, strides = array<i32>} : memref<272xf32, #tpu.memory_space<vmem>>, vector<16xf32>,
          } else {
          }
          %add3A_248 = arith.addi %mul3A_133, %mul3A_170 : i32
          %lt3A_249 = arith.constant 200 : i32
          %lt3A_250 = arith.cmpi slt, %add3A_248, %lt3A_249 : i32
          %select_n3A_251 = arith.select %lt3A_250, %add3A_241, %scan3A_167 : i32
          %add3A_252 = arith.addi %mul3A_133, %mul3A_170 : i32
          %lt3A_253 = arith.constant 200 : i32
          %lt3A_254 = arith.cmpi slt, %add3A_252, %lt3A_253 : i32
          %select_n3A_255 = arith.select %lt3A_254, %add3A_237, %scan3A_168 : i32
          scf.yield %select_n3A_251, %select_n3A_255 : i32, i32
        }
        %scan3A_165 = arith.constant 4 : i32
        scf.yield %scan3A_164#0, %scan3A_164#1 : i32, i32
      }
      %scan3A_128 = arith.constant 13 : i32
      scf.yield %scan3A_127#0, %scan3A_127#1 : i32, i32
    }
    %scan3A_70 = arith.constant 25 : i32
    %get3A = arith.constant 192 : index
    %get3A_71 = tpu.vector_load %arg9[%get3A] {strides = array<i32>} : memref<448xi32, #tpu.memory_space<vmem>>, vector<16xi32>,
    %slice3A = vector.extract_strided_slice %get3A_71 {offsets = [15], sizes = [1], strides = [1]} : vector<16xi32> to vector<1xi32>
    %squeeze3A = vector.extract %slice3A[0] : i32 from vector<1xi32>
    %eq3A = arith.constant 0 : i32
    %eq3A_72 = arith.cmpi eq, %scan3A_69#0, %eq3A : i32
    %convert_element_type3A = arith.extui %eq3A_72 : i1 to i32
    %cond3A = arith.constant 0 : i32
    %cond3A_73 = arith.cmpi ne, %convert_element_type3A, %cond3A : i32
    scf.if %cond3A_73 {
      %mul3A_104 = arith.constant 2 : i32
      %mul3A_105 = arith.muli %mul3A_104, %add3A : i32
      %get3A_106 = arith.constant 0 : index
      %get3A_107 = tpu.vector_load %arg12[%get3A_106] {strides = array<i32>} : memref<272xf32, #tpu.memory_space<vmem>>, vector<16xf32>,
      %swap3A_108 = arith.constant 0 : index
      %swap3A_109 = tpu.vector_load %arg13[%swap3A_108] {strides = array<i32>} : memref<288xf32, #tpu.memory_space<vmem>>, vector<16xf32>,
      tpu.vector_store %arg13[%swap3A_108], %get3A_107 {strides = array<i32>} : memref<288xf32, #tpu.memory_space<vmem>>, vector<16xf32>,
      %get3A_110 = arith.constant 16 : index
      %get3A_111 = tpu.vector_load %arg12[%get3A_110] {strides = array<i32>} : memref<272xf32, #tpu.memory_space<vmem>>, vector<16xf32>,
      %swap3A_112 = arith.constant 16 : index
      %swap3A_113 = tpu.vector_load %arg13[%swap3A_112] {strides = array<i32>} : memref<288xf32, #tpu.memory_space<vmem>>, vector<16xf32>,
      tpu.vector_store %arg13[%swap3A_112], %get3A_111 {strides = array<i32>} : memref<288xf32, #tpu.memory_space<vmem>>, vector<16xf32>,
      %get3A_114 = arith.constant 32 : index
      %get3A_115 = tpu.vector_load %arg12[%get3A_114] {strides = array<i32>} : memref<272xf32, #tpu.memory_space<vmem>>, vector<16xf32>,
      %swap3A_116 = arith.constant 32 : index
      %swap3A_117 = tpu.vector_load %arg13[%swap3A_116] {strides = array<i32>} : memref<288xf32, #tpu.memory_space<vmem>>, vector<16xf32>,
      tpu.vector_store %arg13[%swap3A_116], %get3A_115 {strides = array<i32>} : memref<288xf32, #tpu.memory_space<vmem>>, vector<16xf32>,
      %get3A_118 = arith.constant 48 : index
      %get3A_119 = tpu.vector_load %arg12[%get3A_118] {strides = array<i32>} : memref<272xf32, #tpu.memory_space<vmem>>, vector<16xf32>,
      %swap3A_120 = arith.constant 48 : index
      %swap3A_121 = tpu.vector_load %arg13[%swap3A_120] {strides = array<i32>} : memref<288xf32, #tpu.memory_space<vmem>>, vector<16xf32>,
      tpu.vector_store %arg13[%swap3A_120], %get3A_119 {strides = array<i32>} : memref<288xf32, #tpu.memory_space<vmem>>, vector<16xf32>,
      %get3A_122 = arith.constant 64 : index
      %get3A_123 = tpu.vector_load %arg12[%get3A_122] {strides = array<i32>} : memref<272xf32, #tpu.memory_space<vmem>>, vector<16xf32>,
      %swap3A_124 = arith.constant 64 : index
      %swap3A_125 = tpu.vector_load %arg13[%swap3A_124] {strides = array<i32>} : memref<288xf32, #tpu.memory_space<vmem>>, vector<16xf32>,
      tpu.vector_store %arg13[%swap3A_124], %get3A_123 {strides = array<i32>} : memref<288xf32, #tpu.memory_space<vmem>>, vector<16xf32>,
      %get3A_126 = arith.constant 80 : index
      %get3A_127 = tpu.vector_load %arg12[%get3A_126] {strides = array<i32>} : memref<272xf32, #tpu.memory_space<vmem>>, vector<16xf32>,
      %swap3A_128 = arith.constant 80 : index
      %swap3A_129 = tpu.vector_load %arg13[%swap3A_128] {strides = array<i32>} : memref<288xf32, #tpu.memory_space<vmem>>, vector<16xf32>,
      tpu.vector_store %arg13[%swap3A_128], %get3A_127 {strides = array<i32>} : memref<288xf32, #tpu.memory_space<vmem>>, vector<16xf32>,
      %get3A_130 = arith.constant 96 : index
      %get3A_131 = tpu.vector_load %arg12[%get3A_130] {strides = array<i32>} : memref<272xf32, #tpu.memory_space<vmem>>, vector<16xf32>,
      %swap3A_132 = arith.constant 96 : index
      %swap3A_133 = tpu.vector_load %arg13[%swap3A_132] {strides = array<i32>} : memref<288xf32, #tpu.memory_space<vmem>>, vector<16xf32>,
      tpu.vector_store %arg13[%swap3A_132], %get3A_131 {strides = array<i32>} : memref<288xf32, #tpu.memory_space<vmem>>, vector<16xf32>,
      %get3A_134 = arith.constant 112 : index
      %get3A_135 = tpu.vector_load %arg12[%get3A_134] {strides = array<i32>} : memref<272xf32, #tpu.memory_space<vmem>>, vector<16xf32>,
      %swap3A_136 = arith.constant 112 : index
      %swap3A_137 = tpu.vector_load %arg13[%swap3A_136] {strides = array<i32>} : memref<288xf32, #tpu.memory_space<vmem>>, vector<16xf32>,
      tpu.vector_store %arg13[%swap3A_136], %get3A_135 {strides = array<i32>} : memref<288xf32, #tpu.memory_space<vmem>>, vector<16xf32>,
      %get3A_138 = arith.constant 128 : index
      %get3A_139 = tpu.vector_load %arg12[%get3A_138] {strides = array<i32>} : memref<272xf32, #tpu.memory_space<vmem>>, vector<16xf32>,
      %swap3A_140 = arith.constant 128 : index
      %swap3A_141 = tpu.vector_load %arg13[%swap3A_140] {strides = array<i32>} : memref<288xf32, #tpu.memory_space<vmem>>, vector<16xf32>,
      tpu.vector_store %arg13[%swap3A_140], %get3A_139 {strides = array<i32>} : memref<288xf32, #tpu.memory_space<vmem>>, vector<16xf32>,
      %get3A_142 = arith.constant 144 : index
      %get3A_143 = tpu.vector_load %arg12[%get3A_142] {strides = array<i32>} : memref<272xf32, #tpu.memory_space<vmem>>, vector<16xf32>,
      %swap3A_144 = arith.constant 144 : index
      %swap3A_145 = tpu.vector_load %arg13[%swap3A_144] {strides = array<i32>} : memref<288xf32, #tpu.memory_space<vmem>>, vector<16xf32>,
      tpu.vector_store %arg13[%swap3A_144], %get3A_143 {strides = array<i32>} : memref<288xf32, #tpu.memory_space<vmem>>, vector<16xf32>,
      %get3A_146 = arith.constant 160 : index
      %get3A_147 = tpu.vector_load %arg12[%get3A_146] {strides = array<i32>} : memref<272xf32, #tpu.memory_space<vmem>>, vector<16xf32>,
      %swap3A_148 = arith.constant 160 : index
      %swap3A_149 = tpu.vector_load %arg13[%swap3A_148] {strides = array<i32>} : memref<288xf32, #tpu.memory_space<vmem>>, vector<16xf32>,
      tpu.vector_store %arg13[%swap3A_148], %get3A_147 {strides = array<i32>} : memref<288xf32, #tpu.memory_space<vmem>>, vector<16xf32>,
      %get3A_150 = arith.constant 176 : index
      %get3A_151 = tpu.vector_load %arg12[%get3A_150] {strides = array<i32>} : memref<272xf32, #tpu.memory_space<vmem>>, vector<16xf32>,
      %swap3A_152 = arith.constant 176 : index
      %swap3A_153 = tpu.vector_load %arg13[%swap3A_152] {strides = array<i32>} : memref<288xf32, #tpu.memory_space<vmem>>, vector<16xf32>,
      tpu.vector_store %arg13[%swap3A_152], %get3A_151 {strides = array<i32>} : memref<288xf32, #tpu.memory_space<vmem>>, vector<16xf32>,
      %get3A_154 = arith.constant 192 : index
      %get3A_155 = tpu.vector_load %arg12[%get3A_154] {strides = array<i32>} : memref<272xf32, #tpu.memory_space<vmem>>, vector<16xf32>,
      %swap3A_156 = arith.constant 192 : index
      %swap3A_157 = tpu.vector_load %arg13[%swap3A_156] {strides = array<i32>} : memref<288xf32, #tpu.memory_space<vmem>>, vector<16xf32>,
      tpu.vector_store %arg13[%swap3A_156], %get3A_155 {strides = array<i32>} : memref<288xf32, #tpu.memory_space<vmem>>, vector<16xf32>,
      %get3A_158 = arith.constant 208 : index
      %get3A_159 = tpu.vector_load %arg12[%get3A_158] {strides = array<i32>} : memref<272xf32, #tpu.memory_space<vmem>>, vector<16xf32>,
      %swap3A_160 = arith.constant 208 : index
      %swap3A_161 = tpu.vector_load %arg13[%swap3A_160] {strides = array<i32>} : memref<288xf32, #tpu.memory_space<vmem>>, vector<16xf32>,
      tpu.vector_store %arg13[%swap3A_160], %get3A_159 {strides = array<i32>} : memref<288xf32, #tpu.memory_space<vmem>>, vector<16xf32>,
      %get3A_162 = arith.constant 224 : index
      %get3A_163 = tpu.vector_load %arg12[%get3A_162] {strides = array<i32>} : memref<272xf32, #tpu.memory_space<vmem>>, vector<16xf32>,
      %swap3A_164 = arith.constant 224 : index
      %swap3A_165 = tpu.vector_load %arg13[%swap3A_164] {strides = array<i32>} : memref<288xf32, #tpu.memory_space<vmem>>, vector<16xf32>,
      tpu.vector_store %arg13[%swap3A_164], %get3A_163 {strides = array<i32>} : memref<288xf32, #tpu.memory_space<vmem>>, vector<16xf32>,
      %get3A_166 = arith.constant 240 : index
      %get3A_167 = tpu.vector_load %arg12[%get3A_166] {strides = array<i32>} : memref<272xf32, #tpu.memory_space<vmem>>, vector<16xf32>,
      %swap3A_168 = arith.constant 240 : index
      %swap3A_169 = tpu.vector_load %arg13[%swap3A_168] {strides = array<i32>} : memref<288xf32, #tpu.memory_space<vmem>>, vector<16xf32>,
      tpu.vector_store %arg13[%swap3A_168], %get3A_167 {strides = array<i32>} : memref<288xf32, #tpu.memory_space<vmem>>, vector<16xf32>,
      %get3A_170 = arith.constant 256 : index
      %get3A_171 = tpu.vector_load %arg12[%get3A_170] {strides = array<i32>} : memref<272xf32, #tpu.memory_space<vmem>>, vector<16xf32>,
      %swap3A_172 = arith.constant 256 : index
      %swap3A_173 = tpu.vector_load %arg13[%swap3A_172] {strides = array<i32>} : memref<288xf32, #tpu.memory_space<vmem>>, vector<16xf32>,
      tpu.vector_store %arg13[%swap3A_172], %get3A_171 {strides = array<i32>} : memref<288xf32, #tpu.memory_space<vmem>>, vector<16xf32>,
      %broadcast_in_dim3A_174 = vector.broadcast %squeeze3A : i32 to vector<16xi32>
      %convert_element_type3A_175 = arith.sitofp %broadcast_in_dim3A_174 : vector<16xi32> to vector<16xf32>
      %swap3A_176 = arith.constant 272 : index
      %swap3A_177 = tpu.vector_load %arg13[%swap3A_176] {strides = array<i32>} : memref<288xf32, #tpu.memory_space<vmem>>, vector<16xf32>,
      tpu.vector_store %arg13[%swap3A_176], %convert_element_type3A_175 {strides = array<i32>} : memref<288xf32, #tpu.memory_space<vmem>>, vector<16xf32>,
      "tpu.region"() ({
        %run_scoped3A = tpu.sem_alloc : memref<!tpu.dma_semaphore, #tpu.memory_space<semaphore_mem>>
        %dma_start3A_255 = arith.constant 0 : i32
        %dma_start3A_256 = tpu.memref_slice %arg6[%mul3A_105, %dma_start3A_255] : memref<64x288xf32, #tpu.memory_space<hbm>> -> memref<1x288xf32, #tpu.memory_space<hbm>>
        %dma_start3A_257 = tpu.memref_squeeze %dma_start3A_256 : memref<1x288xf32, #tpu.memory_space<hbm>> -> memref<288xf32, #tpu.memory_space<hbm>>
        %dma_start3A_258 = arith.constant 0 : i32
        %dma_start3A_259 = tpu.memref_slice %arg6[%mul3A_105, %dma_start3A_258] : memref<64x288xf32, #tpu.memory_space<hbm>> -> memref<1x288xf32, #tpu.memory_space<hbm>>
        %dma_start3A_260 = tpu.memref_squeeze %dma_start3A_259 : memref<1x288xf32, #tpu.memory_space<hbm>> -> memref<288xf32, #tpu.memory_space<hbm>>
        tpu.enqueue_dma source(%arg13 : memref<288xf32, #tpu.memory_space<vmem>>) target(%dma_start3A_260 : memref<288xf32, #tpu.memory_space<hbm>>) target_semaphore(%run_scoped3A : memref<!tpu.dma_semaphore, #tpu.memory_space<semaphore_mem>>)
        %dma_wait3A = arith.constant 0 : i32
        %dma_wait3A_261 = tpu.memref_slice %arg6[%mul3A_105, %dma_wait3A] : memref<64x288xf32, #tpu.memory_space<hbm>> -> memref<1x288xf32, #tpu.memory_space<hbm>>
        %dma_wait3A_262 = tpu.memref_squeeze %dma_wait3A_261 : memref<1x288xf32, #tpu.memory_space<hbm>> -> memref<288xf32, #tpu.memory_space<hbm>>
        %dma_wait3A_263 = arith.constant 0 : i32
        %dma_wait3A_264 = tpu.memref_slice %arg6[%mul3A_105, %dma_wait3A_263] : memref<64x288xf32, #tpu.memory_space<hbm>> -> memref<1x288xf32, #tpu.memory_space<hbm>>
        %dma_wait3A_265 = tpu.memref_squeeze %dma_wait3A_264 : memref<1x288xf32, #tpu.memory_space<hbm>> -> memref<288xf32, #tpu.memory_space<hbm>>
        tpu.wait_dma2 semaphore(%run_scoped3A : memref<!tpu.dma_semaphore, #tpu.memory_space<semaphore_mem>>) src(%arg13 : memref<288xf32, #tpu.memory_space<vmem>>) dst(%dma_wait3A_265 : memref<288xf32, #tpu.memory_space<hbm>>)
        tpu.yield
      }) : () -> ()
      %mul3A_178 = arith.constant 2 : i32
      %mul3A_179 = arith.muli %mul3A_178, %add3A : i32
      %add3A_180 = arith.constant 1 : i32
      %add3A_181 = arith.addi %mul3A_179, %add3A_180 : i32
      %get3A_182 = arith.constant 0 : index
      %get3A_183 = tpu.vector_load %arg12[%get3A_182] {strides = array<i32>} : memref<272xf32, #tpu.memory_space<vmem>>, vector<16xf32>,
      %swap3A_184 = arith.constant 0 : index
      %swap3A_185 = tpu.vector_load %arg13[%swap3A_184] {strides = array<i32>} : memref<288xf32, #tpu.memory_space<vmem>>, vector<16xf32>,
      tpu.vector_store %arg13[%swap3A_184], %get3A_183 {strides = array<i32>} : memref<288xf32, #tpu.memory_space<vmem>>, vector<16xf32>,
      %get3A_186 = arith.constant 16 : index
      %get3A_187 = tpu.vector_load %arg12[%get3A_186] {strides = array<i32>} : memref<272xf32, #tpu.memory_space<vmem>>, vector<16xf32>,
      %swap3A_188 = arith.constant 16 : index
      %swap3A_189 = tpu.vector_load %arg13[%swap3A_188] {strides = array<i32>} : memref<288xf32, #tpu.memory_space<vmem>>, vector<16xf32>,
      tpu.vector_store %arg13[%swap3A_188], %get3A_187 {strides = array<i32>} : memref<288xf32, #tpu.memory_space<vmem>>, vector<16xf32>,
      %get3A_190 = arith.constant 32 : index
      %get3A_191 = tpu.vector_load %arg12[%get3A_190] {strides = array<i32>} : memref<272xf32, #tpu.memory_space<vmem>>, vector<16xf32>,
      %swap3A_192 = arith.constant 32 : index
      %swap3A_193 = tpu.vector_load %arg13[%swap3A_192] {strides = array<i32>} : memref<288xf32, #tpu.memory_space<vmem>>, vector<16xf32>,
      tpu.vector_store %arg13[%swap3A_192], %get3A_191 {strides = array<i32>} : memref<288xf32, #tpu.memory_space<vmem>>, vector<16xf32>,
      %get3A_194 = arith.constant 48 : index
      %get3A_195 = tpu.vector_load %arg12[%get3A_194] {strides = array<i32>} : memref<272xf32, #tpu.memory_space<vmem>>, vector<16xf32>,
      %swap3A_196 = arith.constant 48 : index
      %swap3A_197 = tpu.vector_load %arg13[%swap3A_196] {strides = array<i32>} : memref<288xf32, #tpu.memory_space<vmem>>, vector<16xf32>,
      tpu.vector_store %arg13[%swap3A_196], %get3A_195 {strides = array<i32>} : memref<288xf32, #tpu.memory_space<vmem>>, vector<16xf32>,
      %get3A_198 = arith.constant 64 : index
      %get3A_199 = tpu.vector_load %arg12[%get3A_198] {strides = array<i32>} : memref<272xf32, #tpu.memory_space<vmem>>, vector<16xf32>,
      %swap3A_200 = arith.constant 64 : index
      %swap3A_201 = tpu.vector_load %arg13[%swap3A_200] {strides = array<i32>} : memref<288xf32, #tpu.memory_space<vmem>>, vector<16xf32>,
      tpu.vector_store %arg13[%swap3A_200], %get3A_199 {strides = array<i32>} : memref<288xf32, #tpu.memory_space<vmem>>, vector<16xf32>,
      %get3A_202 = arith.constant 80 : index
      %get3A_203 = tpu.vector_load %arg12[%get3A_202] {strides = array<i32>} : memref<272xf32, #tpu.memory_space<vmem>>, vector<16xf32>,
      %swap3A_204 = arith.constant 80 : index
      %swap3A_205 = tpu.vector_load %arg13[%swap3A_204] {strides = array<i32>} : memref<288xf32, #tpu.memory_space<vmem>>, vector<16xf32>,
      tpu.vector_store %arg13[%swap3A_204], %get3A_203 {strides = array<i32>} : memref<288xf32, #tpu.memory_space<vmem>>, vector<16xf32>,
      %get3A_206 = arith.constant 96 : index
      %get3A_207 = tpu.vector_load %arg12[%get3A_206] {strides = array<i32>} : memref<272xf32, #tpu.memory_space<vmem>>, vector<16xf32>,
      %swap3A_208 = arith.constant 96 : index
      %swap3A_209 = tpu.vector_load %arg13[%swap3A_208] {strides = array<i32>} : memref<288xf32, #tpu.memory_space<vmem>>, vector<16xf32>,
      tpu.vector_store %arg13[%swap3A_208], %get3A_207 {strides = array<i32>} : memref<288xf32, #tpu.memory_space<vmem>>, vector<16xf32>,
      %get3A_210 = arith.constant 112 : index
      %get3A_211 = tpu.vector_load %arg12[%get3A_210] {strides = array<i32>} : memref<272xf32, #tpu.memory_space<vmem>>, vector<16xf32>,
      %swap3A_212 = arith.constant 112 : index
      %swap3A_213 = tpu.vector_load %arg13[%swap3A_212] {strides = array<i32>} : memref<288xf32, #tpu.memory_space<vmem>>, vector<16xf32>,
      tpu.vector_store %arg13[%swap3A_212], %get3A_211 {strides = array<i32>} : memref<288xf32, #tpu.memory_space<vmem>>, vector<16xf32>,
      %get3A_214 = arith.constant 128 : index
      %get3A_215 = tpu.vector_load %arg12[%get3A_214] {strides = array<i32>} : memref<272xf32, #tpu.memory_space<vmem>>, vector<16xf32>,
      %swap3A_216 = arith.constant 128 : index
      %swap3A_217 = tpu.vector_load %arg13[%swap3A_216] {strides = array<i32>} : memref<288xf32, #tpu.memory_space<vmem>>, vector<16xf32>,
      tpu.vector_store %arg13[%swap3A_216], %get3A_215 {strides = array<i32>} : memref<288xf32, #tpu.memory_space<vmem>>, vector<16xf32>,
      %get3A_218 = arith.constant 144 : index
      %get3A_219 = tpu.vector_load %arg12[%get3A_218] {strides = array<i32>} : memref<272xf32, #tpu.memory_space<vmem>>, vector<16xf32>,
      %swap3A_220 = arith.constant 144 : index
      %swap3A_221 = tpu.vector_load %arg13[%swap3A_220] {strides = array<i32>} : memref<288xf32, #tpu.memory_space<vmem>>, vector<16xf32>,
      tpu.vector_store %arg13[%swap3A_220], %get3A_219 {strides = array<i32>} : memref<288xf32, #tpu.memory_space<vmem>>, vector<16xf32>,
      %get3A_222 = arith.constant 160 : index
      %get3A_223 = tpu.vector_load %arg12[%get3A_222] {strides = array<i32>} : memref<272xf32, #tpu.memory_space<vmem>>, vector<16xf32>,
      %swap3A_224 = arith.constant 160 : index
      %swap3A_225 = tpu.vector_load %arg13[%swap3A_224] {strides = array<i32>} : memref<288xf32, #tpu.memory_space<vmem>>, vector<16xf32>,
      tpu.vector_store %arg13[%swap3A_224], %get3A_223 {strides = array<i32>} : memref<288xf32, #tpu.memory_space<vmem>>, vector<16xf32>,
      %get3A_226 = arith.constant 176 : index
      %get3A_227 = tpu.vector_load %arg12[%get3A_226] {strides = array<i32>} : memref<272xf32, #tpu.memory_space<vmem>>, vector<16xf32>,
      %swap3A_228 = arith.constant 176 : index
      %swap3A_229 = tpu.vector_load %arg13[%swap3A_228] {strides = array<i32>} : memref<288xf32, #tpu.memory_space<vmem>>, vector<16xf32>,
      tpu.vector_store %arg13[%swap3A_228], %get3A_227 {strides = array<i32>} : memref<288xf32, #tpu.memory_space<vmem>>, vector<16xf32>,
      %get3A_230 = arith.constant 192 : index
      %get3A_231 = tpu.vector_load %arg12[%get3A_230] {strides = array<i32>} : memref<272xf32, #tpu.memory_space<vmem>>, vector<16xf32>,
      %swap3A_232 = arith.constant 192 : index
      %swap3A_233 = tpu.vector_load %arg13[%swap3A_232] {strides = array<i32>} : memref<288xf32, #tpu.memory_space<vmem>>, vector<16xf32>,
      tpu.vector_store %arg13[%swap3A_232], %get3A_231 {strides = array<i32>} : memref<288xf32, #tpu.memory_space<vmem>>, vector<16xf32>,
      %get3A_234 = arith.constant 208 : index
      %get3A_235 = tpu.vector_load %arg12[%get3A_234] {strides = array<i32>} : memref<272xf32, #tpu.memory_space<vmem>>, vector<16xf32>,
      %swap3A_236 = arith.constant 208 : index
      %swap3A_237 = tpu.vector_load %arg13[%swap3A_236] {strides = array<i32>} : memref<288xf32, #tpu.memory_space<vmem>>, vector<16xf32>,
      tpu.vector_store %arg13[%swap3A_236], %get3A_235 {strides = array<i32>} : memref<288xf32, #tpu.memory_space<vmem>>, vector<16xf32>,
      %get3A_238 = arith.constant 224 : index
      %get3A_239 = tpu.vector_load %arg12[%get3A_238] {strides = array<i32>} : memref<272xf32, #tpu.memory_space<vmem>>, vector<16xf32>,
      %swap3A_240 = arith.constant 224 : index
      %swap3A_241 = tpu.vector_load %arg13[%swap3A_240] {strides = array<i32>} : memref<288xf32, #tpu.memory_space<vmem>>, vector<16xf32>,
      tpu.vector_store %arg13[%swap3A_240], %get3A_239 {strides = array<i32>} : memref<288xf32, #tpu.memory_space<vmem>>, vector<16xf32>,
      %get3A_242 = arith.constant 240 : index
      %get3A_243 = tpu.vector_load %arg12[%get3A_242] {strides = array<i32>} : memref<272xf32, #tpu.memory_space<vmem>>, vector<16xf32>,
      %swap3A_244 = arith.constant 240 : index
      %swap3A_245 = tpu.vector_load %arg13[%swap3A_244] {strides = array<i32>} : memref<288xf32, #tpu.memory_space<vmem>>, vector<16xf32>,
      tpu.vector_store %arg13[%swap3A_244], %get3A_243 {strides = array<i32>} : memref<288xf32, #tpu.memory_space<vmem>>, vector<16xf32>,
      %get3A_246 = arith.constant 256 : index
      %get3A_247 = tpu.vector_load %arg12[%get3A_246] {strides = array<i32>} : memref<272xf32, #tpu.memory_space<vmem>>, vector<16xf32>,
      %swap3A_248 = arith.constant 256 : index
      %swap3A_249 = tpu.vector_load %arg13[%swap3A_248] {strides = array<i32>} : memref<288xf32, #tpu.memory_space<vmem>>, vector<16xf32>,
      tpu.vector_store %arg13[%swap3A_248], %get3A_247 {strides = array<i32>} : memref<288xf32, #tpu.memory_space<vmem>>, vector<16xf32>,
      %broadcast_in_dim3A_250 = arith.constant -1 : i32
      %broadcast_in_dim3A_251 = vector.broadcast %broadcast_in_dim3A_250 : i32 to vector<16xi32>
      %convert_element_type3A_252 = arith.sitofp %broadcast_in_dim3A_251 : vector<16xi32> to vector<16xf32>
      %swap3A_253 = arith.constant 272 : index
      %swap3A_254 = tpu.vector_load %arg13[%swap3A_253] {strides = array<i32>} : memref<288xf32, #tpu.memory_space<vmem>>, vector<16xf32>,
      tpu.vector_store %arg13[%swap3A_253], %convert_element_type3A_252 {strides = array<i32>} : memref<288xf32, #tpu.memory_space<vmem>>, vector<16xf32>,
      "tpu.region"() ({
        %run_scoped3A = tpu.sem_alloc : memref<!tpu.dma_semaphore, #tpu.memory_space<semaphore_mem>>
        %dma_start3A_255 = arith.constant 0 : i32
        %dma_start3A_256 = tpu.memref_slice %arg6[%add3A_181, %dma_start3A_255] : memref<64x288xf32, #tpu.memory_space<hbm>> -> memref<1x288xf32, #tpu.memory_space<hbm>>
        %dma_start3A_257 = tpu.memref_squeeze %dma_start3A_256 : memref<1x288xf32, #tpu.memory_space<hbm>> -> memref<288xf32, #tpu.memory_space<hbm>>
        %dma_start3A_258 = arith.constant 0 : i32
        %dma_start3A_259 = tpu.memref_slice %arg6[%add3A_181, %dma_start3A_258] : memref<64x288xf32, #tpu.memory_space<hbm>> -> memref<1x288xf32, #tpu.memory_space<hbm>>
        %dma_start3A_260 = tpu.memref_squeeze %dma_start3A_259 : memref<1x288xf32, #tpu.memory_space<hbm>> -> memref<288xf32, #tpu.memory_space<hbm>>
        tpu.enqueue_dma source(%arg13 : memref<288xf32, #tpu.memory_space<vmem>>) target(%dma_start3A_260 : memref<288xf32, #tpu.memory_space<hbm>>) target_semaphore(%run_scoped3A : memref<!tpu.dma_semaphore, #tpu.memory_space<semaphore_mem>>)
        %dma_wait3A = arith.constant 0 : i32
        %dma_wait3A_261 = tpu.memref_slice %arg6[%add3A_181, %dma_wait3A] : memref<64x288xf32, #tpu.memory_space<hbm>> -> memref<1x288xf32, #tpu.memory_space<hbm>>
        %dma_wait3A_262 = tpu.memref_squeeze %dma_wait3A_261 : memref<1x288xf32, #tpu.memory_space<hbm>> -> memref<288xf32, #tpu.memory_space<hbm>>
        %dma_wait3A_263 = arith.constant 0 : i32
        %dma_wait3A_264 = tpu.memref_slice %arg6[%add3A_181, %dma_wait3A_263] : memref<64x288xf32, #tpu.memory_space<hbm>> -> memref<1x288xf32, #tpu.memory_space<hbm>>
        %dma_wait3A_265 = tpu.memref_squeeze %dma_wait3A_264 : memref<1x288xf32, #tpu.memory_space<hbm>> -> memref<288xf32, #tpu.memory_space<hbm>>
        tpu.wait_dma2 semaphore(%run_scoped3A : memref<!tpu.dma_semaphore, #tpu.memory_space<semaphore_mem>>) src(%arg13 : memref<288xf32, #tpu.memory_space<vmem>>) dst(%dma_wait3A_265 : memref<288xf32, #tpu.memory_space<hbm>>)
        tpu.yield
      }) : () -> ()
    } else {
    }
    %gt3A = arith.constant 0 : i32
    %gt3A_74 = arith.cmpi sgt, %scan3A_69#0, %gt3A : i32
    %convert_element_type3A_75 = arith.extui %gt3A_74 : i1 to i32
    %cond3A_76 = arith.constant 0 : i32
    %cond3A_77 = arith.cmpi ne, %convert_element_type3A_75, %cond3A_76 : i32
    scf.if %cond3A_77 {
      %mul3A_104 = arith.constant 2 : i32
      %mul3A_105 = arith.muli %mul3A_104, %add3A : i32
      %add3A_106 = arith.constant 1 : i32
      %add3A_107 = arith.addi %mul3A_105, %add3A_106 : i32
      %get3A_108 = arith.constant 0 : index
      %get3A_109 = tpu.vector_load %arg12[%get3A_108] {strides = array<i32>} : memref<272xf32, #tpu.memory_space<vmem>>, vector<16xf32>,
      %swap3A_110 = arith.constant 0 : index
      %swap3A_111 = tpu.vector_load %arg13[%swap3A_110] {strides = array<i32>} : memref<288xf32, #tpu.memory_space<vmem>>, vector<16xf32>,
      tpu.vector_store %arg13[%swap3A_110], %get3A_109 {strides = array<i32>} : memref<288xf32, #tpu.memory_space<vmem>>, vector<16xf32>,
      %get3A_112 = arith.constant 16 : index
      %get3A_113 = tpu.vector_load %arg12[%get3A_112] {strides = array<i32>} : memref<272xf32, #tpu.memory_space<vmem>>, vector<16xf32>,
      %swap3A_114 = arith.constant 16 : index
      %swap3A_115 = tpu.vector_load %arg13[%swap3A_114] {strides = array<i32>} : memref<288xf32, #tpu.memory_space<vmem>>, vector<16xf32>,
      tpu.vector_store %arg13[%swap3A_114], %get3A_113 {strides = array<i32>} : memref<288xf32, #tpu.memory_space<vmem>>, vector<16xf32>,
      %get3A_116 = arith.constant 32 : index
      %get3A_117 = tpu.vector_load %arg12[%get3A_116] {strides = array<i32>} : memref<272xf32, #tpu.memory_space<vmem>>, vector<16xf32>,
      %swap3A_118 = arith.constant 32 : index
      %swap3A_119 = tpu.vector_load %arg13[%swap3A_118] {strides = array<i32>} : memref<288xf32, #tpu.memory_space<vmem>>, vector<16xf32>,
      tpu.vector_store %arg13[%swap3A_118], %get3A_117 {strides = array<i32>} : memref<288xf32, #tpu.memory_space<vmem>>, vector<16xf32>,
      %get3A_120 = arith.constant 48 : index
      %get3A_121 = tpu.vector_load %arg12[%get3A_120] {strides = array<i32>} : memref<272xf32, #tpu.memory_space<vmem>>, vector<16xf32>,
      %swap3A_122 = arith.constant 48 : index
      %swap3A_123 = tpu.vector_load %arg13[%swap3A_122] {strides = array<i32>} : memref<288xf32, #tpu.memory_space<vmem>>, vector<16xf32>,
      tpu.vector_store %arg13[%swap3A_122], %get3A_121 {strides = array<i32>} : memref<288xf32, #tpu.memory_space<vmem>>, vector<16xf32>,
      %get3A_124 = arith.constant 64 : index
      %get3A_125 = tpu.vector_load %arg12[%get3A_124] {strides = array<i32>} : memref<272xf32, #tpu.memory_space<vmem>>, vector<16xf32>,
      %swap3A_126 = arith.constant 64 : index
      %swap3A_127 = tpu.vector_load %arg13[%swap3A_126] {strides = array<i32>} : memref<288xf32, #tpu.memory_space<vmem>>, vector<16xf32>,
      tpu.vector_store %arg13[%swap3A_126], %get3A_125 {strides = array<i32>} : memref<288xf32, #tpu.memory_space<vmem>>, vector<16xf32>,
      %get3A_128 = arith.constant 80 : index
      %get3A_129 = tpu.vector_load %arg12[%get3A_128] {strides = array<i32>} : memref<272xf32, #tpu.memory_space<vmem>>, vector<16xf32>,
      %swap3A_130 = arith.constant 80 : index
      %swap3A_131 = tpu.vector_load %arg13[%swap3A_130] {strides = array<i32>} : memref<288xf32, #tpu.memory_space<vmem>>, vector<16xf32>,
      tpu.vector_store %arg13[%swap3A_130], %get3A_129 {strides = array<i32>} : memref<288xf32, #tpu.memory_space<vmem>>, vector<16xf32>,
      %get3A_132 = arith.constant 96 : index
      %get3A_133 = tpu.vector_load %arg12[%get3A_132] {strides = array<i32>} : memref<272xf32, #tpu.memory_space<vmem>>, vector<16xf32>,
      %swap3A_134 = arith.constant 96 : index
      %swap3A_135 = tpu.vector_load %arg13[%swap3A_134] {strides = array<i32>} : memref<288xf32, #tpu.memory_space<vmem>>, vector<16xf32>,
      tpu.vector_store %arg13[%swap3A_134], %get3A_133 {strides = array<i32>} : memref<288xf32, #tpu.memory_space<vmem>>, vector<16xf32>,
      %get3A_136 = arith.constant 112 : index
      %get3A_137 = tpu.vector_load %arg12[%get3A_136] {strides = array<i32>} : memref<272xf32, #tpu.memory_space<vmem>>, vector<16xf32>,
      %swap3A_138 = arith.constant 112 : index
      %swap3A_139 = tpu.vector_load %arg13[%swap3A_138] {strides = array<i32>} : memref<288xf32, #tpu.memory_space<vmem>>, vector<16xf32>,
      tpu.vector_store %arg13[%swap3A_138], %get3A_137 {strides = array<i32>} : memref<288xf32, #tpu.memory_space<vmem>>, vector<16xf32>,
      %get3A_140 = arith.constant 128 : index
      %get3A_141 = tpu.vector_load %arg12[%get3A_140] {strides = array<i32>} : memref<272xf32, #tpu.memory_space<vmem>>, vector<16xf32>,
      %swap3A_142 = arith.constant 128 : index
      %swap3A_143 = tpu.vector_load %arg13[%swap3A_142] {strides = array<i32>} : memref<288xf32, #tpu.memory_space<vmem>>, vector<16xf32>,
      tpu.vector_store %arg13[%swap3A_142], %get3A_141 {strides = array<i32>} : memref<288xf32, #tpu.memory_space<vmem>>, vector<16xf32>,
      %get3A_144 = arith.constant 144 : index
      %get3A_145 = tpu.vector_load %arg12[%get3A_144] {strides = array<i32>} : memref<272xf32, #tpu.memory_space<vmem>>, vector<16xf32>,
      %swap3A_146 = arith.constant 144 : index
      %swap3A_147 = tpu.vector_load %arg13[%swap3A_146] {strides = array<i32>} : memref<288xf32, #tpu.memory_space<vmem>>, vector<16xf32>,
      tpu.vector_store %arg13[%swap3A_146], %get3A_145 {strides = array<i32>} : memref<288xf32, #tpu.memory_space<vmem>>, vector<16xf32>,
      %get3A_148 = arith.constant 160 : index
      %get3A_149 = tpu.vector_load %arg12[%get3A_148] {strides = array<i32>} : memref<272xf32, #tpu.memory_space<vmem>>, vector<16xf32>,
      %swap3A_150 = arith.constant 160 : index
      %swap3A_151 = tpu.vector_load %arg13[%swap3A_150] {strides = array<i32>} : memref<288xf32, #tpu.memory_space<vmem>>, vector<16xf32>,
      tpu.vector_store %arg13[%swap3A_150], %get3A_149 {strides = array<i32>} : memref<288xf32, #tpu.memory_space<vmem>>, vector<16xf32>,
      %get3A_152 = arith.constant 176 : index
      %get3A_153 = tpu.vector_load %arg12[%get3A_152] {strides = array<i32>} : memref<272xf32, #tpu.memory_space<vmem>>, vector<16xf32>,
      %swap3A_154 = arith.constant 176 : index
      %swap3A_155 = tpu.vector_load %arg13[%swap3A_154] {strides = array<i32>} : memref<288xf32, #tpu.memory_space<vmem>>, vector<16xf32>,
      tpu.vector_store %arg13[%swap3A_154], %get3A_153 {strides = array<i32>} : memref<288xf32, #tpu.memory_space<vmem>>, vector<16xf32>,
      %get3A_156 = arith.constant 192 : index
      %get3A_157 = tpu.vector_load %arg12[%get3A_156] {strides = array<i32>} : memref<272xf32, #tpu.memory_space<vmem>>, vector<16xf32>,
      %swap3A_158 = arith.constant 192 : index
      %swap3A_159 = tpu.vector_load %arg13[%swap3A_158] {strides = array<i32>} : memref<288xf32, #tpu.memory_space<vmem>>, vector<16xf32>,
      tpu.vector_store %arg13[%swap3A_158], %get3A_157 {strides = array<i32>} : memref<288xf32, #tpu.memory_space<vmem>>, vector<16xf32>,
      %get3A_160 = arith.constant 208 : index
      %get3A_161 = tpu.vector_load %arg12[%get3A_160] {strides = array<i32>} : memref<272xf32, #tpu.memory_space<vmem>>, vector<16xf32>,
      %swap3A_162 = arith.constant 208 : index
      %swap3A_163 = tpu.vector_load %arg13[%swap3A_162] {strides = array<i32>} : memref<288xf32, #tpu.memory_space<vmem>>, vector<16xf32>,
      tpu.vector_store %arg13[%swap3A_162], %get3A_161 {strides = array<i32>} : memref<288xf32, #tpu.memory_space<vmem>>, vector<16xf32>,
      %get3A_164 = arith.constant 224 : index
      %get3A_165 = tpu.vector_load %arg12[%get3A_164] {strides = array<i32>} : memref<272xf32, #tpu.memory_space<vmem>>, vector<16xf32>,
      %swap3A_166 = arith.constant 224 : index
      %swap3A_167 = tpu.vector_load %arg13[%swap3A_166] {strides = array<i32>} : memref<288xf32, #tpu.memory_space<vmem>>, vector<16xf32>,
      tpu.vector_store %arg13[%swap3A_166], %get3A_165 {strides = array<i32>} : memref<288xf32, #tpu.memory_space<vmem>>, vector<16xf32>,
      %get3A_168 = arith.constant 240 : index
      %get3A_169 = tpu.vector_load %arg12[%get3A_168] {strides = array<i32>} : memref<272xf32, #tpu.memory_space<vmem>>, vector<16xf32>,
      %swap3A_170 = arith.constant 240 : index
      %swap3A_171 = tpu.vector_load %arg13[%swap3A_170] {strides = array<i32>} : memref<288xf32, #tpu.memory_space<vmem>>, vector<16xf32>,
      tpu.vector_store %arg13[%swap3A_170], %get3A_169 {strides = array<i32>} : memref<288xf32, #tpu.memory_space<vmem>>, vector<16xf32>,
      %get3A_172 = arith.constant 256 : index
      %get3A_173 = tpu.vector_load %arg12[%get3A_172] {strides = array<i32>} : memref<272xf32, #tpu.memory_space<vmem>>, vector<16xf32>,
      %swap3A_174 = arith.constant 256 : index
      %swap3A_175 = tpu.vector_load %arg13[%swap3A_174] {strides = array<i32>} : memref<288xf32, #tpu.memory_space<vmem>>, vector<16xf32>,
      tpu.vector_store %arg13[%swap3A_174], %get3A_173 {strides = array<i32>} : memref<288xf32, #tpu.memory_space<vmem>>, vector<16xf32>,
      %broadcast_in_dim3A_176 = vector.broadcast %squeeze3A : i32 to vector<16xi32>
      %convert_element_type3A_177 = arith.sitofp %broadcast_in_dim3A_176 : vector<16xi32> to vector<16xf32>
      %swap3A_178 = arith.constant 272 : index
      %swap3A_179 = tpu.vector_load %arg13[%swap3A_178] {strides = array<i32>} : memref<288xf32, #tpu.memory_space<vmem>>, vector<16xf32>,
      tpu.vector_store %arg13[%swap3A_178], %convert_element_type3A_177 {strides = array<i32>} : memref<288xf32, #tpu.memory_space<vmem>>, vector<16xf32>,
      "tpu.region"() ({
        %run_scoped3A = tpu.sem_alloc : memref<!tpu.dma_semaphore, #tpu.memory_space<semaphore_mem>>
        %dma_start3A_180 = arith.constant 0 : i32
        %dma_start3A_181 = tpu.memref_slice %arg6[%add3A_107, %dma_start3A_180] : memref<64x288xf32, #tpu.memory_space<hbm>> -> memref<1x288xf32, #tpu.memory_space<hbm>>
        %dma_start3A_182 = tpu.memref_squeeze %dma_start3A_181 : memref<1x288xf32, #tpu.memory_space<hbm>> -> memref<288xf32, #tpu.memory_space<hbm>>
        %dma_start3A_183 = arith.constant 0 : i32
        %dma_start3A_184 = tpu.memref_slice %arg6[%add3A_107, %dma_start3A_183] : memref<64x288xf32, #tpu.memory_space<hbm>> -> memref<1x288xf32, #tpu.memory_space<hbm>>
        %dma_start3A_185 = tpu.memref_squeeze %dma_start3A_184 : memref<1x288xf32, #tpu.memory_space<hbm>> -> memref<288xf32, #tpu.memory_space<hbm>>
        tpu.enqueue_dma source(%arg13 : memref<288xf32, #tpu.memory_space<vmem>>) target(%dma_start3A_185 : memref<288xf32, #tpu.memory_space<hbm>>) target_semaphore(%run_scoped3A : memref<!tpu.dma_semaphore, #tpu.memory_space<semaphore_mem>>)
        %dma_wait3A = arith.constant 0 : i32
        %dma_wait3A_186 = tpu.memref_slice %arg6[%add3A_107, %dma_wait3A] : memref<64x288xf32, #tpu.memory_space<hbm>> -> memref<1x288xf32, #tpu.memory_space<hbm>>
        %dma_wait3A_187 = tpu.memref_squeeze %dma_wait3A_186 : memref<1x288xf32, #tpu.memory_space<hbm>> -> memref<288xf32, #tpu.memory_space<hbm>>
        %dma_wait3A_188 = arith.constant 0 : i32
        %dma_wait3A_189 = tpu.memref_slice %arg6[%add3A_107, %dma_wait3A_188] : memref<64x288xf32, #tpu.memory_space<hbm>> -> memref<1x288xf32, #tpu.memory_space<hbm>>
        %dma_wait3A_190 = tpu.memref_squeeze %dma_wait3A_189 : memref<1x288xf32, #tpu.memory_space<hbm>> -> memref<288xf32, #tpu.memory_space<hbm>>
        tpu.wait_dma2 semaphore(%run_scoped3A : memref<!tpu.dma_semaphore, #tpu.memory_space<semaphore_mem>>) src(%arg13 : memref<288xf32, #tpu.memory_space<vmem>>) dst(%dma_wait3A_190 : memref<288xf32, #tpu.memory_space<hbm>>)
        tpu.yield
      }) : () -> ()
    } else {
    }
    %eq3A_78 = arith.constant 0 : i32
    %eq3A_79 = arith.cmpi eq, %scan3A_69#1, %eq3A_78 : i32
    %sub3A = arith.constant 1 : i32
    %sub3A_80 = arith.subi %scan3A_69#1, %sub3A : i32
    %and3A = arith.constant 3 : i32
    %and3A_81 = arith.andi %sub3A_80, %and3A : i32
    %add3A_82 = arith.constant 1 : i32
    %add3A_83 = arith.addi %and3A_81, %add3A_82 : i32
    %jit3A = arith.constant 0 : i32
    %select_n3A = arith.select %eq3A_79, %jit3A, %add3A_83 : i32
    %gt3A_84 = arith.constant 0 : i32
    %gt3A_85 = arith.cmpi sgt, %select_n3A, %gt3A_84 : i32
    %convert_element_type3A_86 = arith.extui %gt3A_85 : i1 to i32
    %cond3A_87 = arith.constant 0 : i32
    %cond3A_88 = arith.cmpi ne, %convert_element_type3A_86, %cond3A_87 : i32
    scf.if %cond3A_88 {
      %dma_wait3A = arith.constant 0 : i32
      %dma_wait3A_104 = arith.constant 0 : i32
      %dma_wait3A_105 = arith.constant 0 : i32
      %dma_wait3A_106 = tpu.memref_slice %arg11[%dma_wait3A_104, %dma_wait3A_105] : memref<4x256xf32, #tpu.memory_space<vmem>> -> memref<1x256xf32, #tpu.memory_space<vmem>>
      %dma_wait3A_107 = tpu.memref_squeeze %dma_wait3A_106 : memref<1x256xf32, #tpu.memory_space<vmem>> -> memref<256xf32, #tpu.memory_space<vmem>>
      %dma_wait3A_108 = arith.constant 0 : i32
      %dma_wait3A_109 = tpu.memref_slice %arg5[%dma_wait3A, %dma_wait3A_108] : memref<10000x256xf32, #tpu.memory_space<hbm>> -> memref<1x256xf32, #tpu.memory_space<hbm>>
      %dma_wait3A_110 = tpu.memref_squeeze %dma_wait3A_109 : memref<1x256xf32, #tpu.memory_space<hbm>> -> memref<256xf32, #tpu.memory_space<hbm>>
      %dma_wait3A_111 = arith.constant 0 : i32
      %dma_wait3A_112 = tpu.memref_slice %arg11[%dma_wait3A_104, %dma_wait3A_111] : memref<4x256xf32, #tpu.memory_space<vmem>> -> memref<1x256xf32, #tpu.memory_space<vmem>>
      %dma_wait3A_113 = tpu.memref_squeeze %dma_wait3A_112 : memref<1x256xf32, #tpu.memory_space<vmem>> -> memref<256xf32, #tpu.memory_space<vmem>>
      %dma_wait3A_114 = arith.constant 0 : i32
      %dma_wait3A_115 = tpu.memref_slice %arg5[%dma_wait3A, %dma_wait3A_114] : memref<10000x256xf32, #tpu.memory_space<hbm>> -> memref<1x256xf32, #tpu.memory_space<hbm>>
      %dma_wait3A_116 = tpu.memref_squeeze %dma_wait3A_115 : memref<1x256xf32, #tpu.memory_space<hbm>> -> memref<256xf32, #tpu.memory_space<hbm>>
      tpu.wait_dma2 semaphore(%arg16 : memref<!tpu.dma_semaphore, #tpu.memory_space<semaphore_mem>>) src(%dma_wait3A_116 : memref<256xf32, #tpu.memory_space<hbm>>) dst(%dma_wait3A_113 : memref<256xf32, #tpu.memory_space<vmem>>)
    } else {
    }
    %gt3A_89 = arith.constant 1 : i32
    %gt3A_90 = arith.cmpi sgt, %select_n3A, %gt3A_89 : i32
    %convert_element_type3A_91 = arith.extui %gt3A_90 : i1 to i32
    %cond3A_92 = arith.constant 0 : i32
    %cond3A_93 = arith.cmpi ne, %convert_element_type3A_91, %cond3A_92 : i32
    scf.if %cond3A_93 {
      %dma_wait3A = arith.constant 0 : i32
      %dma_wait3A_104 = arith.constant 0 : i32
      %dma_wait3A_105 = arith.constant 0 : i32
      %dma_wait3A_106 = tpu.memref_slice %arg11[%dma_wait3A_104, %dma_wait3A_105] : memref<4x256xf32, #tpu.memory_space<vmem>> -> memref<1x256xf32, #tpu.memory_space<vmem>>
      %dma_wait3A_107 = tpu.memref_squeeze %dma_wait3A_106 : memref<1x256xf32, #tpu.memory_space<vmem>> -> memref<256xf32, #tpu.memory_space<vmem>>
      %dma_wait3A_108 = arith.constant 0 : i32
      %dma_wait3A_109 = tpu.memref_slice %arg5[%dma_wait3A, %dma_wait3A_108] : memref<10000x256xf32, #tpu.memory_space<hbm>> -> memref<1x256xf32, #tpu.memory_space<hbm>>
      %dma_wait3A_110 = tpu.memref_squeeze %dma_wait3A_109 : memref<1x256xf32, #tpu.memory_space<hbm>> -> memref<256xf32, #tpu.memory_space<hbm>>
      %dma_wait3A_111 = arith.constant 0 : i32
      %dma_wait3A_112 = tpu.memref_slice %arg11[%dma_wait3A_104, %dma_wait3A_111] : memref<4x256xf32, #tpu.memory_space<vmem>> -> memref<1x256xf32, #tpu.memory_space<vmem>>
      %dma_wait3A_113 = tpu.memref_squeeze %dma_wait3A_112 : memref<1x256xf32, #tpu.memory_space<vmem>> -> memref<256xf32, #tpu.memory_space<vmem>>
      %dma_wait3A_114 = arith.constant 0 : i32
      %dma_wait3A_115 = tpu.memref_slice %arg5[%dma_wait3A, %dma_wait3A_114] : memref<10000x256xf32, #tpu.memory_space<hbm>> -> memref<1x256xf32, #tpu.memory_space<hbm>>
      %dma_wait3A_116 = tpu.memref_squeeze %dma_wait3A_115 : memref<1x256xf32, #tpu.memory_space<hbm>> -> memref<256xf32, #tpu.memory_space<hbm>>
      tpu.wait_dma2 semaphore(%arg16 : memref<!tpu.dma_semaphore, #tpu.memory_space<semaphore_mem>>) src(%dma_wait3A_116 : memref<256xf32, #tpu.memory_space<hbm>>) dst(%dma_wait3A_113 : memref<256xf32, #tpu.memory_space<vmem>>)
    } else {
    }
    %gt3A_94 = arith.constant 2 : i32
    %gt3A_95 = arith.cmpi sgt, %select_n3A, %gt3A_94 : i32
    %convert_element_type3A_96 = arith.extui %gt3A_95 : i1 to i32
    %cond3A_97 = arith.constant 0 : i32
    %cond3A_98 = arith.cmpi ne, %convert_element_type3A_96, %cond3A_97 : i32
    scf.if %cond3A_98 {
      %dma_wait3A = arith.constant 0 : i32
      %dma_wait3A_104 = arith.constant 0 : i32
      %dma_wait3A_105 = arith.constant 0 : i32
      %dma_wait3A_106 = tpu.memref_slice %arg11[%dma_wait3A_104, %dma_wait3A_105] : memref<4x256xf32, #tpu.memory_space<vmem>> -> memref<1x256xf32, #tpu.memory_space<vmem>>
      %dma_wait3A_107 = tpu.memref_squeeze %dma_wait3A_106 : memref<1x256xf32, #tpu.memory_space<vmem>> -> memref<256xf32, #tpu.memory_space<vmem>>
      %dma_wait3A_108 = arith.constant 0 : i32
      %dma_wait3A_109 = tpu.memref_slice %arg5[%dma_wait3A, %dma_wait3A_108] : memref<10000x256xf32, #tpu.memory_space<hbm>> -> memref<1x256xf32, #tpu.memory_space<hbm>>
      %dma_wait3A_110 = tpu.memref_squeeze %dma_wait3A_109 : memref<1x256xf32, #tpu.memory_space<hbm>> -> memref<256xf32, #tpu.memory_space<hbm>>
      %dma_wait3A_111 = arith.constant 0 : i32
      %dma_wait3A_112 = tpu.memref_slice %arg11[%dma_wait3A_104, %dma_wait3A_111] : memref<4x256xf32, #tpu.memory_space<vmem>> -> memref<1x256xf32, #tpu.memory_space<vmem>>
      %dma_wait3A_113 = tpu.memref_squeeze %dma_wait3A_112 : memref<1x256xf32, #tpu.memory_space<vmem>> -> memref<256xf32, #tpu.memory_space<vmem>>
      %dma_wait3A_114 = arith.constant 0 : i32
      %dma_wait3A_115 = tpu.memref_slice %arg5[%dma_wait3A, %dma_wait3A_114] : memref<10000x256xf32, #tpu.memory_space<hbm>> -> memref<1x256xf32, #tpu.memory_space<hbm>>
      %dma_wait3A_116 = tpu.memref_squeeze %dma_wait3A_115 : memref<1x256xf32, #tpu.memory_space<hbm>> -> memref<256xf32, #tpu.memory_space<hbm>>
      tpu.wait_dma2 semaphore(%arg16 : memref<!tpu.dma_semaphore, #tpu.memory_space<semaphore_mem>>) src(%dma_wait3A_116 : memref<256xf32, #tpu.memory_space<hbm>>) dst(%dma_wait3A_113 : memref<256xf32, #tpu.memory_space<vmem>>)
    } else {
    }
    %gt3A_99 = arith.constant 3 : i32
    %gt3A_100 = arith.cmpi sgt, %select_n3A, %gt3A_99 : i32
    %convert_element_type3A_101 = arith.extui %gt3A_100 : i1 to i32
    %cond3A_102 = arith.constant 0 : i32
    %cond3A_103 = arith.cmpi ne, %convert_element_type3A_101, %cond3A_102 : i32
    scf.if %cond3A_103 {
      %dma_wait3A = arith.constant 0 : i32
      %dma_wait3A_104 = arith.constant 0 : i32
      %dma_wait3A_105 = arith.constant 0 : i32
      %dma_wait3A_106 = tpu.memref_slice %arg11[%dma_wait3A_104, %dma_wait3A_105] : memref<4x256xf32, #tpu.memory_space<vmem>> -> memref<1x256xf32, #tpu.memory_space<vmem>>
      %dma_wait3A_107 = tpu.memref_squeeze %dma_wait3A_106 : memref<1x256xf32, #tpu.memory_space<vmem>> -> memref<256xf32, #tpu.memory_space<vmem>>
      %dma_wait3A_108 = arith.constant 0 : i32
      %dma_wait3A_109 = tpu.memref_slice %arg5[%dma_wait3A, %dma_wait3A_108] : memref<10000x256xf32, #tpu.memory_space<hbm>> -> memref<1x256xf32, #tpu.memory_space<hbm>>
      %dma_wait3A_110 = tpu.memref_squeeze %dma_wait3A_109 : memref<1x256xf32, #tpu.memory_space<hbm>> -> memref<256xf32, #tpu.memory_space<hbm>>
      %dma_wait3A_111 = arith.constant 0 : i32
      %dma_wait3A_112 = tpu.memref_slice %arg11[%dma_wait3A_104, %dma_wait3A_111] : memref<4x256xf32, #tpu.memory_space<vmem>> -> memref<1x256xf32, #tpu.memory_space<vmem>>
      %dma_wait3A_113 = tpu.memref_squeeze %dma_wait3A_112 : memref<1x256xf32, #tpu.memory_space<vmem>> -> memref<256xf32, #tpu.memory_space<vmem>>
      %dma_wait3A_114 = arith.constant 0 : i32
      %dma_wait3A_115 = tpu.memref_slice %arg5[%dma_wait3A, %dma_wait3A_114] : memref<10000x256xf32, #tpu.memory_space<hbm>> -> memref<1x256xf32, #tpu.memory_space<hbm>>
      %dma_wait3A_116 = tpu.memref_squeeze %dma_wait3A_115 : memref<1x256xf32, #tpu.memory_space<hbm>> -> memref<256xf32, #tpu.memory_space<hbm>>
      tpu.wait_dma2 semaphore(%arg16 : memref<!tpu.dma_semaphore, #tpu.memory_space<semaphore_mem>>) src(%dma_wait3A_116 : memref<256xf32, #tpu.memory_space<hbm>>) dst(%dma_wait3A_113 : memref<256xf32, #tpu.memory_space<vmem>>)
    } else {
    }
    return
  }
}

#map = affine_map<(d0, d1) -> (0, 0)>
module attributes {stable_mosaic.version = 14 : i64} {
  func.func @new_body(%arg0: i32, %arg1: i32, %arg2: memref<64x288xf32, #tpu.memory_space<hbm>>, %arg3: memref<10000x256xf32, #tpu.memory_space<hbm>>, %arg4: memref<10000x256xf32, #tpu.memory_space<hbm>>, %arg5: memref<64x288xf32, #tpu.memory_space<vmem>>, %arg6: memref<272xf32, #tpu.memory_space<vmem>>, %arg7: memref<256xf32, #tpu.memory_space<vmem>>, %arg8: memref<!tpu.dma_semaphore, #tpu.memory_space<semaphore_mem>>) attributes {dimension_semantics = [#tpu.dimension_semantics<core_parallel>, #tpu.dimension_semantics<subcore_parallel>], iteration_bounds = array<i64: 2, 16>, scalar_prefetch = 0 : i64, scratch_operands = 4 : i64, tpu.core_type = #tpu.core_type<sc_vector_subcore>, window_params = [{transform_indices = #map}, {transform_indices = #map}, {transform_indices = #map}]} {
    %mul3A = arith.constant 2 : i32
    %mul3A_0 = arith.muli %arg1, %mul3A : i32
    %add3A = arith.addi %mul3A_0, %arg0 : i32
    %eq3A = arith.constant 0 : i32
    %eq3A_1 = arith.cmpi eq, %add3A, %eq3A : i32
    %convert_element_type3A = arith.extui %eq3A_1 : i1 to i32
    %cond3A = arith.constant 0 : i32
    %cond3A_2 = arith.cmpi ne, %convert_element_type3A, %cond3A : i32
    scf.if %cond3A_2 {
      "tpu.region"() ({
        %run_scoped3A = tpu.sem_alloc : memref<!tpu.dma_semaphore, #tpu.memory_space<semaphore_mem>>
        tpu.enqueue_dma source(%arg2 : memref<64x288xf32, #tpu.memory_space<hbm>>) target(%arg5 : memref<64x288xf32, #tpu.memory_space<vmem>>) target_semaphore(%run_scoped3A : memref<!tpu.dma_semaphore, #tpu.memory_space<semaphore_mem>>)
        tpu.wait_dma2 semaphore(%run_scoped3A : memref<!tpu.dma_semaphore, #tpu.memory_space<semaphore_mem>>) src(%arg2 : memref<64x288xf32, #tpu.memory_space<hbm>>) dst(%arg5 : memref<64x288xf32, #tpu.memory_space<vmem>>)
        tpu.yield
      }) : () -> ()
      %broadcast_in_dim3A = arith.constant 0.000000e+00 : f32
      %broadcast_in_dim3A_3 = vector.broadcast %broadcast_in_dim3A : f32 to vector<16xf32>
      %swap3A = arith.constant 0 : index
      %swap3A_4 = tpu.vector_load %arg6[%swap3A] {strides = array<i32>} : memref<272xf32, #tpu.memory_space<vmem>>, vector<16xf32>,
      tpu.vector_store %arg6[%swap3A], %broadcast_in_dim3A_3 {strides = array<i32>} : memref<272xf32, #tpu.memory_space<vmem>>, vector<16xf32>,
      %swap3A_5 = arith.constant 16 : index
      %swap3A_6 = tpu.vector_load %arg6[%swap3A_5] {strides = array<i32>} : memref<272xf32, #tpu.memory_space<vmem>>, vector<16xf32>,
      tpu.vector_store %arg6[%swap3A_5], %broadcast_in_dim3A_3 {strides = array<i32>} : memref<272xf32, #tpu.memory_space<vmem>>, vector<16xf32>,
      %swap3A_7 = arith.constant 32 : index
      %swap3A_8 = tpu.vector_load %arg6[%swap3A_7] {strides = array<i32>} : memref<272xf32, #tpu.memory_space<vmem>>, vector<16xf32>,
      tpu.vector_store %arg6[%swap3A_7], %broadcast_in_dim3A_3 {strides = array<i32>} : memref<272xf32, #tpu.memory_space<vmem>>, vector<16xf32>,
      %swap3A_9 = arith.constant 48 : index
      %swap3A_10 = tpu.vector_load %arg6[%swap3A_9] {strides = array<i32>} : memref<272xf32, #tpu.memory_space<vmem>>, vector<16xf32>,
      tpu.vector_store %arg6[%swap3A_9], %broadcast_in_dim3A_3 {strides = array<i32>} : memref<272xf32, #tpu.memory_space<vmem>>, vector<16xf32>,
      %swap3A_11 = arith.constant 64 : index
      %swap3A_12 = tpu.vector_load %arg6[%swap3A_11] {strides = array<i32>} : memref<272xf32, #tpu.memory_space<vmem>>, vector<16xf32>,
      tpu.vector_store %arg6[%swap3A_11], %broadcast_in_dim3A_3 {strides = array<i32>} : memref<272xf32, #tpu.memory_space<vmem>>, vector<16xf32>,
      %swap3A_13 = arith.constant 80 : index
      %swap3A_14 = tpu.vector_load %arg6[%swap3A_13] {strides = array<i32>} : memref<272xf32, #tpu.memory_space<vmem>>, vector<16xf32>,
      tpu.vector_store %arg6[%swap3A_13], %broadcast_in_dim3A_3 {strides = array<i32>} : memref<272xf32, #tpu.memory_space<vmem>>, vector<16xf32>,
      %swap3A_15 = arith.constant 96 : index
      %swap3A_16 = tpu.vector_load %arg6[%swap3A_15] {strides = array<i32>} : memref<272xf32, #tpu.memory_space<vmem>>, vector<16xf32>,
      tpu.vector_store %arg6[%swap3A_15], %broadcast_in_dim3A_3 {strides = array<i32>} : memref<272xf32, #tpu.memory_space<vmem>>, vector<16xf32>,
      %swap3A_17 = arith.constant 112 : index
      %swap3A_18 = tpu.vector_load %arg6[%swap3A_17] {strides = array<i32>} : memref<272xf32, #tpu.memory_space<vmem>>, vector<16xf32>,
      tpu.vector_store %arg6[%swap3A_17], %broadcast_in_dim3A_3 {strides = array<i32>} : memref<272xf32, #tpu.memory_space<vmem>>, vector<16xf32>,
      %swap3A_19 = arith.constant 128 : index
      %swap3A_20 = tpu.vector_load %arg6[%swap3A_19] {strides = array<i32>} : memref<272xf32, #tpu.memory_space<vmem>>, vector<16xf32>,
      tpu.vector_store %arg6[%swap3A_19], %broadcast_in_dim3A_3 {strides = array<i32>} : memref<272xf32, #tpu.memory_space<vmem>>, vector<16xf32>,
      %swap3A_21 = arith.constant 144 : index
      %swap3A_22 = tpu.vector_load %arg6[%swap3A_21] {strides = array<i32>} : memref<272xf32, #tpu.memory_space<vmem>>, vector<16xf32>,
      tpu.vector_store %arg6[%swap3A_21], %broadcast_in_dim3A_3 {strides = array<i32>} : memref<272xf32, #tpu.memory_space<vmem>>, vector<16xf32>,
      %swap3A_23 = arith.constant 160 : index
      %swap3A_24 = tpu.vector_load %arg6[%swap3A_23] {strides = array<i32>} : memref<272xf32, #tpu.memory_space<vmem>>, vector<16xf32>,
      tpu.vector_store %arg6[%swap3A_23], %broadcast_in_dim3A_3 {strides = array<i32>} : memref<272xf32, #tpu.memory_space<vmem>>, vector<16xf32>,
      %swap3A_25 = arith.constant 176 : index
      %swap3A_26 = tpu.vector_load %arg6[%swap3A_25] {strides = array<i32>} : memref<272xf32, #tpu.memory_space<vmem>>, vector<16xf32>,
      tpu.vector_store %arg6[%swap3A_25], %broadcast_in_dim3A_3 {strides = array<i32>} : memref<272xf32, #tpu.memory_space<vmem>>, vector<16xf32>,
      %swap3A_27 = arith.constant 192 : index
      %swap3A_28 = tpu.vector_load %arg6[%swap3A_27] {strides = array<i32>} : memref<272xf32, #tpu.memory_space<vmem>>, vector<16xf32>,
      tpu.vector_store %arg6[%swap3A_27], %broadcast_in_dim3A_3 {strides = array<i32>} : memref<272xf32, #tpu.memory_space<vmem>>, vector<16xf32>,
      %swap3A_29 = arith.constant 208 : index
      %swap3A_30 = tpu.vector_load %arg6[%swap3A_29] {strides = array<i32>} : memref<272xf32, #tpu.memory_space<vmem>>, vector<16xf32>,
      tpu.vector_store %arg6[%swap3A_29], %broadcast_in_dim3A_3 {strides = array<i32>} : memref<272xf32, #tpu.memory_space<vmem>>, vector<16xf32>,
      %swap3A_31 = arith.constant 224 : index
      %swap3A_32 = tpu.vector_load %arg6[%swap3A_31] {strides = array<i32>} : memref<272xf32, #tpu.memory_space<vmem>>, vector<16xf32>,
      tpu.vector_store %arg6[%swap3A_31], %broadcast_in_dim3A_3 {strides = array<i32>} : memref<272xf32, #tpu.memory_space<vmem>>, vector<16xf32>,
      %swap3A_33 = arith.constant 240 : index
      %swap3A_34 = tpu.vector_load %arg6[%swap3A_33] {strides = array<i32>} : memref<272xf32, #tpu.memory_space<vmem>>, vector<16xf32>,
      tpu.vector_store %arg6[%swap3A_33], %broadcast_in_dim3A_3 {strides = array<i32>} : memref<272xf32, #tpu.memory_space<vmem>>, vector<16xf32>,
      %swap3A_35 = arith.constant 256 : index
      %swap3A_36 = tpu.vector_load %arg6[%swap3A_35] {strides = array<i32>} : memref<272xf32, #tpu.memory_space<vmem>>, vector<16xf32>,
      tpu.vector_store %arg6[%swap3A_35], %broadcast_in_dim3A_3 {strides = array<i32>} : memref<272xf32, #tpu.memory_space<vmem>>, vector<16xf32>,
      %scan3A = arith.constant -1 : i32
      %scan3A_37 = arith.constant 0 : i32
      %scan3A_38 = arith.constant 64 : i32
      %scan3A_39 = arith.addi %scan3A_37, %scan3A_38 : i32
      %scan3A_40 = arith.constant 1 : i32
      %scan3A_41 = scf.for %scan3A_47 = %scan3A_37 to %scan3A_39 step %scan3A_40 iter_args(%scan3A_48 = %scan3A) -> (i32)  : i32 {
        %get3A = arith.index_cast %scan3A_47 : i32 to index
        %get3A_49 = arith.constant 272 : index
        %get3A_50 = tpu.vector_load %arg5[%get3A, %get3A_49] {strides = array<i32>} : memref<64x288xf32, #tpu.memory_space<vmem>>, vector<16xf32>,
        %convert_element_type3A_51 = arith.fptosi %get3A_50 : vector<16xf32> to vector<16xi32>
        %slice3A = vector.extract_strided_slice %convert_element_type3A_51 {offsets = [0], sizes = [1], strides = [1]} : vector<16xi32> to vector<1xi32>
        %squeeze3A = vector.extract %slice3A[0] : i32 from vector<1xi32>
        %ge3A_52 = arith.constant 0 : i32
        %ge3A_53 = arith.cmpi sge, %squeeze3A, %ge3A_52 : i32
        %ne3A = arith.cmpi ne, %squeeze3A, %scan3A_48 : i32
        %and3A = arith.andi %ge3A_53, %ne3A : i1
        %ge3A_54 = arith.constant 0 : i32
        %ge3A_55 = arith.cmpi sge, %scan3A_48, %ge3A_54 : i32
        %and3A_56 = arith.andi %and3A, %ge3A_55 : i1
        %convert_element_type3A_57 = arith.extui %and3A_56 : i1 to i32
        %cond3A_58 = arith.constant 0 : i32
        %cond3A_59 = arith.cmpi ne, %convert_element_type3A_57, %cond3A_58 : i32
        scf.if %cond3A_59 {
          %get3A_63 = arith.constant 256 : index
          %get3A_64 = tpu.vector_load %arg6[%get3A_63] {strides = array<i32>} : memref<272xf32, #tpu.memory_space<vmem>>, vector<16xf32>,
          %div3A = arith.constant 1.000000e+00 : f32
          %div3A_65 = vector.broadcast %div3A : f32 to vector<16xf32>
          %div3A_66 = arith.divf %div3A_65, %get3A_64 : vector<16xf32>
          %get3A_67 = arith.constant 0 : index
          %get3A_68 = tpu.vector_load %arg6[%get3A_67] {strides = array<i32>} : memref<272xf32, #tpu.memory_space<vmem>>, vector<16xf32>,
          %mul3A_69 = arith.mulf %get3A_68, %div3A_66 : vector<16xf32>
          %swap3A_70 = arith.constant 0 : index
          %swap3A_71 = tpu.vector_load %arg7[%swap3A_70] {strides = array<i32>} : memref<256xf32, #tpu.memory_space<vmem>>, vector<16xf32>,
          tpu.vector_store %arg7[%swap3A_70], %mul3A_69 {strides = array<i32>} : memref<256xf32, #tpu.memory_space<vmem>>, vector<16xf32>,
          %get3A_72 = arith.constant 16 : index
          %get3A_73 = tpu.vector_load %arg6[%get3A_72] {strides = array<i32>} : memref<272xf32, #tpu.memory_space<vmem>>, vector<16xf32>,
          %mul3A_74 = arith.mulf %get3A_73, %div3A_66 : vector<16xf32>
          %swap3A_75 = arith.constant 16 : index
          %swap3A_76 = tpu.vector_load %arg7[%swap3A_75] {strides = array<i32>} : memref<256xf32, #tpu.memory_space<vmem>>, vector<16xf32>,
          tpu.vector_store %arg7[%swap3A_75], %mul3A_74 {strides = array<i32>} : memref<256xf32, #tpu.memory_space<vmem>>, vector<16xf32>,
          %get3A_77 = arith.constant 32 : index
          %get3A_78 = tpu.vector_load %arg6[%get3A_77] {strides = array<i32>} : memref<272xf32, #tpu.memory_space<vmem>>, vector<16xf32>,
          %mul3A_79 = arith.mulf %get3A_78, %div3A_66 : vector<16xf32>
          %swap3A_80 = arith.constant 32 : index
          %swap3A_81 = tpu.vector_load %arg7[%swap3A_80] {strides = array<i32>} : memref<256xf32, #tpu.memory_space<vmem>>, vector<16xf32>,
          tpu.vector_store %arg7[%swap3A_80], %mul3A_79 {strides = array<i32>} : memref<256xf32, #tpu.memory_space<vmem>>, vector<16xf32>,
          %get3A_82 = arith.constant 48 : index
          %get3A_83 = tpu.vector_load %arg6[%get3A_82] {strides = array<i32>} : memref<272xf32, #tpu.memory_space<vmem>>, vector<16xf32>,
          %mul3A_84 = arith.mulf %get3A_83, %div3A_66 : vector<16xf32>
          %swap3A_85 = arith.constant 48 : index
          %swap3A_86 = tpu.vector_load %arg7[%swap3A_85] {strides = array<i32>} : memref<256xf32, #tpu.memory_space<vmem>>, vector<16xf32>,
          tpu.vector_store %arg7[%swap3A_85], %mul3A_84 {strides = array<i32>} : memref<256xf32, #tpu.memory_space<vmem>>, vector<16xf32>,
          %get3A_87 = arith.constant 64 : index
          %get3A_88 = tpu.vector_load %arg6[%get3A_87] {strides = array<i32>} : memref<272xf32, #tpu.memory_space<vmem>>, vector<16xf32>,
          %mul3A_89 = arith.mulf %get3A_88, %div3A_66 : vector<16xf32>
          %swap3A_90 = arith.constant 64 : index
          %swap3A_91 = tpu.vector_load %arg7[%swap3A_90] {strides = array<i32>} : memref<256xf32, #tpu.memory_space<vmem>>, vector<16xf32>,
          tpu.vector_store %arg7[%swap3A_90], %mul3A_89 {strides = array<i32>} : memref<256xf32, #tpu.memory_space<vmem>>, vector<16xf32>,
          %get3A_92 = arith.constant 80 : index
          %get3A_93 = tpu.vector_load %arg6[%get3A_92] {strides = array<i32>} : memref<272xf32, #tpu.memory_space<vmem>>, vector<16xf32>,
          %mul3A_94 = arith.mulf %get3A_93, %div3A_66 : vector<16xf32>
          %swap3A_95 = arith.constant 80 : index
          %swap3A_96 = tpu.vector_load %arg7[%swap3A_95] {strides = array<i32>} : memref<256xf32, #tpu.memory_space<vmem>>, vector<16xf32>,
          tpu.vector_store %arg7[%swap3A_95], %mul3A_94 {strides = array<i32>} : memref<256xf32, #tpu.memory_space<vmem>>, vector<16xf32>,
          %get3A_97 = arith.constant 96 : index
          %get3A_98 = tpu.vector_load %arg6[%get3A_97] {strides = array<i32>} : memref<272xf32, #tpu.memory_space<vmem>>, vector<16xf32>,
          %mul3A_99 = arith.mulf %get3A_98, %div3A_66 : vector<16xf32>
          %swap3A_100 = arith.constant 96 : index
          %swap3A_101 = tpu.vector_load %arg7[%swap3A_100] {strides = array<i32>} : memref<256xf32, #tpu.memory_space<vmem>>, vector<16xf32>,
          tpu.vector_store %arg7[%swap3A_100], %mul3A_99 {strides = array<i32>} : memref<256xf32, #tpu.memory_space<vmem>>, vector<16xf32>,
          %get3A_102 = arith.constant 112 : index
          %get3A_103 = tpu.vector_load %arg6[%get3A_102] {strides = array<i32>} : memref<272xf32, #tpu.memory_space<vmem>>, vector<16xf32>,
          %mul3A_104 = arith.mulf %get3A_103, %div3A_66 : vector<16xf32>
          %swap3A_105 = arith.constant 112 : index
          %swap3A_106 = tpu.vector_load %arg7[%swap3A_105] {strides = array<i32>} : memref<256xf32, #tpu.memory_space<vmem>>, vector<16xf32>,
          tpu.vector_store %arg7[%swap3A_105], %mul3A_104 {strides = array<i32>} : memref<256xf32, #tpu.memory_space<vmem>>, vector<16xf32>,
          %get3A_107 = arith.constant 128 : index
          %get3A_108 = tpu.vector_load %arg6[%get3A_107] {strides = array<i32>} : memref<272xf32, #tpu.memory_space<vmem>>, vector<16xf32>,
          %mul3A_109 = arith.mulf %get3A_108, %div3A_66 : vector<16xf32>
          %swap3A_110 = arith.constant 128 : index
          %swap3A_111 = tpu.vector_load %arg7[%swap3A_110] {strides = array<i32>} : memref<256xf32, #tpu.memory_space<vmem>>, vector<16xf32>,
          tpu.vector_store %arg7[%swap3A_110], %mul3A_109 {strides = array<i32>} : memref<256xf32, #tpu.memory_space<vmem>>, vector<16xf32>,
          %get3A_112 = arith.constant 144 : index
          %get3A_113 = tpu.vector_load %arg6[%get3A_112] {strides = array<i32>} : memref<272xf32, #tpu.memory_space<vmem>>, vector<16xf32>,
          %mul3A_114 = arith.mulf %get3A_113, %div3A_66 : vector<16xf32>
          %swap3A_115 = arith.constant 144 : index
          %swap3A_116 = tpu.vector_load %arg7[%swap3A_115] {strides = array<i32>} : memref<256xf32, #tpu.memory_space<vmem>>, vector<16xf32>,
          tpu.vector_store %arg7[%swap3A_115], %mul3A_114 {strides = array<i32>} : memref<256xf32, #tpu.memory_space<vmem>>, vector<16xf32>,
          %get3A_117 = arith.constant 160 : index
          %get3A_118 = tpu.vector_load %arg6[%get3A_117] {strides = array<i32>} : memref<272xf32, #tpu.memory_space<vmem>>, vector<16xf32>,
          %mul3A_119 = arith.mulf %get3A_118, %div3A_66 : vector<16xf32>
          %swap3A_120 = arith.constant 160 : index
          %swap3A_121 = tpu.vector_load %arg7[%swap3A_120] {strides = array<i32>} : memref<256xf32, #tpu.memory_space<vmem>>, vector<16xf32>,
          tpu.vector_store %arg7[%swap3A_120], %mul3A_119 {strides = array<i32>} : memref<256xf32, #tpu.memory_space<vmem>>, vector<16xf32>,
          %get3A_122 = arith.constant 176 : index
          %get3A_123 = tpu.vector_load %arg6[%get3A_122] {strides = array<i32>} : memref<272xf32, #tpu.memory_space<vmem>>, vector<16xf32>,
          %mul3A_124 = arith.mulf %get3A_123, %div3A_66 : vector<16xf32>
          %swap3A_125 = arith.constant 176 : index
          %swap3A_126 = tpu.vector_load %arg7[%swap3A_125] {strides = array<i32>} : memref<256xf32, #tpu.memory_space<vmem>>, vector<16xf32>,
          tpu.vector_store %arg7[%swap3A_125], %mul3A_124 {strides = array<i32>} : memref<256xf32, #tpu.memory_space<vmem>>, vector<16xf32>,
          %get3A_127 = arith.constant 192 : index
          %get3A_128 = tpu.vector_load %arg6[%get3A_127] {strides = array<i32>} : memref<272xf32, #tpu.memory_space<vmem>>, vector<16xf32>,
          %mul3A_129 = arith.mulf %get3A_128, %div3A_66 : vector<16xf32>
          %swap3A_130 = arith.constant 192 : index
          %swap3A_131 = tpu.vector_load %arg7[%swap3A_130] {strides = array<i32>} : memref<256xf32, #tpu.memory_space<vmem>>, vector<16xf32>,
          tpu.vector_store %arg7[%swap3A_130], %mul3A_129 {strides = array<i32>} : memref<256xf32, #tpu.memory_space<vmem>>, vector<16xf32>,
          %get3A_132 = arith.constant 208 : index
          %get3A_133 = tpu.vector_load %arg6[%get3A_132] {strides = array<i32>} : memref<272xf32, #tpu.memory_space<vmem>>, vector<16xf32>,
          %mul3A_134 = arith.mulf %get3A_133, %div3A_66 : vector<16xf32>
          %swap3A_135 = arith.constant 208 : index
          %swap3A_136 = tpu.vector_load %arg7[%swap3A_135] {strides = array<i32>} : memref<256xf32, #tpu.memory_space<vmem>>, vector<16xf32>,
          tpu.vector_store %arg7[%swap3A_135], %mul3A_134 {strides = array<i32>} : memref<256xf32, #tpu.memory_space<vmem>>, vector<16xf32>,
          %get3A_137 = arith.constant 224 : index
          %get3A_138 = tpu.vector_load %arg6[%get3A_137] {strides = array<i32>} : memref<272xf32, #tpu.memory_space<vmem>>, vector<16xf32>,
          %mul3A_139 = arith.mulf %get3A_138, %div3A_66 : vector<16xf32>
          %swap3A_140 = arith.constant 224 : index
          %swap3A_141 = tpu.vector_load %arg7[%swap3A_140] {strides = array<i32>} : memref<256xf32, #tpu.memory_space<vmem>>, vector<16xf32>,
          tpu.vector_store %arg7[%swap3A_140], %mul3A_139 {strides = array<i32>} : memref<256xf32, #tpu.memory_space<vmem>>, vector<16xf32>,
          %get3A_142 = arith.constant 240 : index
          %get3A_143 = tpu.vector_load %arg6[%get3A_142] {strides = array<i32>} : memref<272xf32, #tpu.memory_space<vmem>>, vector<16xf32>,
          %mul3A_144 = arith.mulf %get3A_143, %div3A_66 : vector<16xf32>
          %swap3A_145 = arith.constant 240 : index
          %swap3A_146 = tpu.vector_load %arg7[%swap3A_145] {strides = array<i32>} : memref<256xf32, #tpu.memory_space<vmem>>, vector<16xf32>,
          tpu.vector_store %arg7[%swap3A_145], %mul3A_144 {strides = array<i32>} : memref<256xf32, #tpu.memory_space<vmem>>, vector<16xf32>,
          "tpu.region"() ({
            %run_scoped3A = tpu.sem_alloc : memref<!tpu.dma_semaphore, #tpu.memory_space<semaphore_mem>>
            %dma_start3A = arith.constant 0 : i32
            %dma_start3A_181 = tpu.memref_slice %arg3[%scan3A_48, %dma_start3A] : memref<10000x256xf32, #tpu.memory_space<hbm>> -> memref<1x256xf32, #tpu.memory_space<hbm>>
            %dma_start3A_182 = tpu.memref_squeeze %dma_start3A_181 : memref<1x256xf32, #tpu.memory_space<hbm>> -> memref<256xf32, #tpu.memory_space<hbm>>
            %dma_start3A_183 = arith.constant 0 : i32
            %dma_start3A_184 = tpu.memref_slice %arg3[%scan3A_48, %dma_start3A_183] : memref<10000x256xf32, #tpu.memory_space<hbm>> -> memref<1x256xf32, #tpu.memory_space<hbm>>
            %dma_start3A_185 = tpu.memref_squeeze %dma_start3A_184 : memref<1x256xf32, #tpu.memory_space<hbm>> -> memref<256xf32, #tpu.memory_space<hbm>>
            tpu.enqueue_dma source(%arg7 : memref<256xf32, #tpu.memory_space<vmem>>) target(%dma_start3A_185 : memref<256xf32, #tpu.memory_space<hbm>>) target_semaphore(%run_scoped3A : memref<!tpu.dma_semaphore, #tpu.memory_space<semaphore_mem>>)
            %dma_wait3A = arith.constant 0 : i32
            %dma_wait3A_186 = tpu.memref_slice %arg3[%scan3A_48, %dma_wait3A] : memref<10000x256xf32, #tpu.memory_space<hbm>> -> memref<1x256xf32, #tpu.memory_space<hbm>>
            %dma_wait3A_187 = tpu.memref_squeeze %dma_wait3A_186 : memref<1x256xf32, #tpu.memory_space<hbm>> -> memref<256xf32, #tpu.memory_space<hbm>>
            %dma_wait3A_188 = arith.constant 0 : i32
            %dma_wait3A_189 = tpu.memref_slice %arg3[%scan3A_48, %dma_wait3A_188] : memref<10000x256xf32, #tpu.memory_space<hbm>> -> memref<1x256xf32, #tpu.memory_space<hbm>>
            %dma_wait3A_190 = tpu.memref_squeeze %dma_wait3A_189 : memref<1x256xf32, #tpu.memory_space<hbm>> -> memref<256xf32, #tpu.memory_space<hbm>>
            tpu.wait_dma2 semaphore(%run_scoped3A : memref<!tpu.dma_semaphore, #tpu.memory_space<semaphore_mem>>) src(%arg7 : memref<256xf32, #tpu.memory_space<vmem>>) dst(%dma_wait3A_190 : memref<256xf32, #tpu.memory_space<hbm>>)
            tpu.yield
          }) : () -> ()
          %swap3A_147 = arith.constant 0 : index
          %swap3A_148 = tpu.vector_load %arg6[%swap3A_147] {strides = array<i32>} : memref<272xf32, #tpu.memory_space<vmem>>, vector<16xf32>,
          tpu.vector_store %arg6[%swap3A_147], %broadcast_in_dim3A_3 {strides = array<i32>} : memref<272xf32, #tpu.memory_space<vmem>>, vector<16xf32>,
          %swap3A_149 = arith.constant 16 : index
          %swap3A_150 = tpu.vector_load %arg6[%swap3A_149] {strides = array<i32>} : memref<272xf32, #tpu.memory_space<vmem>>, vector<16xf32>,
          tpu.vector_store %arg6[%swap3A_149], %broadcast_in_dim3A_3 {strides = array<i32>} : memref<272xf32, #tpu.memory_space<vmem>>, vector<16xf32>,
          %swap3A_151 = arith.constant 32 : index
          %swap3A_152 = tpu.vector_load %arg6[%swap3A_151] {strides = array<i32>} : memref<272xf32, #tpu.memory_space<vmem>>, vector<16xf32>,
          tpu.vector_store %arg6[%swap3A_151], %broadcast_in_dim3A_3 {strides = array<i32>} : memref<272xf32, #tpu.memory_space<vmem>>, vector<16xf32>,
          %swap3A_153 = arith.constant 48 : index
          %swap3A_154 = tpu.vector_load %arg6[%swap3A_153] {strides = array<i32>} : memref<272xf32, #tpu.memory_space<vmem>>, vector<16xf32>,
          tpu.vector_store %arg6[%swap3A_153], %broadcast_in_dim3A_3 {strides = array<i32>} : memref<272xf32, #tpu.memory_space<vmem>>, vector<16xf32>,
          %swap3A_155 = arith.constant 64 : index
          %swap3A_156 = tpu.vector_load %arg6[%swap3A_155] {strides = array<i32>} : memref<272xf32, #tpu.memory_space<vmem>>, vector<16xf32>,
          tpu.vector_store %arg6[%swap3A_155], %broadcast_in_dim3A_3 {strides = array<i32>} : memref<272xf32, #tpu.memory_space<vmem>>, vector<16xf32>,
          %swap3A_157 = arith.constant 80 : index
          %swap3A_158 = tpu.vector_load %arg6[%swap3A_157] {strides = array<i32>} : memref<272xf32, #tpu.memory_space<vmem>>, vector<16xf32>,
          tpu.vector_store %arg6[%swap3A_157], %broadcast_in_dim3A_3 {strides = array<i32>} : memref<272xf32, #tpu.memory_space<vmem>>, vector<16xf32>,
          %swap3A_159 = arith.constant 96 : index
          %swap3A_160 = tpu.vector_load %arg6[%swap3A_159] {strides = array<i32>} : memref<272xf32, #tpu.memory_space<vmem>>, vector<16xf32>,
          tpu.vector_store %arg6[%swap3A_159], %broadcast_in_dim3A_3 {strides = array<i32>} : memref<272xf32, #tpu.memory_space<vmem>>, vector<16xf32>,
          %swap3A_161 = arith.constant 112 : index
          %swap3A_162 = tpu.vector_load %arg6[%swap3A_161] {strides = array<i32>} : memref<272xf32, #tpu.memory_space<vmem>>, vector<16xf32>,
          tpu.vector_store %arg6[%swap3A_161], %broadcast_in_dim3A_3 {strides = array<i32>} : memref<272xf32, #tpu.memory_space<vmem>>, vector<16xf32>,
          %swap3A_163 = arith.constant 128 : index
          %swap3A_164 = tpu.vector_load %arg6[%swap3A_163] {strides = array<i32>} : memref<272xf32, #tpu.memory_space<vmem>>, vector<16xf32>,
          tpu.vector_store %arg6[%swap3A_163], %broadcast_in_dim3A_3 {strides = array<i32>} : memref<272xf32, #tpu.memory_space<vmem>>, vector<16xf32>,
          %swap3A_165 = arith.constant 144 : index
          %swap3A_166 = tpu.vector_load %arg6[%swap3A_165] {strides = array<i32>} : memref<272xf32, #tpu.memory_space<vmem>>, vector<16xf32>,
          tpu.vector_store %arg6[%swap3A_165], %broadcast_in_dim3A_3 {strides = array<i32>} : memref<272xf32, #tpu.memory_space<vmem>>, vector<16xf32>,
          %swap3A_167 = arith.constant 160 : index
          %swap3A_168 = tpu.vector_load %arg6[%swap3A_167] {strides = array<i32>} : memref<272xf32, #tpu.memory_space<vmem>>, vector<16xf32>,
          tpu.vector_store %arg6[%swap3A_167], %broadcast_in_dim3A_3 {strides = array<i32>} : memref<272xf32, #tpu.memory_space<vmem>>, vector<16xf32>,
          %swap3A_169 = arith.constant 176 : index
          %swap3A_170 = tpu.vector_load %arg6[%swap3A_169] {strides = array<i32>} : memref<272xf32, #tpu.memory_space<vmem>>, vector<16xf32>,
          tpu.vector_store %arg6[%swap3A_169], %broadcast_in_dim3A_3 {strides = array<i32>} : memref<272xf32, #tpu.memory_space<vmem>>, vector<16xf32>,
          %swap3A_171 = arith.constant 192 : index
          %swap3A_172 = tpu.vector_load %arg6[%swap3A_171] {strides = array<i32>} : memref<272xf32, #tpu.memory_space<vmem>>, vector<16xf32>,
          tpu.vector_store %arg6[%swap3A_171], %broadcast_in_dim3A_3 {strides = array<i32>} : memref<272xf32, #tpu.memory_space<vmem>>, vector<16xf32>,
          %swap3A_173 = arith.constant 208 : index
          %swap3A_174 = tpu.vector_load %arg6[%swap3A_173] {strides = array<i32>} : memref<272xf32, #tpu.memory_space<vmem>>, vector<16xf32>,
          tpu.vector_store %arg6[%swap3A_173], %broadcast_in_dim3A_3 {strides = array<i32>} : memref<272xf32, #tpu.memory_space<vmem>>, vector<16xf32>,
          %swap3A_175 = arith.constant 224 : index
          %swap3A_176 = tpu.vector_load %arg6[%swap3A_175] {strides = array<i32>} : memref<272xf32, #tpu.memory_space<vmem>>, vector<16xf32>,
          tpu.vector_store %arg6[%swap3A_175], %broadcast_in_dim3A_3 {strides = array<i32>} : memref<272xf32, #tpu.memory_space<vmem>>, vector<16xf32>,
          %swap3A_177 = arith.constant 240 : index
          %swap3A_178 = tpu.vector_load %arg6[%swap3A_177] {strides = array<i32>} : memref<272xf32, #tpu.memory_space<vmem>>, vector<16xf32>,
          tpu.vector_store %arg6[%swap3A_177], %broadcast_in_dim3A_3 {strides = array<i32>} : memref<272xf32, #tpu.memory_space<vmem>>, vector<16xf32>,
          %swap3A_179 = arith.constant 256 : index
          %swap3A_180 = tpu.vector_load %arg6[%swap3A_179] {strides = array<i32>} : memref<272xf32, #tpu.memory_space<vmem>>, vector<16xf32>,
          tpu.vector_store %arg6[%swap3A_179], %broadcast_in_dim3A_3 {strides = array<i32>} : memref<272xf32, #tpu.memory_space<vmem>>, vector<16xf32>,
        } else {
        }
        %convert_element_type3A_60 = arith.extui %ge3A_53 : i1 to i32
        %cond3A_61 = arith.constant 0 : i32
        %cond3A_62 = arith.cmpi ne, %convert_element_type3A_60, %cond3A_61 : i32
        scf.if %cond3A_62 {
          %get3A_63 = arith.constant 0 : index
          %get3A_64 = tpu.vector_load %arg6[%get3A_63] {strides = array<i32>} : memref<272xf32, #tpu.memory_space<vmem>>, vector<16xf32>,
          %get3A_65 = arith.index_cast %scan3A_47 : i32 to index
          %get3A_66 = arith.constant 0 : index
          %get3A_67 = tpu.vector_load %arg5[%get3A_65, %get3A_66] {strides = array<i32>} : memref<64x288xf32, #tpu.memory_space<vmem>>, vector<16xf32>,
          %add3A_68 = arith.addf %get3A_64, %get3A_67 : vector<16xf32>
          %swap3A_69 = arith.constant 0 : index
          %swap3A_70 = tpu.vector_load %arg6[%swap3A_69] {strides = array<i32>} : memref<272xf32, #tpu.memory_space<vmem>>, vector<16xf32>,
          tpu.vector_store %arg6[%swap3A_69], %add3A_68 {strides = array<i32>} : memref<272xf32, #tpu.memory_space<vmem>>, vector<16xf32>,
          %get3A_71 = arith.constant 16 : index
          %get3A_72 = tpu.vector_load %arg6[%get3A_71] {strides = array<i32>} : memref<272xf32, #tpu.memory_space<vmem>>, vector<16xf32>,
          %get3A_73 = arith.index_cast %scan3A_47 : i32 to index
          %get3A_74 = arith.constant 16 : index
          %get3A_75 = tpu.vector_load %arg5[%get3A_73, %get3A_74] {strides = array<i32>} : memref<64x288xf32, #tpu.memory_space<vmem>>, vector<16xf32>,
          %add3A_76 = arith.addf %get3A_72, %get3A_75 : vector<16xf32>
          %swap3A_77 = arith.constant 16 : index
          %swap3A_78 = tpu.vector_load %arg6[%swap3A_77] {strides = array<i32>} : memref<272xf32, #tpu.memory_space<vmem>>, vector<16xf32>,
          tpu.vector_store %arg6[%swap3A_77], %add3A_76 {strides = array<i32>} : memref<272xf32, #tpu.memory_space<vmem>>, vector<16xf32>,
          %get3A_79 = arith.constant 32 : index
          %get3A_80 = tpu.vector_load %arg6[%get3A_79] {strides = array<i32>} : memref<272xf32, #tpu.memory_space<vmem>>, vector<16xf32>,
          %get3A_81 = arith.index_cast %scan3A_47 : i32 to index
          %get3A_82 = arith.constant 32 : index
          %get3A_83 = tpu.vector_load %arg5[%get3A_81, %get3A_82] {strides = array<i32>} : memref<64x288xf32, #tpu.memory_space<vmem>>, vector<16xf32>,
          %add3A_84 = arith.addf %get3A_80, %get3A_83 : vector<16xf32>
          %swap3A_85 = arith.constant 32 : index
          %swap3A_86 = tpu.vector_load %arg6[%swap3A_85] {strides = array<i32>} : memref<272xf32, #tpu.memory_space<vmem>>, vector<16xf32>,
          tpu.vector_store %arg6[%swap3A_85], %add3A_84 {strides = array<i32>} : memref<272xf32, #tpu.memory_space<vmem>>, vector<16xf32>,
          %get3A_87 = arith.constant 48 : index
          %get3A_88 = tpu.vector_load %arg6[%get3A_87] {strides = array<i32>} : memref<272xf32, #tpu.memory_space<vmem>>, vector<16xf32>,
          %get3A_89 = arith.index_cast %scan3A_47 : i32 to index
          %get3A_90 = arith.constant 48 : index
          %get3A_91 = tpu.vector_load %arg5[%get3A_89, %get3A_90] {strides = array<i32>} : memref<64x288xf32, #tpu.memory_space<vmem>>, vector<16xf32>,
          %add3A_92 = arith.addf %get3A_88, %get3A_91 : vector<16xf32>
          %swap3A_93 = arith.constant 48 : index
          %swap3A_94 = tpu.vector_load %arg6[%swap3A_93] {strides = array<i32>} : memref<272xf32, #tpu.memory_space<vmem>>, vector<16xf32>,
          tpu.vector_store %arg6[%swap3A_93], %add3A_92 {strides = array<i32>} : memref<272xf32, #tpu.memory_space<vmem>>, vector<16xf32>,
          %get3A_95 = arith.constant 64 : index
          %get3A_96 = tpu.vector_load %arg6[%get3A_95] {strides = array<i32>} : memref<272xf32, #tpu.memory_space<vmem>>, vector<16xf32>,
          %get3A_97 = arith.index_cast %scan3A_47 : i32 to index
          %get3A_98 = arith.constant 64 : index
          %get3A_99 = tpu.vector_load %arg5[%get3A_97, %get3A_98] {strides = array<i32>} : memref<64x288xf32, #tpu.memory_space<vmem>>, vector<16xf32>,
          %add3A_100 = arith.addf %get3A_96, %get3A_99 : vector<16xf32>
          %swap3A_101 = arith.constant 64 : index
          %swap3A_102 = tpu.vector_load %arg6[%swap3A_101] {strides = array<i32>} : memref<272xf32, #tpu.memory_space<vmem>>, vector<16xf32>,
          tpu.vector_store %arg6[%swap3A_101], %add3A_100 {strides = array<i32>} : memref<272xf32, #tpu.memory_space<vmem>>, vector<16xf32>,
          %get3A_103 = arith.constant 80 : index
          %get3A_104 = tpu.vector_load %arg6[%get3A_103] {strides = array<i32>} : memref<272xf32, #tpu.memory_space<vmem>>, vector<16xf32>,
          %get3A_105 = arith.index_cast %scan3A_47 : i32 to index
          %get3A_106 = arith.constant 80 : index
          %get3A_107 = tpu.vector_load %arg5[%get3A_105, %get3A_106] {strides = array<i32>} : memref<64x288xf32, #tpu.memory_space<vmem>>, vector<16xf32>,
          %add3A_108 = arith.addf %get3A_104, %get3A_107 : vector<16xf32>
          %swap3A_109 = arith.constant 80 : index
          %swap3A_110 = tpu.vector_load %arg6[%swap3A_109] {strides = array<i32>} : memref<272xf32, #tpu.memory_space<vmem>>, vector<16xf32>,
          tpu.vector_store %arg6[%swap3A_109], %add3A_108 {strides = array<i32>} : memref<272xf32, #tpu.memory_space<vmem>>, vector<16xf32>,
          %get3A_111 = arith.constant 96 : index
          %get3A_112 = tpu.vector_load %arg6[%get3A_111] {strides = array<i32>} : memref<272xf32, #tpu.memory_space<vmem>>, vector<16xf32>,
          %get3A_113 = arith.index_cast %scan3A_47 : i32 to index
          %get3A_114 = arith.constant 96 : index
          %get3A_115 = tpu.vector_load %arg5[%get3A_113, %get3A_114] {strides = array<i32>} : memref<64x288xf32, #tpu.memory_space<vmem>>, vector<16xf32>,
          %add3A_116 = arith.addf %get3A_112, %get3A_115 : vector<16xf32>
          %swap3A_117 = arith.constant 96 : index
          %swap3A_118 = tpu.vector_load %arg6[%swap3A_117] {strides = array<i32>} : memref<272xf32, #tpu.memory_space<vmem>>, vector<16xf32>,
          tpu.vector_store %arg6[%swap3A_117], %add3A_116 {strides = array<i32>} : memref<272xf32, #tpu.memory_space<vmem>>, vector<16xf32>,
          %get3A_119 = arith.constant 112 : index
          %get3A_120 = tpu.vector_load %arg6[%get3A_119] {strides = array<i32>} : memref<272xf32, #tpu.memory_space<vmem>>, vector<16xf32>,
          %get3A_121 = arith.index_cast %scan3A_47 : i32 to index
          %get3A_122 = arith.constant 112 : index
          %get3A_123 = tpu.vector_load %arg5[%get3A_121, %get3A_122] {strides = array<i32>} : memref<64x288xf32, #tpu.memory_space<vmem>>, vector<16xf32>,
          %add3A_124 = arith.addf %get3A_120, %get3A_123 : vector<16xf32>
          %swap3A_125 = arith.constant 112 : index
          %swap3A_126 = tpu.vector_load %arg6[%swap3A_125] {strides = array<i32>} : memref<272xf32, #tpu.memory_space<vmem>>, vector<16xf32>,
          tpu.vector_store %arg6[%swap3A_125], %add3A_124 {strides = array<i32>} : memref<272xf32, #tpu.memory_space<vmem>>, vector<16xf32>,
          %get3A_127 = arith.constant 128 : index
          %get3A_128 = tpu.vector_load %arg6[%get3A_127] {strides = array<i32>} : memref<272xf32, #tpu.memory_space<vmem>>, vector<16xf32>,
          %get3A_129 = arith.index_cast %scan3A_47 : i32 to index
          %get3A_130 = arith.constant 128 : index
          %get3A_131 = tpu.vector_load %arg5[%get3A_129, %get3A_130] {strides = array<i32>} : memref<64x288xf32, #tpu.memory_space<vmem>>, vector<16xf32>,
          %add3A_132 = arith.addf %get3A_128, %get3A_131 : vector<16xf32>
          %swap3A_133 = arith.constant 128 : index
          %swap3A_134 = tpu.vector_load %arg6[%swap3A_133] {strides = array<i32>} : memref<272xf32, #tpu.memory_space<vmem>>, vector<16xf32>,
          tpu.vector_store %arg6[%swap3A_133], %add3A_132 {strides = array<i32>} : memref<272xf32, #tpu.memory_space<vmem>>, vector<16xf32>,
          %get3A_135 = arith.constant 144 : index
          %get3A_136 = tpu.vector_load %arg6[%get3A_135] {strides = array<i32>} : memref<272xf32, #tpu.memory_space<vmem>>, vector<16xf32>,
          %get3A_137 = arith.index_cast %scan3A_47 : i32 to index
          %get3A_138 = arith.constant 144 : index
          %get3A_139 = tpu.vector_load %arg5[%get3A_137, %get3A_138] {strides = array<i32>} : memref<64x288xf32, #tpu.memory_space<vmem>>, vector<16xf32>,
          %add3A_140 = arith.addf %get3A_136, %get3A_139 : vector<16xf32>
          %swap3A_141 = arith.constant 144 : index
          %swap3A_142 = tpu.vector_load %arg6[%swap3A_141] {strides = array<i32>} : memref<272xf32, #tpu.memory_space<vmem>>, vector<16xf32>,
          tpu.vector_store %arg6[%swap3A_141], %add3A_140 {strides = array<i32>} : memref<272xf32, #tpu.memory_space<vmem>>, vector<16xf32>,
          %get3A_143 = arith.constant 160 : index
          %get3A_144 = tpu.vector_load %arg6[%get3A_143] {strides = array<i32>} : memref<272xf32, #tpu.memory_space<vmem>>, vector<16xf32>,
          %get3A_145 = arith.index_cast %scan3A_47 : i32 to index
          %get3A_146 = arith.constant 160 : index
          %get3A_147 = tpu.vector_load %arg5[%get3A_145, %get3A_146] {strides = array<i32>} : memref<64x288xf32, #tpu.memory_space<vmem>>, vector<16xf32>,
          %add3A_148 = arith.addf %get3A_144, %get3A_147 : vector<16xf32>
          %swap3A_149 = arith.constant 160 : index
          %swap3A_150 = tpu.vector_load %arg6[%swap3A_149] {strides = array<i32>} : memref<272xf32, #tpu.memory_space<vmem>>, vector<16xf32>,
          tpu.vector_store %arg6[%swap3A_149], %add3A_148 {strides = array<i32>} : memref<272xf32, #tpu.memory_space<vmem>>, vector<16xf32>,
          %get3A_151 = arith.constant 176 : index
          %get3A_152 = tpu.vector_load %arg6[%get3A_151] {strides = array<i32>} : memref<272xf32, #tpu.memory_space<vmem>>, vector<16xf32>,
          %get3A_153 = arith.index_cast %scan3A_47 : i32 to index
          %get3A_154 = arith.constant 176 : index
          %get3A_155 = tpu.vector_load %arg5[%get3A_153, %get3A_154] {strides = array<i32>} : memref<64x288xf32, #tpu.memory_space<vmem>>, vector<16xf32>,
          %add3A_156 = arith.addf %get3A_152, %get3A_155 : vector<16xf32>
          %swap3A_157 = arith.constant 176 : index
          %swap3A_158 = tpu.vector_load %arg6[%swap3A_157] {strides = array<i32>} : memref<272xf32, #tpu.memory_space<vmem>>, vector<16xf32>,
          tpu.vector_store %arg6[%swap3A_157], %add3A_156 {strides = array<i32>} : memref<272xf32, #tpu.memory_space<vmem>>, vector<16xf32>,
          %get3A_159 = arith.constant 192 : index
          %get3A_160 = tpu.vector_load %arg6[%get3A_159] {strides = array<i32>} : memref<272xf32, #tpu.memory_space<vmem>>, vector<16xf32>,
          %get3A_161 = arith.index_cast %scan3A_47 : i32 to index
          %get3A_162 = arith.constant 192 : index
          %get3A_163 = tpu.vector_load %arg5[%get3A_161, %get3A_162] {strides = array<i32>} : memref<64x288xf32, #tpu.memory_space<vmem>>, vector<16xf32>,
          %add3A_164 = arith.addf %get3A_160, %get3A_163 : vector<16xf32>
          %swap3A_165 = arith.constant 192 : index
          %swap3A_166 = tpu.vector_load %arg6[%swap3A_165] {strides = array<i32>} : memref<272xf32, #tpu.memory_space<vmem>>, vector<16xf32>,
          tpu.vector_store %arg6[%swap3A_165], %add3A_164 {strides = array<i32>} : memref<272xf32, #tpu.memory_space<vmem>>, vector<16xf32>,
          %get3A_167 = arith.constant 208 : index
          %get3A_168 = tpu.vector_load %arg6[%get3A_167] {strides = array<i32>} : memref<272xf32, #tpu.memory_space<vmem>>, vector<16xf32>,
          %get3A_169 = arith.index_cast %scan3A_47 : i32 to index
          %get3A_170 = arith.constant 208 : index
          %get3A_171 = tpu.vector_load %arg5[%get3A_169, %get3A_170] {strides = array<i32>} : memref<64x288xf32, #tpu.memory_space<vmem>>, vector<16xf32>,
          %add3A_172 = arith.addf %get3A_168, %get3A_171 : vector<16xf32>
          %swap3A_173 = arith.constant 208 : index
          %swap3A_174 = tpu.vector_load %arg6[%swap3A_173] {strides = array<i32>} : memref<272xf32, #tpu.memory_space<vmem>>, vector<16xf32>,
          tpu.vector_store %arg6[%swap3A_173], %add3A_172 {strides = array<i32>} : memref<272xf32, #tpu.memory_space<vmem>>, vector<16xf32>,
          %get3A_175 = arith.constant 224 : index
          %get3A_176 = tpu.vector_load %arg6[%get3A_175] {strides = array<i32>} : memref<272xf32, #tpu.memory_space<vmem>>, vector<16xf32>,
          %get3A_177 = arith.index_cast %scan3A_47 : i32 to index
          %get3A_178 = arith.constant 224 : index
          %get3A_179 = tpu.vector_load %arg5[%get3A_177, %get3A_178] {strides = array<i32>} : memref<64x288xf32, #tpu.memory_space<vmem>>, vector<16xf32>,
          %add3A_180 = arith.addf %get3A_176, %get3A_179 : vector<16xf32>
          %swap3A_181 = arith.constant 224 : index
          %swap3A_182 = tpu.vector_load %arg6[%swap3A_181] {strides = array<i32>} : memref<272xf32, #tpu.memory_space<vmem>>, vector<16xf32>,
          tpu.vector_store %arg6[%swap3A_181], %add3A_180 {strides = array<i32>} : memref<272xf32, #tpu.memory_space<vmem>>, vector<16xf32>,
          %get3A_183 = arith.constant 240 : index
          %get3A_184 = tpu.vector_load %arg6[%get3A_183] {strides = array<i32>} : memref<272xf32, #tpu.memory_space<vmem>>, vector<16xf32>,
          %get3A_185 = arith.index_cast %scan3A_47 : i32 to index
          %get3A_186 = arith.constant 240 : index
          %get3A_187 = tpu.vector_load %arg5[%get3A_185, %get3A_186] {strides = array<i32>} : memref<64x288xf32, #tpu.memory_space<vmem>>, vector<16xf32>,
          %add3A_188 = arith.addf %get3A_184, %get3A_187 : vector<16xf32>
          %swap3A_189 = arith.constant 240 : index
          %swap3A_190 = tpu.vector_load %arg6[%swap3A_189] {strides = array<i32>} : memref<272xf32, #tpu.memory_space<vmem>>, vector<16xf32>,
          tpu.vector_store %arg6[%swap3A_189], %add3A_188 {strides = array<i32>} : memref<272xf32, #tpu.memory_space<vmem>>, vector<16xf32>,
          %get3A_191 = arith.constant 256 : index
          %get3A_192 = tpu.vector_load %arg6[%get3A_191] {strides = array<i32>} : memref<272xf32, #tpu.memory_space<vmem>>, vector<16xf32>,
          %get3A_193 = arith.index_cast %scan3A_47 : i32 to index
          %get3A_194 = arith.constant 256 : index
          %get3A_195 = tpu.vector_load %arg5[%get3A_193, %get3A_194] {strides = array<i32>} : memref<64x288xf32, #tpu.memory_space<vmem>>, vector<16xf32>,
          %add3A_196 = arith.addf %get3A_192, %get3A_195 : vector<16xf32>
          %swap3A_197 = arith.constant 256 : index
          %swap3A_198 = tpu.vector_load %arg6[%swap3A_197] {strides = array<i32>} : memref<272xf32, #tpu.memory_space<vmem>>, vector<16xf32>,
          tpu.vector_store %arg6[%swap3A_197], %add3A_196 {strides = array<i32>} : memref<272xf32, #tpu.memory_space<vmem>>, vector<16xf32>,
        } else {
        }
        %select_n3A = arith.select %ge3A_53, %squeeze3A, %scan3A_48 : i32
        scf.yield %select_n3A : i32
      }
      %scan3A_42 = arith.constant 64 : i32
      %ge3A = arith.constant 0 : i32
      %ge3A_43 = arith.cmpi sge, %scan3A_41, %ge3A : i32
      %convert_element_type3A_44 = arith.extui %ge3A_43 : i1 to i32
      %cond3A_45 = arith.constant 0 : i32
      %cond3A_46 = arith.cmpi ne, %convert_element_type3A_44, %cond3A_45 : i32
      scf.if %cond3A_46 {
        %get3A = arith.constant 256 : index
        %get3A_47 = tpu.vector_load %arg6[%get3A] {strides = array<i32>} : memref<272xf32, #tpu.memory_space<vmem>>, vector<16xf32>,
        %div3A = arith.constant 1.000000e+00 : f32
        %div3A_48 = vector.broadcast %div3A : f32 to vector<16xf32>
        %div3A_49 = arith.divf %div3A_48, %get3A_47 : vector<16xf32>
        %get3A_50 = arith.constant 0 : index
        %get3A_51 = tpu.vector_load %arg6[%get3A_50] {strides = array<i32>} : memref<272xf32, #tpu.memory_space<vmem>>, vector<16xf32>,
        %mul3A_52 = arith.mulf %get3A_51, %div3A_49 : vector<16xf32>
        %swap3A_53 = arith.constant 0 : index
        %swap3A_54 = tpu.vector_load %arg7[%swap3A_53] {strides = array<i32>} : memref<256xf32, #tpu.memory_space<vmem>>, vector<16xf32>,
        tpu.vector_store %arg7[%swap3A_53], %mul3A_52 {strides = array<i32>} : memref<256xf32, #tpu.memory_space<vmem>>, vector<16xf32>,
        %get3A_55 = arith.constant 16 : index
        %get3A_56 = tpu.vector_load %arg6[%get3A_55] {strides = array<i32>} : memref<272xf32, #tpu.memory_space<vmem>>, vector<16xf32>,
        %mul3A_57 = arith.mulf %get3A_56, %div3A_49 : vector<16xf32>
        %swap3A_58 = arith.constant 16 : index
        %swap3A_59 = tpu.vector_load %arg7[%swap3A_58] {strides = array<i32>} : memref<256xf32, #tpu.memory_space<vmem>>, vector<16xf32>,
        tpu.vector_store %arg7[%swap3A_58], %mul3A_57 {strides = array<i32>} : memref<256xf32, #tpu.memory_space<vmem>>, vector<16xf32>,
        %get3A_60 = arith.constant 32 : index
        %get3A_61 = tpu.vector_load %arg6[%get3A_60] {strides = array<i32>} : memref<272xf32, #tpu.memory_space<vmem>>, vector<16xf32>,
        %mul3A_62 = arith.mulf %get3A_61, %div3A_49 : vector<16xf32>
        %swap3A_63 = arith.constant 32 : index
        %swap3A_64 = tpu.vector_load %arg7[%swap3A_63] {strides = array<i32>} : memref<256xf32, #tpu.memory_space<vmem>>, vector<16xf32>,
        tpu.vector_store %arg7[%swap3A_63], %mul3A_62 {strides = array<i32>} : memref<256xf32, #tpu.memory_space<vmem>>, vector<16xf32>,
        %get3A_65 = arith.constant 48 : index
        %get3A_66 = tpu.vector_load %arg6[%get3A_65] {strides = array<i32>} : memref<272xf32, #tpu.memory_space<vmem>>, vector<16xf32>,
        %mul3A_67 = arith.mulf %get3A_66, %div3A_49 : vector<16xf32>
        %swap3A_68 = arith.constant 48 : index
        %swap3A_69 = tpu.vector_load %arg7[%swap3A_68] {strides = array<i32>} : memref<256xf32, #tpu.memory_space<vmem>>, vector<16xf32>,
        tpu.vector_store %arg7[%swap3A_68], %mul3A_67 {strides = array<i32>} : memref<256xf32, #tpu.memory_space<vmem>>, vector<16xf32>,
        %get3A_70 = arith.constant 64 : index
        %get3A_71 = tpu.vector_load %arg6[%get3A_70] {strides = array<i32>} : memref<272xf32, #tpu.memory_space<vmem>>, vector<16xf32>,
        %mul3A_72 = arith.mulf %get3A_71, %div3A_49 : vector<16xf32>
        %swap3A_73 = arith.constant 64 : index
        %swap3A_74 = tpu.vector_load %arg7[%swap3A_73] {strides = array<i32>} : memref<256xf32, #tpu.memory_space<vmem>>, vector<16xf32>,
        tpu.vector_store %arg7[%swap3A_73], %mul3A_72 {strides = array<i32>} : memref<256xf32, #tpu.memory_space<vmem>>, vector<16xf32>,
        %get3A_75 = arith.constant 80 : index
        %get3A_76 = tpu.vector_load %arg6[%get3A_75] {strides = array<i32>} : memref<272xf32, #tpu.memory_space<vmem>>, vector<16xf32>,
        %mul3A_77 = arith.mulf %get3A_76, %div3A_49 : vector<16xf32>
        %swap3A_78 = arith.constant 80 : index
        %swap3A_79 = tpu.vector_load %arg7[%swap3A_78] {strides = array<i32>} : memref<256xf32, #tpu.memory_space<vmem>>, vector<16xf32>,
        tpu.vector_store %arg7[%swap3A_78], %mul3A_77 {strides = array<i32>} : memref<256xf32, #tpu.memory_space<vmem>>, vector<16xf32>,
        %get3A_80 = arith.constant 96 : index
        %get3A_81 = tpu.vector_load %arg6[%get3A_80] {strides = array<i32>} : memref<272xf32, #tpu.memory_space<vmem>>, vector<16xf32>,
        %mul3A_82 = arith.mulf %get3A_81, %div3A_49 : vector<16xf32>
        %swap3A_83 = arith.constant 96 : index
        %swap3A_84 = tpu.vector_load %arg7[%swap3A_83] {strides = array<i32>} : memref<256xf32, #tpu.memory_space<vmem>>, vector<16xf32>,
        tpu.vector_store %arg7[%swap3A_83], %mul3A_82 {strides = array<i32>} : memref<256xf32, #tpu.memory_space<vmem>>, vector<16xf32>,
        %get3A_85 = arith.constant 112 : index
        %get3A_86 = tpu.vector_load %arg6[%get3A_85] {strides = array<i32>} : memref<272xf32, #tpu.memory_space<vmem>>, vector<16xf32>,
        %mul3A_87 = arith.mulf %get3A_86, %div3A_49 : vector<16xf32>
        %swap3A_88 = arith.constant 112 : index
        %swap3A_89 = tpu.vector_load %arg7[%swap3A_88] {strides = array<i32>} : memref<256xf32, #tpu.memory_space<vmem>>, vector<16xf32>,
        tpu.vector_store %arg7[%swap3A_88], %mul3A_87 {strides = array<i32>} : memref<256xf32, #tpu.memory_space<vmem>>, vector<16xf32>,
        %get3A_90 = arith.constant 128 : index
        %get3A_91 = tpu.vector_load %arg6[%get3A_90] {strides = array<i32>} : memref<272xf32, #tpu.memory_space<vmem>>, vector<16xf32>,
        %mul3A_92 = arith.mulf %get3A_91, %div3A_49 : vector<16xf32>
        %swap3A_93 = arith.constant 128 : index
        %swap3A_94 = tpu.vector_load %arg7[%swap3A_93] {strides = array<i32>} : memref<256xf32, #tpu.memory_space<vmem>>, vector<16xf32>,
        tpu.vector_store %arg7[%swap3A_93], %mul3A_92 {strides = array<i32>} : memref<256xf32, #tpu.memory_space<vmem>>, vector<16xf32>,
        %get3A_95 = arith.constant 144 : index
        %get3A_96 = tpu.vector_load %arg6[%get3A_95] {strides = array<i32>} : memref<272xf32, #tpu.memory_space<vmem>>, vector<16xf32>,
        %mul3A_97 = arith.mulf %get3A_96, %div3A_49 : vector<16xf32>
        %swap3A_98 = arith.constant 144 : index
        %swap3A_99 = tpu.vector_load %arg7[%swap3A_98] {strides = array<i32>} : memref<256xf32, #tpu.memory_space<vmem>>, vector<16xf32>,
        tpu.vector_store %arg7[%swap3A_98], %mul3A_97 {strides = array<i32>} : memref<256xf32, #tpu.memory_space<vmem>>, vector<16xf32>,
        %get3A_100 = arith.constant 160 : index
        %get3A_101 = tpu.vector_load %arg6[%get3A_100] {strides = array<i32>} : memref<272xf32, #tpu.memory_space<vmem>>, vector<16xf32>,
        %mul3A_102 = arith.mulf %get3A_101, %div3A_49 : vector<16xf32>
        %swap3A_103 = arith.constant 160 : index
        %swap3A_104 = tpu.vector_load %arg7[%swap3A_103] {strides = array<i32>} : memref<256xf32, #tpu.memory_space<vmem>>, vector<16xf32>,
        tpu.vector_store %arg7[%swap3A_103], %mul3A_102 {strides = array<i32>} : memref<256xf32, #tpu.memory_space<vmem>>, vector<16xf32>,
        %get3A_105 = arith.constant 176 : index
        %get3A_106 = tpu.vector_load %arg6[%get3A_105] {strides = array<i32>} : memref<272xf32, #tpu.memory_space<vmem>>, vector<16xf32>,
        %mul3A_107 = arith.mulf %get3A_106, %div3A_49 : vector<16xf32>
        %swap3A_108 = arith.constant 176 : index
        %swap3A_109 = tpu.vector_load %arg7[%swap3A_108] {strides = array<i32>} : memref<256xf32, #tpu.memory_space<vmem>>, vector<16xf32>,
        tpu.vector_store %arg7[%swap3A_108], %mul3A_107 {strides = array<i32>} : memref<256xf32, #tpu.memory_space<vmem>>, vector<16xf32>,
        %get3A_110 = arith.constant 192 : index
        %get3A_111 = tpu.vector_load %arg6[%get3A_110] {strides = array<i32>} : memref<272xf32, #tpu.memory_space<vmem>>, vector<16xf32>,
        %mul3A_112 = arith.mulf %get3A_111, %div3A_49 : vector<16xf32>
        %swap3A_113 = arith.constant 192 : index
        %swap3A_114 = tpu.vector_load %arg7[%swap3A_113] {strides = array<i32>} : memref<256xf32, #tpu.memory_space<vmem>>, vector<16xf32>,
        tpu.vector_store %arg7[%swap3A_113], %mul3A_112 {strides = array<i32>} : memref<256xf32, #tpu.memory_space<vmem>>, vector<16xf32>,
        %get3A_115 = arith.constant 208 : index
        %get3A_116 = tpu.vector_load %arg6[%get3A_115] {strides = array<i32>} : memref<272xf32, #tpu.memory_space<vmem>>, vector<16xf32>,
        %mul3A_117 = arith.mulf %get3A_116, %div3A_49 : vector<16xf32>
        %swap3A_118 = arith.constant 208 : index
        %swap3A_119 = tpu.vector_load %arg7[%swap3A_118] {strides = array<i32>} : memref<256xf32, #tpu.memory_space<vmem>>, vector<16xf32>,
        tpu.vector_store %arg7[%swap3A_118], %mul3A_117 {strides = array<i32>} : memref<256xf32, #tpu.memory_space<vmem>>, vector<16xf32>,
        %get3A_120 = arith.constant 224 : index
        %get3A_121 = tpu.vector_load %arg6[%get3A_120] {strides = array<i32>} : memref<272xf32, #tpu.memory_space<vmem>>, vector<16xf32>,
        %mul3A_122 = arith.mulf %get3A_121, %div3A_49 : vector<16xf32>
        %swap3A_123 = arith.constant 224 : index
        %swap3A_124 = tpu.vector_load %arg7[%swap3A_123] {strides = array<i32>} : memref<256xf32, #tpu.memory_space<vmem>>, vector<16xf32>,
        tpu.vector_store %arg7[%swap3A_123], %mul3A_122 {strides = array<i32>} : memref<256xf32, #tpu.memory_space<vmem>>, vector<16xf32>,
        %get3A_125 = arith.constant 240 : index
        %get3A_126 = tpu.vector_load %arg6[%get3A_125] {strides = array<i32>} : memref<272xf32, #tpu.memory_space<vmem>>, vector<16xf32>,
        %mul3A_127 = arith.mulf %get3A_126, %div3A_49 : vector<16xf32>
        %swap3A_128 = arith.constant 240 : index
        %swap3A_129 = tpu.vector_load %arg7[%swap3A_128] {strides = array<i32>} : memref<256xf32, #tpu.memory_space<vmem>>, vector<16xf32>,
        tpu.vector_store %arg7[%swap3A_128], %mul3A_127 {strides = array<i32>} : memref<256xf32, #tpu.memory_space<vmem>>, vector<16xf32>,
        "tpu.region"() ({
          %run_scoped3A = tpu.sem_alloc : memref<!tpu.dma_semaphore, #tpu.memory_space<semaphore_mem>>
          %dma_start3A = arith.constant 0 : i32
          %dma_start3A_164 = tpu.memref_slice %arg3[%scan3A_41, %dma_start3A] : memref<10000x256xf32, #tpu.memory_space<hbm>> -> memref<1x256xf32, #tpu.memory_space<hbm>>
          %dma_start3A_165 = tpu.memref_squeeze %dma_start3A_164 : memref<1x256xf32, #tpu.memory_space<hbm>> -> memref<256xf32, #tpu.memory_space<hbm>>
          %dma_start3A_166 = arith.constant 0 : i32
          %dma_start3A_167 = tpu.memref_slice %arg3[%scan3A_41, %dma_start3A_166] : memref<10000x256xf32, #tpu.memory_space<hbm>> -> memref<1x256xf32, #tpu.memory_space<hbm>>
          %dma_start3A_168 = tpu.memref_squeeze %dma_start3A_167 : memref<1x256xf32, #tpu.memory_space<hbm>> -> memref<256xf32, #tpu.memory_space<hbm>>
          tpu.enqueue_dma source(%arg7 : memref<256xf32, #tpu.memory_space<vmem>>) target(%dma_start3A_168 : memref<256xf32, #tpu.memory_space<hbm>>) target_semaphore(%run_scoped3A : memref<!tpu.dma_semaphore, #tpu.memory_space<semaphore_mem>>)
          %dma_wait3A = arith.constant 0 : i32
          %dma_wait3A_169 = tpu.memref_slice %arg3[%scan3A_41, %dma_wait3A] : memref<10000x256xf32, #tpu.memory_space<hbm>> -> memref<1x256xf32, #tpu.memory_space<hbm>>
          %dma_wait3A_170 = tpu.memref_squeeze %dma_wait3A_169 : memref<1x256xf32, #tpu.memory_space<hbm>> -> memref<256xf32, #tpu.memory_space<hbm>>
          %dma_wait3A_171 = arith.constant 0 : i32
          %dma_wait3A_172 = tpu.memref_slice %arg3[%scan3A_41, %dma_wait3A_171] : memref<10000x256xf32, #tpu.memory_space<hbm>> -> memref<1x256xf32, #tpu.memory_space<hbm>>
          %dma_wait3A_173 = tpu.memref_squeeze %dma_wait3A_172 : memref<1x256xf32, #tpu.memory_space<hbm>> -> memref<256xf32, #tpu.memory_space<hbm>>
          tpu.wait_dma2 semaphore(%run_scoped3A : memref<!tpu.dma_semaphore, #tpu.memory_space<semaphore_mem>>) src(%arg7 : memref<256xf32, #tpu.memory_space<vmem>>) dst(%dma_wait3A_173 : memref<256xf32, #tpu.memory_space<hbm>>)
          tpu.yield
        }) : () -> ()
        %swap3A_130 = arith.constant 0 : index
        %swap3A_131 = tpu.vector_load %arg6[%swap3A_130] {strides = array<i32>} : memref<272xf32, #tpu.memory_space<vmem>>, vector<16xf32>,
        tpu.vector_store %arg6[%swap3A_130], %broadcast_in_dim3A_3 {strides = array<i32>} : memref<272xf32, #tpu.memory_space<vmem>>, vector<16xf32>,
        %swap3A_132 = arith.constant 16 : index
        %swap3A_133 = tpu.vector_load %arg6[%swap3A_132] {strides = array<i32>} : memref<272xf32, #tpu.memory_space<vmem>>, vector<16xf32>,
        tpu.vector_store %arg6[%swap3A_132], %broadcast_in_dim3A_3 {strides = array<i32>} : memref<272xf32, #tpu.memory_space<vmem>>, vector<16xf32>,
        %swap3A_134 = arith.constant 32 : index
        %swap3A_135 = tpu.vector_load %arg6[%swap3A_134] {strides = array<i32>} : memref<272xf32, #tpu.memory_space<vmem>>, vector<16xf32>,
        tpu.vector_store %arg6[%swap3A_134], %broadcast_in_dim3A_3 {strides = array<i32>} : memref<272xf32, #tpu.memory_space<vmem>>, vector<16xf32>,
        %swap3A_136 = arith.constant 48 : index
        %swap3A_137 = tpu.vector_load %arg6[%swap3A_136] {strides = array<i32>} : memref<272xf32, #tpu.memory_space<vmem>>, vector<16xf32>,
        tpu.vector_store %arg6[%swap3A_136], %broadcast_in_dim3A_3 {strides = array<i32>} : memref<272xf32, #tpu.memory_space<vmem>>, vector<16xf32>,
        %swap3A_138 = arith.constant 64 : index
        %swap3A_139 = tpu.vector_load %arg6[%swap3A_138] {strides = array<i32>} : memref<272xf32, #tpu.memory_space<vmem>>, vector<16xf32>,
        tpu.vector_store %arg6[%swap3A_138], %broadcast_in_dim3A_3 {strides = array<i32>} : memref<272xf32, #tpu.memory_space<vmem>>, vector<16xf32>,
        %swap3A_140 = arith.constant 80 : index
        %swap3A_141 = tpu.vector_load %arg6[%swap3A_140] {strides = array<i32>} : memref<272xf32, #tpu.memory_space<vmem>>, vector<16xf32>,
        tpu.vector_store %arg6[%swap3A_140], %broadcast_in_dim3A_3 {strides = array<i32>} : memref<272xf32, #tpu.memory_space<vmem>>, vector<16xf32>,
        %swap3A_142 = arith.constant 96 : index
        %swap3A_143 = tpu.vector_load %arg6[%swap3A_142] {strides = array<i32>} : memref<272xf32, #tpu.memory_space<vmem>>, vector<16xf32>,
        tpu.vector_store %arg6[%swap3A_142], %broadcast_in_dim3A_3 {strides = array<i32>} : memref<272xf32, #tpu.memory_space<vmem>>, vector<16xf32>,
        %swap3A_144 = arith.constant 112 : index
        %swap3A_145 = tpu.vector_load %arg6[%swap3A_144] {strides = array<i32>} : memref<272xf32, #tpu.memory_space<vmem>>, vector<16xf32>,
        tpu.vector_store %arg6[%swap3A_144], %broadcast_in_dim3A_3 {strides = array<i32>} : memref<272xf32, #tpu.memory_space<vmem>>, vector<16xf32>,
        %swap3A_146 = arith.constant 128 : index
        %swap3A_147 = tpu.vector_load %arg6[%swap3A_146] {strides = array<i32>} : memref<272xf32, #tpu.memory_space<vmem>>, vector<16xf32>,
        tpu.vector_store %arg6[%swap3A_146], %broadcast_in_dim3A_3 {strides = array<i32>} : memref<272xf32, #tpu.memory_space<vmem>>, vector<16xf32>,
        %swap3A_148 = arith.constant 144 : index
        %swap3A_149 = tpu.vector_load %arg6[%swap3A_148] {strides = array<i32>} : memref<272xf32, #tpu.memory_space<vmem>>, vector<16xf32>,
        tpu.vector_store %arg6[%swap3A_148], %broadcast_in_dim3A_3 {strides = array<i32>} : memref<272xf32, #tpu.memory_space<vmem>>, vector<16xf32>,
        %swap3A_150 = arith.constant 160 : index
        %swap3A_151 = tpu.vector_load %arg6[%swap3A_150] {strides = array<i32>} : memref<272xf32, #tpu.memory_space<vmem>>, vector<16xf32>,
        tpu.vector_store %arg6[%swap3A_150], %broadcast_in_dim3A_3 {strides = array<i32>} : memref<272xf32, #tpu.memory_space<vmem>>, vector<16xf32>,
        %swap3A_152 = arith.constant 176 : index
        %swap3A_153 = tpu.vector_load %arg6[%swap3A_152] {strides = array<i32>} : memref<272xf32, #tpu.memory_space<vmem>>, vector<16xf32>,
        tpu.vector_store %arg6[%swap3A_152], %broadcast_in_dim3A_3 {strides = array<i32>} : memref<272xf32, #tpu.memory_space<vmem>>, vector<16xf32>,
        %swap3A_154 = arith.constant 192 : index
        %swap3A_155 = tpu.vector_load %arg6[%swap3A_154] {strides = array<i32>} : memref<272xf32, #tpu.memory_space<vmem>>, vector<16xf32>,
        tpu.vector_store %arg6[%swap3A_154], %broadcast_in_dim3A_3 {strides = array<i32>} : memref<272xf32, #tpu.memory_space<vmem>>, vector<16xf32>,
        %swap3A_156 = arith.constant 208 : index
        %swap3A_157 = tpu.vector_load %arg6[%swap3A_156] {strides = array<i32>} : memref<272xf32, #tpu.memory_space<vmem>>, vector<16xf32>,
        tpu.vector_store %arg6[%swap3A_156], %broadcast_in_dim3A_3 {strides = array<i32>} : memref<272xf32, #tpu.memory_space<vmem>>, vector<16xf32>,
        %swap3A_158 = arith.constant 224 : index
        %swap3A_159 = tpu.vector_load %arg6[%swap3A_158] {strides = array<i32>} : memref<272xf32, #tpu.memory_space<vmem>>, vector<16xf32>,
        tpu.vector_store %arg6[%swap3A_158], %broadcast_in_dim3A_3 {strides = array<i32>} : memref<272xf32, #tpu.memory_space<vmem>>, vector<16xf32>,
        %swap3A_160 = arith.constant 240 : index
        %swap3A_161 = tpu.vector_load %arg6[%swap3A_160] {strides = array<i32>} : memref<272xf32, #tpu.memory_space<vmem>>, vector<16xf32>,
        tpu.vector_store %arg6[%swap3A_160], %broadcast_in_dim3A_3 {strides = array<i32>} : memref<272xf32, #tpu.memory_space<vmem>>, vector<16xf32>,
        %swap3A_162 = arith.constant 256 : index
        %swap3A_163 = tpu.vector_load %arg6[%swap3A_162] {strides = array<i32>} : memref<272xf32, #tpu.memory_space<vmem>>, vector<16xf32>,
        tpu.vector_store %arg6[%swap3A_162], %broadcast_in_dim3A_3 {strides = array<i32>} : memref<272xf32, #tpu.memory_space<vmem>>, vector<16xf32>,
      } else {
      }
    } else {
    }
    return
  }
}

module attributes {stable_mosaic.version = 14 : i64} {
  func.func @_tc_attn_body(%arg0: i32, %arg1: memref<6400x256xf32, #tpu.memory_space<vmem>>, %arg2: memref<256x8xf32, #tpu.memory_space<vmem>>, %arg3: memref<8xf32, #tpu.memory_space<vmem>>, %arg4: memref<6400x8xf32, #tpu.memory_space<vmem>>) attributes {dimension_semantics = [#tpu.dimension_semantics<arbitrary>], iteration_bounds = array<i64: 25>, scalar_prefetch = 0 : i64, scratch_operands = 0 : i64, tpu.core_type = #tpu.core_type<tc>, window_params = [{transform_indices = @transform_0, window_bounds = array<i64: 6400, 256>}, {pipeline_mode = #tpu.pipeline_mode<synchronous>, transform_indices = @transform_1, window_bounds = array<i64: 256, 8>}, {pipeline_mode = #tpu.pipeline_mode<synchronous>, transform_indices = @transform_2, window_bounds = array<i64: 8>}, {transform_indices = @transform_3, window_bounds = array<i64: 6400, 8>}]} {
    %get3A = arith.constant 0 : index
    %get3A_0 = arith.constant 0 : index
    %get3A_1 = vector.load %arg1[%get3A, %get3A_0] : memref<6400x256xf32, #tpu.memory_space<vmem>>, vector<6400x256xf32>
    %get3A_2 = arith.constant 0 : index
    %get3A_3 = arith.constant 0 : index
    %get3A_4 = vector.load %arg2[%get3A_2, %get3A_3] : memref<256x8xf32, #tpu.memory_space<vmem>>, vector<256x8xf32>
    %dot_general3A = arith.constant dense<0.000000e+00> : vector<6400x8xf32>
    %dot_general3A_5 = tpu.matmul %get3A_1, %get3A_4, %dot_general3A {dimension_numbers = #tpu.dot_dimension_numbers<[1], [0], [0], [1], [0, 0, 1, 1], [], []>, transpose_lhs_hint = false} : vector<6400x256xf32>, vector<256x8xf32>, vector<6400x8xf32> -> vector<6400x8xf32>
    %get3A_6 = arith.constant 0 : index
    %get3A_7 = vector.load %arg3[%get3A_6] : memref<8xf32, #tpu.memory_space<vmem>>, vector<8xf32>
    %broadcast_in_dim3A = vector.shape_cast %get3A_7 : vector<8xf32> to vector<1x8xf32>
    %add3A = vector.broadcast %broadcast_in_dim3A : vector<1x8xf32> to vector<6400x8xf32>
    %add3A_8 = arith.addf %dot_general3A_5, %add3A : vector<6400x8xf32>
    %exp3A = math.exp %add3A_8 : vector<6400x8xf32>
    %swap3A = arith.constant 0 : index
    %swap3A_9 = arith.constant 0 : index
    %swap3A_10 = vector.load %arg4[%swap3A, %swap3A_9] : memref<6400x8xf32, #tpu.memory_space<vmem>>, vector<6400x8xf32>
    tpu.vector_store %arg4[%swap3A, %swap3A_9], %exp3A {strides = array<i32>} : memref<6400x8xf32, #tpu.memory_space<vmem>>, vector<6400x8xf32>,
    return
  }
  func.func @transform_0(%arg0: i32) -> (i32, i32) {
    %c0_i32 = arith.constant 0 : i32
    %c0_i32_0 = arith.constant 0 : i32
    return %arg0, %c0_i32 : i32, i32
  }
  func.func @transform_1(%arg0: i32) -> (i32, i32) {
    %c0_i32 = arith.constant 0 : i32
    %c0_i32_0 = arith.constant 0 : i32
    %c0_i32_1 = arith.constant 0 : i32
    return %c0_i32, %c0_i32_0 : i32, i32
  }
  func.func @transform_2(%arg0: i32) -> i32 {
    %c0_i32 = arith.constant 0 : i32
    %c0_i32_0 = arith.constant 0 : i32
    return %c0_i32 : i32
  }
  func.func @transform_3(%arg0: i32) -> (i32, i32) {
    %c0_i32 = arith.constant 0 : i32
    %c0_i32_0 = arith.constant 0 : i32
    return %arg0, %c0_i32 : i32, i32
  }
}

</mosaic_0001>

<sc_bundles>
// kernel: _run.5.cloned.1.call-start
scs
__scs_entry_jumppad:
0x0: {  	(pc) =	sbr.rel $0x88, $3  }
0x1: {  	(tag) =	ssettag $0x0;
	lr =	simm.s32 $0x1  }
0x2: {  	[smem:$0x3F9D] =	sst lr;
	_ =	strace $0xD0000000  }
0x3: {  	_ = 	snop  }
0x4: {  	_ = 	snop  }
0x5: {  	_ = 	snop  }
0x6: {  	_ = 	snop  }
0x7: {  	_ = 	snop  }
__scs_overlays_trampoline_lowered:
0x8: {  	[smem:$0x3FAC] =	sst s0  }
0x9: {  	[smem:$0x3FAD] =	sst s1  }
0xa: {  	[smem:$0x3FAE] =	sst s2  }
0xb: {  	[smem:$0x3FAF] =	sst s3  }
0xc: {  	[smem:$0x3FB0] =	sst s4  }
0xd: {  	[smem:$0x3FB1] =	sst s5  }
0xe: {  	[smem:$0x3FB2] =	sst s6  }
0xf: {  	[smem:$0x3FB3] =	sst s7  }
0x10: {  	[smem:$0x3FB4] =	sst s8  }
0x11: {  	[smem:$0x3FB5] =	sst s9;
	s0 =	simm.s32 @!p0 $0x0  }
0x12: {  	s1 =	sld [smem:$0x3F9B];
	s0 =	simm.s32 @p0 $0x1  }
0x13: {  	[smem:$0x3FB6] =	sst s0;
	s0 =	simm.s32 @!p1 $0x0  }
0x14: {  	s2 =	sld [smem:$0x3F9A];
	s0 =	simm.s32 @p1 $0x1  }
0x15: {  	[smem:$0x3FB7] =	sst s0;
	s0 =	simm.s32 @!p2 $0x0  }
0x16: {  	s3 =	sld [smem:$0x3FDB];
	s0 =	simm.s32 @p2 $0x1  }
0x17: {  	s4 =	simm.s32 $0x1BF5;
	[smem:$0x3FB9] =	sst s0  }
0x18: {  	s0 =	sld [smem:$0x3F9C];
	_ =	swait.ge [sflag:s4], $0x0  }
0x19: {  	s7 =	sld [smem:$0x3F9D]  }
0x1a: {  	s8 =	sadd.s32 $0xFFFFE003, lr  }
0x1b: {  	s9 =	sadd.s32 $0xFFFFFEF7, lr;
	s5 =	simm.s32 $0xFFFFFFFF;
	p2 =	slt.u32 s8, $0xFFFFF086  }
0x1c: {  	p1 =	slt.u32 s9, $0xF7A;
	s5 =	simm.s32 @!p2 $0x0  }
0x1d: {  	s5 =	simm.s32 @p1 $0x1;
	p0 =	seq.s32 s7, s2  }
0x1e: {  	s7 =	smul.u32 @!p0 $0xF7A, s2;
	p2 =	seq.s32 @!p0 s5, $0x0  }
0x1f: {  	s9 =	smul.u32 $0xF7A, s1;
	s8 =	simm.s32 @!p0 $0x1BF5;
	p2 =	por !p2, p0  }
0x20: {  	[sflag:s8] =	ssyncset.s32 @!p0 $0xFFFFF086;
	s6 =	sadd.s32 @!p0 s3, s7;
	s7 =	simm.s32 @!p0 $0x108  }
0x21: {  	s3 =	sadd.s32 s3, s9;
	s6 =	sadd.s32 @!p0 $0x88, s6;
	s7 =	simm.s32 @p2 $0x1082  }
0x22: {  	[simem:s7], [sflag:s8] =	dma.local @!p0 [hbm:s6], $0xF7A  }
0x23: {  	s9 =	sor.u32 $0xD0000000, s2;
	s6 =	simm.s32 $0x108;
	_ =	swait.ge @!p0 [sflag:s8], $0x0  }
0x24: {  	s3 =	sadd.s32 $0x88, s3;
	s6 =	simm.s32 @!p1 $0x1082;
	[sflag:s4] =	ssyncset.s32 $0xFFFFF086  }
0x25: {  	[simem:s6], [sflag:s4] =	dma.local [hbm:s3], $0xF7A  }
0x26: {  	[smem:$0x3F9D] =	sst s1;
	(tag) =	ssettag s2;
	_ =	strace s9  }
0x27: {  	s1 =	sld [smem:$0x3FAD]  }
0x28: {  	s2 =	sld [smem:$0x3FAE]  }
0x29: {  	s4 =	sld [smem:$0x3FB0]  }
0x2a: {  	p0 =	seq.s32 s5, $0x0;
	s5 =	sld [smem:$0x3FB1]  }
0x2b: {  	s6 =	sld [smem:$0x3FB2]  }
0x2c: {  	s7 =	sld [smem:$0x3FB3]  }
0x2d: {  	s3 =	simm.s32 $0x108;
	s8 =	sld [smem:$0x3FB4]  }
0x2e: {  	s3 =	simm.s32 @!p0 $0x1082;
	s9 =	sld [smem:$0x3FB5]  }
0x2f: {  	lr =	sadd.s32 s0, s3;
	s0 =	sld [smem:$0x3FAC]  }
0x30: {  	s3 =	sld [smem:$0x3FAF]  }
0x31: {  	[smem:$0x3FB8] =	sst s10  }
0x32: {  	s10 =	sld [smem:$0x3FB6];
	_ =	sdelay $0x3  }
0x33: {  	p0 =	seq.s32 s10, $0x1;
	s10 =	sld [smem:$0x3FB8];
	_ =	sdelay $0x3  }
0x34: {  	[smem:$0x3FB8] =	sst s10  }
0x35: {  	s10 =	sld [smem:$0x3FB7];
	_ =	sdelay $0x3  }
0x36: {  	p1 =	seq.s32 s10, $0x1;
	s10 =	sld [smem:$0x3FB8];
	_ =	sdelay $0x3  }
0x37: {  	[smem:$0x3FB8] =	sst s10  }
0x38: {  	s10 =	sld [smem:$0x3FB9]  }
0x39: {  	_ = 	snop;
	(pc) =	sbr.ind lr, $3  }
0x3a: {  	_ = 	snop  }
0x3b: {  	_ = 	snop  }
0x3c: {  	p2 =	seq.s32 s10, $0x1;
	s10 =	sld [smem:$0x3FB8]  }
0x3d: {  	_ =	shalt  }
0x3e: {  	_ =	shalt  }
0x3f: {  	_ =	shalt  }
0x40: {  	_ =	shalt  }
0x41: {  	_ =	shalt  }
0x42: {  	_ =	shalt  }
0x43: {  	_ =	shalt  }
0x44: {  	_ =	shalt  }
0x45: {  	_ =	shalt  }
0x46: {  	_ =	shalt  }
0x47: {  	_ =	shalt  }
0x48: {  	_ =	shalt  }
0x49: {  	_ =	shalt  }
0x4a: {  	_ =	shalt  }
0x4b: {  	_ =	shalt  }
0x4c: {  	_ =	shalt  }
0x4d: {  	_ =	shalt  }
0x4e: {  	_ =	shalt  }
0x4f: {  	_ =	shalt  }
0x50: {  	_ =	shalt  }
0x51: {  	_ =	shalt  }
0x52: {  	_ =	shalt  }
0x53: {  	_ =	shalt  }
0x54: {  	_ =	shalt  }
0x55: {  	_ =	shalt  }
0x56: {  	_ =	shalt  }
0x57: {  	_ =	shalt  }
0x58: {  	_ =	shalt  }
0x59: {  	_ =	shalt  }
0x5a: {  	_ =	shalt  }
0x5b: {  	_ =	shalt  }
0x5c: {  	_ =	shalt  }
0x5d: {  	_ =	shalt  }
0x5e: {  	_ =	shalt  }
0x5f: {  	_ =	shalt  }
0x60: {  	_ =	shalt  }
0x61: {  	_ =	shalt  }
0x62: {  	_ =	shalt  }
0x63: {  	_ =	shalt  }
0x64: {  	_ =	shalt  }
0x65: {  	_ =	shalt  }
0x66: {  	_ =	shalt  }
0x67: {  	_ =	shalt  }
0x68: {  	_ =	shalt  }
0x69: {  	_ =	shalt  }
0x6a: {  	_ =	shalt  }
0x6b: {  	_ =	shalt  }
0x6c: {  	_ =	shalt  }
0x6d: {  	_ =	shalt  }
0x6e: {  	_ =	shalt  }
0x6f: {  	_ =	shalt  }
0x70: {  	_ =	shalt  }
0x71: {  	_ =	shalt  }
0x72: {  	_ =	shalt  }
0x73: {  	_ =	shalt  }
0x74: {  	_ =	shalt  }
0x75: {  	_ =	shalt  }
0x76: {  	_ =	shalt  }
0x77: {  	_ =	shalt  }
0x78: {  	_ =	shalt  }
0x79: {  	_ =	shalt  }
0x7a: {  	_ =	shalt  }
0x7b: {  	_ =	shalt  }
0x7c: {  	_ =	shalt  }
0x7d: {  	_ =	shalt  }
0x7e: {  	_ =	shalt  }
0x7f: {  	_ =	shalt  }
0x80: {  	_ =	shalt  }
0x81: {  	_ =	shalt  }
0x82: {  	_ =	shalt  }
0x83: {  	_ =	shalt  }
0x84: {  	_ =	shalt  }
0x85: {  	_ =	shalt  }
0x86: {  	_ =	shalt  }
0x87: {  	_ =	shalt  }
.Lfunc_end0:
.L_simem_size_0:
called_computation_lowered:
.L_overlay_start_0:
0x88: {  	s2 =	sld [smem:$0x3FD9]  }
0x89: {  	s3 =	sld [smem:$0x3FFE];
	_ =	sdelay $0x1  }
0x8a: {  	s1 =	srdreg.scid  }
0x8b: {  	s0 =	sand.u32 $0x1, s1  }
0x8c: {  	s17 =	sshll.u32 s0, $0xA;
	s2 =	sadd.s32 s3, s2  }
0x8d: {  	s2 =	sadd.s32 s2, s17  }
0x8e: {  	[smem:$0x3FC4] =	sst s2  }
0x8f: {  	_ = 	snop  }
0x90: {  	s2 =	sld [smem:$0x3FC9]  }
0x91: {  	s18 =	sld [smem:$0x3FC8]  }
0x92: {  	s4 =	sld [smem:$0x3FD0];
	(tm) =	ssettm $0x1  }
0x93: {  	s5 =	sld [smem:$0x3FFB];
	_ =	sdelay $0x3  }
0x94: {  	_ =	strace s5  }
0x95: {  	s5 =	sld [smem:$0x3FFC];
	_ =	sdelay $0x3  }
0x96: {  	_ =	strace s5  }
0x97: {  	s5 =	sld [smem:$0x3FFD];
	_ =	sdelay $0x3  }
0x98: {  	_ =	strace s5  }
0x99: {  	_ =	strace $0x8FFFFFFF  }
0x9a: {  	s19 =	sld [smem:$0x3FDB];
	_ =	sdelay $0x1  }
0x9b: {  	s6 =	simm.s32 $_scs_section_size  }
0x9c: {  	s7 =	simm.s32 $_size__tile_overlayer_lowered;
	s8 =	simm.s32 $_tile_overlayer_lowered  }
0x9d: {  	s22 =	simm.s32 $0x1BFF;
	s21 =	sshll.u32 s8, $0x1;
	s5 =	sadd.s32 s6, s19  }
0x9e: {  	s9 =	simm.s32 $0x0;
	s20 =	sshll.u32 s7, $0x1;
	s7 =	sadd.s32 s21, s5  }
0x9f: {  	[timem:s9], [sflag:s22] =	dma.local [hbm:s7], s20  }
0xa0: {  	_ =	swait.ge [sflag:s22], s20  }
0xa1: {  	s6 =	ssub.s32 $0x0, s20;
	[sflag:s22] =	ssyncset.done $0x0  }
0xa2: {  	[sflag:s22] =	ssyncadd.s32 s6;
	_ =	sdelay $0x1  }
0xa3: {  	s23 =	simm.s32 $0x1B8B  }
0xa4: {  	_ =	swait.ge [sflag:s23], $0x1  }
0xa5: {  	[sflag:s23] =	ssyncset.done $0x0  }
0xa6: {  	s25 =	simm.s32 $0x1B8E;
	s24 =	sld [smem:$0x3FFE];
	[sflag:s23] =	ssyncadd.s32 $0xFFFFFFFF  }
0xa7: {  	s26 =	simm.s32 $execute0_lowered;
	[smem:$0x3FD2] =	sst s25  }
0xa8: {  	s7 =	sshll.u32 s26, $0x1;
	_ =	strace $0x80000046;
	[dreg:$0x1] =	wrdreg $0xFFFFFFFF  }
0xa9: {  	s28 =	simm.s32 $_size_execute0_lowered;
	s5 =	sadd.s32 s5, s7;
	[dreg:$0x0] =	wrdreg $0x0  }
0xaa: {  	s7 =	sshll.u32 s28, $0x1;
	[dreg:$0x2] =	wrdreg s5  }
0xab: {  	[dreg:$0x3] =	wrdreg s7  }
0xac: {  	[dreg:$0x4] =	wrdreg $0xC0  }
0xad: {  	_ =	task [dreg:s9], $0x5FFFF  }
0xae: {  	[dreg:$0x1] =	wrdreg $0xFFFFFFFF  }
0xaf: {  	[dreg:$0x0] =	wrdreg $0x60  }
0xb0: {  	[dreg:$0x2] =	wrdreg s2  }
0xb1: {  	[dreg:$0x3] =	wrdreg s18  }
0xb2: {  	[dreg:$0x4] =	wrdreg s24  }
0xb3: {  	[dreg:$0x5] =	wrdreg s4  }
0xb4: {  	[dreg:$0x6] =	wrdreg $0x9  }
0xb5: {  	_ =	task.clear_ibuf [dreg:s9], $0x7FFFF;
	_ =	strace $0x90000046  }
0xb6: {  	s29 =	simm.s32 $0x9;
	_ =	strace $0x80000048  }
0xb7: {  	_ =	swait.ge [sflag:s29], $0x1  }
0xb8: {  	[sflag:s29] =	ssyncadd.s32 $0xFFFFFFFF  }
0xb9: {  	_ =	strace $0x90000048  }
0xba: {  	_ =	sfence  }
0xbb: {  	s30 =	sld [smem:$0x0];
	_ =	sdelay $0x2  }
0xbc: {  	s31 =	sshll.u32 s1, $0xD;
	s1 =	sshrl.u32 s1, $0x2  }
0xbd: {  	s3 =	sand.u32 $0x4000, s31;
	s1 =	sadd.s32 s1, s30  }
0xbe: {  	s0 =	sor.u32 s3, s0;
	s1 =	sshll.u32 s1, $0x11  }
0xbf: {  	s0 =	sor.u32 s1, s0  }
0xc0: {  	s0 =	sadd.s32 $0x8F2B, s0  }
0xc1: {  	[sflag:s0] =	ssyncadd.remote.s32 $0x1  }
0xc2: {  	_ =	sfence.sel $0xFFFF  }
0xc3: {  	[dreg:$0x0] =	wrdreg $0xFFFFFFFF;
	(pc) =	sbr.abs _section_cstart, $3  }
0xc4: {  	[dreg:$0x1] =	wrdreg $0xFFFFFFFF  }
0xc5: {  	_ =	task.clear_ibuf [dreg:s9], $0x2FFFF;
	_ =	strace $0x9FFFFFFF  }
0xc6: {  	(tm) =	ssettm $0x7FFFFFFF  }
0xc7: {  	_ =	shalt  }
tec
execute0_lowered:
.L_overlay_start_1:
0x0: {  	(tag) =	ssettag $0x1  }
0x1: {  	s5 =	rddreg [dreg:$0x0]  }
0x2: {  	s6 =	rddreg [dreg:$0x1]  }
0x3: {  	s0 =	rddreg [dreg:$0x2]  }
0x4: {  	s1 =	srdreg.scid;
	s3 =	stileid.u32;
	s7 =	simm.s32 $0x0  }
0x5: {  	s15 =	simm.s32 $0x19200;
	s28 =	simm.s32 $0x1A370;
	s29 =	simm.s32 $0x1A380  }
0x6: {  	s30 =	simm.s32 $0x1A390;
	s31 =	simm.s32 $0x1A3A0;
	s14 =	simm.s32 $0x1A3D0  }
0x7: {  	s12 =	simm.s32 $0x1A3E0;
	s8 =	simm.s32 $0x1A400;
	s1 =	sand.u32 $0x1, s1  }
0x8: {  	s2 =	sshll.u32 s3, $0x1;
	s3 =	sshrl.u32 s3, $0x1;
	[smem:$0x7FF] =	sst s7  }
0x9: {  	s20 =	sadd.s32 $0x271E00, s0;
	s2 =	sor.u32 s1, s2;
	s3 =	smul.u32 $0xC00, s3  }
0xa: {  	s7 =	simm.s32 $0x1A3F0;
	_ =	strace $0x80000047;
	s19 =	smul.u32 $0x1388, s2  }
0xb: {  	v0 =	vimm.s32 $0x8040201;
	v1 =	vimm.s32 $0x80402010;
	s1 =	ssub.s32 $0x2, s1;
	s4 =	sshll.u32 s2, $0x8;
	s2 =	smul.u32 $0x27100, s2  }
0xc: {  	v0 =	vunpack.c.0.s8.s32 v0;
	v1 =	vunpack.c.0.s8.s32 v1;
	[dreg:$0x5] =	wrdreg s20;
	s21 =	sshrl.u32 s1, $0x1;
	s4 =	sand.u32 $0x300, s4  }
0xd: {  	vm0 =	vcmask $0xF00;
	s1 =	ssub.s32 s1, s21;
	s21 =	simm.s32 $0x1A310;
	s2 =	sadd.s32 s5, s2  }
0xe: {  	vm8 =	vcmask $0x1F10;
	v0 =	vnsel vm0, $0x8000, v0;
	v1 =	vand.u32 $0xFF, v1;
	s3 =	sor.u32 s3, s4;
	s23 =	sadd.s32 s20, s19;
	[dreg:$0x6] =	wrdreg s2  }
0xf: {  	vm9 =	vcmask $0x2320;
	v0 =	vsel vm8, v1, v0;
	s22 =	sshrl.u32 s19, $0x3;
	s24 =	sadd.s32 $0xC8, s19;
	[dreg:$0x8] =	wrdreg s23  }
0x10: {  	vm10 =	vcmask $0x2724;
	s26 =	smax.u32 s1, $0x1;
	v0 =	vsel vm9, $0x100, v0;
	s20 =	simm.s32 $0x4;
	[dreg:$0x9] =	wrdreg s24  }
0x11: {  	vm11 =	vcmask $0x2B28;
	s3 =	sshrl.u32 s3, $0x3;
	s2 =	sadd.s32 s6, s22;
	[dreg:$0xc] =	wrdreg s26;
	v0 =	vsel vm10, $0x200, v0  }
.Ltmp0:
0x12: {  	vm12 =	vcmask $0x2F2C;
	s22 =	simm.s32 $0x1A320;
	s23 =	simm.s32 $0x1A330;
	v0 =	vsel vm11, $0x400, v0;
	(pc) =	sbr.rel .LBB2_1-.Ltmp0, $4  }
0x13: {  	vm13 =	vcmask $0x3330;
	s24 =	simm.s32 $0x1A340;
	s26 =	simm.s32 $0x1A360;
	s0 =	sadd.s32 s3, s0;
	v0 =	vsel vm12, $0x800, v0  }
0x14: {  	vm14 =	vcmask $0x3734;
	s6 =	simm.s32 $0x0;
	[dreg:$0x7] =	wrdreg s2;
	s25 =	sadd.s32 $0xE00, s0;
	v0 =	vsel vm13, $0x1000, v0  }
0x15: {  	vm15 =	vcmask $0x3B38;
	s3 =	simm.s32 $0x1A3B0;
	s0 =	sadd.s32 $0xE10, s0;
	[dreg:$0xa] =	wrdreg s25;
	v1 =	vsel vm14, $0x2000, v0  }
0x16: {  	v2 =	vimm.f32 $-1.000000000e+00;
	[dreg:$0xb] =	wrdreg s0;
	s25 =	simm.s32 $0x1A350;
	s0 =	simm.s32 $0x1A3C0;
	v0 =	vimm.f32 $0.0e+00;
	v1 =	vsel vm15, $0x4000, v1  }
.LBB2_34:
0x17: {  	v4 =	vld [tilespmem:$0x1A300];
	v3 =	vcvt.s32.f32 v3  }
0x18: {  	v5 =	vld [tilespmem:$0x1A310]  }
0x19: {  	v6 =	vld [tilespmem:$0x1A320];
	v3 =	vbroadcast v3, $0xF  }
0x1a: {  	v7 =	vld [tilespmem:$0x1A330]  }
0x1b: {  	v8 =	vld [tilespmem:$0x1A340];
	[tilespmem:$0x1A590] =	vst v3  }
0x1c: {  	v39 =	vld [tilespmem:$0x1A350];
	[tilespmem:$0x1A480] =	vst v4  }
0x1d: {  	v40 =	vld [tilespmem:$0x1A360];
	[tilespmem:$0x1A490] =	vst v5  }
0x1e: {  	v41 =	vld [tilespmem:$0x1A370];
	[tilespmem:$0x1A4A0] =	vst v6  }
0x1f: {  	v42 =	vld [tilespmem:$0x1A380];
	[tilespmem:$0x1A4B0] =	vst v7  }
0x20: {  	v43 =	vld [tilespmem:$0x1A390];
	[tilespmem:$0x1A4C0] =	vst v8  }
0x21: {  	v44 =	vld [tilespmem:$0x1A3A0];
	[tilespmem:$0x1A4D0] =	vst v39  }
0x22: {  	v45 =	vld [tilespmem:$0x1A3B0];
	[tilespmem:$0x1A4E0] =	vst v40  }
0x23: {  	v46 =	vld [tilespmem:$0x1A3C0];
	[tilespmem:$0x1A4F0] =	vst v41  }
0x24: {  	v47 =	vld [tilespmem:$0x1A3D0];
	[tilespmem:$0x1A500] =	vst v42  }
0x25: {  	v48 =	vld [tilespmem:$0x1A3E0];
	[tilespmem:$0x1A510] =	vst v43  }
0x26: {  	v49 =	vld [tilespmem:$0x1A3F0];
	[tilespmem:$0x1A520] =	vst v44  }
0x27: {  	v50 =	vld [tilespmem:$0x1A400];
	[tilespmem:$0x1A530] =	vst v45  }
0x28: {  	[tilespmem:$0x1A540] =	vst v46  }
0x29: {  	[tilespmem:$0x1A550] =	vst v47  }
0x2a: {  	[tilespmem:$0x1A560] =	vst v48  }
0x2b: {  	[tilespmem:$0x1A570] =	vst v49  }
0x2c: {  	s1 =	rddreg [dreg:$0xa];
	s5 =	simm.s32 $0x1A480;
	[tilespmem:$0x1A580] =	vst v50  }
0x2d: {  	[hbm4b:s1+s2] =	stream.strided.scatter [tilespmem:s5], [sflag:$0x4], $0x180, s4, s2, $0x38;
	[tilespmem:$0x1A600] =	vst v63  }
0x2e: {  	_ =	swait.ge [sflag:s20], $0x180  }
0x2f: {  	[sflag:s20] =	ssyncset.done $0x0  }
0x30: {  	[sflag:s20] =	ssyncadd.s32 $0xFFFFFE80  }
0x31: {  	v3 =	vld [tilespmem:$0x1A300]  }
0x32: {  	v51 =	vld [tilespmem:$0x1A310]  }
0x33: {  	v52 =	vld [tilespmem:$0x1A320]  }
0x34: {  	v53 =	vld [tilespmem:$0x1A330]  }
0x35: {  	v54 =	vld [tilespmem:$0x1A340];
	[tilespmem:$0x1A590] =	vst v2  }
0x36: {  	v55 =	vld [tilespmem:$0x1A360];
	[tilespmem:$0x1A480] =	vst v3  }
0x37: {  	v3 =	vld [tilespmem:$0x1A350];
	[tilespmem:$0x1A490] =	vst v51  }
0x38: {  	v56 =	vld [tilespmem:$0x1A370];
	[tilespmem:$0x1A4A0] =	vst v52  }
0x39: {  	v57 =	vld [tilespmem:$0x1A380];
	[tilespmem:$0x1A4B0] =	vst v53  }
0x3a: {  	v58 =	vld [tilespmem:$0x1A390];
	[tilespmem:$0x1A4C0] =	vst v54  }
0x3b: {  	v59 =	vld [tilespmem:$0x1A3B0];
	[tilespmem:$0x1A4E0] =	vst v55  }
0x3c: {  	[tilespmem:$0x1A4D0] =	vst v3;
	v3 =	vld [tilespmem:$0x1A3A0]  }
0x3d: {  	v60 =	vld [tilespmem:$0x1A3C0];
	[tilespmem:$0x1A4F0] =	vst v56  }
0x3e: {  	v61 =	vld [tilespmem:$0x1A3D0];
	[tilespmem:$0x1A500] =	vst v57  }
0x3f: {  	v62 =	vld [tilespmem:$0x1A3E0];
	[tilespmem:$0x1A510] =	vst v58  }
0x40: {  	v63 =	vld [tilespmem:$0x1A400];
	[tilespmem:$0x1A530] =	vst v59  }
0x41: {  	[tilespmem:$0x1A520] =	vst v3;
	v3 =	vld [tilespmem:$0x1A3F0]  }
0x42: {  	[tilespmem:$0x1A540] =	vst v60  }
0x43: {  	[tilespmem:$0x1A550] =	vst v61  }
0x44: {  	[tilespmem:$0x1A560] =	vst v62  }
0x45: {  	[tilespmem:$0x1A580] =	vst v63  }
0x46: {  	[tilespmem:$0x1A570] =	vst v3  }
.LBB2_37:
0x47: {  	s1 =	rddreg [dreg:$0xb]  }
0x48: {  	[hbm4b:s1+s2] =	stream.strided.scatter [tilespmem:s5], [sflag:$0x4], $0x180, s4, s2, $0x38;
	[tilespmem:$0x1A600] =	vst v63  }
0x49: {  	_ =	swait.ge [sflag:s20], $0x180  }
0x4a: {  	[sflag:s20] =	ssyncset.done $0x0  }
0x4b: {  	s6 =	rddreg [dreg:$0xd];
	[sflag:s20] =	ssyncadd.s32 $0xFFFFFE80  }
.LBB2_38:
0x4c: {  	s1 =	sadd.s32 $0xFFFFFFFF, s18  }
0x4d: {  	p0 =	seq.s32 s18, $0x0;
	s1 =	sand.u32 $0x3, s1  }
0x4e: {  	s2 =	simm.s32 @!p0 $0x3;
	s1 =	sadd.s32 $0x1, s1  }
0x4f: {  	_ =	swait.ge @!p0 [sflag:s2], $0x100;
	s1 =	simm.s32 @p0 $0x0  }
0x50: {  	[sflag:s2] =	ssyncset.done @!p0 $0x0;
	p1 =	slt.u32 s1, $0x2  }
0x51: {  	[sflag:s2] =	ssyncadd.s32 @!p0 $0xFFFFFF00;
	s2 =	simm.s32 @!p1 $0x3  }
0x52: {  	p0 =	seq.s32 @!p1 s1, $0x2;
	_ =	swait.ge @!p1 [sflag:s2], $0x100  }
0x53: {  	p2 =	por p0, p1;
	[sflag:s2] =	ssyncset.done @!p1 $0x0  }
0x54: {  	p3 =	slt.u32 @!p2 s1, $0x4;
	[sflag:s2] =	ssyncadd.s32 @!p1 $0xFFFFFF00;
	s2 =	simm.s32 @!p2 $0x3  }
0x55: {  	p0 =	por @!p1 p3, p0;
	_ =	swait.ge @!p2 [sflag:s2], $0x100  }
0x56: {  	p0 =	por p0, p1;
	[sflag:s2] =	ssyncset.done @!p2 $0x0  }
0x57: {  	s1 =	simm.s32 @!p0 $0x3;
	[sflag:s2] =	ssyncadd.s32 @!p2 $0xFFFFFF00  }
0x58: {  	_ =	swait.ge @!p0 [sflag:s1], $0x100  }
0x59: {  	s6 =	sadd.s32 $0x1, s6;
	s19 =	rddreg [dreg:$0xc]  }
0x5a: {  	p1 =	sne.s32 s6, s19  }
.Ltmp1:
0x5b: {  	_ = 	snop;
	(pc) =	sbr.rel @!p1 .LBB2_39-.Ltmp1, $3  }
0x5c: {  	_ =	sdelay $0x1  }
0x5d: {  	[sflag:s1] =	ssyncset.done @!p0 $0x0  }
0x5e: {  	[sflag:s1] =	ssyncadd.s32 @!p0 $0xFFFFFF00  }
.LBB2_1:
0x5f: {  	[tilespmem:$0x1A300] =	vst v0  }
0x60: {  	[tilespmem:$0x1A310] =	vst v0  }
0x61: {  	[tilespmem:$0x1A320] =	vst v0  }
0x62: {  	[tilespmem:$0x1A330] =	vst v0  }
0x63: {  	[tilespmem:$0x1A340] =	vst v0  }
0x64: {  	[tilespmem:$0x1A350] =	vst v0  }
0x65: {  	[tilespmem:$0x1A360] =	vst v0  }
0x66: {  	[tilespmem:$0x1A370] =	vst v0  }
0x67: {  	[tilespmem:$0x1A380] =	vst v0  }
0x68: {  	[tilespmem:$0x1A390] =	vst v0  }
0x69: {  	[tilespmem:$0x1A3A0] =	vst v0  }
0x6a: {  	[tilespmem:$0x1A3B0] =	vst v0  }
0x6b: {  	[tilespmem:$0x1A3C0] =	vst v0  }
0x6c: {  	[tilespmem:$0x1A3D0] =	vst v0  }
0x6d: {  	[tilespmem:$0x1A3E0] =	vst v0  }
0x6e: {  	[dreg:$0xd] =	wrdreg s6;
	[tilespmem:$0x1A3F0] =	vst v0  }
0x6f: {  	[tilespmem:$0x1A400] =	vst v0;
	s1 =	simm.s32 $0x0;
	s2 =	rddreg [dreg:$0x6]  }
0x70: {  	[tilespmem:s1], [sflag:$0x1] =	stream.linear.gather [hbm4b:s2+s1], $0xC800, $0x38;
	[tilespmem:$0x1A600] =	vst v63  }
.Ltmp2:
0x71: {  	s18 =	rddreg [dreg:$0x7];
	(pc) =	sbr.rel .LBB2_2-.Ltmp2, $4  }
0x72: {  	s4 =	simm.s32 $0x19000;
	s19 =	rddreg [dreg:$0x8];
	p0 =	por $0x0, $0x0  }
0x73: {  	[tilespmem:s4], [sflag:$0x1] =	stream.linear.gather [hbm4b:s18+s1], $0xD0, $0x38;
	[tilespmem:$0x1A600] =	vst v63  }
0x74: {  	s17 =	simm.s32 $0x0;
	s16 =	simm.s32 $0x0;
	s18 =	simm.s32 $0x0  }
0x75: {  	[tilespmem:s15], [sflag:$0x1] =	stream.linear.gather [hbm4b:s19+s1], $0x640, $0x38;
	[tilespmem:$0x1A600] =	vst v63  }
.LBB2_32:
0x76: {  	s16 =	rddreg [dreg:$0xe]  }
0x77: {  	s16 =	sadd.s32 $0x1, s16  }
0x78: {  	p1 =	sne.s32 s16, $0x19  }
.Ltmp3:
0x79: {  	_ = 	snop;
	(pc) =	sbr.rel @!p1 .LBB2_33-.Ltmp3, $2  }
0x7a: {  	_ =	sdelay $0x2  }
0x7b: {  	p0 =	por !p0, !p0  }
.LBB2_2:
0x7c: {  	s1 =	sand.u32 $0x1, s16  }
0x7d: {  	p1 =	seq.s32 s1, $0x1  }
0x7e: {  	s2 =	simm.s32 @p1 $0x2  }
0x7f: {  	_ =	swait.ge @p1 [sflag:s2], $0xC800  }
0x80: {  	[sflag:s2] =	ssyncset.done @p1 $0x0  }
0x81: {  	[sflag:s2] =	ssyncadd.s32 @p1 $0xFFFF3800  }
0x82: {  	_ =	swait.ge @p1 [sflag:s2], $0xD0  }
0x83: {  	[sflag:s2] =	ssyncset.done @p1 $0x0  }
0x84: {  	[sflag:s2] =	ssyncadd.s32 @p1 $0xFFFFFF30  }
0x85: {  	s4 =	smul.u32 @p1 $0xC8, s16;
	_ =	swait.ge @p1 [sflag:s2], $0x640  }
0x86: {  	s10 =	rddreg [dreg:$0x9];
	[sflag:s2] =	ssyncset.done @p1 $0x0  }
0x87: {  	s4 =	sadd.s32 @p1 s4, s10;
	[sflag:s2] =	ssyncadd.s32 @p1 $0xFFFFF9C0  }
0x88: {  	s6 =	sshll.u32 @p1 s4, $0x5;
	s5 =	rddreg [dreg:$0x0]  }
0x89: {  	s2 =	sadd.s32 @p1 s5, s6;
	s6 =	simm.s32 @p1 $0x0  }
0x8a: {  	[tilespmem:s6], [sflag:$0x1] =	stream.linear.gather @p1 [hbm4b:s2+s6], $0xC800, $0x38;
	[tilespmem:$0x1A600] =	vst v63  }
0x8b: {  	s11 =	rddreg [dreg:$0x1];
	s2 =	sshrl.u32 @p1 s4, $0x3  }
0x8c: {  	s9 =	simm.s32 @p1 $0x19000;
	s13 =	rddreg [dreg:$0x5];
	s2 =	sadd.s32 @p1 s11, s2  }
0x8d: {  	[tilespmem:s9], [sflag:$0x1] =	stream.linear.gather @p1 [hbm4b:s2+s6], $0xD0, $0x38;
	[tilespmem:$0x1A600] =	vst v63  }
0x8e: {  	s2 =	sadd.s32 @p1 s13, s4;
	s4 =	simm.s32 @p1 $0x19200  }
0x8f: {  	[tilespmem:s4], [sflag:$0x1] =	stream.linear.gather @p1 [hbm4b:s2+s6], $0x640, $0x38;
	[tilespmem:$0x1A600] =	vst v63  }
0x90: {  	s2 =	simm.s32 @!p1 $0x1  }
0x91: {  	_ =	swait.ge @!p1 [sflag:s2], $0xC800  }
0x92: {  	[sflag:s2] =	ssyncset.done @!p1 $0x0  }
0x93: {  	[sflag:s2] =	ssyncadd.s32 @!p1 $0xFFFF3800  }
0x94: {  	p2 =	seq.s32 @!p1 s16, $0x18;
	_ =	swait.ge @!p1 [sflag:s2], $0xD0  }
0x95: {  	p2 =	por p2, p1;
	[sflag:s2] =	ssyncset.done @!p1 $0x0  }
0x96: {  	s4 =	smul.u32 @!p2 $0xC8, s16;
	[dreg:$0xe] =	wrdreg s16;
	[sflag:s2] =	ssyncadd.s32 @!p1 $0xFFFFFF30  }
0x97: {  	_ =	swait.ge @!p1 [sflag:s2], $0x640  }
0x98: {  	s4 =	sadd.s32 @!p2 s4, s10;
	[sflag:s2] =	ssyncset.done @!p1 $0x0  }
0x99: {  	s1 =	smul.u32 $0x380, s1;
	[sflag:s2] =	ssyncadd.s32 @!p1 $0xFFFFF9C0;
	s2 =	sshll.u32 @!p2 s4, $0x5  }
0x9a: {  	s9 =	simm.s32 @!p2 $0x0;
	s10 =	simm.s32 @!p2 $0xC800;
	s2 =	sadd.s32 @!p2 s5, s2  }
0x9b: {  	[tilespmem:s10], [sflag:$0x2] =	stream.linear.gather @!p2 [hbm4b:s2+s9], $0xC800, $0x38;
	[tilespmem:$0x1A600] =	vst v63  }
0x9c: {  	s1 =	sshrl.u32 s1, $0x2;
	s2 =	sshrl.u32 @!p2 s4, $0x3  }
0x9d: {  	s6 =	simm.s32 $0x1;
	s2 =	sadd.s32 @!p2 s11, s2;
	s11 =	simm.s32 @!p2 $0x190E0  }
0x9e: {  	[tilespmem:s11], [sflag:$0x2] =	stream.linear.gather @!p2 [hbm4b:s2+s9], $0xD0, $0x38;
	[tilespmem:$0x1A600] =	vst v63  }
.Ltmp4:
0x9f: {  	s1 =	sor.u32 $0x19000, s1;
	s6 =	simm.s32 @!p0 $0x0;
	(pc) =	sbr.rel .LBB2_3-.Ltmp4, $4  }
0xa0: {  	s16 =	smul.u32 $0x380, s6;
	s2 =	sadd.s32 @!p2 s13, s4;
	s4 =	simm.s32 @!p2 $0x19880  }
0xa1: {  	[tilespmem:s4], [sflag:$0x2] =	stream.linear.gather @!p2 [hbm4b:s2+s9], $0x640, $0x38;
	[tilespmem:$0x1A600] =	vst v63  }
0xa2: {  	s19 =	sshrl.u32 s16, $0x2;
	s5 =	simm.s32 $0x0;
	s9 =	smul.u32 $0xC800, s6  }
0xa3: {  	v3 =	vmov s1;
	s4 =	smul.u32 $0x680, s6;
	s2 =	sor.u32 $0x1900A, s19;
	s6 =	simm.s32 $0x0  }
.LBB2_31:
0xa4: {  	s5 =	rddreg [dreg:$0x12]  }
0xa5: {  	s5 =	sadd.s32 $0x1, s5  }
0xa6: {  	p1 =	sne.s32 s5, $0xD  }
.Ltmp5:
0xa7: {  	_ = 	snop;
	(pc) =	sbr.rel @!p1 .LBB2_32-.Ltmp5, $4  }
0xa8: {  	s9 =	rddreg [dreg:$0xf]  }
0xa9: {  	s4 =	rddreg [dreg:$0x10]  }
0xaa: {  	s6 =	sadd.s32 $0x10, s6;
	s2 =	rddreg [dreg:$0x11]  }
0xab: {  	s9 =	sadd.s32 $0x1000, s9;
	s4 =	sadd.s32 $0x80, s4;
	s2 =	sadd.s32 $0x10, s2  }
.LBB2_3:
0xac: {  	_ =	sdelay $0x2  }
0xad: {  	s1 =	sshll.u32 s5, $0x4  }
0xae: {  	v4 =	vld.idx.msk [tilespmem:v3+s1+$0x8 ss:$0x1], $0xffff  }
0xaf: {  	v5 =	vld.idx.msk [tilespmem:v3+s1+$0x7 ss:$0x1], $0xffff;
	_ =	sdelay $0x4  }
0xb0: {  	vm0 =	veq.s32 v4, v5  }
0xb1: {  	v4 =	vsel vm0, $0x0, v1  }
0xb2: {  	(xrf0) =	vadd.scan.msk.s32 $0xffff, v4;
	_ =	sdelay $0x5  }
0xb3: {  	v4, _, _ =	vpop (xrf0)  }
0xb4: {  	(v2sf) =	vpush v4, $0xF;
	_ =	sdelay $0xd  }
.Ltmp6:
0xb5: {  	[dreg:$0x12] =	wrdreg s5;
	(pc) =	sbr.rel .LBB2_4-.Ltmp6, $4  }
0xb6: {  	[dreg:$0x11] =	wrdreg s2;
	s13 =	spop (v2sf)  }
0xb7: {  	p1 =	seq.s32 s5, $0xC;
	[dreg:$0xf] =	wrdreg s9;
	s1 =	sand.u32 $0xFF, s13  }
0xb8: {  	s16 =	simm.s32 $0x3;
	[dreg:$0x10] =	wrdreg s4;
	s13 =	smov.u32 @p1 s1  }
0xb9: {  	p1 =	por $0x0, $0x0;
	s1 =	smov.u32 s4;
	s4 =	simm.s32 $0x0  }
.LBB2_25:
0xba: {  	v5 =	vld [tilespmem:$0x1A300];
	v4 =	vcvt.s32.f32 v4  }
0xbb: {  	v6 =	vld [tilespmem:$0x1A310]  }
0xbc: {  	v7 =	vld [tilespmem:$0x1A320];
	v4 =	vbroadcast v4, $0x0  }
0xbd: {  	v8 =	vld [tilespmem:$0x1A330]  }
0xbe: {  	v9 =	vld [tilespmem:$0x1A340];
	[tilespmem:$0x1A590] =	vst v4  }
0xbf: {  	v55 =	vld [tilespmem:$0x1A360];
	[tilespmem:$0x1A480] =	vst v5  }
0xc0: {  	v5 =	vld [tilespmem:$0x1A350];
	[tilespmem:$0x1A490] =	vst v6  }
0xc1: {  	v56 =	vld [tilespmem:$0x1A370];
	[tilespmem:$0x1A4A0] =	vst v7  }
0xc2: {  	v57 =	vld [tilespmem:$0x1A380];
	[tilespmem:$0x1A4B0] =	vst v8  }
0xc3: {  	v58 =	vld [tilespmem:$0x1A390];
	[tilespmem:$0x1A4C0] =	vst v9  }
0xc4: {  	v59 =	vld [tilespmem:$0x1A3B0];
	[tilespmem:$0x1A4E0] =	vst v55  }
0xc5: {  	[tilespmem:$0x1A4D0] =	vst v5;
	v5 =	vld [tilespmem:$0x1A3A0]  }
0xc6: {  	v60 =	vld [tilespmem:$0x1A3C0];
	[tilespmem:$0x1A4F0] =	vst v56  }
0xc7: {  	v61 =	vld [tilespmem:$0x1A3D0];
	[tilespmem:$0x1A500] =	vst v57  }
0xc8: {  	v62 =	vld [tilespmem:$0x1A3E0];
	[tilespmem:$0x1A510] =	vst v58  }
0xc9: {  	v63 =	vld [tilespmem:$0x1A400];
	[tilespmem:$0x1A530] =	vst v59  }
0xca: {  	[tilespmem:$0x1A520] =	vst v5;
	v5 =	vld [tilespmem:$0x1A3F0]  }
0xcb: {  	[tilespmem:$0x1A540] =	vst v60  }
0xcc: {  	[tilespmem:$0x1A550] =	vst v61  }
0xcd: {  	[tilespmem:$0x1A560] =	vst v62  }
0xce: {  	s5 =	rddreg [dreg:$0xa];
	[tilespmem:$0x1A580] =	vst v63  }
0xcf: {  	s18 =	simm.s32 $0x80;
	s19 =	simm.s32 $0x400;
	s20 =	simm.s32 $0x1A480;
	[tilespmem:$0x1A570] =	vst v5  }
0xd0: {  	[hbm4b:s5+s18] =	stream.strided.scatter [tilespmem:s20], [sflag:$0x4], $0x180, s19, s18, $0x38;
	[tilespmem:$0x1A600] =	vst v63  }
0xd1: {  	s20 =	simm.s32 $0x4  }
0xd2: {  	_ =	swait.ge [sflag:s20], $0x180  }
0xd3: {  	[sflag:s20] =	ssyncset.done $0x0  }
0xd4: {  	[sflag:s20] =	ssyncadd.s32 $0xFFFFFE80  }
.LBB2_28:
0xd5: {  	[tilespmem:$0x1A300] =	vst v0  }
0xd6: {  	[tilespmem:$0x1A310] =	vst v0  }
0xd7: {  	[tilespmem:$0x1A320] =	vst v0  }
0xd8: {  	[tilespmem:$0x1A330] =	vst v0  }
0xd9: {  	[tilespmem:$0x1A340] =	vst v0  }
0xda: {  	[tilespmem:$0x1A350] =	vst v0  }
0xdb: {  	[tilespmem:$0x1A360] =	vst v0  }
0xdc: {  	[tilespmem:$0x1A370] =	vst v0  }
0xdd: {  	[tilespmem:$0x1A380] =	vst v0  }
0xde: {  	[tilespmem:$0x1A390] =	vst v0  }
0xdf: {  	[tilespmem:$0x1A3A0] =	vst v0  }
0xe0: {  	[tilespmem:$0x1A3B0] =	vst v0  }
0xe1: {  	[tilespmem:$0x1A3C0] =	vst v0  }
0xe2: {  	[tilespmem:$0x1A3D0] =	vst v0  }
0xe3: {  	[tilespmem:$0x1A3E0] =	vst v0  }
0xe4: {  	[tilespmem:$0x1A3F0] =	vst v0  }
0xe5: {  	[tilespmem:$0x1A400] =	vst v0  }
.LBB2_29:
0xe6: {  	s5 =	sadd.s32 $0x18, s1;
	s19 =	sadd.s32 $0x300, s9;
	s18 =	sadd.s32 $0x180, s4  }
0xe7: {  	v4 =	vmov s5;
	s5 =	sand.u32 $0x1F800, s19;
	s18 =	sand.u32 $0x380, s18  }
0xe8: {  	s5 =	sor.u32 s18, s5  }
0xe9: {  	v5 =	vld [tilespmem:s5+$0x0]  }
0xea: {  	v6 =	vld [tilespmem:s5+$0x10]  }
0xeb: {  	v7 =	vld [tilespmem:s5+$0x20]  }
0xec: {  	v4 =	vand.u32 $0xFFFFFFF8, v4;
	v8 =	vld [tilespmem:s5+$0x30]  }
0xed: {  	v4 =	vbroadcast v4, $0x0;
	v9 =	vld [tilespmem:s5+$0x40]  }
0xee: {  	v10 =	vld [tilespmem:s5+$0x50]  }
0xef: {  	v11 =	vld [tilespmem:s5+$0x60]  }
0xf0: {  	v12 =	vld [tilespmem:s5+$0x70]  }
0xf1: {  	v13 =	vld [tilespmem:s5+$0x400]  }
0xf2: {  	v14 =	vld [tilespmem:s5+$0x410]  }
0xf3: {  	v4 =	vld.idx.msk [tilespmem:v4+s15+$0x0], $0xffff  }
0xf4: {  	v15 =	vld [tilespmem:s5+$0x420]  }
0xf5: {  	v16 =	vld [tilespmem:s5+$0x430]  }
0xf6: {  	v17 =	vld [tilespmem:s5+$0x440]  }
0xf7: {  	v18 =	vld [tilespmem:s5+$0x450]  }
0xf8: {  	v19 =	vld [tilespmem:s5+$0x460];
	v5 =	vmul.f32 v5, v4  }
0xf9: {  	s19 =	simm.s32 $0x1A300;
	v20 =	vld [tilespmem:s5+$0x470];
	v6 =	vmul.f32 v6, v4  }
0xfa: {  	[tilespmem:s19+$0x0] =	vst.add.f32.msk $0xffff, v5;
	v5 =	vmul.f32 v7, v4  }
0xfb: {  	v57 =	vmul.f32 v8, v4;
	[tilespmem:s21+$0x0] =	vst.add.f32.msk $0xffff, v6  }
0xfc: {  	[tilespmem:s22+$0x0] =	vst.add.f32.msk $0xffff, v5;
	v5 =	vmul.f32 v9, v4  }
0xfd: {  	v58 =	vmul.f32 v10, v4;
	[tilespmem:s23+$0x0] =	vst.add.f32.msk $0xffff, v57  }
0xfe: {  	[tilespmem:s24+$0x0] =	vst.add.f32.msk $0xffff, v5;
	v5 =	vmul.f32 v11, v4  }
0xff: {  	v59 =	vmul.f32 v12, v4;
	[tilespmem:s25+$0x0] =	vst.add.f32.msk $0xffff, v58  }
0x100: {  	[tilespmem:s26+$0x0] =	vst.add.f32.msk $0xffff, v5;
	v5 =	vmul.f32 v13, v4  }
0x101: {  	v60 =	vmul.f32 v14, v4;
	[tilespmem:s28+$0x0] =	vst.add.f32.msk $0xffff, v59  }
0x102: {  	[tilespmem:s29+$0x0] =	vst.add.f32.msk $0xffff, v5;
	v5 =	vmul.f32 v15, v4  }
0x103: {  	v61 =	vmul.f32 v16, v4;
	[tilespmem:s30+$0x0] =	vst.add.f32.msk $0xffff, v60  }
0x104: {  	[tilespmem:s31+$0x0] =	vst.add.f32.msk $0xffff, v5;
	v5 =	vmul.f32 v17, v4  }
0x105: {  	v62 =	vmul.f32 v18, v4;
	[tilespmem:s3+$0x0] =	vst.add.f32.msk $0xffff, v61  }
0x106: {  	[tilespmem:s0+$0x0] =	vst.add.f32.msk $0xffff, v5;
	v5 =	vmul.f32 v19, v4  }
0x107: {  	p2 =	por !p3, !p2;
	v63 =	vmul.f32 v20, v4;
	[tilespmem:s14+$0x0] =	vst.add.f32.msk $0xffff, v62  }
0x108: {  	p2 =	por !p2, !p2;
	s5 =	simm.s32 $0x1;
	[tilespmem:s12+$0x0] =	vst.add.f32.msk $0xffff, v5  }
0x109: {  	s5 =	simm.s32 @!p2 $0x0;
	[tilespmem:s7+$0x0] =	vst.add.f32.msk $0xffff, v63  }
0x10a: {  	s18 =	sadd.s32 s5, s17;
	s17 =	sadd.s32 s10, s11;
	[tilespmem:s8+$0x0] =	vst.add.f32.msk $0xffff, v4  }
.LBB2_30:
0x10b: {  	s16 =	sadd.s32 $0x4, s16  }
0x10c: {  	p2 =	sne.s32 s16, $0x13  }
.Ltmp7:
0x10d: {  	_ = 	snop;
	(pc) =	sbr.rel @!p2 .LBB2_31-.Ltmp7, $3  }
0x10e: {  	_ =	sdelay $0x1  }
0x10f: {  	s4 =	sadd.s32 $0x200, s4;
	s9 =	sadd.s32 $0x400, s9  }
0x110: {  	p1 =	por !p1, !p1;
	s1 =	sadd.s32 $0x20, s1;
	s2 =	sadd.s32 $0x4, s2  }
.LBB2_4:
0x111: {  	s10 =	sadd.s32 $0xFFFFFFFD, s16  }
0x112: {  	s11 =	sadd.s32 s6, s10  }
0x113: {  	p2 =	sgt.u32 s11, $0xC7  }
.Ltmp8:
0x114: {  	_ = 	snop;
	(pc) =	sbr.rel @p2 .LBB2_30-.Ltmp8, $1  }
0x115: {  	_ =	sdelay $0x3  }
0x116: {  	s10 =	sshrl.u32 s13, s10  }
0x117: {  	s10 =	sand.u32 $0x1, s10  }
0x118: {  	p2 =	seq.s32 s10, $0x1  }
.Ltmp9:
0x119: {  	_ = 	snop;
	(pc) =	sbr.rel @!p2 .LBB2_11-.Ltmp9, $1  }
0x11a: {  	_ =	sdelay $0x3  }
0x11b: {  	v4 =	vld [tilespmem:s2+$0xFFFFFFFD];
	_ =	sdelay $0x4  }
0x11c: {  	(v2sf) =	vpush v4, $0x0;
	_ =	sdelay $0x9  }
0x11d: {  	p3 =	sne.s32 s17, $0x0  }
.Ltmp10:
0x11e: {  	_ = 	snop;
	(pc) =	sbr.rel @!p3 .LBB2_7-.Ltmp10, $2  }
0x11f: {  	_ =	sdelay $0x2  }
0x120: {  	s11 =	spop (v2sf)  }
0x121: {  	p3 =	slt.s32 s17, $0x1  }
.Ltmp11:
0x122: {  	_ = 	snop;
	(pc) =	sbr.rel @p3 .LBB2_10-.Ltmp11, $1  }
0x123: {  	_ =	sdelay $0x3  }
0x124: {  	s5 =	sand.u32 $0x3, s18;
	p3 =	slt.s32 s18, $0x1  }
0x125: {  	p4 =	sne.s32 @!p3 s5, $0x0  }
0x126: {  	p3 =	por p4, p3  }
0x127: {  	s19 =	simm.s32 @!p3 $0x3  }
0x128: {  	_ =	swait.ge @!p3 [sflag:s19], $0x100  }
0x129: {  	[sflag:s19] =	ssyncset.done @!p3 $0x0  }
0x12a: {  	[sflag:s19] =	ssyncadd.s32 @!p3 $0xFFFFFF00  }
0x12b: {  	_ =	swait.ge @!p3 [sflag:s19], $0x100  }
0x12c: {  	[sflag:s19] =	ssyncset.done @!p3 $0x0  }
0x12d: {  	[sflag:s19] =	ssyncadd.s32 @!p3 $0xFFFFFF00  }
0x12e: {  	_ =	swait.ge @!p3 [sflag:s19], $0x100  }
0x12f: {  	[sflag:s19] =	ssyncset.done @!p3 $0x0  }
0x130: {  	[sflag:s19] =	ssyncadd.s32 @!p3 $0xFFFFFF00  }
0x131: {  	_ =	swait.ge @!p3 [sflag:s19], $0x100  }
0x132: {  	[sflag:s19] =	ssyncset.done @!p3 $0x0  }
0x133: {  	[sflag:s19] =	ssyncadd.s32 @!p3 $0xFFFFFF00  }
0x134: {  	v4 =	vld [tilespmem:$0x1A400];
	_ =	sdelay $0x4  }
0x135: {  	(erf) = vrcp.f32 v4;
	_ =	sdelay $0x4  }
0x136: {  	v4 =	vld [tilespmem:$0x1A300];
	_ =	sdelay $0x3  }
0x137: {  	v5 =	vpop (erf)  }
0x138: {  	v4 =	vmul.f32 v5, v4  }
0x139: {  	s5 =	sshll.u32 s5, $0x7  }
0x13a: {  	[tilespmem:s5+$0x19F00] =	vst v4  }
0x13b: {  	v4 =	vld [tilespmem:$0x1A310];
	_ =	sdelay $0x4  }
0x13c: {  	v4 =	vmul.f32 v4, v5;
	_ =	sdelay $0x1  }
0x13d: {  	[tilespmem:s5+$0x19F10] =	vst v4  }
0x13e: {  	v4 =	vld [tilespmem:$0x1A320];
	_ =	sdelay $0x4  }
0x13f: {  	v4 =	vmul.f32 v4, v5;
	_ =	sdelay $0x1  }
0x140: {  	[tilespmem:s5+$0x19F20] =	vst v4  }
0x141: {  	v4 =	vld [tilespmem:$0x1A330];
	_ =	sdelay $0x4  }
0x142: {  	v4 =	vmul.f32 v4, v5;
	_ =	sdelay $0x1  }
0x143: {  	[tilespmem:s5+$0x19F30] =	vst v4  }
0x144: {  	v4 =	vld [tilespmem:$0x1A340];
	_ =	sdelay $0x4  }
0x145: {  	v4 =	vmul.f32 v4, v5;
	_ =	sdelay $0x1  }
0x146: {  	[tilespmem:s5+$0x19F40] =	vst v4  }
0x147: {  	v4 =	vld [tilespmem:$0x1A350];
	_ =	sdelay $0x4  }
0x148: {  	v4 =	vmul.f32 v4, v5;
	_ =	sdelay $0x1  }
0x149: {  	[tilespmem:s5+$0x19F50] =	vst v4  }
0x14a: {  	v4 =	vld [tilespmem:$0x1A360];
	_ =	sdelay $0x4  }
0x14b: {  	v4 =	vmul.f32 v4, v5;
	_ =	sdelay $0x1  }
0x14c: {  	[tilespmem:s5+$0x19F60] =	vst v4  }
0x14d: {  	v4 =	vld [tilespmem:$0x1A370];
	_ =	sdelay $0x4  }
0x14e: {  	v4 =	vmul.f32 v4, v5;
	_ =	sdelay $0x1  }
0x14f: {  	[tilespmem:s5+$0x19F70] =	vst v4  }
0x150: {  	v4 =	vld [tilespmem:$0x1A380];
	_ =	sdelay $0x4  }
0x151: {  	v4 =	vmul.f32 v4, v5;
	_ =	sdelay $0x1  }
0x152: {  	[tilespmem:s5+$0x1A100] =	vst v4  }
0x153: {  	v4 =	vld [tilespmem:$0x1A390];
	_ =	sdelay $0x4  }
0x154: {  	v4 =	vmul.f32 v4, v5;
	_ =	sdelay $0x1  }
0x155: {  	[tilespmem:s5+$0x1A110] =	vst v4  }
0x156: {  	v4 =	vld [tilespmem:$0x1A3A0];
	_ =	sdelay $0x4  }
0x157: {  	v4 =	vmul.f32 v4, v5;
	_ =	sdelay $0x1  }
0x158: {  	[tilespmem:s5+$0x1A120] =	vst v4  }
0x159: {  	v4 =	vld [tilespmem:$0x1A3B0];
	_ =	sdelay $0x4  }
0x15a: {  	v4 =	vmul.f32 v4, v5;
	_ =	sdelay $0x1  }
0x15b: {  	[tilespmem:s5+$0x1A130] =	vst v4  }
0x15c: {  	v4 =	vld [tilespmem:$0x1A3C0];
	_ =	sdelay $0x4  }
0x15d: {  	v4 =	vmul.f32 v4, v5;
	_ =	sdelay $0x1  }
0x15e: {  	[tilespmem:s5+$0x1A140] =	vst v4  }
0x15f: {  	v4 =	vld [tilespmem:$0x1A3D0];
	_ =	sdelay $0x4  }
0x160: {  	v4 =	vmul.f32 v4, v5;
	_ =	sdelay $0x1  }
0x161: {  	[tilespmem:s5+$0x1A150] =	vst v4  }
0x162: {  	v4 =	vld [tilespmem:$0x1A3E0];
	_ =	sdelay $0x4  }
0x163: {  	v4 =	vmul.f32 v4, v5;
	_ =	sdelay $0x1  }
0x164: {  	[tilespmem:s5+$0x1A160] =	vst v4  }
0x165: {  	v4 =	vld [tilespmem:$0x1A3F0];
	_ =	sdelay $0x2  }
0x166: {  	s15 =	sshll.u32 s11, $0x7;
	s19 =	sshll.u32 s11, $0x8  }
0x167: {  	s11 =	sand.u32 $0x380, s15;
	s19 =	sand.u32 $0xFFFFF800, s19  }
0x168: {  	s11 =	sor.u32 s11, s19;
	v4 =	vmul.f32 v4, v5  }
0x169: {  	s15 =	rddreg [dreg:$0x3];
	s19 =	sadd.s32 $0x19F00, s5;
	s11 =	sshrl.u32 s11, $0x3  }
.Ltmp12:
0x16a: {  	s11 =	sadd.s32 s15, s11;
	s15 =	simm.s32 $0x0;
	[tilespmem:s5+$0x1A170] =	vst v4;
	(pc) =	sbr.rel .LBB2_10-.Ltmp12, $4  }
0x16b: {  	[hbm4b:s11+s15] =	stream.linear.scatter [tilespmem:s19], [sflag:$0x3], $0x80, $0x38;
	[tilespmem:$0x1A600] =	vst v63  }
0x16c: {  	s5 =	sadd.s32 $0x1A100, s5;
	s11 =	sadd.s32 $0x80, s11  }
0x16d: {  	[hbm4b:s11+s15] =	stream.linear.scatter [tilespmem:s5], [sflag:$0x3], $0x80, $0x38;
	[tilespmem:$0x1A600] =	vst v63  }
0x16e: {  	s15 =	simm.s32 $0x19200  }
.LBB2_7:
0x16f: {  	v5 =	vld [tilespmem:$0x1A300];
	v4 =	vcvt.s32.f32 v4  }
0x170: {  	v6 =	vld [tilespmem:$0x1A310]  }
0x171: {  	v7 =	vld [tilespmem:$0x1A320];
	v4 =	vbroadcast v4, $0x0  }
0x172: {  	v8 =	vld [tilespmem:$0x1A330]  }
0x173: {  	v9 =	vld [tilespmem:$0x1A340];
	[tilespmem:$0x1A590] =	vst v4  }
0x174: {  	v55 =	vld [tilespmem:$0x1A360];
	[tilespmem:$0x1A480] =	vst v5  }
0x175: {  	v5 =	vld [tilespmem:$0x1A350];
	[tilespmem:$0x1A490] =	vst v6  }
0x176: {  	v56 =	vld [tilespmem:$0x1A370];
	[tilespmem:$0x1A4A0] =	vst v7  }
0x177: {  	v57 =	vld [tilespmem:$0x1A380];
	[tilespmem:$0x1A4B0] =	vst v8  }
0x178: {  	v58 =	vld [tilespmem:$0x1A390];
	[tilespmem:$0x1A4C0] =	vst v9  }
0x179: {  	v59 =	vld [tilespmem:$0x1A3B0];
	[tilespmem:$0x1A4E0] =	vst v55  }
0x17a: {  	[tilespmem:$0x1A4D0] =	vst v5;
	v5 =	vld [tilespmem:$0x1A3A0]  }
0x17b: {  	v60 =	vld [tilespmem:$0x1A3C0];
	[tilespmem:$0x1A4F0] =	vst v56  }
0x17c: {  	v61 =	vld [tilespmem:$0x1A3D0];
	[tilespmem:$0x1A500] =	vst v57  }
0x17d: {  	v62 =	vld [tilespmem:$0x1A3E0];
	[tilespmem:$0x1A510] =	vst v58  }
0x17e: {  	v63 =	vld [tilespmem:$0x1A400];
	[tilespmem:$0x1A530] =	vst v59  }
0x17f: {  	[tilespmem:$0x1A520] =	vst v5;
	v5 =	vld [tilespmem:$0x1A3F0]  }
0x180: {  	[tilespmem:$0x1A540] =	vst v60  }
0x181: {  	[tilespmem:$0x1A550] =	vst v61  }
0x182: {  	[tilespmem:$0x1A560] =	vst v62  }
0x183: {  	s5 =	rddreg [dreg:$0xa];
	[tilespmem:$0x1A580] =	vst v63  }
0x184: {  	s11 =	simm.s32 $0x80;
	s19 =	simm.s32 $0x400;
	s20 =	simm.s32 $0x1A480;
	[tilespmem:$0x1A570] =	vst v5  }
0x185: {  	[hbm4b:s5+s11] =	stream.strided.scatter [tilespmem:s20], [sflag:$0x4], $0x180, s19, s11, $0x38;
	[tilespmem:$0x1A600] =	vst v63  }
0x186: {  	s20 =	simm.s32 $0x4  }
0x187: {  	_ =	swait.ge [sflag:s20], $0x180  }
0x188: {  	[sflag:s20] =	ssyncset.done $0x0  }
0x189: {  	[sflag:s20] =	ssyncadd.s32 $0xFFFFFE80  }
.LBB2_10:
0x18a: {  	[tilespmem:$0x1A300] =	vst v0  }
0x18b: {  	[tilespmem:$0x1A310] =	vst v0  }
0x18c: {  	[tilespmem:$0x1A320] =	vst v0  }
0x18d: {  	[tilespmem:$0x1A330] =	vst v0  }
0x18e: {  	[tilespmem:$0x1A340] =	vst v0  }
0x18f: {  	[tilespmem:$0x1A350] =	vst v0  }
0x190: {  	[tilespmem:$0x1A360] =	vst v0  }
0x191: {  	[tilespmem:$0x1A370] =	vst v0  }
0x192: {  	[tilespmem:$0x1A380] =	vst v0  }
0x193: {  	[tilespmem:$0x1A390] =	vst v0  }
0x194: {  	[tilespmem:$0x1A3A0] =	vst v0  }
0x195: {  	[tilespmem:$0x1A3B0] =	vst v0  }
0x196: {  	[tilespmem:$0x1A3C0] =	vst v0  }
0x197: {  	[tilespmem:$0x1A3D0] =	vst v0  }
0x198: {  	[tilespmem:$0x1A3E0] =	vst v0  }
0x199: {  	[tilespmem:$0x1A3F0] =	vst v0  }
0x19a: {  	[tilespmem:$0x1A400] =	vst v0  }
.LBB2_11:
0x19b: {  	s5 =	sand.u32 $0x1F800, s9;
	s11 =	sand.u32 $0x200, s4  }
0x19c: {  	s5 =	sor.u32 s11, s5  }
0x19d: {  	v5 =	vld [tilespmem:s5+$0x0]  }
0x19e: {  	v6 =	vld [tilespmem:s5+$0x10]  }
0x19f: {  	v4 =	vmov s1;
	v7 =	vld [tilespmem:s5+$0x20]  }
0x1a0: {  	v4 =	vand.u32 $0xFFFFFFE0, v4;
	s11 =	simm.s32 $0x1;
	v8 =	vld [tilespmem:s5+$0x30]  }
0x1a1: {  	v4 =	vbroadcast v4, $0x0;
	s11 =	simm.s32 @!p1 $0x0;
	v9 =	vld [tilespmem:s5+$0x40]  }
0x1a2: {  	v10 =	vld [tilespmem:s5+$0x50];
	s11 =	sshll.u32 s11, $0x9  }
0x1a3: {  	v11 =	vld [tilespmem:s5+$0x60];
	s11 =	sadd.s32 s11, s9  }
0x1a4: {  	v12 =	vld [tilespmem:s5+$0x70];
	s19 =	sor.u32 $0x400, s11  }
0x1a5: {  	v13 =	vld [tilespmem:s19+$0x0];
	s19 =	sor.u32 $0x410, s11  }
0x1a6: {  	v14 =	vld [tilespmem:s19+$0x0]  }
0x1a7: {  	s19 =	sor.u32 $0x420, s11;
	v4 =	vld.idx.msk [tilespmem:v4+s15+$0x0], $0xffff  }
0x1a8: {  	v15 =	vld [tilespmem:s19+$0x0];
	s19 =	sor.u32 $0x430, s11  }
0x1a9: {  	v16 =	vld [tilespmem:s19+$0x0];
	s19 =	sor.u32 $0x440, s11  }
0x1aa: {  	v17 =	vld [tilespmem:s19+$0x0];
	s19 =	sor.u32 $0x450, s11  }
0x1ab: {  	v18 =	vld [tilespmem:s19+$0x0];
	s19 =	sor.u32 $0x460, s11  }
0x1ac: {  	v19 =	vld [tilespmem:s19+$0x0];
	s19 =	sor.u32 $0x470, s11;
	v5 =	vmul.f32 v5, v4  }
0x1ad: {  	s11 =	simm.s32 $0x1A300;
	v20 =	vld [tilespmem:s19+$0x0];
	v6 =	vmul.f32 v6, v4  }
0x1ae: {  	[tilespmem:s11+$0x0] =	vst.add.f32.msk $0xffff, v5;
	v5 =	vmul.f32 v7, v4  }
0x1af: {  	v57 =	vmul.f32 v8, v4;
	[tilespmem:s21+$0x0] =	vst.add.f32.msk $0xffff, v6  }
0x1b0: {  	[tilespmem:s22+$0x0] =	vst.add.f32.msk $0xffff, v5;
	v5 =	vmul.f32 v9, v4  }
0x1b1: {  	v58 =	vmul.f32 v10, v4;
	[tilespmem:s23+$0x0] =	vst.add.f32.msk $0xffff, v57  }
0x1b2: {  	[tilespmem:s24+$0x0] =	vst.add.f32.msk $0xffff, v5;
	v5 =	vmul.f32 v11, v4  }
0x1b3: {  	v59 =	vmul.f32 v12, v4;
	[tilespmem:s25+$0x0] =	vst.add.f32.msk $0xffff, v58  }
0x1b4: {  	[tilespmem:s26+$0x0] =	vst.add.f32.msk $0xffff, v5;
	v5 =	vmul.f32 v13, v4  }
0x1b5: {  	v60 =	vmul.f32 v14, v4;
	[tilespmem:s28+$0x0] =	vst.add.f32.msk $0xffff, v59  }
0x1b6: {  	p3 =	sgt.s32 s17, $0x0;
	s19 =	sadd.s32 $0xFFFFFFFE, s16;
	[tilespmem:s29+$0x0] =	vst.add.f32.msk $0xffff, v5;
	v5 =	vmul.f32 v15, v4  }
0x1b7: {  	p2 =	por !p3, !p2;
	v61 =	vmul.f32 v16, v4;
	s5 =	sshrl.u32 s13, s19;
	[tilespmem:s30+$0x0] =	vst.add.f32.msk $0xffff, v60  }
0x1b8: {  	p2 =	por !p2, !p2;
	s19 =	simm.s32 $0x1;
	s11 =	sand.u32 $0x1, s5;
	[tilespmem:s31+$0x0] =	vst.add.f32.msk $0xffff, v5;
	v5 =	vmul.f32 v17, v4  }
0x1b9: {  	s19 =	simm.s32 @!p2 $0x0;
	v62 =	vmul.f32 v18, v4;
	p2 =	seq.s32 s11, $0x1;
	[tilespmem:s3+$0x0] =	vst.add.f32.msk $0xffff, v61  }
.Ltmp13:
0x1ba: {  	[tilespmem:s0+$0x0] =	vst.add.f32.msk $0xffff, v5;
	v5 =	vmul.f32 v19, v4;
	(pc) =	sbr.rel @!p2 .LBB2_17-.Ltmp13, $4  }
0x1bb: {  	v63 =	vmul.f32 v20, v4;
	[tilespmem:s14+$0x0] =	vst.add.f32.msk $0xffff, v62  }
0x1bc: {  	[tilespmem:s12+$0x0] =	vst.add.f32.msk $0xffff, v5  }
0x1bd: {  	[tilespmem:s7+$0x0] =	vst.add.f32.msk $0xffff, v63  }
0x1be: {  	s10 =	sadd.s32 s17, s10;
	s18 =	sadd.s32 s19, s18;
	[tilespmem:s8+$0x0] =	vst.add.f32.msk $0xffff, v4  }
0x1bf: {  	v4 =	vld [tilespmem:s2+$0xFFFFFFFE];
	_ =	sdelay $0x4  }
0x1c0: {  	(v2sf) =	vpush v4, $0x0;
	_ =	sdelay $0x9  }
0x1c1: {  	p3 =	sne.s32 s10, $0x0  }
.Ltmp14:
0x1c2: {  	_ = 	snop;
	(pc) =	sbr.rel @!p3 .LBB2_13-.Ltmp14, $2  }
0x1c3: {  	_ =	sdelay $0x2  }
0x1c4: {  	s17 =	spop (v2sf)  }
0x1c5: {  	p3 =	slt.s32 s10, $0x1  }
.Ltmp15:
0x1c6: {  	_ = 	snop;
	(pc) =	sbr.rel @p3 .LBB2_16-.Ltmp15, $1  }
0x1c7: {  	_ =	sdelay $0x3  }
0x1c8: {  	s5 =	sand.u32 $0x3, s18;
	p3 =	slt.s32 s18, $0x1  }
0x1c9: {  	p4 =	sne.s32 @!p3 s5, $0x0  }
0x1ca: {  	p3 =	por p4, p3  }
0x1cb: {  	s19 =	simm.s32 @!p3 $0x3  }
0x1cc: {  	_ =	swait.ge @!p3 [sflag:s19], $0x100  }
0x1cd: {  	[sflag:s19] =	ssyncset.done @!p3 $0x0  }
0x1ce: {  	[sflag:s19] =	ssyncadd.s32 @!p3 $0xFFFFFF00  }
0x1cf: {  	_ =	swait.ge @!p3 [sflag:s19], $0x100  }
0x1d0: {  	[sflag:s19] =	ssyncset.done @!p3 $0x0  }
0x1d1: {  	[sflag:s19] =	ssyncadd.s32 @!p3 $0xFFFFFF00  }
0x1d2: {  	_ =	swait.ge @!p3 [sflag:s19], $0x100  }
0x1d3: {  	[sflag:s19] =	ssyncset.done @!p3 $0x0  }
0x1d4: {  	[sflag:s19] =	ssyncadd.s32 @!p3 $0xFFFFFF00  }
0x1d5: {  	_ =	swait.ge @!p3 [sflag:s19], $0x100  }
0x1d6: {  	[sflag:s19] =	ssyncset.done @!p3 $0x0  }
0x1d7: {  	[sflag:s19] =	ssyncadd.s32 @!p3 $0xFFFFFF00  }
0x1d8: {  	v4 =	vld [tilespmem:$0x1A400];
	_ =	sdelay $0x4  }
0x1d9: {  	(erf) = vrcp.f32 v4;
	_ =	sdelay $0x4  }
0x1da: {  	v4 =	vld [tilespmem:$0x1A300];
	_ =	sdelay $0x3  }
0x1db: {  	v5 =	vpop (erf)  }
0x1dc: {  	v4 =	vmul.f32 v5, v4  }
0x1dd: {  	s5 =	sshll.u32 s5, $0x7  }
0x1de: {  	[tilespmem:s5+$0x19F00] =	vst v4  }
0x1df: {  	v4 =	vld [tilespmem:$0x1A310];
	_ =	sdelay $0x4  }
0x1e0: {  	v4 =	vmul.f32 v4, v5;
	_ =	sdelay $0x1  }
0x1e1: {  	[tilespmem:s5+$0x19F10] =	vst v4  }
0x1e2: {  	v4 =	vld [tilespmem:$0x1A320];
	_ =	sdelay $0x4  }
0x1e3: {  	v4 =	vmul.f32 v4, v5;
	_ =	sdelay $0x1  }
0x1e4: {  	[tilespmem:s5+$0x19F20] =	vst v4  }
0x1e5: {  	v4 =	vld [tilespmem:$0x1A330];
	_ =	sdelay $0x4  }
0x1e6: {  	v4 =	vmul.f32 v4, v5;
	_ =	sdelay $0x1  }
0x1e7: {  	[tilespmem:s5+$0x19F30] =	vst v4  }
0x1e8: {  	v4 =	vld [tilespmem:$0x1A340];
	_ =	sdelay $0x4  }
0x1e9: {  	v4 =	vmul.f32 v4, v5;
	_ =	sdelay $0x1  }
0x1ea: {  	[tilespmem:s5+$0x19F40] =	vst v4  }
0x1eb: {  	v4 =	vld [tilespmem:$0x1A350];
	_ =	sdelay $0x4  }
0x1ec: {  	v4 =	vmul.f32 v4, v5;
	_ =	sdelay $0x1  }
0x1ed: {  	[tilespmem:s5+$0x19F50] =	vst v4  }
0x1ee: {  	v4 =	vld [tilespmem:$0x1A360];
	_ =	sdelay $0x4  }
0x1ef: {  	v4 =	vmul.f32 v4, v5;
	_ =	sdelay $0x1  }
0x1f0: {  	[tilespmem:s5+$0x19F60] =	vst v4  }
0x1f1: {  	v4 =	vld [tilespmem:$0x1A370];
	_ =	sdelay $0x4  }
0x1f2: {  	v4 =	vmul.f32 v4, v5;
	_ =	sdelay $0x1  }
0x1f3: {  	[tilespmem:s5+$0x19F70] =	vst v4  }
0x1f4: {  	v4 =	vld [tilespmem:$0x1A380];
	_ =	sdelay $0x4  }
0x1f5: {  	v4 =	vmul.f32 v4, v5;
	_ =	sdelay $0x1  }
0x1f6: {  	[tilespmem:s5+$0x1A100] =	vst v4  }
0x1f7: {  	v4 =	vld [tilespmem:$0x1A390];
	_ =	sdelay $0x4  }
0x1f8: {  	v4 =	vmul.f32 v4, v5;
	_ =	sdelay $0x1  }
0x1f9: {  	[tilespmem:s5+$0x1A110] =	vst v4  }
0x1fa: {  	v4 =	vld [tilespmem:$0x1A3A0];
	_ =	sdelay $0x4  }
0x1fb: {  	v4 =	vmul.f32 v4, v5;
	_ =	sdelay $0x1  }
0x1fc: {  	[tilespmem:s5+$0x1A120] =	vst v4  }
0x1fd: {  	v4 =	vld [tilespmem:$0x1A3B0];
	_ =	sdelay $0x4  }
0x1fe: {  	v4 =	vmul.f32 v4, v5;
	_ =	sdelay $0x1  }
0x1ff: {  	[tilespmem:s5+$0x1A130] =	vst v4  }
0x200: {  	v4 =	vld [tilespmem:$0x1A3C0];
	_ =	sdelay $0x4  }
0x201: {  	v4 =	vmul.f32 v4, v5;
	_ =	sdelay $0x1  }
0x202: {  	[tilespmem:s5+$0x1A140] =	vst v4  }
0x203: {  	v4 =	vld [tilespmem:$0x1A3D0];
	_ =	sdelay $0x4  }
0x204: {  	v4 =	vmul.f32 v4, v5;
	_ =	sdelay $0x1  }
0x205: {  	[tilespmem:s5+$0x1A150] =	vst v4  }
0x206: {  	v4 =	vld [tilespmem:$0x1A3E0];
	_ =	sdelay $0x4  }
0x207: {  	v4 =	vmul.f32 v4, v5;
	_ =	sdelay $0x1  }
0x208: {  	[tilespmem:s5+$0x1A160] =	vst v4  }
0x209: {  	v4 =	vld [tilespmem:$0x1A3F0];
	_ =	sdelay $0x2  }
0x20a: {  	s15 =	sshll.u32 s17, $0x7;
	s19 =	sshll.u32 s17, $0x8  }
0x20b: {  	s17 =	sand.u32 $0x380, s15;
	s19 =	sand.u32 $0xFFFFF800, s19  }
0x20c: {  	s17 =	sor.u32 s17, s19;
	v4 =	vmul.f32 v4, v5  }
0x20d: {  	s15 =	rddreg [dreg:$0x3];
	s19 =	sadd.s32 $0x19F00, s5;
	s17 =	sshrl.u32 s17, $0x3  }
.Ltmp16:
0x20e: {  	s17 =	sadd.s32 s15, s17;
	s15 =	simm.s32 $0x0;
	[tilespmem:s5+$0x1A170] =	vst v4;
	(pc) =	sbr.rel .LBB2_16-.Ltmp16, $4  }
0x20f: {  	[hbm4b:s17+s15] =	stream.linear.scatter [tilespmem:s19], [sflag:$0x3], $0x80, $0x38;
	[tilespmem:$0x1A600] =	vst v63  }
0x210: {  	s5 =	sadd.s32 $0x1A100, s5;
	s17 =	sadd.s32 $0x80, s17  }
0x211: {  	[hbm4b:s17+s15] =	stream.linear.scatter [tilespmem:s5], [sflag:$0x3], $0x80, $0x38;
	[tilespmem:$0x1A600] =	vst v63  }
0x212: {  	s15 =	simm.s32 $0x19200  }
.LBB2_13:
0x213: {  	v5 =	vld [tilespmem:$0x1A300];
	v4 =	vcvt.s32.f32 v4  }
0x214: {  	v6 =	vld [tilespmem:$0x1A310]  }
0x215: {  	v7 =	vld [tilespmem:$0x1A320];
	v4 =	vbroadcast v4, $0x0  }
0x216: {  	v8 =	vld [tilespmem:$0x1A330]  }
0x217: {  	v9 =	vld [tilespmem:$0x1A340];
	[tilespmem:$0x1A590] =	vst v4  }
0x218: {  	v55 =	vld [tilespmem:$0x1A360];
	[tilespmem:$0x1A480] =	vst v5  }
0x219: {  	v5 =	vld [tilespmem:$0x1A350];
	[tilespmem:$0x1A490] =	vst v6  }
0x21a: {  	v56 =	vld [tilespmem:$0x1A370];
	[tilespmem:$0x1A4A0] =	vst v7  }
0x21b: {  	v57 =	vld [tilespmem:$0x1A380];
	[tilespmem:$0x1A4B0] =	vst v8  }
0x21c: {  	v58 =	vld [tilespmem:$0x1A390];
	[tilespmem:$0x1A4C0] =	vst v9  }
0x21d: {  	v59 =	vld [tilespmem:$0x1A3B0];
	[tilespmem:$0x1A4E0] =	vst v55  }
0x21e: {  	[tilespmem:$0x1A4D0] =	vst v5;
	v5 =	vld [tilespmem:$0x1A3A0]  }
0x21f: {  	v60 =	vld [tilespmem:$0x1A3C0];
	[tilespmem:$0x1A4F0] =	vst v56  }
0x220: {  	v61 =	vld [tilespmem:$0x1A3D0];
	[tilespmem:$0x1A500] =	vst v57  }
0x221: {  	v62 =	vld [tilespmem:$0x1A3E0];
	[tilespmem:$0x1A510] =	vst v58  }
0x222: {  	v63 =	vld [tilespmem:$0x1A400];
	[tilespmem:$0x1A530] =	vst v59  }
0x223: {  	[tilespmem:$0x1A520] =	vst v5;
	v5 =	vld [tilespmem:$0x1A3F0]  }
0x224: {  	[tilespmem:$0x1A540] =	vst v60  }
0x225: {  	[tilespmem:$0x1A550] =	vst v61  }
0x226: {  	[tilespmem:$0x1A560] =	vst v62  }
0x227: {  	s5 =	rddreg [dreg:$0xa];
	[tilespmem:$0x1A580] =	vst v63  }
0x228: {  	s17 =	simm.s32 $0x80;
	s19 =	simm.s32 $0x400;
	s20 =	simm.s32 $0x1A480;
	[tilespmem:$0x1A570] =	vst v5  }
0x229: {  	[hbm4b:s5+s17] =	stream.strided.scatter [tilespmem:s20], [sflag:$0x4], $0x180, s19, s17, $0x38;
	[tilespmem:$0x1A600] =	vst v63  }
0x22a: {  	s20 =	simm.s32 $0x4  }
0x22b: {  	_ =	swait.ge [sflag:s20], $0x180  }
0x22c: {  	[sflag:s20] =	ssyncset.done $0x0  }
0x22d: {  	[sflag:s20] =	ssyncadd.s32 $0xFFFFFE80  }
.LBB2_16:
0x22e: {  	[tilespmem:$0x1A300] =	vst v0  }
0x22f: {  	[tilespmem:$0x1A310] =	vst v0  }
0x230: {  	[tilespmem:$0x1A320] =	vst v0  }
0x231: {  	[tilespmem:$0x1A330] =	vst v0  }
0x232: {  	[tilespmem:$0x1A340] =	vst v0  }
0x233: {  	[tilespmem:$0x1A350] =	vst v0  }
0x234: {  	[tilespmem:$0x1A360] =	vst v0  }
0x235: {  	[tilespmem:$0x1A370] =	vst v0  }
0x236: {  	[tilespmem:$0x1A380] =	vst v0  }
0x237: {  	[tilespmem:$0x1A390] =	vst v0  }
0x238: {  	[tilespmem:$0x1A3A0] =	vst v0  }
0x239: {  	[tilespmem:$0x1A3B0] =	vst v0  }
0x23a: {  	[tilespmem:$0x1A3C0] =	vst v0  }
0x23b: {  	[tilespmem:$0x1A3D0] =	vst v0  }
0x23c: {  	[tilespmem:$0x1A3E0] =	vst v0  }
0x23d: {  	[tilespmem:$0x1A3F0] =	vst v0  }
0x23e: {  	[tilespmem:$0x1A400] =	vst v0  }
.LBB2_17:
0x23f: {  	s5 =	sadd.s32 $0x8, s1;
	s19 =	sadd.s32 $0x100, s9;
	s17 =	sadd.s32 $0x80, s4  }
0x240: {  	v4 =	vmov s5;
	s5 =	sand.u32 $0x1F800, s19;
	s17 =	sand.u32 $0x280, s17  }
0x241: {  	s5 =	sor.u32 s17, s5  }
0x242: {  	v5 =	vld [tilespmem:s5+$0x0]  }
0x243: {  	v6 =	vld [tilespmem:s5+$0x10]  }
0x244: {  	v7 =	vld [tilespmem:s5+$0x20]  }
0x245: {  	v4 =	vand.u32 $0xFFFFFFF8, v4;
	v8 =	vld [tilespmem:s5+$0x30]  }
0x246: {  	v4 =	vbroadcast v4, $0x0;
	v9 =	vld [tilespmem:s5+$0x40]  }
0x247: {  	v10 =	vld [tilespmem:s5+$0x50]  }
0x248: {  	v11 =	vld [tilespmem:s5+$0x60]  }
0x249: {  	v12 =	vld [tilespmem:s5+$0x70]  }
0x24a: {  	v13 =	vld [tilespmem:s5+$0x400]  }
0x24b: {  	v14 =	vld [tilespmem:s5+$0x410]  }
0x24c: {  	v4 =	vld.idx.msk [tilespmem:v4+s15+$0x0], $0xffff  }
0x24d: {  	v15 =	vld [tilespmem:s5+$0x420]  }
0x24e: {  	v16 =	vld [tilespmem:s5+$0x430]  }
0x24f: {  	v17 =	vld [tilespmem:s5+$0x440]  }
0x250: {  	v18 =	vld [tilespmem:s5+$0x450]  }
0x251: {  	v19 =	vld [tilespmem:s5+$0x460];
	v5 =	vmul.f32 v5, v4  }
0x252: {  	s17 =	simm.s32 $0x1A300;
	v20 =	vld [tilespmem:s5+$0x470];
	v6 =	vmul.f32 v6, v4  }
0x253: {  	[tilespmem:s17+$0x0] =	vst.add.f32.msk $0xffff, v5;
	v5 =	vmul.f32 v7, v4  }
0x254: {  	v57 =	vmul.f32 v8, v4;
	[tilespmem:s21+$0x0] =	vst.add.f32.msk $0xffff, v6  }
0x255: {  	[tilespmem:s22+$0x0] =	vst.add.f32.msk $0xffff, v5;
	v5 =	vmul.f32 v9, v4  }
0x256: {  	v58 =	vmul.f32 v10, v4;
	[tilespmem:s23+$0x0] =	vst.add.f32.msk $0xffff, v57  }
0x257: {  	[tilespmem:s24+$0x0] =	vst.add.f32.msk $0xffff, v5;
	v5 =	vmul.f32 v11, v4  }
0x258: {  	v59 =	vmul.f32 v12, v4;
	[tilespmem:s25+$0x0] =	vst.add.f32.msk $0xffff, v58  }
0x259: {  	[tilespmem:s26+$0x0] =	vst.add.f32.msk $0xffff, v5;
	v5 =	vmul.f32 v13, v4  }
0x25a: {  	v60 =	vmul.f32 v14, v4;
	[tilespmem:s28+$0x0] =	vst.add.f32.msk $0xffff, v59  }
0x25b: {  	p3 =	sgt.s32 s10, $0x0;
	s19 =	sadd.s32 $0xFFFFFFFF, s16;
	[tilespmem:s29+$0x0] =	vst.add.f32.msk $0xffff, v5;
	v5 =	vmul.f32 v15, v4  }
0x25c: {  	p2 =	por !p3, !p2;
	s5 =	sshrl.u32 s13, s19;
	v61 =	vmul.f32 v16, v4;
	[tilespmem:s30+$0x0] =	vst.add.f32.msk $0xffff, v60  }
0x25d: {  	p2 =	por !p2, !p2;
	s19 =	simm.s32 $0x1;
	s17 =	sand.u32 $0x1, s5;
	[tilespmem:s31+$0x0] =	vst.add.f32.msk $0xffff, v5;
	v5 =	vmul.f32 v17, v4  }
0x25e: {  	s19 =	simm.s32 @!p2 $0x0;
	v62 =	vmul.f32 v18, v4;
	p2 =	seq.s32 s17, $0x1;
	[tilespmem:s3+$0x0] =	vst.add.f32.msk $0xffff, v61  }
.Ltmp17:
0x25f: {  	[tilespmem:s0+$0x0] =	vst.add.f32.msk $0xffff, v5;
	v5 =	vmul.f32 v19, v4;
	(pc) =	sbr.rel @!p2 .LBB2_23-.Ltmp17, $4  }
0x260: {  	v63 =	vmul.f32 v20, v4;
	[tilespmem:s14+$0x0] =	vst.add.f32.msk $0xffff, v62  }
0x261: {  	[tilespmem:s12+$0x0] =	vst.add.f32.msk $0xffff, v5  }
0x262: {  	[tilespmem:s7+$0x0] =	vst.add.f32.msk $0xffff, v63  }
0x263: {  	s11 =	sadd.s32 s11, s10;
	s18 =	sadd.s32 s19, s18;
	[tilespmem:s8+$0x0] =	vst.add.f32.msk $0xffff, v4  }
0x264: {  	v4 =	vld [tilespmem:s2+$0xFFFFFFFF];
	_ =	sdelay $0x4  }
0x265: {  	(v2sf) =	vpush v4, $0x0;
	_ =	sdelay $0x9  }
0x266: {  	p3 =	sne.s32 s11, $0x0  }
.Ltmp18:
0x267: {  	_ = 	snop;
	(pc) =	sbr.rel @!p3 .LBB2_19-.Ltmp18, $2  }
0x268: {  	_ =	sdelay $0x2  }
0x269: {  	s10 =	spop (v2sf)  }
0x26a: {  	p3 =	slt.s32 s11, $0x1  }
.Ltmp19:
0x26b: {  	_ = 	snop;
	(pc) =	sbr.rel @p3 .LBB2_22-.Ltmp19, $1  }
0x26c: {  	_ =	sdelay $0x3  }
0x26d: {  	s5 =	sand.u32 $0x3, s18;
	p3 =	slt.s32 s18, $0x1  }
0x26e: {  	p4 =	sne.s32 @!p3 s5, $0x0  }
0x26f: {  	p3 =	por p4, p3  }
0x270: {  	s19 =	simm.s32 @!p3 $0x3  }
0x271: {  	_ =	swait.ge @!p3 [sflag:s19], $0x100  }
0x272: {  	[sflag:s19] =	ssyncset.done @!p3 $0x0  }
0x273: {  	[sflag:s19] =	ssyncadd.s32 @!p3 $0xFFFFFF00  }
0x274: {  	_ =	swait.ge @!p3 [sflag:s19], $0x100  }
0x275: {  	[sflag:s19] =	ssyncset.done @!p3 $0x0  }
0x276: {  	[sflag:s19] =	ssyncadd.s32 @!p3 $0xFFFFFF00  }
0x277: {  	_ =	swait.ge @!p3 [sflag:s19], $0x100  }
0x278: {  	[sflag:s19] =	ssyncset.done @!p3 $0x0  }
0x279: {  	[sflag:s19] =	ssyncadd.s32 @!p3 $0xFFFFFF00  }
0x27a: {  	_ =	swait.ge @!p3 [sflag:s19], $0x100  }
0x27b: {  	[sflag:s19] =	ssyncset.done @!p3 $0x0  }
0x27c: {  	[sflag:s19] =	ssyncadd.s32 @!p3 $0xFFFFFF00  }
0x27d: {  	v4 =	vld [tilespmem:$0x1A400];
	_ =	sdelay $0x4  }
0x27e: {  	(erf) = vrcp.f32 v4;
	_ =	sdelay $0x4  }
0x27f: {  	v4 =	vld [tilespmem:$0x1A300];
	_ =	sdelay $0x3  }
0x280: {  	v5 =	vpop (erf)  }
0x281: {  	v4 =	vmul.f32 v5, v4  }
0x282: {  	s5 =	sshll.u32 s5, $0x7  }
0x283: {  	[tilespmem:s5+$0x19F00] =	vst v4  }
0x284: {  	v4 =	vld [tilespmem:$0x1A310];
	_ =	sdelay $0x4  }
0x285: {  	v4 =	vmul.f32 v4, v5;
	_ =	sdelay $0x1  }
0x286: {  	[tilespmem:s5+$0x19F10] =	vst v4  }
0x287: {  	v4 =	vld [tilespmem:$0x1A320];
	_ =	sdelay $0x4  }
0x288: {  	v4 =	vmul.f32 v4, v5;
	_ =	sdelay $0x1  }
0x289: {  	[tilespmem:s5+$0x19F20] =	vst v4  }
0x28a: {  	v4 =	vld [tilespmem:$0x1A330];
	_ =	sdelay $0x4  }
0x28b: {  	v4 =	vmul.f32 v4, v5;
	_ =	sdelay $0x1  }
0x28c: {  	[tilespmem:s5+$0x19F30] =	vst v4  }
0x28d: {  	v4 =	vld [tilespmem:$0x1A340];
	_ =	sdelay $0x4  }
0x28e: {  	v4 =	vmul.f32 v4, v5;
	_ =	sdelay $0x1  }
0x28f: {  	[tilespmem:s5+$0x19F40] =	vst v4  }
0x290: {  	v4 =	vld [tilespmem:$0x1A350];
	_ =	sdelay $0x4  }
0x291: {  	v4 =	vmul.f32 v4, v5;
	_ =	sdelay $0x1  }
0x292: {  	[tilespmem:s5+$0x19F50] =	vst v4  }
0x293: {  	v4 =	vld [tilespmem:$0x1A360];
	_ =	sdelay $0x4  }
0x294: {  	v4 =	vmul.f32 v4, v5;
	_ =	sdelay $0x1  }
0x295: {  	[tilespmem:s5+$0x19F60] =	vst v4  }
0x296: {  	v4 =	vld [tilespmem:$0x1A370];
	_ =	sdelay $0x4  }
0x297: {  	v4 =	vmul.f32 v4, v5;
	_ =	sdelay $0x1  }
0x298: {  	[tilespmem:s5+$0x19F70] =	vst v4  }
0x299: {  	v4 =	vld [tilespmem:$0x1A380];
	_ =	sdelay $0x4  }
0x29a: {  	v4 =	vmul.f32 v4, v5;
	_ =	sdelay $0x1  }
0x29b: {  	[tilespmem:s5+$0x1A100] =	vst v4  }
0x29c: {  	v4 =	vld [tilespmem:$0x1A390];
	_ =	sdelay $0x4  }
0x29d: {  	v4 =	vmul.f32 v4, v5;
	_ =	sdelay $0x1  }
0x29e: {  	[tilespmem:s5+$0x1A110] =	vst v4  }
0x29f: {  	v4 =	vld [tilespmem:$0x1A3A0];
	_ =	sdelay $0x4  }
0x2a0: {  	v4 =	vmul.f32 v4, v5;
	_ =	sdelay $0x1  }
0x2a1: {  	[tilespmem:s5+$0x1A120] =	vst v4  }
0x2a2: {  	v4 =	vld [tilespmem:$0x1A3B0];
	_ =	sdelay $0x4  }
0x2a3: {  	v4 =	vmul.f32 v4, v5;
	_ =	sdelay $0x1  }
0x2a4: {  	[tilespmem:s5+$0x1A130] =	vst v4  }
0x2a5: {  	v4 =	vld [tilespmem:$0x1A3C0];
	_ =	sdelay $0x4  }
0x2a6: {  	v4 =	vmul.f32 v4, v5;
	_ =	sdelay $0x1  }
0x2a7: {  	[tilespmem:s5+$0x1A140] =	vst v4  }
0x2a8: {  	v4 =	vld [tilespmem:$0x1A3D0];
	_ =	sdelay $0x4  }
0x2a9: {  	v4 =	vmul.f32 v4, v5;
	_ =	sdelay $0x1  }
0x2aa: {  	[tilespmem:s5+$0x1A150] =	vst v4  }
0x2ab: {  	v4 =	vld [tilespmem:$0x1A3E0];
	_ =	sdelay $0x4  }
0x2ac: {  	v4 =	vmul.f32 v4, v5;
	_ =	sdelay $0x1  }
0x2ad: {  	[tilespmem:s5+$0x1A160] =	vst v4  }
0x2ae: {  	v4 =	vld [tilespmem:$0x1A3F0];
	_ =	sdelay $0x2  }
0x2af: {  	s15 =	sshll.u32 s10, $0x7;
	s19 =	sshll.u32 s10, $0x8  }
0x2b0: {  	s10 =	sand.u32 $0x380, s15;
	s19 =	sand.u32 $0xFFFFF800, s19  }
0x2b1: {  	s10 =	sor.u32 s10, s19;
	v4 =	vmul.f32 v4, v5  }
0x2b2: {  	s15 =	rddreg [dreg:$0x3];
	s19 =	sadd.s32 $0x19F00, s5;
	s10 =	sshrl.u32 s10, $0x3  }
.Ltmp20:
0x2b3: {  	s10 =	sadd.s32 s15, s10;
	s15 =	simm.s32 $0x0;
	[tilespmem:s5+$0x1A170] =	vst v4;
	(pc) =	sbr.rel .LBB2_22-.Ltmp20, $4  }
0x2b4: {  	[hbm4b:s10+s15] =	stream.linear.scatter [tilespmem:s19], [sflag:$0x3], $0x80, $0x38;
	[tilespmem:$0x1A600] =	vst v63  }
0x2b5: {  	s5 =	sadd.s32 $0x1A100, s5;
	s10 =	sadd.s32 $0x80, s10  }
0x2b6: {  	[hbm4b:s10+s15] =	stream.linear.scatter [tilespmem:s5], [sflag:$0x3], $0x80, $0x38;
	[tilespmem:$0x1A600] =	vst v63  }
0x2b7: {  	s15 =	simm.s32 $0x19200  }
.LBB2_19:
0x2b8: {  	v5 =	vld [tilespmem:$0x1A300];
	v4 =	vcvt.s32.f32 v4  }
0x2b9: {  	v6 =	vld [tilespmem:$0x1A310]  }
0x2ba: {  	v7 =	vld [tilespmem:$0x1A320];
	v4 =	vbroadcast v4, $0x0  }
0x2bb: {  	v8 =	vld [tilespmem:$0x1A330]  }
0x2bc: {  	v9 =	vld [tilespmem:$0x1A340];
	[tilespmem:$0x1A590] =	vst v4  }
0x2bd: {  	v55 =	vld [tilespmem:$0x1A360];
	[tilespmem:$0x1A480] =	vst v5  }
0x2be: {  	v5 =	vld [tilespmem:$0x1A350];
	[tilespmem:$0x1A490] =	vst v6  }
0x2bf: {  	v56 =	vld [tilespmem:$0x1A370];
	[tilespmem:$0x1A4A0] =	vst v7  }
0x2c0: {  	v57 =	vld [tilespmem:$0x1A380];
	[tilespmem:$0x1A4B0] =	vst v8  }
0x2c1: {  	v58 =	vld [tilespmem:$0x1A390];
	[tilespmem:$0x1A4C0] =	vst v9  }
0x2c2: {  	v59 =	vld [tilespmem:$0x1A3B0];
	[tilespmem:$0x1A4E0] =	vst v55  }
0x2c3: {  	[tilespmem:$0x1A4D0] =	vst v5;
	v5 =	vld [tilespmem:$0x1A3A0]  }
0x2c4: {  	v60 =	vld [tilespmem:$0x1A3C0];
	[tilespmem:$0x1A4F0] =	vst v56  }
0x2c5: {  	v61 =	vld [tilespmem:$0x1A3D0];
	[tilespmem:$0x1A500] =	vst v57  }
0x2c6: {  	v62 =	vld [tilespmem:$0x1A3E0];
	[tilespmem:$0x1A510] =	vst v58  }
0x2c7: {  	v63 =	vld [tilespmem:$0x1A400];
	[tilespmem:$0x1A530] =	vst v59  }
0x2c8: {  	[tilespmem:$0x1A520] =	vst v5;
	v5 =	vld [tilespmem:$0x1A3F0]  }
0x2c9: {  	[tilespmem:$0x1A540] =	vst v60  }
0x2ca: {  	[tilespmem:$0x1A550] =	vst v61  }
0x2cb: {  	[tilespmem:$0x1A560] =	vst v62  }
0x2cc: {  	s5 =	rddreg [dreg:$0xa];
	[tilespmem:$0x1A580] =	vst v63  }
0x2cd: {  	s10 =	simm.s32 $0x80;
	s19 =	simm.s32 $0x400;
	s20 =	simm.s32 $0x1A480;
	[tilespmem:$0x1A570] =	vst v5  }
0x2ce: {  	[hbm4b:s5+s10] =	stream.strided.scatter [tilespmem:s20], [sflag:$0x4], $0x180, s19, s10, $0x38;
	[tilespmem:$0x1A600] =	vst v63  }
0x2cf: {  	s20 =	simm.s32 $0x4  }
0x2d0: {  	_ =	swait.ge [sflag:s20], $0x180  }
0x2d1: {  	[sflag:s20] =	ssyncset.done $0x0  }
0x2d2: {  	[sflag:s20] =	ssyncadd.s32 $0xFFFFFE80  }
.LBB2_22:
0x2d3: {  	[tilespmem:$0x1A300] =	vst v0  }
0x2d4: {  	[tilespmem:$0x1A310] =	vst v0  }
0x2d5: {  	[tilespmem:$0x1A320] =	vst v0  }
0x2d6: {  	[tilespmem:$0x1A330] =	vst v0  }
0x2d7: {  	[tilespmem:$0x1A340] =	vst v0  }
0x2d8: {  	[tilespmem:$0x1A350] =	vst v0  }
0x2d9: {  	[tilespmem:$0x1A360] =	vst v0  }
0x2da: {  	[tilespmem:$0x1A370] =	vst v0  }
0x2db: {  	[tilespmem:$0x1A380] =	vst v0  }
0x2dc: {  	[tilespmem:$0x1A390] =	vst v0  }
0x2dd: {  	[tilespmem:$0x1A3A0] =	vst v0  }
0x2de: {  	[tilespmem:$0x1A3B0] =	vst v0  }
0x2df: {  	[tilespmem:$0x1A3C0] =	vst v0  }
0x2e0: {  	[tilespmem:$0x1A3D0] =	vst v0  }
0x2e1: {  	[tilespmem:$0x1A3E0] =	vst v0  }
0x2e2: {  	[tilespmem:$0x1A3F0] =	vst v0  }
0x2e3: {  	[tilespmem:$0x1A400] =	vst v0  }
.LBB2_23:
0x2e4: {  	s5 =	sadd.s32 $0x10, s1;
	s19 =	sadd.s32 $0x200, s9;
	s10 =	sadd.s32 $0x100, s4  }
0x2e5: {  	v4 =	vmov s5;
	s5 =	sand.u32 $0x1F800, s19;
	s10 =	sand.u32 $0x300, s10  }
0x2e6: {  	s5 =	sor.u32 s10, s5  }
0x2e7: {  	v5 =	vld [tilespmem:s5+$0x0]  }
0x2e8: {  	v6 =	vld [tilespmem:s5+$0x10]  }
0x2e9: {  	v7 =	vld [tilespmem:s5+$0x20]  }
0x2ea: {  	v4 =	vand.u32 $0xFFFFFFF8, v4;
	v8 =	vld [tilespmem:s5+$0x30]  }
0x2eb: {  	v4 =	vbroadcast v4, $0x0;
	v9 =	vld [tilespmem:s5+$0x40]  }
0x2ec: {  	v10 =	vld [tilespmem:s5+$0x50]  }
0x2ed: {  	v11 =	vld [tilespmem:s5+$0x60]  }
0x2ee: {  	v12 =	vld [tilespmem:s5+$0x70]  }
0x2ef: {  	v13 =	vld [tilespmem:s5+$0x400]  }
0x2f0: {  	v14 =	vld [tilespmem:s5+$0x410]  }
0x2f1: {  	v4 =	vld.idx.msk [tilespmem:v4+s15+$0x0], $0xffff  }
0x2f2: {  	v15 =	vld [tilespmem:s5+$0x420]  }
0x2f3: {  	v16 =	vld [tilespmem:s5+$0x430]  }
0x2f4: {  	v17 =	vld [tilespmem:s5+$0x440]  }
0x2f5: {  	v18 =	vld [tilespmem:s5+$0x450]  }
0x2f6: {  	v19 =	vld [tilespmem:s5+$0x460];
	v5 =	vmul.f32 v5, v4  }
0x2f7: {  	s19 =	simm.s32 $0x1A300;
	v20 =	vld [tilespmem:s5+$0x470];
	v6 =	vmul.f32 v6, v4  }
0x2f8: {  	[tilespmem:s19+$0x0] =	vst.add.f32.msk $0xffff, v5;
	v5 =	vmul.f32 v7, v4  }
0x2f9: {  	v57 =	vmul.f32 v8, v4;
	[tilespmem:s21+$0x0] =	vst.add.f32.msk $0xffff, v6  }
0x2fa: {  	[tilespmem:s22+$0x0] =	vst.add.f32.msk $0xffff, v5;
	v5 =	vmul.f32 v9, v4  }
0x2fb: {  	v58 =	vmul.f32 v10, v4;
	[tilespmem:s23+$0x0] =	vst.add.f32.msk $0xffff, v57  }
0x2fc: {  	[tilespmem:s24+$0x0] =	vst.add.f32.msk $0xffff, v5;
	v5 =	vmul.f32 v11, v4  }
0x2fd: {  	v59 =	vmul.f32 v12, v4;
	[tilespmem:s25+$0x0] =	vst.add.f32.msk $0xffff, v58  }
0x2fe: {  	[tilespmem:s26+$0x0] =	vst.add.f32.msk $0xffff, v5;
	v5 =	vmul.f32 v13, v4  }
0x2ff: {  	v60 =	vmul.f32 v14, v4;
	[tilespmem:s28+$0x0] =	vst.add.f32.msk $0xffff, v59  }
0x300: {  	p3 =	sgt.s32 s11, $0x0;
	[tilespmem:s29+$0x0] =	vst.add.f32.msk $0xffff, v5;
	v5 =	vmul.f32 v15, v4  }
0x301: {  	p2 =	por !p3, !p2;
	s10 =	sshrl.u32 s13, s16;
	v61 =	vmul.f32 v16, v4;
	[tilespmem:s30+$0x0] =	vst.add.f32.msk $0xffff, v60  }
0x302: {  	p2 =	por !p2, !p2;
	s10 =	sand.u32 $0x1, s10;
	s19 =	simm.s32 $0x1;
	[tilespmem:s31+$0x0] =	vst.add.f32.msk $0xffff, v5;
	v5 =	vmul.f32 v17, v4  }
0x303: {  	v62 =	vmul.f32 v18, v4;
	s19 =	simm.s32 @!p2 $0x0;
	p2 =	seq.s32 s10, $0x1;
	[tilespmem:s3+$0x0] =	vst.add.f32.msk $0xffff, v61  }
.Ltmp21:
0x304: {  	[tilespmem:s0+$0x0] =	vst.add.f32.msk $0xffff, v5;
	v5 =	vmul.f32 v19, v4;
	(pc) =	sbr.rel @!p2 .LBB2_29-.Ltmp21, $4  }
0x305: {  	v63 =	vmul.f32 v20, v4;
	[tilespmem:s14+$0x0] =	vst.add.f32.msk $0xffff, v62  }
0x306: {  	[tilespmem:s12+$0x0] =	vst.add.f32.msk $0xffff, v5  }
0x307: {  	s11 =	sadd.s32 s17, s11;
	[tilespmem:s7+$0x0] =	vst.add.f32.msk $0xffff, v63  }
0x308: {  	p3 =	sgt.s32 s11, $0x0;
	s17 =	sadd.s32 s19, s18;
	[tilespmem:s8+$0x0] =	vst.add.f32.msk $0xffff, v4  }
0x309: {  	v4 =	vld [tilespmem:s2+$0x0];
	_ =	sdelay $0x4  }
0x30a: {  	(v2sf) =	vpush v4, $0x0;
	_ =	sdelay $0x9  }
0x30b: {  	p4 =	sne.s32 s11, $0x0  }
.Ltmp22:
0x30c: {  	_ = 	snop;
	(pc) =	sbr.rel @!p4 .LBB2_25-.Ltmp22, $2  }
0x30d: {  	_ =	sdelay $0x2  }
0x30e: {  	s18 =	spop (v2sf)  }
0x30f: {  	p4 =	slt.s32 s11, $0x1  }
.Ltmp23:
0x310: {  	_ = 	snop;
	(pc) =	sbr.rel @p4 .LBB2_28-.Ltmp23, $1  }
0x311: {  	_ =	sdelay $0x3  }
0x312: {  	s5 =	sand.u32 $0x3, s17;
	p4 =	slt.s32 s17, $0x1  }
0x313: {  	p5 =	sne.s32 @!p4 s5, $0x0  }
0x314: {  	p4 =	por p5, p4  }
0x315: {  	s19 =	simm.s32 @!p4 $0x3  }
0x316: {  	_ =	swait.ge @!p4 [sflag:s19], $0x100  }
0x317: {  	[sflag:s19] =	ssyncset.done @!p4 $0x0  }
0x318: {  	[sflag:s19] =	ssyncadd.s32 @!p4 $0xFFFFFF00  }
0x319: {  	_ =	swait.ge @!p4 [sflag:s19], $0x100  }
0x31a: {  	[sflag:s19] =	ssyncset.done @!p4 $0x0  }
0x31b: {  	[sflag:s19] =	ssyncadd.s32 @!p4 $0xFFFFFF00  }
0x31c: {  	_ =	swait.ge @!p4 [sflag:s19], $0x100  }
0x31d: {  	[sflag:s19] =	ssyncset.done @!p4 $0x0  }
0x31e: {  	[sflag:s19] =	ssyncadd.s32 @!p4 $0xFFFFFF00  }
0x31f: {  	_ =	swait.ge @!p4 [sflag:s19], $0x100  }
0x320: {  	[sflag:s19] =	ssyncset.done @!p4 $0x0  }
0x321: {  	[sflag:s19] =	ssyncadd.s32 @!p4 $0xFFFFFF00  }
0x322: {  	v4 =	vld [tilespmem:$0x1A400];
	_ =	sdelay $0x4  }
0x323: {  	(erf) = vrcp.f32 v4;
	_ =	sdelay $0x4  }
0x324: {  	v4 =	vld [tilespmem:$0x1A300];
	_ =	sdelay $0x3  }
0x325: {  	v5 =	vpop (erf)  }
0x326: {  	v4 =	vmul.f32 v5, v4  }
0x327: {  	s5 =	sshll.u32 s5, $0x7  }
0x328: {  	[tilespmem:s5+$0x19F00] =	vst v4  }
0x329: {  	v4 =	vld [tilespmem:$0x1A310];
	_ =	sdelay $0x4  }
0x32a: {  	v4 =	vmul.f32 v4, v5;
	_ =	sdelay $0x1  }
0x32b: {  	[tilespmem:s5+$0x19F10] =	vst v4  }
0x32c: {  	v4 =	vld [tilespmem:$0x1A320];
	_ =	sdelay $0x4  }
0x32d: {  	v4 =	vmul.f32 v4, v5;
	_ =	sdelay $0x1  }
0x32e: {  	[tilespmem:s5+$0x19F20] =	vst v4  }
0x32f: {  	v4 =	vld [tilespmem:$0x1A330];
	_ =	sdelay $0x4  }
0x330: {  	v4 =	vmul.f32 v4, v5;
	_ =	sdelay $0x1  }
0x331: {  	[tilespmem:s5+$0x19F30] =	vst v4  }
0x332: {  	v4 =	vld [tilespmem:$0x1A340];
	_ =	sdelay $0x4  }
0x333: {  	v4 =	vmul.f32 v4, v5;
	_ =	sdelay $0x1  }
0x334: {  	[tilespmem:s5+$0x19F40] =	vst v4  }
0x335: {  	v4 =	vld [tilespmem:$0x1A350];
	_ =	sdelay $0x4  }
0x336: {  	v4 =	vmul.f32 v4, v5;
	_ =	sdelay $0x1  }
0x337: {  	[tilespmem:s5+$0x19F50] =	vst v4  }
0x338: {  	v4 =	vld [tilespmem:$0x1A360];
	_ =	sdelay $0x4  }
0x339: {  	v4 =	vmul.f32 v4, v5;
	_ =	sdelay $0x1  }
0x33a: {  	[tilespmem:s5+$0x19F60] =	vst v4  }
0x33b: {  	v4 =	vld [tilespmem:$0x1A370];
	_ =	sdelay $0x4  }
0x33c: {  	v4 =	vmul.f32 v4, v5;
	_ =	sdelay $0x1  }
0x33d: {  	[tilespmem:s5+$0x19F70] =	vst v4  }
0x33e: {  	v4 =	vld [tilespmem:$0x1A380];
	_ =	sdelay $0x4  }
0x33f: {  	v4 =	vmul.f32 v4, v5;
	_ =	sdelay $0x1  }
0x340: {  	[tilespmem:s5+$0x1A100] =	vst v4  }
0x341: {  	v4 =	vld [tilespmem:$0x1A390];
	_ =	sdelay $0x4  }
0x342: {  	v4 =	vmul.f32 v4, v5;
	_ =	sdelay $0x1  }
0x343: {  	[tilespmem:s5+$0x1A110] =	vst v4  }
0x344: {  	v4 =	vld [tilespmem:$0x1A3A0];
	_ =	sdelay $0x4  }
0x345: {  	v4 =	vmul.f32 v4, v5;
	_ =	sdelay $0x1  }
0x346: {  	[tilespmem:s5+$0x1A120] =	vst v4  }
0x347: {  	v4 =	vld [tilespmem:$0x1A3B0];
	_ =	sdelay $0x4  }
0x348: {  	v4 =	vmul.f32 v4, v5;
	_ =	sdelay $0x1  }
0x349: {  	[tilespmem:s5+$0x1A130] =	vst v4  }
0x34a: {  	v4 =	vld [tilespmem:$0x1A3C0];
	_ =	sdelay $0x4  }
0x34b: {  	v4 =	vmul.f32 v4, v5;
	_ =	sdelay $0x1  }
0x34c: {  	[tilespmem:s5+$0x1A140] =	vst v4  }
0x34d: {  	v4 =	vld [tilespmem:$0x1A3D0];
	_ =	sdelay $0x4  }
0x34e: {  	v4 =	vmul.f32 v4, v5;
	_ =	sdelay $0x1  }
0x34f: {  	[tilespmem:s5+$0x1A150] =	vst v4  }
0x350: {  	v4 =	vld [tilespmem:$0x1A3E0];
	_ =	sdelay $0x4  }
0x351: {  	v4 =	vmul.f32 v4, v5;
	_ =	sdelay $0x1  }
0x352: {  	[tilespmem:s5+$0x1A160] =	vst v4  }
0x353: {  	v4 =	vld [tilespmem:$0x1A3F0];
	_ =	sdelay $0x2  }
0x354: {  	s15 =	sshll.u32 s18, $0x7;
	s19 =	sshll.u32 s18, $0x8  }
0x355: {  	s18 =	sand.u32 $0x380, s15;
	s19 =	sand.u32 $0xFFFFF800, s19  }
0x356: {  	s18 =	sor.u32 s18, s19;
	v4 =	vmul.f32 v4, v5  }
0x357: {  	s15 =	rddreg [dreg:$0x3];
	s19 =	sadd.s32 $0x19F00, s5;
	s18 =	sshrl.u32 s18, $0x3  }
.Ltmp24:
0x358: {  	s18 =	sadd.s32 s15, s18;
	s15 =	simm.s32 $0x0;
	[tilespmem:s5+$0x1A170] =	vst v4;
	(pc) =	sbr.rel .LBB2_28-.Ltmp24, $4  }
0x359: {  	[hbm4b:s18+s15] =	stream.linear.scatter [tilespmem:s19], [sflag:$0x3], $0x80, $0x38;
	[tilespmem:$0x1A600] =	vst v63  }
0x35a: {  	s5 =	sadd.s32 $0x1A100, s5;
	s18 =	sadd.s32 $0x80, s18  }
0x35b: {  	[hbm4b:s18+s15] =	stream.linear.scatter [tilespmem:s5], [sflag:$0x3], $0x80, $0x38;
	[tilespmem:$0x1A600] =	vst v63  }
0x35c: {  	s15 =	simm.s32 $0x19200  }
.LBB2_33:
0x35d: {  	p0 =	sne.s32 s17, $0x0  }
.Ltmp25:
0x35e: {  	v3 =	vld [tilespmem:$0x190C0];
	(pc) =	sbr.rel @!p0 .LBB2_34-.Ltmp25, $2  }
0x35f: {  	_ =	sdelay $0x2  }
0x360: {  	s2 =	simm.s32 $0x80;
	s4 =	simm.s32 $0x400  }
0x361: {  	p0 =	slt.s32 s17, $0x1  }
.Ltmp26:
0x362: {  	_ = 	snop;
	(pc) =	sbr.rel @p0 .LBB2_38-.Ltmp26, $2  }
0x363: {  	_ =	sdelay $0x2  }
0x364: {  	s5 =	simm.s32 $0x1A480;
	s6 =	rddreg [dreg:$0xd]  }
0x365: {  	v4 =	vld [tilespmem:$0x1A300];
	v3 =	vcvt.s32.f32 v3  }
0x366: {  	v5 =	vld [tilespmem:$0x1A310]  }
0x367: {  	v6 =	vld [tilespmem:$0x1A320];
	v3 =	vbroadcast v3, $0xF  }
0x368: {  	v7 =	vld [tilespmem:$0x1A330]  }
0x369: {  	v8 =	vld [tilespmem:$0x1A340];
	[tilespmem:$0x1A590] =	vst v3  }
0x36a: {  	v52 =	vld [tilespmem:$0x1A350];
	[tilespmem:$0x1A480] =	vst v4  }
0x36b: {  	v53 =	vld [tilespmem:$0x1A360];
	[tilespmem:$0x1A490] =	vst v5  }
0x36c: {  	v54 =	vld [tilespmem:$0x1A370];
	[tilespmem:$0x1A4A0] =	vst v6  }
0x36d: {  	v55 =	vld [tilespmem:$0x1A380];
	[tilespmem:$0x1A4B0] =	vst v7  }
0x36e: {  	v56 =	vld [tilespmem:$0x1A390];
	[tilespmem:$0x1A4C0] =	vst v8  }
0x36f: {  	v57 =	vld [tilespmem:$0x1A3A0];
	[tilespmem:$0x1A4D0] =	vst v52  }
0x370: {  	v58 =	vld [tilespmem:$0x1A3B0];
	[tilespmem:$0x1A4E0] =	vst v53  }
0x371: {  	v59 =	vld [tilespmem:$0x1A3C0];
	[tilespmem:$0x1A4F0] =	vst v54  }
0x372: {  	v60 =	vld [tilespmem:$0x1A3D0];
	[tilespmem:$0x1A500] =	vst v55  }
0x373: {  	v61 =	vld [tilespmem:$0x1A3E0];
	[tilespmem:$0x1A510] =	vst v56  }
0x374: {  	v62 =	vld [tilespmem:$0x1A3F0];
	[tilespmem:$0x1A520] =	vst v57  }
0x375: {  	v63 =	vld [tilespmem:$0x1A400];
	[tilespmem:$0x1A530] =	vst v58  }
.Ltmp27:
0x376: {  	[tilespmem:$0x1A540] =	vst v59;
	(pc) =	sbr.rel .LBB2_37-.Ltmp27, $4  }
0x377: {  	[tilespmem:$0x1A550] =	vst v60  }
0x378: {  	[tilespmem:$0x1A560] =	vst v61  }
0x379: {  	[tilespmem:$0x1A570] =	vst v62  }
0x37a: {  	[tilespmem:$0x1A580] =	vst v63  }
.LBB2_39:
0x37b: {  	_ =	sfence.sel $0x180000  }
0x37c: {  	[bflag:$0x0] =	sbarrier.arrive $0xFFFF  }
0x37d: {  	_ =	strace $0x90000047  }
0x37e: {  	s0 =	stileid.u32;
	[bflag:$0x2] =	sbarrier.arrive $0xFFFF  }
0x37f: {  	p0 =	sne.s32 s0, $0x0;
	s0 =	rddreg [dreg:$0x4]  }
0x380: {  	s0 =	sadd.s32 @!p0 $0x100000, s0  }
0x381: {  	[sflag:s0] =	ssyncadd.tile.s32 @!p0 $0x1;
	_ =	shalt  }
.Lfunc_end2:
_tile_overlayer_lowered:
.L_overlay_start_2:
0x382: {  	(tag) =	ssettag $0x2  }
0x383: {  	s0 =	rddreg [dreg:$0x0];
	s2 =	stileid.u32  }
0x384: {  	s1 =	rddreg [dreg:$0x1];
	p0 =	sne.s32 s2, $0x0  }
0x385: {  	s3 =	rddreg [dreg:$0x2];
	[bflag:$0x3] =	sbarrier.arrive $0xFFFF;
	s2 =	simm.s32 @!p0 $0x1C04  }
0x386: {  	[timem:s3], [sflag:s2] =	dma.local @!p0 [hbm:s0], s1  }
0x387: {  	s0 =	simm.s32 @!p0 $0x4  }
0x388: {  	_ =	swait.ge @!p0 [sflag:s0], s1  }
0x389: {  	s1 =	ssub.s32 @!p0 $0x0, s1;
	[sflag:s0] =	ssyncset.done @!p0 $0x0  }
0x38a: {  	[sflag:s0] =	ssyncadd.s32 @!p0 s1  }
0x38b: {  	[bflag:$0x3] =	sbarrier.arrive $0xFFFF  }
0x38c: {  	_ =	shalt  }

// kernel: _run.8.cloned.1.call-start
scs
__scs_entry_jumppad:
0x0: {  	(pc) =	sbr.rel $0x88, $3  }
0x1: {  	(tag) =	ssettag $0x0;
	lr =	simm.s32 $0x1  }
0x2: {  	[smem:$0x3F9D] =	sst lr;
	_ =	strace $0xD0000000  }
0x3: {  	_ = 	snop  }
0x4: {  	_ = 	snop  }
0x5: {  	_ = 	snop  }
0x6: {  	_ = 	snop  }
0x7: {  	_ = 	snop  }
__scs_overlays_trampoline_lowered:
0x8: {  	[smem:$0x3FAC] =	sst s0  }
0x9: {  	[smem:$0x3FAD] =	sst s1  }
0xa: {  	[smem:$0x3FAE] =	sst s2  }
0xb: {  	[smem:$0x3FAF] =	sst s3  }
0xc: {  	[smem:$0x3FB0] =	sst s4  }
0xd: {  	[smem:$0x3FB1] =	sst s5  }
0xe: {  	[smem:$0x3FB2] =	sst s6  }
0xf: {  	[smem:$0x3FB3] =	sst s7  }
0x10: {  	[smem:$0x3FB4] =	sst s8  }
0x11: {  	[smem:$0x3FB5] =	sst s9;
	s0 =	simm.s32 @!p0 $0x0  }
0x12: {  	s1 =	sld [smem:$0x3F9B];
	s0 =	simm.s32 @p0 $0x1  }
0x13: {  	[smem:$0x3FB6] =	sst s0;
	s0 =	simm.s32 @!p1 $0x0  }
0x14: {  	s2 =	sld [smem:$0x3F9A];
	s0 =	simm.s32 @p1 $0x1  }
0x15: {  	[smem:$0x3FB7] =	sst s0;
	s0 =	simm.s32 @!p2 $0x0  }
0x16: {  	s3 =	sld [smem:$0x3FDB];
	s0 =	simm.s32 @p2 $0x1  }
0x17: {  	s4 =	simm.s32 $0x1BF5;
	[smem:$0x3FB9] =	sst s0  }
0x18: {  	s0 =	sld [smem:$0x3F9C];
	_ =	swait.ge [sflag:s4], $0x0  }
0x19: {  	s7 =	sld [smem:$0x3F9D]  }
0x1a: {  	s8 =	sadd.s32 $0xFFFFE003, lr  }
0x1b: {  	s9 =	sadd.s32 $0xFFFFFEF7, lr;
	s5 =	simm.s32 $0xFFFFFFFF;
	p2 =	slt.u32 s8, $0xFFFFF086  }
0x1c: {  	p1 =	slt.u32 s9, $0xF7A;
	s5 =	simm.s32 @!p2 $0x0  }
0x1d: {  	s5 =	simm.s32 @p1 $0x1;
	p0 =	seq.s32 s7, s2  }
0x1e: {  	s7 =	smul.u32 @!p0 $0xF7A, s2;
	p2 =	seq.s32 @!p0 s5, $0x0  }
0x1f: {  	s9 =	smul.u32 $0xF7A, s1;
	s8 =	simm.s32 @!p0 $0x1BF5;
	p2 =	por !p2, p0  }
0x20: {  	[sflag:s8] =	ssyncset.s32 @!p0 $0xFFFFF086;
	s6 =	sadd.s32 @!p0 s3, s7;
	s7 =	simm.s32 @!p0 $0x108  }
0x21: {  	s3 =	sadd.s32 s3, s9;
	s6 =	sadd.s32 @!p0 $0x88, s6;
	s7 =	simm.s32 @p2 $0x1082  }
0x22: {  	[simem:s7], [sflag:s8] =	dma.local @!p0 [hbm:s6], $0xF7A  }
0x23: {  	s9 =	sor.u32 $0xD0000000, s2;
	s6 =	simm.s32 $0x108;
	_ =	swait.ge @!p0 [sflag:s8], $0x0  }
0x24: {  	s3 =	sadd.s32 $0x88, s3;
	s6 =	simm.s32 @!p1 $0x1082;
	[sflag:s4] =	ssyncset.s32 $0xFFFFF086  }
0x25: {  	[simem:s6], [sflag:s4] =	dma.local [hbm:s3], $0xF7A  }
0x26: {  	[smem:$0x3F9D] =	sst s1;
	(tag) =	ssettag s2;
	_ =	strace s9  }
0x27: {  	s1 =	sld [smem:$0x3FAD]  }
0x28: {  	s2 =	sld [smem:$0x3FAE]  }
0x29: {  	s4 =	sld [smem:$0x3FB0]  }
0x2a: {  	p0 =	seq.s32 s5, $0x0;
	s5 =	sld [smem:$0x3FB1]  }
0x2b: {  	s6 =	sld [smem:$0x3FB2]  }
0x2c: {  	s7 =	sld [smem:$0x3FB3]  }
0x2d: {  	s3 =	simm.s32 $0x108;
	s8 =	sld [smem:$0x3FB4]  }
0x2e: {  	s3 =	simm.s32 @!p0 $0x1082;
	s9 =	sld [smem:$0x3FB5]  }
0x2f: {  	lr =	sadd.s32 s0, s3;
	s0 =	sld [smem:$0x3FAC]  }
0x30: {  	s3 =	sld [smem:$0x3FAF]  }
0x31: {  	[smem:$0x3FB8] =	sst s10  }
0x32: {  	s10 =	sld [smem:$0x3FB6];
	_ =	sdelay $0x3  }
0x33: {  	p0 =	seq.s32 s10, $0x1;
	s10 =	sld [smem:$0x3FB8];
	_ =	sdelay $0x3  }
0x34: {  	[smem:$0x3FB8] =	sst s10  }
0x35: {  	s10 =	sld [smem:$0x3FB7];
	_ =	sdelay $0x3  }
0x36: {  	p1 =	seq.s32 s10, $0x1;
	s10 =	sld [smem:$0x3FB8];
	_ =	sdelay $0x3  }
0x37: {  	[smem:$0x3FB8] =	sst s10  }
0x38: {  	s10 =	sld [smem:$0x3FB9]  }
0x39: {  	_ = 	snop;
	(pc) =	sbr.ind lr, $3  }
0x3a: {  	_ = 	snop  }
0x3b: {  	_ = 	snop  }
0x3c: {  	p2 =	seq.s32 s10, $0x1;
	s10 =	sld [smem:$0x3FB8]  }
0x3d: {  	_ =	shalt  }
0x3e: {  	_ =	shalt  }
0x3f: {  	_ =	shalt  }
0x40: {  	_ =	shalt  }
0x41: {  	_ =	shalt  }
0x42: {  	_ =	shalt  }
0x43: {  	_ =	shalt  }
0x44: {  	_ =	shalt  }
0x45: {  	_ =	shalt  }
0x46: {  	_ =	shalt  }
0x47: {  	_ =	shalt  }
0x48: {  	_ =	shalt  }
0x49: {  	_ =	shalt  }
0x4a: {  	_ =	shalt  }
0x4b: {  	_ =	shalt  }
0x4c: {  	_ =	shalt  }
0x4d: {  	_ =	shalt  }
0x4e: {  	_ =	shalt  }
0x4f: {  	_ =	shalt  }
0x50: {  	_ =	shalt  }
0x51: {  	_ =	shalt  }
0x52: {  	_ =	shalt  }
0x53: {  	_ =	shalt  }
0x54: {  	_ =	shalt  }
0x55: {  	_ =	shalt  }
0x56: {  	_ =	shalt  }
0x57: {  	_ =	shalt  }
0x58: {  	_ =	shalt  }
0x59: {  	_ =	shalt  }
0x5a: {  	_ =	shalt  }
0x5b: {  	_ =	shalt  }
0x5c: {  	_ =	shalt  }
0x5d: {  	_ =	shalt  }
0x5e: {  	_ =	shalt  }
0x5f: {  	_ =	shalt  }
0x60: {  	_ =	shalt  }
0x61: {  	_ =	shalt  }
0x62: {  	_ =	shalt  }
0x63: {  	_ =	shalt  }
0x64: {  	_ =	shalt  }
0x65: {  	_ =	shalt  }
0x66: {  	_ =	shalt  }
0x67: {  	_ =	shalt  }
0x68: {  	_ =	shalt  }
0x69: {  	_ =	shalt  }
0x6a: {  	_ =	shalt  }
0x6b: {  	_ =	shalt  }
0x6c: {  	_ =	shalt  }
0x6d: {  	_ =	shalt  }
0x6e: {  	_ =	shalt  }
0x6f: {  	_ =	shalt  }
0x70: {  	_ =	shalt  }
0x71: {  	_ =	shalt  }
0x72: {  	_ =	shalt  }
0x73: {  	_ =	shalt  }
0x74: {  	_ =	shalt  }
0x75: {  	_ =	shalt  }
0x76: {  	_ =	shalt  }
0x77: {  	_ =	shalt  }
0x78: {  	_ =	shalt  }
0x79: {  	_ =	shalt  }
0x7a: {  	_ =	shalt  }
0x7b: {  	_ =	shalt  }
0x7c: {  	_ =	shalt  }
0x7d: {  	_ =	shalt  }
0x7e: {  	_ =	shalt  }
0x7f: {  	_ =	shalt  }
0x80: {  	_ =	shalt  }
0x81: {  	_ =	shalt  }
0x82: {  	_ =	shalt  }
0x83: {  	_ =	shalt  }
0x84: {  	_ =	shalt  }
0x85: {  	_ =	shalt  }
0x86: {  	_ =	shalt  }
0x87: {  	_ =	shalt  }
.Lfunc_end0:
.L_simem_size_0:
called_computation.1_lowered:
.L_overlay_start_0:
0x88: {  	s2 =	sld [smem:$0x3FD9]  }
0x89: {  	s3 =	sld [smem:$0x3FFE];
	_ =	sdelay $0x1  }
0x8a: {  	s1 =	srdreg.scid  }
0x8b: {  	s0 =	sand.u32 $0x1, s1  }
0x8c: {  	s17 =	sshll.u32 s0, $0xA;
	s2 =	sadd.s32 s3, s2  }
0x8d: {  	s2 =	sadd.s32 s2, s17  }
0x8e: {  	[smem:$0x3FC4] =	sst s2  }
0x8f: {  	_ = 	snop  }
0x90: {  	s2 =	sld [smem:$0x3FD0];
	(tm) =	ssettm $0x1  }
0x91: {  	s18 =	sld [smem:$0x3FFB];
	_ =	sdelay $0x3  }
0x92: {  	_ =	strace s18  }
0x93: {  	s3 =	sld [smem:$0x3FFC];
	_ =	sdelay $0x3  }
0x94: {  	_ =	strace s3  }
0x95: {  	s3 =	sld [smem:$0x3FFD];
	_ =	sdelay $0x3  }
0x96: {  	_ =	strace s3  }
0x97: {  	_ =	strace $0x8FFFFFFF  }
0x98: {  	s19 =	sld [smem:$0x3FDB];
	_ =	sdelay $0x1  }
0x99: {  	s4 =	simm.s32 $_scs_section_size  }
0x9a: {  	s5 =	simm.s32 $_size__tile_overlayer_lowered;
	s6 =	simm.s32 $_tile_overlayer_lowered  }
0x9b: {  	s22 =	simm.s32 $0x1BFF;
	s21 =	sshll.u32 s6, $0x1;
	s3 =	sadd.s32 s4, s19  }
0x9c: {  	s7 =	simm.s32 $0x0;
	s20 =	sshll.u32 s5, $0x1;
	s5 =	sadd.s32 s21, s3  }
0x9d: {  	[timem:s7], [sflag:s22] =	dma.local [hbm:s5], s20  }
0x9e: {  	_ =	swait.ge [sflag:s22], s20  }
0x9f: {  	s4 =	ssub.s32 $0x0, s20;
	[sflag:s22] =	ssyncset.done $0x0  }
0xa0: {  	[sflag:s22] =	ssyncadd.s32 s4;
	_ =	sdelay $0x1  }
0xa1: {  	s23 =	simm.s32 $0x1B8B  }
0xa2: {  	_ =	swait.ge [sflag:s23], $0x1  }
0xa3: {  	[sflag:s23] =	ssyncset.done $0x0  }
0xa4: {  	s25 =	simm.s32 $0x1B8E;
	s24 =	sld [smem:$0x3FFE];
	[sflag:s23] =	ssyncadd.s32 $0xFFFFFFFF  }
0xa5: {  	s26 =	simm.s32 $execute0_lowered;
	[smem:$0x3FD2] =	sst s25  }
0xa6: {  	s5 =	sshll.u32 s26, $0x1;
	_ =	strace $0x80000049;
	[dreg:$0x1] =	wrdreg $0xFFFFFFFF  }
0xa7: {  	s28 =	simm.s32 $_size_execute0_lowered;
	s3 =	sadd.s32 s3, s5;
	[dreg:$0x0] =	wrdreg $0x0  }
0xa8: {  	s5 =	sshll.u32 s28, $0x1;
	[dreg:$0x2] =	wrdreg s3  }
0xa9: {  	[dreg:$0x3] =	wrdreg s5  }
0xaa: {  	[dreg:$0x4] =	wrdreg $0xC0  }
0xab: {  	_ =	task [dreg:s7], $0x5FFFF  }
0xac: {  	[dreg:$0x1] =	wrdreg $0xFFFFFFFF  }
0xad: {  	[dreg:$0x0] =	wrdreg $0x60  }
0xae: {  	[dreg:$0x2] =	wrdreg s24  }
0xaf: {  	[dreg:$0x3] =	wrdreg s2  }
0xb0: {  	[dreg:$0x4] =	wrdreg $0x9  }
0xb1: {  	_ =	task.clear_ibuf [dreg:s7], $0x5FFFF;
	_ =	strace $0x90000049  }
0xb2: {  	s29 =	simm.s32 $0x9;
	_ =	strace $0x8000004B  }
0xb3: {  	_ =	swait.ge [sflag:s29], $0x1  }
0xb4: {  	[sflag:s29] =	ssyncadd.s32 $0xFFFFFFFF  }
0xb5: {  	_ =	strace $0x9000004B  }
0xb6: {  	_ =	sfence  }
0xb7: {  	s30 =	sld [smem:$0x0];
	_ =	sdelay $0x2  }
0xb8: {  	s31 =	sshll.u32 s1, $0xD;
	s1 =	sshrl.u32 s1, $0x2  }
0xb9: {  	s3 =	sand.u32 $0x4000, s31;
	s1 =	sadd.s32 s1, s30  }
0xba: {  	s0 =	sor.u32 s3, s0;
	s1 =	sshll.u32 s1, $0x11  }
0xbb: {  	s0 =	sor.u32 s1, s0  }
0xbc: {  	s0 =	sadd.s32 $0x8F2B, s0  }
0xbd: {  	[sflag:s0] =	ssyncadd.remote.s32 $0x1  }
0xbe: {  	_ =	sfence.sel $0xFFFF  }
0xbf: {  	[dreg:$0x0] =	wrdreg $0xFFFFFFFF;
	(pc) =	sbr.abs _section_cstart, $3  }
0xc0: {  	[dreg:$0x1] =	wrdreg $0xFFFFFFFF  }
0xc1: {  	_ =	task.clear_ibuf [dreg:s7], $0x2FFFF;
	_ =	strace $0x9FFFFFFF  }
0xc2: {  	(tm) =	ssettm $0x7FFFFFFF  }
0xc3: {  	_ =	shalt  }
tec
execute0_lowered:
.L_overlay_start_1:
0x0: {  	(tag) =	ssettag $0x1  }
0x1: {  	s1 =	srdreg.scid  }
0x2: {  	s5 =	sand.u32 $0x1, s1;
	s1 =	stileid.u32  }
0x3: {  	s6 =	sshll.u32 s1, $0x1;
	s7 =	ssub.s32 $0x0, s5  }
0x4: {  	p0 =	sne.s32 s6, s7  }
.Ltmp0:
0x5: {  	_ = 	snop;
	(pc) =	sbr.rel @p0 .LBB2_10-.Ltmp0, $4  }
0x6: {  	s4 =	rddreg [dreg:$0x0]  }
0x7: {  	s2 =	rddreg [dreg:$0x1];
	s3 =	simm.s32 $0x0  }
0x8: {  	[smem:$0x7FF] =	sst s3  }
0x9: {  	s0 =	rddreg [dreg:$0x2];
	_ =	strace $0x8000004A  }
.Ltmp1:
0xa: {  	(pc) =	sbr.rel .LBB2_2-.Ltmp1, $4  }
0xb: {  	s5 =	ssub.s32 $0x2, s5  }
0xc: {  	s4 =	sadd.s32 $0xE00, s4;
	s6 =	sshrl.u32 s5, $0x1  }
0xd: {  	s7 =	simm.s32 $0x80;
	s8 =	simm.s32 $0x400;
	s5 =	ssub.s32 s5, s6  }
0xe: {  	s9 =	simm.s32 $0x6180;
	v0 =	vimm.f32 $0.0e+00;
	s6 =	simm.s32 $0x1;
	s5 =	smax.u32 s5, $0x1  }
.LBB2_9:
0xf: {  	s3 =	sadd.s32 $0x1, s3  }
0x10: {  	p0 =	sne.s32 s3, s5  }
.Ltmp2:
0x11: {  	_ = 	snop;
	(pc) =	sbr.rel @!p0 .LBB2_10-.Ltmp2, $1  }
0x12: {  	_ =	sdelay $0x3  }
.LBB2_2:
0x13: {  	s10 =	simm.s32 $0x0  }
0x14: {  	[tilespmem:s10], [sflag:$0x1] =	stream.linear.gather [hbm4b:s4+s10], $0x6000, $0x38;
	[tilespmem:$0x6280] =	vst v63  }
0x15: {  	_ =	swait.ge [sflag:s6], $0x6000  }
0x16: {  	[sflag:s6] =	ssyncset.done $0x0  }
0x17: {  	[sflag:s6] =	ssyncadd.s32 $0xFFFFA000  }
0x18: {  	[tilespmem:$0x6000] =	vst v0  }
0x19: {  	[tilespmem:$0x6010] =	vst v0  }
0x1a: {  	[tilespmem:$0x6020] =	vst v0  }
0x1b: {  	[tilespmem:$0x6030] =	vst v0  }
0x1c: {  	[tilespmem:$0x6040] =	vst v0  }
0x1d: {  	[tilespmem:$0x6050] =	vst v0  }
0x1e: {  	[tilespmem:$0x6060] =	vst v0  }
0x1f: {  	[tilespmem:$0x6070] =	vst v0  }
0x20: {  	[tilespmem:$0x6080] =	vst v0  }
0x21: {  	[tilespmem:$0x6090] =	vst v0  }
0x22: {  	[tilespmem:$0x60A0] =	vst v0  }
0x23: {  	v1 =	vimm.f32 $0.0e+00;
	v2 =	vimm.f32 $0.0e+00;
	[tilespmem:$0x60B0] =	vst v0  }
.Ltmp3:
0x24: {  	v3 =	vimm.f32 $0.0e+00;
	v4 =	vimm.f32 $0.0e+00;
	v5 =	vimm.f32 $0.0e+00;
	[tilespmem:$0x60C0] =	vst v0;
	(pc) =	sbr.rel .LBB2_3-.Ltmp3, $4  }
0x25: {  	v6 =	vimm.f32 $0.0e+00;
	v7 =	vimm.f32 $0.0e+00;
	v8 =	vimm.f32 $0.0e+00;
	[tilespmem:$0x60D0] =	vst v0  }
0x26: {  	v9 =	vimm.f32 $0.0e+00;
	v10 =	vimm.f32 $0.0e+00;
	v11 =	vimm.f32 $0.0e+00;
	[tilespmem:$0x60E0] =	vst v0  }
0x27: {  	v12 =	vimm.f32 $0.0e+00;
	v13 =	vimm.f32 $0.0e+00;
	v15 =	vimm.f32 $0.0e+00;
	[tilespmem:$0x60F0] =	vst v0  }
0x28: {  	s13 =	simm.s32 $0xFFFFFFFF;
	v14 =	vimm.f32 $0.0e+00;
	v16 =	vimm.f32 $0.0e+00;
	v17 =	vimm.f32 $0.0e+00;
	s12 =	simm.s32 $0x0;
	[tilespmem:$0x6100] =	vst v0  }
.LBB2_5:
0x29: {  	(erf) = vrcp.f32 v17;
	_ =	sdelay $0x5  }
0x2a: {  	v1 =	vld [tilespmem:$0x6010]  }
0x2b: {  	v2 =	vld [tilespmem:$0x6020]  }
0x2c: {  	v3 =	vld [tilespmem:$0x6030]  }
0x2d: {  	v5 =	vld [tilespmem:$0x6040];
	v4 =	vpop (erf)  }
0x2e: {  	v7 =	vld [tilespmem:$0x6050];
	v6 =	vmul.f32 v4, v16  }
0x2f: {  	v8 =	vld [tilespmem:$0x6060];
	v1 =	vmul.f32 v1, v4  }
0x30: {  	v2 =	vmul.f32 v2, v4;
	[tilespmem:$0x6180] =	vst v6;
	v6 =	vld [tilespmem:$0x6070]  }
0x31: {  	[tilespmem:$0x6190] =	vst v1;
	v1 =	vmul.f32 v3, v4;
	v3 =	vld [tilespmem:$0x6080]  }
0x32: {  	[tilespmem:$0x61A0] =	vst v2;
	v2 =	vmul.f32 v5, v4;
	v5 =	vld [tilespmem:$0x6090]  }
0x33: {  	[tilespmem:$0x61B0] =	vst v1;
	v1 =	vmul.f32 v7, v4;
	v7 =	vld [tilespmem:$0x60A0]  }
0x34: {  	[tilespmem:$0x61C0] =	vst v2;
	v2 =	vmul.f32 v8, v4;
	v8 =	vld [tilespmem:$0x60B0]  }
0x35: {  	[tilespmem:$0x61D0] =	vst v1;
	v1 =	vmul.f32 v6, v4;
	v6 =	vld [tilespmem:$0x60C0]  }
0x36: {  	[tilespmem:$0x61E0] =	vst v2;
	v2 =	vmul.f32 v3, v4;
	v3 =	vld [tilespmem:$0x60D0]  }
0x37: {  	[tilespmem:$0x61F0] =	vst v1;
	v1 =	vmul.f32 v5, v4;
	v5 =	vld [tilespmem:$0x60E0]  }
0x38: {  	[tilespmem:$0x6200] =	vst v2;
	v2 =	vmul.f32 v7, v4;
	v7 =	vld [tilespmem:$0x60F0]  }
0x39: {  	[tilespmem:$0x6210] =	vst v1;
	v1 =	vmul.f32 v8, v4  }
0x3a: {  	[tilespmem:$0x6220] =	vst v2;
	v2 =	vmul.f32 v6, v4  }
0x3b: {  	s17 =	sshll.u32 s13, $0x8;
	s18 =	sshll.u32 s13, $0x7;
	[tilespmem:$0x6230] =	vst v1;
	v1 =	vmul.f32 v3, v4  }
0x3c: {  	s17 =	sand.u32 $0xFFFFF800, s17;
	s18 =	sand.u32 $0x380, s18;
	[tilespmem:$0x6240] =	vst v2;
	v2 =	vmul.f32 v5, v4  }
0x3d: {  	s17 =	sor.u32 s18, s17;
	[tilespmem:$0x6250] =	vst v1;
	v1 =	vmul.f32 v7, v4  }
0x3e: {  	s17 =	sshrl.u32 s17, $0x3;
	[tilespmem:$0x6260] =	vst v2  }
0x3f: {  	s17 =	sadd.s32 s2, s17;
	[tilespmem:$0x6270] =	vst v1  }
0x40: {  	[hbm4b:s17+s7] =	stream.strided.scatter [tilespmem:s9], [sflag:$0x1], $0x100, s8, s7, $0x38;
	[tilespmem:$0x6280] =	vst v63  }
0x41: {  	_ =	swait.ge [sflag:s6], $0x100  }
0x42: {  	[sflag:s6] =	ssyncset.done $0x0  }
0x43: {  	v1 =	vimm.f32 $0.0e+00;
	[sflag:s6] =	ssyncadd.s32 $0xFFFFFF00  }
0x44: {  	[tilespmem:$0x6000] =	vst v1  }
0x45: {  	[tilespmem:$0x6010] =	vst v1  }
0x46: {  	[tilespmem:$0x6020] =	vst v1  }
0x47: {  	[tilespmem:$0x6030] =	vst v1  }
0x48: {  	[tilespmem:$0x6040] =	vst v1  }
0x49: {  	[tilespmem:$0x6050] =	vst v1  }
0x4a: {  	[tilespmem:$0x6060] =	vst v1  }
0x4b: {  	[tilespmem:$0x6070] =	vst v1  }
0x4c: {  	[tilespmem:$0x6080] =	vst v1  }
0x4d: {  	[tilespmem:$0x6090] =	vst v1  }
0x4e: {  	[tilespmem:$0x60A0] =	vst v1  }
0x4f: {  	v9 =	vimm.f32 $0.0e+00;
	[tilespmem:$0x60B0] =	vst v1  }
0x50: {  	v10 =	vimm.f32 $0.0e+00;
	v11 =	vimm.f32 $0.0e+00;
	v12 =	vimm.f32 $0.0e+00;
	[tilespmem:$0x60C0] =	vst v1  }
0x51: {  	v13 =	vimm.f32 $0.0e+00;
	v15 =	vimm.f32 $0.0e+00;
	v14 =	vimm.f32 $0.0e+00;
	[tilespmem:$0x60D0] =	vst v1  }
0x52: {  	v17 =	vimm.f32 $0.0e+00;
	v16 =	vimm.f32 $0.0e+00;
	v8 =	vimm.f32 $0.0e+00;
	[tilespmem:$0x60E0] =	vst v1  }
0x53: {  	v6 =	vimm.f32 $0.0e+00;
	v3 =	vimm.f32 $0.0e+00;
	v5 =	vimm.f32 $0.0e+00;
	[tilespmem:$0x60F0] =	vst v1  }
0x54: {  	v4 =	vimm.f32 $0.0e+00;
	v7 =	vimm.f32 $0.0e+00;
	v2 =	vimm.f32 $0.0e+00;
	[tilespmem:$0x6100] =	vst v1  }
.LBB2_6:
0x55: {  	p0 =	slt.s32 s11, $0x0  }
0x56: {  	s15 =	sadd.s32 @!p0 s15, s16  }
0x57: {  	v18 =	vld @!p0 [tilespmem:s15+$0x0];
	_ =	sdelay $0x4  }
0x58: {  	v18 =	vadd.f32 @!p0 v18, v16;
	_ =	sdelay $0x1  }
0x59: {  	[tilespmem:$0x6000] =	vst @!p0 v18  }
0x5a: {  	v19 =	vld @!p0 [tilespmem:s15+$0x10];
	_ =	sdelay $0x4  }
0x5b: {  	v19 =	vadd.f32 @!p0 v19, v14;
	_ =	sdelay $0x1  }
0x5c: {  	[tilespmem:$0x6010] =	vst @!p0 v19  }
0x5d: {  	v20 =	vld @!p0 [tilespmem:s15+$0x20];
	_ =	sdelay $0x4  }
0x5e: {  	v20 =	vadd.f32 @!p0 v20, v15;
	_ =	sdelay $0x1  }
0x5f: {  	[tilespmem:$0x6020] =	vst @!p0 v20  }
0x60: {  	v21 =	vld @!p0 [tilespmem:s15+$0x30];
	_ =	sdelay $0x4  }
0x61: {  	v21 =	vadd.f32 @!p0 v21, v13;
	_ =	sdelay $0x1  }
0x62: {  	[tilespmem:$0x6030] =	vst @!p0 v21  }
0x63: {  	v22 =	vld @!p0 [tilespmem:s15+$0x40];
	_ =	sdelay $0x4  }
0x64: {  	v22 =	vadd.f32 @!p0 v22, v12;
	_ =	sdelay $0x1  }
0x65: {  	[tilespmem:$0x6040] =	vst @!p0 v22  }
0x66: {  	v23 =	vld @!p0 [tilespmem:s15+$0x50];
	_ =	sdelay $0x4  }
0x67: {  	v23 =	vadd.f32 @!p0 v23, v11;
	_ =	sdelay $0x1  }
0x68: {  	[tilespmem:$0x6050] =	vst @!p0 v23  }
0x69: {  	v24 =	vld @!p0 [tilespmem:s15+$0x60];
	_ =	sdelay $0x4  }
0x6a: {  	v24 =	vadd.f32 @!p0 v24, v10;
	_ =	sdelay $0x1  }
0x6b: {  	[tilespmem:$0x6060] =	vst @!p0 v24  }
0x6c: {  	v25 =	vld @!p0 [tilespmem:s15+$0x70];
	_ =	sdelay $0x4  }
0x6d: {  	v25 =	vadd.f32 @!p0 v25, v9;
	_ =	sdelay $0x1  }
0x6e: {  	[tilespmem:$0x6070] =	vst @!p0 v25  }
0x6f: {  	v26 =	vld @!p0 [tilespmem:s15+$0x400];
	_ =	sdelay $0x4  }
0x70: {  	v26 =	vadd.f32 @!p0 v26, v8;
	_ =	sdelay $0x1  }
0x71: {  	[tilespmem:$0x6080] =	vst @!p0 v26  }
0x72: {  	v27 =	vld @!p0 [tilespmem:s15+$0x410];
	_ =	sdelay $0x4  }
0x73: {  	v27 =	vadd.f32 @!p0 v27, v7;
	_ =	sdelay $0x1  }
0x74: {  	[tilespmem:$0x6090] =	vst @!p0 v27  }
0x75: {  	v28 =	vld @!p0 [tilespmem:s15+$0x420];
	_ =	sdelay $0x4  }
0x76: {  	v28 =	vadd.f32 @!p0 v28, v6;
	_ =	sdelay $0x1  }
0x77: {  	[tilespmem:$0x60A0] =	vst @!p0 v28  }
0x78: {  	v29 =	vld @!p0 [tilespmem:s15+$0x430];
	_ =	sdelay $0x4  }
0x79: {  	v29 =	vadd.f32 @!p0 v29, v5;
	_ =	sdelay $0x1  }
0x7a: {  	[tilespmem:$0x60B0] =	vst @!p0 v29  }
0x7b: {  	v30 =	vld @!p0 [tilespmem:s15+$0x440];
	_ =	sdelay $0x4  }
0x7c: {  	v30 =	vadd.f32 @!p0 v30, v4;
	_ =	sdelay $0x1  }
0x7d: {  	[tilespmem:$0x60C0] =	vst @!p0 v30  }
0x7e: {  	v31 =	vld @!p0 [tilespmem:s15+$0x450];
	_ =	sdelay $0x4  }
0x7f: {  	v31 =	vadd.f32 @!p0 v31, v3;
	_ =	sdelay $0x1  }
0x80: {  	[tilespmem:$0x60D0] =	vst @!p0 v31  }
0x81: {  	v32 =	vld @!p0 [tilespmem:s15+$0x460];
	_ =	sdelay $0x4  }
0x82: {  	v32 =	vadd.f32 @!p0 v32, v2;
	_ =	sdelay $0x1  }
0x83: {  	[tilespmem:$0x60E0] =	vst @!p0 v32  }
0x84: {  	v33 =	vld @!p0 [tilespmem:s15+$0x470];
	_ =	sdelay $0x4  }
0x85: {  	v33 =	vadd.f32 @!p0 v33, v1;
	_ =	sdelay $0x1  }
0x86: {  	[tilespmem:$0x60F0] =	vst @!p0 v33  }
0x87: {  	v34 =	vld @!p0 [tilespmem:s14+$0x800]  }
0x88: {  	s12 =	sadd.s32 $0x1, s12  }
0x89: {  	p1 =	sne.s32 s12, $0x40;
	v16 =	vpsel p0, v16, v18;
	v14 =	vpsel p0, v14, v19;
	v15 =	vpsel p0, v15, v20  }
.Ltmp4:
0x8a: {  	v13 =	vpsel p0, v13, v21;
	v12 =	vpsel p0, v12, v22;
	v11 =	vpsel p0, v11, v23;
	(pc) =	sbr.rel @!p1 .LBB2_7-.Ltmp4, $4  }
0x8b: {  	v10 =	vpsel p0, v10, v24;
	v9 =	vpsel p0, v9, v25;
	v8 =	vpsel p0, v8, v26  }
0x8c: {  	v7 =	vpsel p0, v7, v27;
	v6 =	vpsel p0, v6, v28;
	v34 =	vadd.f32 @!p0 v34, v17  }
0x8d: {  	s11 =	smov.u32 @p0 s13;
	v5 =	vpsel p0, v5, v29;
	v4 =	vpsel p0, v4, v30;
	v3 =	vpsel p0, v3, v31  }
0x8e: {  	s10 =	sadd.s32 $0x80, s10;
	s13 =	smov.u32 s11;
	v2 =	vpsel p0, v2, v32;
	v1 =	vpsel p0, v1, v33;
	[tilespmem:$0x6100] =	vst @!p0 v34;
	v17 =	vpsel p0, v17, v34  }
.LBB2_3:
0x8f: {  	s11 =	sshrl.u32 s12, $0x3  }
0x90: {  	s11 =	smul.u32 $0x3000, s11;
	_ =	sdelay $0x1  }
0x91: {  	s15 =	sand.u32 $0x380, s10;
	s16 =	sshra.s32 s11, $0x2  }
0x92: {  	s14 =	sor.u32 s15, s16  }
0x93: {  	v18 =	vld [tilespmem:s14+$0x810];
	_ =	sdelay $0x4  }
0x94: {  	(v2sf) =	vpush v18, $0x0;
	_ =	sdelay $0xe  }
0x95: {  	s31 =	spop (v2sf)  }
0x96: {  	s11 =	scvt.f32.s32 s31;
	_ =	sdelay $0x1  }
0x97: {  	p0 =	seq.s32 s13, s11;
	s17 =	sor.u32 s11, s13  }
0x98: {  	p1 =	slt.s32 @!p0 s17, $0x0  }
0x99: {  	p1 =	por p0, p1  }
.Ltmp5:
0x9a: {  	_ = 	snop;
	(pc) =	sbr.rel @!p1 .LBB2_5-.Ltmp5, $1  }
0x9b: {  	_ =	sdelay $0x3  }
0x9c: {  	v1 =	vpsel p0, v1, v1;
	v2 =	vpsel p0, v2, v2  }
.Ltmp6:
0x9d: {  	v3 =	vpsel p0, v3, v3;
	v4 =	vpsel p0, v4, v4;
	v5 =	vpsel p0, v5, v5;
	(pc) =	sbr.rel .LBB2_6-.Ltmp6, $4  }
0x9e: {  	v6 =	vpsel p0, v6, v6;
	v7 =	vpsel p0, v7, v7;
	v8 =	vpsel p0, v8, v8  }
0x9f: {  	v9 =	vpsel p0, v9, v9;
	v10 =	vpsel p0, v10, v10;
	v11 =	vpsel p0, v11, v11  }
0xa0: {  	v12 =	vpsel p0, v12, v12;
	v13 =	vpsel p0, v13, v13;
	v15 =	vpsel p0, v15, v15  }
0xa1: {  	v14 =	vpsel p0, v14, v14;
	v16 =	vpsel p0, v16, v16;
	v17 =	vpsel p0, v17, v17  }
.LBB2_7:
0xa2: {  	p0 =	slt.s32 s11, $0x0  }
.Ltmp7:
0xa3: {  	_ = 	snop;
	(pc) =	sbr.rel @p0 .LBB2_9-.Ltmp7, $1  }
0xa4: {  	_ =	sdelay $0x3  }
0xa5: {  	(erf) = vrcp.f32 v17;
	_ =	sdelay $0x5  }
0xa6: {  	v1 =	vld [tilespmem:$0x6010]  }
0xa7: {  	v2 =	vld [tilespmem:$0x6020]  }
0xa8: {  	v3 =	vld [tilespmem:$0x6030]  }
0xa9: {  	v5 =	vld [tilespmem:$0x6040];
	v4 =	vpop (erf)  }
0xaa: {  	v7 =	vld [tilespmem:$0x6050];
	v6 =	vmul.f32 v4, v16  }
0xab: {  	v8 =	vld [tilespmem:$0x6060];
	v1 =	vmul.f32 v1, v4  }
0xac: {  	v57 =	vld [tilespmem:$0x6070];
	v2 =	vmul.f32 v2, v4;
	[tilespmem:$0x6180] =	vst v6  }
0xad: {  	[tilespmem:$0x6190] =	vst v1;
	v1 =	vmul.f32 v3, v4;
	v3 =	vld [tilespmem:$0x6080]  }
0xae: {  	v58 =	vld [tilespmem:$0x6090];
	[tilespmem:$0x61A0] =	vst v2;
	v2 =	vmul.f32 v5, v4  }
0xaf: {  	v59 =	vld [tilespmem:$0x60A0];
	[tilespmem:$0x61B0] =	vst v1;
	v1 =	vmul.f32 v7, v4  }
0xb0: {  	v60 =	vld [tilespmem:$0x60B0];
	[tilespmem:$0x61C0] =	vst v2;
	v2 =	vmul.f32 v8, v4  }
0xb1: {  	v61 =	vld [tilespmem:$0x60C0];
	[tilespmem:$0x61D0] =	vst v1;
	v1 =	vmul.f32 v57, v4  }
0xb2: {  	[tilespmem:$0x61E0] =	vst v2;
	v2 =	vmul.f32 v3, v4;
	v3 =	vld [tilespmem:$0x60D0]  }
0xb3: {  	v62 =	vld [tilespmem:$0x60E0];
	[tilespmem:$0x61F0] =	vst v1;
	v1 =	vmul.f32 v58, v4  }
0xb4: {  	v63 =	vld [tilespmem:$0x60F0];
	[tilespmem:$0x6200] =	vst v2;
	v2 =	vmul.f32 v59, v4  }
0xb5: {  	[tilespmem:$0x6210] =	vst v1;
	v1 =	vmul.f32 v60, v4  }
0xb6: {  	[tilespmem:$0x6220] =	vst v2;
	v2 =	vmul.f32 v61, v4  }
0xb7: {  	s10 =	sshll.u32 s11, $0x8;
	s31 =	sshll.u32 s11, $0x7;
	[tilespmem:$0x6230] =	vst v1;
	v1 =	vmul.f32 v3, v4  }
0xb8: {  	s10 =	sand.u32 $0xFFFFF800, s10;
	s11 =	sand.u32 $0x380, s31;
	[tilespmem:$0x6240] =	vst v2;
	v2 =	vmul.f32 v62, v4  }
0xb9: {  	s10 =	sor.u32 s11, s10;
	[tilespmem:$0x6250] =	vst v1;
	v1 =	vmul.f32 v63, v4  }
0xba: {  	s10 =	sshrl.u32 s10, $0x3;
	[tilespmem:$0x6260] =	vst v2  }
0xbb: {  	s10 =	sadd.s32 s2, s10;
	[tilespmem:$0x6270] =	vst v1  }
0xbc: {  	[hbm4b:s10+s7] =	stream.strided.scatter [tilespmem:s9], [sflag:$0x1], $0x100, s8, s7, $0x38;
	[tilespmem:$0x6280] =	vst v63  }
0xbd: {  	_ =	swait.ge [sflag:s6], $0x100  }
0xbe: {  	[sflag:s6] =	ssyncset.done $0x0  }
0xbf: {  	[sflag:s6] =	ssyncadd.s32 $0xFFFFFF00  }
0xc0: {  	[tilespmem:$0x6000] =	vst v0  }
0xc1: {  	[tilespmem:$0x6010] =	vst v0  }
0xc2: {  	[tilespmem:$0x6020] =	vst v0  }
0xc3: {  	[tilespmem:$0x6030] =	vst v0  }
0xc4: {  	[tilespmem:$0x6040] =	vst v0  }
0xc5: {  	[tilespmem:$0x6050] =	vst v0  }
0xc6: {  	[tilespmem:$0x6060] =	vst v0  }
0xc7: {  	[tilespmem:$0x6070] =	vst v0  }
0xc8: {  	[tilespmem:$0x6080] =	vst v0  }
0xc9: {  	[tilespmem:$0x6090] =	vst v0  }
0xca: {  	[tilespmem:$0x60A0] =	vst v0  }
0xcb: {  	[tilespmem:$0x60B0] =	vst v0  }
.Ltmp8:
0xcc: {  	[tilespmem:$0x60C0] =	vst v0;
	(pc) =	sbr.rel .LBB2_9-.Ltmp8, $4  }
0xcd: {  	[tilespmem:$0x60D0] =	vst v0  }
0xce: {  	[tilespmem:$0x60E0] =	vst v0  }
0xcf: {  	[tilespmem:$0x60F0] =	vst v0  }
0xd0: {  	[tilespmem:$0x6100] =	vst v0  }
.LBB2_10:
0xd1: {  	_ =	sfence.sel $0x180000  }
0xd2: {  	[bflag:$0x0] =	sbarrier.arrive $0xFFFF  }
0xd3: {  	p0 =	sne.s32 s1, $0x0;
	_ =	strace $0x9000004A  }
0xd4: {  	s0 =	sadd.s32 @!p0 $0x100000, s0;
	[bflag:$0x2] =	sbarrier.arrive $0xFFFF  }
0xd5: {  	[sflag:s0] =	ssyncadd.tile.s32 @!p0 $0x1;
	_ =	shalt  }
.Lfunc_end2:
_tile_overlayer_lowered:
.L_overlay_start_2:
0xd6: {  	(tag) =	ssettag $0x2  }
0xd7: {  	s0 =	rddreg [dreg:$0x0];
	s2 =	stileid.u32  }
0xd8: {  	s1 =	rddreg [dreg:$0x1];
	p0 =	sne.s32 s2, $0x0  }
0xd9: {  	s3 =	rddreg [dreg:$0x2];
	[bflag:$0x3] =	sbarrier.arrive $0xFFFF;
	s2 =	simm.s32 @!p0 $0x1C01  }
0xda: {  	[timem:s3], [sflag:s2] =	dma.local @!p0 [hbm:s0], s1  }
0xdb: {  	s0 =	simm.s32 @!p0 $0x1  }
0xdc: {  	_ =	swait.ge @!p0 [sflag:s0], s1  }
0xdd: {  	s1 =	ssub.s32 @!p0 $0x0, s1;
	[sflag:s0] =	ssyncset.done @!p0 $0x0  }
0xde: {  	[sflag:s0] =	ssyncadd.s32 @!p0 s1  }
0xdf: {  	[bflag:$0x3] =	sbarrier.arrive $0xFFFF  }
0xe0: {  	_ =	shalt  }

</sc_bundles>
